<compile_context>
chip_gen: v7x
topology: tpu7x:2x2x1
jax: 0.10.2.dev20260603
libtpu: 0.0.44.dev20260713+nightly
codegen_flags: <defaults>
</compile_context>

<pallas_src>
import functools

import jax
import jax.numpy as jnp
from jax import lax
from jax.experimental import pallas as pl
from jax.experimental.pallas import tpu as pltpu
from jax.experimental.pallas import tpu_sc as plsc

_IOU_THRESHOLD = 0.5
_K = 300
_K1 = _K + 1
_KP = 384
_INT32_MAX = 2147483647


def _take16(v, idx):
    dnums = lax.GatherDimensionNumbers(
        offset_dims=(), collapsed_slice_dims=(0,), start_index_map=(0,))
    return lax.gather(v, idx[:, None], dnums, slice_sizes=(1,),
                      mode=lax.GatherScatterMode.PROMISE_IN_BOUNDS)


def _nms_body(n_boxes, np_pad, n_batches,
              sc_hbm, x1_hbm, y1_hbm, x2_hbm, y2_hbm, cls_hbm,
              sel_o, osc_o, ox1_o, oy1_o, ox2_o, oy2_o, ocl_o, meta_o,
              sc0, sx1, sy1, sx2, sy2, l1, l2,
              kx1, ky1, kx2, ky2, kar, ksel, ksc, kcl, gidx,
              meta_v, bad_v, st_s, sem):
    cid = lax.axis_index("c")
    sid = lax.axis_index("s")
    b = sid * 2 + cid
    i16 = lax.broadcasted_iota(jnp.int32, (16,), 0)
    lane0 = i16 == 0
    neg_inf = jnp.float32(-jnp.inf)
    nb1 = np_pad // 16
    nb2 = nb1 // 16

    def smax(v):
        for sh in (8, 4, 2, 1):
            v = jnp.maximum(v, _take16(v, (i16 + sh) & 15))
        return v

    def smin(v):
        for sh in (8, 4, 2, 1):
            v = jnp.minimum(v, _take16(v, (i16 + sh) & 15))
        return v

    def put(ref, pos, val):
        w = pl.ds(pos, 16)
        ref[w] = jnp.where(lane0, val, ref[w])

    @pl.when(b < n_batches)
    def _run():
        base = b * n_boxes
        zf = jnp.zeros((16,), jnp.float32)
        ninf = jnp.full((16,), neg_inf)

        cps = (pltpu.async_copy(sc_hbm.at[pl.ds(base, n_boxes)],
                                sc0.at[pl.ds(0, n_boxes)], sem),
               pltpu.async_copy(x1_hbm.at[pl.ds(base, n_boxes)],
                                sx1.at[pl.ds(0, n_boxes)], sem),
               pltpu.async_copy(y1_hbm.at[pl.ds(base, n_boxes)],
                                sy1.at[pl.ds(0, n_boxes)], sem),
               pltpu.async_copy(x2_hbm.at[pl.ds(base, n_boxes)],
                                sx2.at[pl.ds(0, n_boxes)], sem),
               pltpu.async_copy(y2_hbm.at[pl.ds(base, n_boxes)],
                                sy2.at[pl.ds(0, n_boxes)], sem))

        for j in range(_KP // 16):
            s = pl.ds(j * 16, 16)
            kx1[s] = zf
            ky1[s] = zf
            kx2[s] = zf
            ky2[s] = zf
            kar[s] = zf
            ksel[s] = jnp.full((16,), -1, jnp.int32)
            ksc[s] = zf
        for cp in cps:
            cp.wait()
        for j in range((np_pad - n_boxes) // 16):
            sc0[pl.ds(n_boxes + j * 16, 16)] = ninf

        def b1_build(jk, tok):
            v = sc0[pl.ds(jk * 16, 16)]
            put(l1, jk, smax(v)[0])
            return tok

        lax.fori_loop(0, nb1, b1_build, jnp.int32(0))

        def b2_build(jk, tok):
            v = l1[pl.ds(jk * 16, 16)]
            put(l2, jk, smax(v)[0])
            return tok

        lax.fori_loop(0, nb2, b2_build, jnp.int32(0))

        st_s[0] = 0
        st_s[1] = 0

        big = jnp.full((16,), 9999, jnp.int32)

        def examine(_, tok):
            count = st_s[0]
            active = (count < _K1) & (st_s[1] == 0)

            @pl.when(active)
            def _one():
                vs = [l2[pl.ds(16 * j, 16)] for j in range(nb2 // 16)]
                m = vs[0]
                for v in vs[1:]:
                    m = jnp.maximum(m, v)
                gm = smax(m)[0]

                @pl.when(gm == neg_inf)
                def _done():
                    st_s[1] = 1

                @pl.when(gm > neg_inf)
                def _pick():
                    cand = big
                    for j, v in enumerate(vs):
                        cand = jnp.minimum(
                            cand, jnp.where(v == gm, i16 + 16 * j, 9999))
                    b2i = smin(cand)[0]
                    w1 = l1[pl.ds(b2i * 16, 16)]
                    j1 = smin(jnp.where(w1 == gm, i16, 9999))[0]
                    b1i = b2i * 16 + j1
                    s0 = sc0[pl.ds(b1i * 16, 16)]
                    l0 = smin(jnp.where(s0 == gm, i16, 9999))[0]
                    idx = b1i * 16 + l0

                    iw = pl.ds(idx, 16)
                    x1c = sx1[iw][0]
                    y1c = sy1[iw][0]
                    x2c = sx2[iw][0]
                    y2c = sy2[iw][0]
                    ac = (x2c - x1c) * (y2c - y1c)

                    nkc = (count + 63) // 64
                    bad_v[...] = zf

                    def kchunk(jk, tok2):
                        worst = zf
                        for g in range(4):
                            ks = pl.ds(jk * 64 + g * 16, 16)
                            xx1 = jnp.maximum(kx1[ks], x1c)
                            yy1 = jnp.maximum(ky1[ks], y1c)
                            xx2 = jnp.minimum(kx2[ks], x2c)
                            yy2 = jnp.minimum(ky2[ks], y2c)
                            inter = (jnp.maximum(xx2 - xx1, 0.0) *
                                     jnp.maximum(yy2 - yy1, 0.0))
                            iou = inter / (kar[ks] + ac - inter + 1e-9)
                            worst = jnp.maximum(worst, iou)
                        bad_v[...] = jnp.maximum(bad_v[...], worst)
                        return tok2

                    lax.fori_loop(0, nkc, kchunk, jnp.int32(0))
                    wv = smax(bad_v[...])
                    keep = wv[0] <= _IOU_THRESHOLD

                    @pl.when(keep & (count < _K))
                    def _store():
                        put(kx1, count, x1c)
                        put(ky1, count, y1c)
                        put(kx2, count, x2c)
                        put(ky2, count, y2c)
                        put(kar, count, ac)
                        put(ksel, count, idx)
                        put(ksc, count, gm)

                    st_s[0] = count + keep.astype(jnp.int32)

                    s0n = jnp.where(i16 == l0, neg_inf, s0)
                    sc0[pl.ds(b1i * 16, 16)] = s0n
                    put(l1, b1i, smax(s0n)[0])
                    w1n = l1[pl.ds(b2i * 16, 16)]
                    put(l2, b2i, smax(w1n)[0])

            return tok

        def outer(_, tok):
            @pl.when((st_s[0] < _K1) & (st_s[1] == 0))
            def _block():
                lax.fori_loop(0, 128, examine, jnp.int32(0))
            return tok

        lax.fori_loop(0, np_pad // 128, outer, jnp.int32(0))

        count = st_s[0]
        meta_v[...] = jnp.where(lane0, count, 0)

        for j in range(_KP // 16):
            s = pl.ds(j * 16, 16)
            gidx[s] = jnp.maximum(ksel[s], 0) + base
        gcps = []
        for j in range(_KP // 128):
            row = gidx.at[pl.ds(j * 128, 128)]
            gcps.append(pltpu.async_copy(cls_hbm.at[row],
                                         kcl.at[pl.ds(j * 128, 128)], sem))
        for cp in gcps:
            cp.wait()

        pltpu.sync_copy(ksel, sel_o.at[b])
        pltpu.sync_copy(ksc, osc_o.at[b])
        pltpu.sync_copy(kx1, ox1_o.at[b])
        pltpu.sync_copy(ky1, oy1_o.at[b])
        pltpu.sync_copy(kx2, ox2_o.at[b])
        pltpu.sync_copy(ky2, oy2_o.at[b])
        pltpu.sync_copy(kcl, ocl_o.at[b])
        pltpu.sync_copy(meta_v, meta_o.at[b])


def kernel(scores, boxes, classes):
    B, N = scores.shape
    Np = ((N + 2047) // 2048) * 2048

    scf = scores.reshape(-1)
    x1f = boxes[:, :, 0].reshape(-1)
    y1f = boxes[:, :, 1].reshape(-1)
    x2f = boxes[:, :, 2].reshape(-1)
    y2f = boxes[:, :, 3].reshape(-1)
    clsf = classes.reshape(-1)

    mesh = plsc.VectorSubcoreMesh(core_axis_name="c", subcore_axis_name="s")
    out_type = [
        jax.ShapeDtypeStruct((B, _KP), jnp.int32),
        jax.ShapeDtypeStruct((B, _KP), jnp.float32),
        jax.ShapeDtypeStruct((B, _KP), jnp.float32),
        jax.ShapeDtypeStruct((B, _KP), jnp.float32),
        jax.ShapeDtypeStruct((B, _KP), jnp.float32),
        jax.ShapeDtypeStruct((B, _KP), jnp.float32),
        jax.ShapeDtypeStruct((B, _KP), jnp.int32),
        jax.ShapeDtypeStruct((B, 16), jnp.int32),
    ]
    scratch_types = [
        pltpu.VMEM((Np + 16,), jnp.float32),
        pltpu.VMEM((Np + 16,), jnp.float32),
        pltpu.VMEM((Np + 16,), jnp.float32),
        pltpu.VMEM((Np + 16,), jnp.float32),
        pltpu.VMEM((Np + 16,), jnp.float32),
        pltpu.VMEM((Np // 16 + 16,), jnp.float32),
        pltpu.VMEM((Np // 256 + 16,), jnp.float32),
        pltpu.VMEM((_KP,), jnp.float32),
        pltpu.VMEM((_KP,), jnp.float32),
        pltpu.VMEM((_KP,), jnp.float32),
        pltpu.VMEM((_KP,), jnp.float32),
        pltpu.VMEM((_KP,), jnp.float32),
        pltpu.VMEM((_KP,), jnp.int32),
        pltpu.VMEM((_KP,), jnp.float32),
        pltpu.VMEM((_KP,), jnp.int32),
        pltpu.VMEM((_KP,), jnp.int32),
        pltpu.VMEM((16,), jnp.int32),
        pltpu.VMEM((16,), jnp.float32),
        pltpu.SMEM((2,), jnp.int32),
        pltpu.SemaphoreType.DMA,
    ]
    fn = pl.kernel(
        functools.partial(_nms_body, N, Np, B),
        out_type=out_type,
        mesh=mesh,
        scratch_types=scratch_types,
    )
    sel_p, osc, ox1, oy1, ox2, oy2, ocl, meta = fn(
        scf, x1f, y1f, x2f, y2f, clsf)

    sel = sel_p[:, :_K]
    count = meta[:, 0]
    overflow = count > _K
    count = jnp.minimum(count, _K)
    eff = jnp.where(overflow, jnp.int32(_K - 1), count)
    m = jnp.arange(_K, dtype=jnp.int32)[None, :] < eff[:, None]
    out_scores = jnp.where(m, osc[:, :_K], 0.0)
    out_boxes = jnp.where(
        m[:, :, None],
        jnp.stack([ox1[:, :_K], oy1[:, :_K], ox2[:, :_K], oy2[:, :_K]],
                  axis=-1),
        0.0)
    out_classes = jnp.where(m, ocl[:, :_K], jnp.int32(_INT32_MAX))
    true_max = jnp.where(overflow, jnp.int32(-1), count).astype(jnp.int32)
    return (sel, out_scores, out_boxes, out_classes, true_max)

# --- scband reference (transcript-rebuilt; emitter-appended) ---
"""Pipeline reference for scband-nms-23450521436288 (READ-ONLY COPY).

The authoritative reference and input builder live on the scoring server;
editing this copy changes nothing except your own understanding.
"""

import jax, jax.numpy as jnp
import numpy as np

IOU_THRESHOLD = 0.5
SCORE_THRESHOLD = 0.05
NMS_MAX_DETECTIONS = 300
INT32_MAX = 2147483647


def setup_inputs(seed: int = 0) -> dict:
    key = jax.random.key(seed)
    kb1, kb2, ks, kc = jax.random.split(key, 4)
    B, N = 16, 20000
    cxcy = jax.random.uniform(kb1, (B, N, 2), dtype=jnp.float32) * 1000.0
    wh = jax.random.uniform(kb2, (B, N, 2), dtype=jnp.float32) * 100.0 + 1.0
    boxes = jnp.concatenate([cxcy - wh / 2.0, cxcy + wh / 2.0], axis=-1)
    scores = jax.random.uniform(ks, (B, N), dtype=jnp.float32)
    classes = jax.random.randint(kc, (B, N), 0, 80, dtype=jnp.int32)
    return {"scores": scores, "boxes": boxes, "classes": classes}


def _nms_indices(scores, boxes):
    # greedy NMS, same criterion as torchvision.ops.nms (suppress IoU > threshold)
    N = scores.shape[0]
    K = NMS_MAX_DETECTIONS
    x1, y1, x2, y2 = boxes[:, 0], boxes[:, 1], boxes[:, 2], boxes[:, 3]
    areas = (x2 - x1) * (y2 - y1)

    def body(i, st):
        keep, valid, count = st
        ms = jnp.where(valid, scores, -jnp.inf)
        idx = jnp.argmax(ms)
        pick = ms[idx] > -jnp.inf
        keep = keep.at[i].set(jnp.where(pick, idx.astype(jnp.int32), jnp.int32(-1)))
        b = boxes[idx]
        xx1 = jnp.maximum(x1, b[0])
        yy1 = jnp.maximum(y1, b[1])
        xx2 = jnp.minimum(x2, b[2])
        yy2 = jnp.minimum(y2, b[3])
        inter = jnp.maximum(xx2 - xx1, 0.0) * jnp.maximum(yy2 - yy1, 0.0)
        iou = inter / (areas + areas[idx] - inter + 1e-9)
        valid = valid & (iou <= IOU_THRESHOLD)
        valid = valid.at[idx].set(False)
        count = count + pick.astype(jnp.int32)
        return keep, valid, count

    keep0 = jnp.full((K + 1,), -1, dtype=jnp.int32)
    valid0 = jnp.ones((N,), dtype=bool)
    # run K+1 steps so we can detect the torch branch `nms_preds.shape[0] > nms_max_detections`
    keep, valid, count = jax.lax.fori_loop(0, K + 1, body, (keep0, valid0, jnp.int32(0)))
    overflow = count > K
    return keep[:K], jnp.minimum(count, K), overflow


def _nms_single(scores, boxes, classes):
    K = NMS_MAX_DETECTIONS
    sel, count, overflow = _nms_indices(jax.lax.stop_gradient(scores), jax.lax.stop_gradient(boxes))
    # replicate torch quirk: when > max_detections kept, true_max stays -1 and
    # python slicing [:-1] fills only the first K-1 output slots
    eff = jnp.where(overflow, jnp.int32(K - 1), count)
    m = jnp.arange(K, dtype=jnp.int32) < eff
    gidx = jnp.where(sel >= 0, sel, 0)
    out_scores = jnp.where(m, scores[gidx], 0.0)
    out_boxes = jnp.where(m[:, None], boxes[gidx], 0.0)
    out_classes = jnp.where(m, classes[gidx], jnp.int32(INT32_MAX))
    true_max = jnp.where(overflow, jnp.int32(-1), count).astype(jnp.int32)
    return sel, out_scores, out_boxes, out_classes, true_max


def reference(scores, boxes, classes):
    sel, s, b, c, t = jax.vmap(_nms_single)(scores, boxes, classes)
    return (sel, s, b, c, t)


if False:  # reference __main__ guard neutralized (emitter)
    out = reference(**setup_inputs())
    for o in out:
        print(o.shape, o.dtype)

if __name__ == "__main__":
    import jax
    _d = setup_inputs()
    print(jax.jit(kernel)(*tuple(_d.values())))

</pallas_src>

<mosaic_0001>
#map = affine_map<(d0, d1) -> (0)>
#map1 = affine_map<(d0, d1) -> (0, 0)>
module attributes {stable_mosaic.version = 14 : i64} {
  func.func @_nms_body(%arg0: i32, %arg1: i32, %arg2: memref<320000xf32, #tpu.memory_space<hbm>>, %arg3: memref<320000xf32, #tpu.memory_space<hbm>>, %arg4: memref<320000xf32, #tpu.memory_space<hbm>>, %arg5: memref<320000xf32, #tpu.memory_space<hbm>>, %arg6: memref<320000xf32, #tpu.memory_space<hbm>>, %arg7: memref<320000xi32, #tpu.memory_space<hbm>>, %arg8: memref<16x384xi32, #tpu.memory_space<hbm>>, %arg9: memref<16x384xf32, #tpu.memory_space<hbm>>, %arg10: memref<16x384xf32, #tpu.memory_space<hbm>>, %arg11: memref<16x384xf32, #tpu.memory_space<hbm>>, %arg12: memref<16x384xf32, #tpu.memory_space<hbm>>, %arg13: memref<16x384xf32, #tpu.memory_space<hbm>>, %arg14: memref<16x384xi32, #tpu.memory_space<hbm>>, %arg15: memref<16x16xi32, #tpu.memory_space<hbm>>, %arg16: memref<20496xf32, #tpu.memory_space<vmem>>, %arg17: memref<20496xf32, #tpu.memory_space<vmem>>, %arg18: memref<20496xf32, #tpu.memory_space<vmem>>, %arg19: memref<20496xf32, #tpu.memory_space<vmem>>, %arg20: memref<20496xf32, #tpu.memory_space<vmem>>, %arg21: memref<1296xf32, #tpu.memory_space<vmem>>, %arg22: memref<96xf32, #tpu.memory_space<vmem>>, %arg23: memref<384xf32, #tpu.memory_space<vmem>>, %arg24: memref<384xf32, #tpu.memory_space<vmem>>, %arg25: memref<384xf32, #tpu.memory_space<vmem>>, %arg26: memref<384xf32, #tpu.memory_space<vmem>>, %arg27: memref<384xf32, #tpu.memory_space<vmem>>, %arg28: memref<384xi32, #tpu.memory_space<vmem>>, %arg29: memref<384xf32, #tpu.memory_space<vmem>>, %arg30: memref<384xi32, #tpu.memory_space<vmem>>, %arg31: memref<384xi32, #tpu.memory_space<vmem>>, %arg32: memref<16xi32, #tpu.memory_space<vmem>>, %arg33: memref<16xf32, #tpu.memory_space<vmem>>, %arg34: memref<2xi32, #tpu.memory_space<smem>>, %arg35: memref<!tpu.dma_semaphore, #tpu.memory_space<semaphore_mem>>) attributes {dimension_semantics = [#tpu.dimension_semantics<core_parallel>, #tpu.dimension_semantics<subcore_parallel>], iteration_bounds = array<i64: 2, 16>, scalar_prefetch = 0 : i64, scratch_operands = 20 : i64, tpu.core_type = #tpu.core_type<sc_vector_subcore>, window_params = [{transform_indices = #map}, {transform_indices = #map}, {transform_indices = #map}, {transform_indices = #map}, {transform_indices = #map}, {transform_indices = #map}, {transform_indices = #map1}, {transform_indices = #map1}, {transform_indices = #map1}, {transform_indices = #map1}, {transform_indices = #map1}, {transform_indices = #map1}, {transform_indices = #map1}, {transform_indices = #map1}]} {
    %mul3A = arith.constant 2 : i32
    %mul3A_0 = arith.muli %arg1, %mul3A : i32
    %add3A = arith.addi %mul3A_0, %arg0 : i32
    %iota3A = tpu.iota {dimensions = array<i32: 0>} : vector<16xi32>
    %eq3A = arith.constant 0 : i32
    %eq3A_1 = vector.broadcast %eq3A : i32 to vector<16xi32>
    %eq3A_2 = arith.cmpi eq, %iota3A, %eq3A_1 : vector<16xi32>
    %lt3A = arith.constant 16 : i32
    %lt3A_3 = arith.cmpi slt, %add3A, %lt3A : i32
    %convert_element_type3A = arith.extui %lt3A_3 : i1 to i32
    %cond3A = arith.constant 0xFF800000 : f32
    %cond3A_4 = arith.constant 0 : i32
    %cond3A_5 = arith.cmpi ne, %convert_element_type3A, %cond3A_4 : i32
    scf.if %cond3A_5 {
      %mul3A_6 = arith.constant 20000 : i32
      %mul3A_7 = arith.muli %add3A, %mul3A_6 : i32
      %broadcast_in_dim3A = arith.constant 0.000000e+00 : f32
      %broadcast_in_dim3A_8 = vector.broadcast %broadcast_in_dim3A : f32 to vector<16xf32>
      %broadcast_in_dim3A_9 = vector.broadcast %cond3A : f32 to vector<16xf32>
      %dma_start3A = arith.constant 0 : i32
      %dma_start3A_10 = tpu.memref_slice %arg16[%dma_start3A] : memref<20496xf32, #tpu.memory_space<vmem>> -> memref<20000xf32, #tpu.memory_space<vmem>>
      %dma_start3A_11 = tpu.memref_slice %arg2[%mul3A_7] : memref<320000xf32, #tpu.memory_space<hbm>> -> memref<20000xf32, #tpu.memory_space<hbm>>
      %dma_start3A_12 = arith.constant 0 : i32
      %dma_start3A_13 = tpu.memref_slice %arg16[%dma_start3A_12] : memref<20496xf32, #tpu.memory_space<vmem>> -> memref<20000xf32, #tpu.memory_space<vmem>>
      %dma_start3A_14 = tpu.memref_slice %arg2[%mul3A_7] : memref<320000xf32, #tpu.memory_space<hbm>> -> memref<20000xf32, #tpu.memory_space<hbm>>
      tpu.enqueue_dma source(%dma_start3A_14 : memref<20000xf32, #tpu.memory_space<hbm>>) target(%dma_start3A_13 : memref<20000xf32, #tpu.memory_space<vmem>>) target_semaphore(%arg35 : memref<!tpu.dma_semaphore, #tpu.memory_space<semaphore_mem>>)
      %dma_start3A_15 = arith.constant 0 : i32
      %dma_start3A_16 = tpu.memref_slice %arg17[%dma_start3A_15] : memref<20496xf32, #tpu.memory_space<vmem>> -> memref<20000xf32, #tpu.memory_space<vmem>>
      %dma_start3A_17 = tpu.memref_slice %arg3[%mul3A_7] : memref<320000xf32, #tpu.memory_space<hbm>> -> memref<20000xf32, #tpu.memory_space<hbm>>
      %dma_start3A_18 = arith.constant 0 : i32
      %dma_start3A_19 = tpu.memref_slice %arg17[%dma_start3A_18] : memref<20496xf32, #tpu.memory_space<vmem>> -> memref<20000xf32, #tpu.memory_space<vmem>>
      %dma_start3A_20 = tpu.memref_slice %arg3[%mul3A_7] : memref<320000xf32, #tpu.memory_space<hbm>> -> memref<20000xf32, #tpu.memory_space<hbm>>
      tpu.enqueue_dma source(%dma_start3A_20 : memref<20000xf32, #tpu.memory_space<hbm>>) target(%dma_start3A_19 : memref<20000xf32, #tpu.memory_space<vmem>>) target_semaphore(%arg35 : memref<!tpu.dma_semaphore, #tpu.memory_space<semaphore_mem>>)
      %dma_start3A_21 = arith.constant 0 : i32
      %dma_start3A_22 = tpu.memref_slice %arg18[%dma_start3A_21] : memref<20496xf32, #tpu.memory_space<vmem>> -> memref<20000xf32, #tpu.memory_space<vmem>>
      %dma_start3A_23 = tpu.memref_slice %arg4[%mul3A_7] : memref<320000xf32, #tpu.memory_space<hbm>> -> memref<20000xf32, #tpu.memory_space<hbm>>
      %dma_start3A_24 = arith.constant 0 : i32
      %dma_start3A_25 = tpu.memref_slice %arg18[%dma_start3A_24] : memref<20496xf32, #tpu.memory_space<vmem>> -> memref<20000xf32, #tpu.memory_space<vmem>>
      %dma_start3A_26 = tpu.memref_slice %arg4[%mul3A_7] : memref<320000xf32, #tpu.memory_space<hbm>> -> memref<20000xf32, #tpu.memory_space<hbm>>
      tpu.enqueue_dma source(%dma_start3A_26 : memref<20000xf32, #tpu.memory_space<hbm>>) target(%dma_start3A_25 : memref<20000xf32, #tpu.memory_space<vmem>>) target_semaphore(%arg35 : memref<!tpu.dma_semaphore, #tpu.memory_space<semaphore_mem>>)
      %dma_start3A_27 = arith.constant 0 : i32
      %dma_start3A_28 = tpu.memref_slice %arg19[%dma_start3A_27] : memref<20496xf32, #tpu.memory_space<vmem>> -> memref<20000xf32, #tpu.memory_space<vmem>>
      %dma_start3A_29 = tpu.memref_slice %arg5[%mul3A_7] : memref<320000xf32, #tpu.memory_space<hbm>> -> memref<20000xf32, #tpu.memory_space<hbm>>
      %dma_start3A_30 = arith.constant 0 : i32
      %dma_start3A_31 = tpu.memref_slice %arg19[%dma_start3A_30] : memref<20496xf32, #tpu.memory_space<vmem>> -> memref<20000xf32, #tpu.memory_space<vmem>>
      %dma_start3A_32 = tpu.memref_slice %arg5[%mul3A_7] : memref<320000xf32, #tpu.memory_space<hbm>> -> memref<20000xf32, #tpu.memory_space<hbm>>
      tpu.enqueue_dma source(%dma_start3A_32 : memref<20000xf32, #tpu.memory_space<hbm>>) target(%dma_start3A_31 : memref<20000xf32, #tpu.memory_space<vmem>>) target_semaphore(%arg35 : memref<!tpu.dma_semaphore, #tpu.memory_space<semaphore_mem>>)
      %dma_start3A_33 = arith.constant 0 : i32
      %dma_start3A_34 = tpu.memref_slice %arg20[%dma_start3A_33] : memref<20496xf32, #tpu.memory_space<vmem>> -> memref<20000xf32, #tpu.memory_space<vmem>>
      %dma_start3A_35 = tpu.memref_slice %arg6[%mul3A_7] : memref<320000xf32, #tpu.memory_space<hbm>> -> memref<20000xf32, #tpu.memory_space<hbm>>
      %dma_start3A_36 = arith.constant 0 : i32
      %dma_start3A_37 = tpu.memref_slice %arg20[%dma_start3A_36] : memref<20496xf32, #tpu.memory_space<vmem>> -> memref<20000xf32, #tpu.memory_space<vmem>>
      %dma_start3A_38 = tpu.memref_slice %arg6[%mul3A_7] : memref<320000xf32, #tpu.memory_space<hbm>> -> memref<20000xf32, #tpu.memory_space<hbm>>
      tpu.enqueue_dma source(%dma_start3A_38 : memref<20000xf32, #tpu.memory_space<hbm>>) target(%dma_start3A_37 : memref<20000xf32, #tpu.memory_space<vmem>>) target_semaphore(%arg35 : memref<!tpu.dma_semaphore, #tpu.memory_space<semaphore_mem>>)
      %swap3A = arith.constant 0 : index
      %swap3A_39 = tpu.vector_load %arg23[%swap3A] {strides = array<i32>} : memref<384xf32, #tpu.memory_space<vmem>>, vector<16xf32>,
      %swap3A_40 = vector.shape_cast %swap3A_39 : vector<16xf32> to vector<16xf32>
      %swap3A_41 = vector.shape_cast %broadcast_in_dim3A_8 : vector<16xf32> to vector<16xf32>
      tpu.vector_store %arg23[%swap3A], %swap3A_41 {strides = array<i32>} : memref<384xf32, #tpu.memory_space<vmem>>, vector<16xf32>,
      %swap3A_42 = arith.constant 0 : index
      %swap3A_43 = tpu.vector_load %arg24[%swap3A_42] {strides = array<i32>} : memref<384xf32, #tpu.memory_space<vmem>>, vector<16xf32>,
      %swap3A_44 = vector.shape_cast %swap3A_43 : vector<16xf32> to vector<16xf32>
      %swap3A_45 = vector.shape_cast %broadcast_in_dim3A_8 : vector<16xf32> to vector<16xf32>
      tpu.vector_store %arg24[%swap3A_42], %swap3A_45 {strides = array<i32>} : memref<384xf32, #tpu.memory_space<vmem>>, vector<16xf32>,
      %swap3A_46 = arith.constant 0 : index
      %swap3A_47 = tpu.vector_load %arg25[%swap3A_46] {strides = array<i32>} : memref<384xf32, #tpu.memory_space<vmem>>, vector<16xf32>,
      %swap3A_48 = vector.shape_cast %swap3A_47 : vector<16xf32> to vector<16xf32>
      %swap3A_49 = vector.shape_cast %broadcast_in_dim3A_8 : vector<16xf32> to vector<16xf32>
      tpu.vector_store %arg25[%swap3A_46], %swap3A_49 {strides = array<i32>} : memref<384xf32, #tpu.memory_space<vmem>>, vector<16xf32>,
      %swap3A_50 = arith.constant 0 : index
      %swap3A_51 = tpu.vector_load %arg26[%swap3A_50] {strides = array<i32>} : memref<384xf32, #tpu.memory_space<vmem>>, vector<16xf32>,
      %swap3A_52 = vector.shape_cast %swap3A_51 : vector<16xf32> to vector<16xf32>
      %swap3A_53 = vector.shape_cast %broadcast_in_dim3A_8 : vector<16xf32> to vector<16xf32>
      tpu.vector_store %arg26[%swap3A_50], %swap3A_53 {strides = array<i32>} : memref<384xf32, #tpu.memory_space<vmem>>, vector<16xf32>,
      %swap3A_54 = arith.constant 0 : index
      %swap3A_55 = tpu.vector_load %arg27[%swap3A_54] {strides = array<i32>} : memref<384xf32, #tpu.memory_space<vmem>>, vector<16xf32>,
      %swap3A_56 = vector.shape_cast %swap3A_55 : vector<16xf32> to vector<16xf32>
      %swap3A_57 = vector.shape_cast %broadcast_in_dim3A_8 : vector<16xf32> to vector<16xf32>
      tpu.vector_store %arg27[%swap3A_54], %swap3A_57 {strides = array<i32>} : memref<384xf32, #tpu.memory_space<vmem>>, vector<16xf32>,
      %broadcast_in_dim3A_58 = arith.constant -1 : i32
      %broadcast_in_dim3A_59 = vector.broadcast %broadcast_in_dim3A_58 : i32 to vector<16xi32>
      %swap3A_60 = arith.constant 0 : index
      %swap3A_61 = tpu.vector_load %arg28[%swap3A_60] {strides = array<i32>} : memref<384xi32, #tpu.memory_space<vmem>>, vector<16xi32>,
      %swap3A_62 = vector.shape_cast %swap3A_61 : vector<16xi32> to vector<16xi32>
      %swap3A_63 = vector.shape_cast %broadcast_in_dim3A_59 : vector<16xi32> to vector<16xi32>
      tpu.vector_store %arg28[%swap3A_60], %swap3A_63 {strides = array<i32>} : memref<384xi32, #tpu.memory_space<vmem>>, vector<16xi32>,
      %swap3A_64 = arith.constant 0 : index
      %swap3A_65 = tpu.vector_load %arg29[%swap3A_64] {strides = array<i32>} : memref<384xf32, #tpu.memory_space<vmem>>, vector<16xf32>,
      %swap3A_66 = vector.shape_cast %swap3A_65 : vector<16xf32> to vector<16xf32>
      %swap3A_67 = vector.shape_cast %broadcast_in_dim3A_8 : vector<16xf32> to vector<16xf32>
      tpu.vector_store %arg29[%swap3A_64], %swap3A_67 {strides = array<i32>} : memref<384xf32, #tpu.memory_space<vmem>>, vector<16xf32>,
      %swap3A_68 = arith.constant 16 : index
      %swap3A_69 = tpu.vector_load %arg23[%swap3A_68] {strides = array<i32>} : memref<384xf32, #tpu.memory_space<vmem>>, vector<16xf32>,
      %swap3A_70 = vector.shape_cast %swap3A_69 : vector<16xf32> to vector<16xf32>
      %swap3A_71 = vector.shape_cast %broadcast_in_dim3A_8 : vector<16xf32> to vector<16xf32>
      tpu.vector_store %arg23[%swap3A_68], %swap3A_71 {strides = array<i32>} : memref<384xf32, #tpu.memory_space<vmem>>, vector<16xf32>,
      %swap3A_72 = arith.constant 16 : index
      %swap3A_73 = tpu.vector_load %arg24[%swap3A_72] {strides = array<i32>} : memref<384xf32, #tpu.memory_space<vmem>>, vector<16xf32>,
      %swap3A_74 = vector.shape_cast %swap3A_73 : vector<16xf32> to vector<16xf32>
      %swap3A_75 = vector.shape_cast %broadcast_in_dim3A_8 : vector<16xf32> to vector<16xf32>
      tpu.vector_store %arg24[%swap3A_72], %swap3A_75 {strides = array<i32>} : memref<384xf32, #tpu.memory_space<vmem>>, vector<16xf32>,
      %swap3A_76 = arith.constant 16 : index
      %swap3A_77 = tpu.vector_load %arg25[%swap3A_76] {strides = array<i32>} : memref<384xf32, #tpu.memory_space<vmem>>, vector<16xf32>,
      %swap3A_78 = vector.shape_cast %swap3A_77 : vector<16xf32> to vector<16xf32>
      %swap3A_79 = vector.shape_cast %broadcast_in_dim3A_8 : vector<16xf32> to vector<16xf32>
      tpu.vector_store %arg25[%swap3A_76], %swap3A_79 {strides = array<i32>} : memref<384xf32, #tpu.memory_space<vmem>>, vector<16xf32>,
      %swap3A_80 = arith.constant 16 : index
      %swap3A_81 = tpu.vector_load %arg26[%swap3A_80] {strides = array<i32>} : memref<384xf32, #tpu.memory_space<vmem>>, vector<16xf32>,
      %swap3A_82 = vector.shape_cast %swap3A_81 : vector<16xf32> to vector<16xf32>
      %swap3A_83 = vector.shape_cast %broadcast_in_dim3A_8 : vector<16xf32> to vector<16xf32>
      tpu.vector_store %arg26[%swap3A_80], %swap3A_83 {strides = array<i32>} : memref<384xf32, #tpu.memory_space<vmem>>, vector<16xf32>,
      %swap3A_84 = arith.constant 16 : index
      %swap3A_85 = tpu.vector_load %arg27[%swap3A_84] {strides = array<i32>} : memref<384xf32, #tpu.memory_space<vmem>>, vector<16xf32>,
      %swap3A_86 = vector.shape_cast %swap3A_85 : vector<16xf32> to vector<16xf32>
      %swap3A_87 = vector.shape_cast %broadcast_in_dim3A_8 : vector<16xf32> to vector<16xf32>
      tpu.vector_store %arg27[%swap3A_84], %swap3A_87 {strides = array<i32>} : memref<384xf32, #tpu.memory_space<vmem>>, vector<16xf32>,
      %broadcast_in_dim3A_88 = arith.constant -1 : i32
      %broadcast_in_dim3A_89 = vector.broadcast %broadcast_in_dim3A_88 : i32 to vector<16xi32>
      %swap3A_90 = arith.constant 16 : index
      %swap3A_91 = tpu.vector_load %arg28[%swap3A_90] {strides = array<i32>} : memref<384xi32, #tpu.memory_space<vmem>>, vector<16xi32>,
      %swap3A_92 = vector.shape_cast %swap3A_91 : vector<16xi32> to vector<16xi32>
      %swap3A_93 = vector.shape_cast %broadcast_in_dim3A_89 : vector<16xi32> to vector<16xi32>
      tpu.vector_store %arg28[%swap3A_90], %swap3A_93 {strides = array<i32>} : memref<384xi32, #tpu.memory_space<vmem>>, vector<16xi32>,
      %swap3A_94 = arith.constant 16 : index
      %swap3A_95 = tpu.vector_load %arg29[%swap3A_94] {strides = array<i32>} : memref<384xf32, #tpu.memory_space<vmem>>, vector<16xf32>,
      %swap3A_96 = vector.shape_cast %swap3A_95 : vector<16xf32> to vector<16xf32>
      %swap3A_97 = vector.shape_cast %broadcast_in_dim3A_8 : vector<16xf32> to vector<16xf32>
      tpu.vector_store %arg29[%swap3A_94], %swap3A_97 {strides = array<i32>} : memref<384xf32, #tpu.memory_space<vmem>>, vector<16xf32>,
      %swap3A_98 = arith.constant 32 : index
      %swap3A_99 = tpu.vector_load %arg23[%swap3A_98] {strides = array<i32>} : memref<384xf32, #tpu.memory_space<vmem>>, vector<16xf32>,
      %swap3A_100 = vector.shape_cast %swap3A_99 : vector<16xf32> to vector<16xf32>
      %swap3A_101 = vector.shape_cast %broadcast_in_dim3A_8 : vector<16xf32> to vector<16xf32>
      tpu.vector_store %arg23[%swap3A_98], %swap3A_101 {strides = array<i32>} : memref<384xf32, #tpu.memory_space<vmem>>, vector<16xf32>,
      %swap3A_102 = arith.constant 32 : index
      %swap3A_103 = tpu.vector_load %arg24[%swap3A_102] {strides = array<i32>} : memref<384xf32, #tpu.memory_space<vmem>>, vector<16xf32>,
      %swap3A_104 = vector.shape_cast %swap3A_103 : vector<16xf32> to vector<16xf32>
      %swap3A_105 = vector.shape_cast %broadcast_in_dim3A_8 : vector<16xf32> to vector<16xf32>
      tpu.vector_store %arg24[%swap3A_102], %swap3A_105 {strides = array<i32>} : memref<384xf32, #tpu.memory_space<vmem>>, vector<16xf32>,
      %swap3A_106 = arith.constant 32 : index
      %swap3A_107 = tpu.vector_load %arg25[%swap3A_106] {strides = array<i32>} : memref<384xf32, #tpu.memory_space<vmem>>, vector<16xf32>,
      %swap3A_108 = vector.shape_cast %swap3A_107 : vector<16xf32> to vector<16xf32>
      %swap3A_109 = vector.shape_cast %broadcast_in_dim3A_8 : vector<16xf32> to vector<16xf32>
      tpu.vector_store %arg25[%swap3A_106], %swap3A_109 {strides = array<i32>} : memref<384xf32, #tpu.memory_space<vmem>>, vector<16xf32>,
      %swap3A_110 = arith.constant 32 : index
      %swap3A_111 = tpu.vector_load %arg26[%swap3A_110] {strides = array<i32>} : memref<384xf32, #tpu.memory_space<vmem>>, vector<16xf32>,
      %swap3A_112 = vector.shape_cast %swap3A_111 : vector<16xf32> to vector<16xf32>
      %swap3A_113 = vector.shape_cast %broadcast_in_dim3A_8 : vector<16xf32> to vector<16xf32>
      tpu.vector_store %arg26[%swap3A_110], %swap3A_113 {strides = array<i32>} : memref<384xf32, #tpu.memory_space<vmem>>, vector<16xf32>,
      %swap3A_114 = arith.constant 32 : index
      %swap3A_115 = tpu.vector_load %arg27[%swap3A_114] {strides = array<i32>} : memref<384xf32, #tpu.memory_space<vmem>>, vector<16xf32>,
      %swap3A_116 = vector.shape_cast %swap3A_115 : vector<16xf32> to vector<16xf32>
      %swap3A_117 = vector.shape_cast %broadcast_in_dim3A_8 : vector<16xf32> to vector<16xf32>
      tpu.vector_store %arg27[%swap3A_114], %swap3A_117 {strides = array<i32>} : memref<384xf32, #tpu.memory_space<vmem>>, vector<16xf32>,
      %broadcast_in_dim3A_118 = arith.constant -1 : i32
      %broadcast_in_dim3A_119 = vector.broadcast %broadcast_in_dim3A_118 : i32 to vector<16xi32>
      %swap3A_120 = arith.constant 32 : index
      %swap3A_121 = tpu.vector_load %arg28[%swap3A_120] {strides = array<i32>} : memref<384xi32, #tpu.memory_space<vmem>>, vector<16xi32>,
      %swap3A_122 = vector.shape_cast %swap3A_121 : vector<16xi32> to vector<16xi32>
      %swap3A_123 = vector.shape_cast %broadcast_in_dim3A_119 : vector<16xi32> to vector<16xi32>
      tpu.vector_store %arg28[%swap3A_120], %swap3A_123 {strides = array<i32>} : memref<384xi32, #tpu.memory_space<vmem>>, vector<16xi32>,
      %swap3A_124 = arith.constant 32 : index
      %swap3A_125 = tpu.vector_load %arg29[%swap3A_124] {strides = array<i32>} : memref<384xf32, #tpu.memory_space<vmem>>, vector<16xf32>,
      %swap3A_126 = vector.shape_cast %swap3A_125 : vector<16xf32> to vector<16xf32>
      %swap3A_127 = vector.shape_cast %broadcast_in_dim3A_8 : vector<16xf32> to vector<16xf32>
      tpu.vector_store %arg29[%swap3A_124], %swap3A_127 {strides = array<i32>} : memref<384xf32, #tpu.memory_space<vmem>>, vector<16xf32>,
      %swap3A_128 = arith.constant 48 : index
      %swap3A_129 = tpu.vector_load %arg23[%swap3A_128] {strides = array<i32>} : memref<384xf32, #tpu.memory_space<vmem>>, vector<16xf32>,
      %swap3A_130 = vector.shape_cast %swap3A_129 : vector<16xf32> to vector<16xf32>
      %swap3A_131 = vector.shape_cast %broadcast_in_dim3A_8 : vector<16xf32> to vector<16xf32>
      tpu.vector_store %arg23[%swap3A_128], %swap3A_131 {strides = array<i32>} : memref<384xf32, #tpu.memory_space<vmem>>, vector<16xf32>,
      %swap3A_132 = arith.constant 48 : index
      %swap3A_133 = tpu.vector_load %arg24[%swap3A_132] {strides = array<i32>} : memref<384xf32, #tpu.memory_space<vmem>>, vector<16xf32>,
      %swap3A_134 = vector.shape_cast %swap3A_133 : vector<16xf32> to vector<16xf32>
      %swap3A_135 = vector.shape_cast %broadcast_in_dim3A_8 : vector<16xf32> to vector<16xf32>
      tpu.vector_store %arg24[%swap3A_132], %swap3A_135 {strides = array<i32>} : memref<384xf32, #tpu.memory_space<vmem>>, vector<16xf32>,
      %swap3A_136 = arith.constant 48 : index
      %swap3A_137 = tpu.vector_load %arg25[%swap3A_136] {strides = array<i32>} : memref<384xf32, #tpu.memory_space<vmem>>, vector<16xf32>,
      %swap3A_138 = vector.shape_cast %swap3A_137 : vector<16xf32> to vector<16xf32>
      %swap3A_139 = vector.shape_cast %broadcast_in_dim3A_8 : vector<16xf32> to vector<16xf32>
      tpu.vector_store %arg25[%swap3A_136], %swap3A_139 {strides = array<i32>} : memref<384xf32, #tpu.memory_space<vmem>>, vector<16xf32>,
      %swap3A_140 = arith.constant 48 : index
      %swap3A_141 = tpu.vector_load %arg26[%swap3A_140] {strides = array<i32>} : memref<384xf32, #tpu.memory_space<vmem>>, vector<16xf32>,
      %swap3A_142 = vector.shape_cast %swap3A_141 : vector<16xf32> to vector<16xf32>
      %swap3A_143 = vector.shape_cast %broadcast_in_dim3A_8 : vector<16xf32> to vector<16xf32>
      tpu.vector_store %arg26[%swap3A_140], %swap3A_143 {strides = array<i32>} : memref<384xf32, #tpu.memory_space<vmem>>, vector<16xf32>,
      %swap3A_144 = arith.constant 48 : index
      %swap3A_145 = tpu.vector_load %arg27[%swap3A_144] {strides = array<i32>} : memref<384xf32, #tpu.memory_space<vmem>>, vector<16xf32>,
      %swap3A_146 = vector.shape_cast %swap3A_145 : vector<16xf32> to vector<16xf32>
      %swap3A_147 = vector.shape_cast %broadcast_in_dim3A_8 : vector<16xf32> to vector<16xf32>
      tpu.vector_store %arg27[%swap3A_144], %swap3A_147 {strides = array<i32>} : memref<384xf32, #tpu.memory_space<vmem>>, vector<16xf32>,
      %broadcast_in_dim3A_148 = arith.constant -1 : i32
      %broadcast_in_dim3A_149 = vector.broadcast %broadcast_in_dim3A_148 : i32 to vector<16xi32>
      %swap3A_150 = arith.constant 48 : index
      %swap3A_151 = tpu.vector_load %arg28[%swap3A_150] {strides = array<i32>} : memref<384xi32, #tpu.memory_space<vmem>>, vector<16xi32>,
      %swap3A_152 = vector.shape_cast %swap3A_151 : vector<16xi32> to vector<16xi32>
      %swap3A_153 = vector.shape_cast %broadcast_in_dim3A_149 : vector<16xi32> to vector<16xi32>
      tpu.vector_store %arg28[%swap3A_150], %swap3A_153 {strides = array<i32>} : memref<384xi32, #tpu.memory_space<vmem>>, vector<16xi32>,
      %swap3A_154 = arith.constant 48 : index
      %swap3A_155 = tpu.vector_load %arg29[%swap3A_154] {strides = array<i32>} : memref<384xf32, #tpu.memory_space<vmem>>, vector<16xf32>,
      %swap3A_156 = vector.shape_cast %swap3A_155 : vector<16xf32> to vector<16xf32>
      %swap3A_157 = vector.shape_cast %broadcast_in_dim3A_8 : vector<16xf32> to vector<16xf32>
      tpu.vector_store %arg29[%swap3A_154], %swap3A_157 {strides = array<i32>} : memref<384xf32, #tpu.memory_space<vmem>>, vector<16xf32>,
      %swap3A_158 = arith.constant 64 : index
      %swap3A_159 = tpu.vector_load %arg23[%swap3A_158] {strides = array<i32>} : memref<384xf32, #tpu.memory_space<vmem>>, vector<16xf32>,
      %swap3A_160 = vector.shape_cast %swap3A_159 : vector<16xf32> to vector<16xf32>
      %swap3A_161 = vector.shape_cast %broadcast_in_dim3A_8 : vector<16xf32> to vector<16xf32>
      tpu.vector_store %arg23[%swap3A_158], %swap3A_161 {strides = array<i32>} : memref<384xf32, #tpu.memory_space<vmem>>, vector<16xf32>,
      %swap3A_162 = arith.constant 64 : index
      %swap3A_163 = tpu.vector_load %arg24[%swap3A_162] {strides = array<i32>} : memref<384xf32, #tpu.memory_space<vmem>>, vector<16xf32>,
      %swap3A_164 = vector.shape_cast %swap3A_163 : vector<16xf32> to vector<16xf32>
      %swap3A_165 = vector.shape_cast %broadcast_in_dim3A_8 : vector<16xf32> to vector<16xf32>
      tpu.vector_store %arg24[%swap3A_162], %swap3A_165 {strides = array<i32>} : memref<384xf32, #tpu.memory_space<vmem>>, vector<16xf32>,
      %swap3A_166 = arith.constant 64 : index
      %swap3A_167 = tpu.vector_load %arg25[%swap3A_166] {strides = array<i32>} : memref<384xf32, #tpu.memory_space<vmem>>, vector<16xf32>,
      %swap3A_168 = vector.shape_cast %swap3A_167 : vector<16xf32> to vector<16xf32>
      %swap3A_169 = vector.shape_cast %broadcast_in_dim3A_8 : vector<16xf32> to vector<16xf32>
      tpu.vector_store %arg25[%swap3A_166], %swap3A_169 {strides = array<i32>} : memref<384xf32, #tpu.memory_space<vmem>>, vector<16xf32>,
      %swap3A_170 = arith.constant 64 : index
      %swap3A_171 = tpu.vector_load %arg26[%swap3A_170] {strides = array<i32>} : memref<384xf32, #tpu.memory_space<vmem>>, vector<16xf32>,
      %swap3A_172 = vector.shape_cast %swap3A_171 : vector<16xf32> to vector<16xf32>
      %swap3A_173 = vector.shape_cast %broadcast_in_dim3A_8 : vector<16xf32> to vector<16xf32>
      tpu.vector_store %arg26[%swap3A_170], %swap3A_173 {strides = array<i32>} : memref<384xf32, #tpu.memory_space<vmem>>, vector<16xf32>,
      %swap3A_174 = arith.constant 64 : index
      %swap3A_175 = tpu.vector_load %arg27[%swap3A_174] {strides = array<i32>} : memref<384xf32, #tpu.memory_space<vmem>>, vector<16xf32>,
      %swap3A_176 = vector.shape_cast %swap3A_175 : vector<16xf32> to vector<16xf32>
      %swap3A_177 = vector.shape_cast %broadcast_in_dim3A_8 : vector<16xf32> to vector<16xf32>
      tpu.vector_store %arg27[%swap3A_174], %swap3A_177 {strides = array<i32>} : memref<384xf32, #tpu.memory_space<vmem>>, vector<16xf32>,
      %broadcast_in_dim3A_178 = arith.constant -1 : i32
      %broadcast_in_dim3A_179 = vector.broadcast %broadcast_in_dim3A_178 : i32 to vector<16xi32>
      %swap3A_180 = arith.constant 64 : index
      %swap3A_181 = tpu.vector_load %arg28[%swap3A_180] {strides = array<i32>} : memref<384xi32, #tpu.memory_space<vmem>>, vector<16xi32>,
      %swap3A_182 = vector.shape_cast %swap3A_181 : vector<16xi32> to vector<16xi32>
      %swap3A_183 = vector.shape_cast %broadcast_in_dim3A_179 : vector<16xi32> to vector<16xi32>
      tpu.vector_store %arg28[%swap3A_180], %swap3A_183 {strides = array<i32>} : memref<384xi32, #tpu.memory_space<vmem>>, vector<16xi32>,
      %swap3A_184 = arith.constant 64 : index
      %swap3A_185 = tpu.vector_load %arg29[%swap3A_184] {strides = array<i32>} : memref<384xf32, #tpu.memory_space<vmem>>, vector<16xf32>,
      %swap3A_186 = vector.shape_cast %swap3A_185 : vector<16xf32> to vector<16xf32>
      %swap3A_187 = vector.shape_cast %broadcast_in_dim3A_8 : vector<16xf32> to vector<16xf32>
      tpu.vector_store %arg29[%swap3A_184], %swap3A_187 {strides = array<i32>} : memref<384xf32, #tpu.memory_space<vmem>>, vector<16xf32>,
      %swap3A_188 = arith.constant 80 : index
      %swap3A_189 = tpu.vector_load %arg23[%swap3A_188] {strides = array<i32>} : memref<384xf32, #tpu.memory_space<vmem>>, vector<16xf32>,
      %swap3A_190 = vector.shape_cast %swap3A_189 : vector<16xf32> to vector<16xf32>
      %swap3A_191 = vector.shape_cast %broadcast_in_dim3A_8 : vector<16xf32> to vector<16xf32>
      tpu.vector_store %arg23[%swap3A_188], %swap3A_191 {strides = array<i32>} : memref<384xf32, #tpu.memory_space<vmem>>, vector<16xf32>,
      %swap3A_192 = arith.constant 80 : index
      %swap3A_193 = tpu.vector_load %arg24[%swap3A_192] {strides = array<i32>} : memref<384xf32, #tpu.memory_space<vmem>>, vector<16xf32>,
      %swap3A_194 = vector.shape_cast %swap3A_193 : vector<16xf32> to vector<16xf32>
      %swap3A_195 = vector.shape_cast %broadcast_in_dim3A_8 : vector<16xf32> to vector<16xf32>
      tpu.vector_store %arg24[%swap3A_192], %swap3A_195 {strides = array<i32>} : memref<384xf32, #tpu.memory_space<vmem>>, vector<16xf32>,
      %swap3A_196 = arith.constant 80 : index
      %swap3A_197 = tpu.vector_load %arg25[%swap3A_196] {strides = array<i32>} : memref<384xf32, #tpu.memory_space<vmem>>, vector<16xf32>,
      %swap3A_198 = vector.shape_cast %swap3A_197 : vector<16xf32> to vector<16xf32>
      %swap3A_199 = vector.shape_cast %broadcast_in_dim3A_8 : vector<16xf32> to vector<16xf32>
      tpu.vector_store %arg25[%swap3A_196], %swap3A_199 {strides = array<i32>} : memref<384xf32, #tpu.memory_space<vmem>>, vector<16xf32>,
      %swap3A_200 = arith.constant 80 : index
      %swap3A_201 = tpu.vector_load %arg26[%swap3A_200] {strides = array<i32>} : memref<384xf32, #tpu.memory_space<vmem>>, vector<16xf32>,
      %swap3A_202 = vector.shape_cast %swap3A_201 : vector<16xf32> to vector<16xf32>
      %swap3A_203 = vector.shape_cast %broadcast_in_dim3A_8 : vector<16xf32> to vector<16xf32>
      tpu.vector_store %arg26[%swap3A_200], %swap3A_203 {strides = array<i32>} : memref<384xf32, #tpu.memory_space<vmem>>, vector<16xf32>,
      %swap3A_204 = arith.constant 80 : index
      %swap3A_205 = tpu.vector_load %arg27[%swap3A_204] {strides = array<i32>} : memref<384xf32, #tpu.memory_space<vmem>>, vector<16xf32>,
      %swap3A_206 = vector.shape_cast %swap3A_205 : vector<16xf32> to vector<16xf32>
      %swap3A_207 = vector.shape_cast %broadcast_in_dim3A_8 : vector<16xf32> to vector<16xf32>
      tpu.vector_store %arg27[%swap3A_204], %swap3A_207 {strides = array<i32>} : memref<384xf32, #tpu.memory_space<vmem>>, vector<16xf32>,
      %broadcast_in_dim3A_208 = arith.constant -1 : i32
      %broadcast_in_dim3A_209 = vector.broadcast %broadcast_in_dim3A_208 : i32 to vector<16xi32>
      %swap3A_210 = arith.constant 80 : index
      %swap3A_211 = tpu.vector_load %arg28[%swap3A_210] {strides = array<i32>} : memref<384xi32, #tpu.memory_space<vmem>>, vector<16xi32>,
      %swap3A_212 = vector.shape_cast %swap3A_211 : vector<16xi32> to vector<16xi32>
      %swap3A_213 = vector.shape_cast %broadcast_in_dim3A_209 : vector<16xi32> to vector<16xi32>
      tpu.vector_store %arg28[%swap3A_210], %swap3A_213 {strides = array<i32>} : memref<384xi32, #tpu.memory_space<vmem>>, vector<16xi32>,
      %swap3A_214 = arith.constant 80 : index
      %swap3A_215 = tpu.vector_load %arg29[%swap3A_214] {strides = array<i32>} : memref<384xf32, #tpu.memory_space<vmem>>, vector<16xf32>,
      %swap3A_216 = vector.shape_cast %swap3A_215 : vector<16xf32> to vector<16xf32>
      %swap3A_217 = vector.shape_cast %broadcast_in_dim3A_8 : vector<16xf32> to vector<16xf32>
      tpu.vector_store %arg29[%swap3A_214], %swap3A_217 {strides = array<i32>} : memref<384xf32, #tpu.memory_space<vmem>>, vector<16xf32>,
      %swap3A_218 = arith.constant 96 : index
      %swap3A_219 = tpu.vector_load %arg23[%swap3A_218] {strides = array<i32>} : memref<384xf32, #tpu.memory_space<vmem>>, vector<16xf32>,
      %swap3A_220 = vector.shape_cast %swap3A_219 : vector<16xf32> to vector<16xf32>
      %swap3A_221 = vector.shape_cast %broadcast_in_dim3A_8 : vector<16xf32> to vector<16xf32>
      tpu.vector_store %arg23[%swap3A_218], %swap3A_221 {strides = array<i32>} : memref<384xf32, #tpu.memory_space<vmem>>, vector<16xf32>,
      %swap3A_222 = arith.constant 96 : index
      %swap3A_223 = tpu.vector_load %arg24[%swap3A_222] {strides = array<i32>} : memref<384xf32, #tpu.memory_space<vmem>>, vector<16xf32>,
      %swap3A_224 = vector.shape_cast %swap3A_223 : vector<16xf32> to vector<16xf32>
      %swap3A_225 = vector.shape_cast %broadcast_in_dim3A_8 : vector<16xf32> to vector<16xf32>
      tpu.vector_store %arg24[%swap3A_222], %swap3A_225 {strides = array<i32>} : memref<384xf32, #tpu.memory_space<vmem>>, vector<16xf32>,
      %swap3A_226 = arith.constant 96 : index
      %swap3A_227 = tpu.vector_load %arg25[%swap3A_226] {strides = array<i32>} : memref<384xf32, #tpu.memory_space<vmem>>, vector<16xf32>,
      %swap3A_228 = vector.shape_cast %swap3A_227 : vector<16xf32> to vector<16xf32>
      %swap3A_229 = vector.shape_cast %broadcast_in_dim3A_8 : vector<16xf32> to vector<16xf32>
      tpu.vector_store %arg25[%swap3A_226], %swap3A_229 {strides = array<i32>} : memref<384xf32, #tpu.memory_space<vmem>>, vector<16xf32>,
      %swap3A_230 = arith.constant 96 : index
      %swap3A_231 = tpu.vector_load %arg26[%swap3A_230] {strides = array<i32>} : memref<384xf32, #tpu.memory_space<vmem>>, vector<16xf32>,
      %swap3A_232 = vector.shape_cast %swap3A_231 : vector<16xf32> to vector<16xf32>
      %swap3A_233 = vector.shape_cast %broadcast_in_dim3A_8 : vector<16xf32> to vector<16xf32>
      tpu.vector_store %arg26[%swap3A_230], %swap3A_233 {strides = array<i32>} : memref<384xf32, #tpu.memory_space<vmem>>, vector<16xf32>,
      %swap3A_234 = arith.constant 96 : index
      %swap3A_235 = tpu.vector_load %arg27[%swap3A_234] {strides = array<i32>} : memref<384xf32, #tpu.memory_space<vmem>>, vector<16xf32>,
      %swap3A_236 = vector.shape_cast %swap3A_235 : vector<16xf32> to vector<16xf32>
      %swap3A_237 = vector.shape_cast %broadcast_in_dim3A_8 : vector<16xf32> to vector<16xf32>
      tpu.vector_store %arg27[%swap3A_234], %swap3A_237 {strides = array<i32>} : memref<384xf32, #tpu.memory_space<vmem>>, vector<16xf32>,
      %broadcast_in_dim3A_238 = arith.constant -1 : i32
      %broadcast_in_dim3A_239 = vector.broadcast %broadcast_in_dim3A_238 : i32 to vector<16xi32>
      %swap3A_240 = arith.constant 96 : index
      %swap3A_241 = tpu.vector_load %arg28[%swap3A_240] {strides = array<i32>} : memref<384xi32, #tpu.memory_space<vmem>>, vector<16xi32>,
      %swap3A_242 = vector.shape_cast %swap3A_241 : vector<16xi32> to vector<16xi32>
      %swap3A_243 = vector.shape_cast %broadcast_in_dim3A_239 : vector<16xi32> to vector<16xi32>
      tpu.vector_store %arg28[%swap3A_240], %swap3A_243 {strides = array<i32>} : memref<384xi32, #tpu.memory_space<vmem>>, vector<16xi32>,
      %swap3A_244 = arith.constant 96 : index
      %swap3A_245 = tpu.vector_load %arg29[%swap3A_244] {strides = array<i32>} : memref<384xf32, #tpu.memory_space<vmem>>, vector<16xf32>,
      %swap3A_246 = vector.shape_cast %swap3A_245 : vector<16xf32> to vector<16xf32>
      %swap3A_247 = vector.shape_cast %broadcast_in_dim3A_8 : vector<16xf32> to vector<16xf32>
      tpu.vector_store %arg29[%swap3A_244], %swap3A_247 {strides = array<i32>} : memref<384xf32, #tpu.memory_space<vmem>>, vector<16xf32>,
      %swap3A_248 = arith.constant 112 : index
      %swap3A_249 = tpu.vector_load %arg23[%swap3A_248] {strides = array<i32>} : memref<384xf32, #tpu.memory_space<vmem>>, vector<16xf32>,
      %swap3A_250 = vector.shape_cast %swap3A_249 : vector<16xf32> to vector<16xf32>
      %swap3A_251 = vector.shape_cast %broadcast_in_dim3A_8 : vector<16xf32> to vector<16xf32>
      tpu.vector_store %arg23[%swap3A_248], %swap3A_251 {strides = array<i32>} : memref<384xf32, #tpu.memory_space<vmem>>, vector<16xf32>,
      %swap3A_252 = arith.constant 112 : index
      %swap3A_253 = tpu.vector_load %arg24[%swap3A_252] {strides = array<i32>} : memref<384xf32, #tpu.memory_space<vmem>>, vector<16xf32>,
      %swap3A_254 = vector.shape_cast %swap3A_253 : vector<16xf32> to vector<16xf32>
      %swap3A_255 = vector.shape_cast %broadcast_in_dim3A_8 : vector<16xf32> to vector<16xf32>
      tpu.vector_store %arg24[%swap3A_252], %swap3A_255 {strides = array<i32>} : memref<384xf32, #tpu.memory_space<vmem>>, vector<16xf32>,
      %swap3A_256 = arith.constant 112 : index
      %swap3A_257 = tpu.vector_load %arg25[%swap3A_256] {strides = array<i32>} : memref<384xf32, #tpu.memory_space<vmem>>, vector<16xf32>,
      %swap3A_258 = vector.shape_cast %swap3A_257 : vector<16xf32> to vector<16xf32>
      %swap3A_259 = vector.shape_cast %broadcast_in_dim3A_8 : vector<16xf32> to vector<16xf32>
      tpu.vector_store %arg25[%swap3A_256], %swap3A_259 {strides = array<i32>} : memref<384xf32, #tpu.memory_space<vmem>>, vector<16xf32>,
      %swap3A_260 = arith.constant 112 : index
      %swap3A_261 = tpu.vector_load %arg26[%swap3A_260] {strides = array<i32>} : memref<384xf32, #tpu.memory_space<vmem>>, vector<16xf32>,
      %swap3A_262 = vector.shape_cast %swap3A_261 : vector<16xf32> to vector<16xf32>
      %swap3A_263 = vector.shape_cast %broadcast_in_dim3A_8 : vector<16xf32> to vector<16xf32>
      tpu.vector_store %arg26[%swap3A_260], %swap3A_263 {strides = array<i32>} : memref<384xf32, #tpu.memory_space<vmem>>, vector<16xf32>,
      %swap3A_264 = arith.constant 112 : index
      %swap3A_265 = tpu.vector_load %arg27[%swap3A_264] {strides = array<i32>} : memref<384xf32, #tpu.memory_space<vmem>>, vector<16xf32>,
      %swap3A_266 = vector.shape_cast %swap3A_265 : vector<16xf32> to vector<16xf32>
      %swap3A_267 = vector.shape_cast %broadcast_in_dim3A_8 : vector<16xf32> to vector<16xf32>
      tpu.vector_store %arg27[%swap3A_264], %swap3A_267 {strides = array<i32>} : memref<384xf32, #tpu.memory_space<vmem>>, vector<16xf32>,
      %broadcast_in_dim3A_268 = arith.constant -1 : i32
      %broadcast_in_dim3A_269 = vector.broadcast %broadcast_in_dim3A_268 : i32 to vector<16xi32>
      %swap3A_270 = arith.constant 112 : index
      %swap3A_271 = tpu.vector_load %arg28[%swap3A_270] {strides = array<i32>} : memref<384xi32, #tpu.memory_space<vmem>>, vector<16xi32>,
      %swap3A_272 = vector.shape_cast %swap3A_271 : vector<16xi32> to vector<16xi32>
      %swap3A_273 = vector.shape_cast %broadcast_in_dim3A_269 : vector<16xi32> to vector<16xi32>
      tpu.vector_store %arg28[%swap3A_270], %swap3A_273 {strides = array<i32>} : memref<384xi32, #tpu.memory_space<vmem>>, vector<16xi32>,
      %swap3A_274 = arith.constant 112 : index
      %swap3A_275 = tpu.vector_load %arg29[%swap3A_274] {strides = array<i32>} : memref<384xf32, #tpu.memory_space<vmem>>, vector<16xf32>,
      %swap3A_276 = vector.shape_cast %swap3A_275 : vector<16xf32> to vector<16xf32>
      %swap3A_277 = vector.shape_cast %broadcast_in_dim3A_8 : vector<16xf32> to vector<16xf32>
      tpu.vector_store %arg29[%swap3A_274], %swap3A_277 {strides = array<i32>} : memref<384xf32, #tpu.memory_space<vmem>>, vector<16xf32>,
      %swap3A_278 = arith.constant 128 : index
      %swap3A_279 = tpu.vector_load %arg23[%swap3A_278] {strides = array<i32>} : memref<384xf32, #tpu.memory_space<vmem>>, vector<16xf32>,
      %swap3A_280 = vector.shape_cast %swap3A_279 : vector<16xf32> to vector<16xf32>
      %swap3A_281 = vector.shape_cast %broadcast_in_dim3A_8 : vector<16xf32> to vector<16xf32>
      tpu.vector_store %arg23[%swap3A_278], %swap3A_281 {strides = array<i32>} : memref<384xf32, #tpu.memory_space<vmem>>, vector<16xf32>,
      %swap3A_282 = arith.constant 128 : index
      %swap3A_283 = tpu.vector_load %arg24[%swap3A_282] {strides = array<i32>} : memref<384xf32, #tpu.memory_space<vmem>>, vector<16xf32>,
      %swap3A_284 = vector.shape_cast %swap3A_283 : vector<16xf32> to vector<16xf32>
      %swap3A_285 = vector.shape_cast %broadcast_in_dim3A_8 : vector<16xf32> to vector<16xf32>
      tpu.vector_store %arg24[%swap3A_282], %swap3A_285 {strides = array<i32>} : memref<384xf32, #tpu.memory_space<vmem>>, vector<16xf32>,
      %swap3A_286 = arith.constant 128 : index
      %swap3A_287 = tpu.vector_load %arg25[%swap3A_286] {strides = array<i32>} : memref<384xf32, #tpu.memory_space<vmem>>, vector<16xf32>,
      %swap3A_288 = vector.shape_cast %swap3A_287 : vector<16xf32> to vector<16xf32>
      %swap3A_289 = vector.shape_cast %broadcast_in_dim3A_8 : vector<16xf32> to vector<16xf32>
      tpu.vector_store %arg25[%swap3A_286], %swap3A_289 {strides = array<i32>} : memref<384xf32, #tpu.memory_space<vmem>>, vector<16xf32>,
      %swap3A_290 = arith.constant 128 : index
      %swap3A_291 = tpu.vector_load %arg26[%swap3A_290] {strides = array<i32>} : memref<384xf32, #tpu.memory_space<vmem>>, vector<16xf32>,
      %swap3A_292 = vector.shape_cast %swap3A_291 : vector<16xf32> to vector<16xf32>
      %swap3A_293 = vector.shape_cast %broadcast_in_dim3A_8 : vector<16xf32> to vector<16xf32>
      tpu.vector_store %arg26[%swap3A_290], %swap3A_293 {strides = array<i32>} : memref<384xf32, #tpu.memory_space<vmem>>, vector<16xf32>,
      %swap3A_294 = arith.constant 128 : index
      %swap3A_295 = tpu.vector_load %arg27[%swap3A_294] {strides = array<i32>} : memref<384xf32, #tpu.memory_space<vmem>>, vector<16xf32>,
      %swap3A_296 = vector.shape_cast %swap3A_295 : vector<16xf32> to vector<16xf32>
      %swap3A_297 = vector.shape_cast %broadcast_in_dim3A_8 : vector<16xf32> to vector<16xf32>
      tpu.vector_store %arg27[%swap3A_294], %swap3A_297 {strides = array<i32>} : memref<384xf32, #tpu.memory_space<vmem>>, vector<16xf32>,
      %broadcast_in_dim3A_298 = arith.constant -1 : i32
      %broadcast_in_dim3A_299 = vector.broadcast %broadcast_in_dim3A_298 : i32 to vector<16xi32>
      %swap3A_300 = arith.constant 128 : index
      %swap3A_301 = tpu.vector_load %arg28[%swap3A_300] {strides = array<i32>} : memref<384xi32, #tpu.memory_space<vmem>>, vector<16xi32>,
      %swap3A_302 = vector.shape_cast %swap3A_301 : vector<16xi32> to vector<16xi32>
      %swap3A_303 = vector.shape_cast %broadcast_in_dim3A_299 : vector<16xi32> to vector<16xi32>
      tpu.vector_store %arg28[%swap3A_300], %swap3A_303 {strides = array<i32>} : memref<384xi32, #tpu.memory_space<vmem>>, vector<16xi32>,
      %swap3A_304 = arith.constant 128 : index
      %swap3A_305 = tpu.vector_load %arg29[%swap3A_304] {strides = array<i32>} : memref<384xf32, #tpu.memory_space<vmem>>, vector<16xf32>,
      %swap3A_306 = vector.shape_cast %swap3A_305 : vector<16xf32> to vector<16xf32>
      %swap3A_307 = vector.shape_cast %broadcast_in_dim3A_8 : vector<16xf32> to vector<16xf32>
      tpu.vector_store %arg29[%swap3A_304], %swap3A_307 {strides = array<i32>} : memref<384xf32, #tpu.memory_space<vmem>>, vector<16xf32>,
      %swap3A_308 = arith.constant 144 : index
      %swap3A_309 = tpu.vector_load %arg23[%swap3A_308] {strides = array<i32>} : memref<384xf32, #tpu.memory_space<vmem>>, vector<16xf32>,
      %swap3A_310 = vector.shape_cast %swap3A_309 : vector<16xf32> to vector<16xf32>
      %swap3A_311 = vector.shape_cast %broadcast_in_dim3A_8 : vector<16xf32> to vector<16xf32>
      tpu.vector_store %arg23[%swap3A_308], %swap3A_311 {strides = array<i32>} : memref<384xf32, #tpu.memory_space<vmem>>, vector<16xf32>,
      %swap3A_312 = arith.constant 144 : index
      %swap3A_313 = tpu.vector_load %arg24[%swap3A_312] {strides = array<i32>} : memref<384xf32, #tpu.memory_space<vmem>>, vector<16xf32>,
      %swap3A_314 = vector.shape_cast %swap3A_313 : vector<16xf32> to vector<16xf32>
      %swap3A_315 = vector.shape_cast %broadcast_in_dim3A_8 : vector<16xf32> to vector<16xf32>
      tpu.vector_store %arg24[%swap3A_312], %swap3A_315 {strides = array<i32>} : memref<384xf32, #tpu.memory_space<vmem>>, vector<16xf32>,
      %swap3A_316 = arith.constant 144 : index
      %swap3A_317 = tpu.vector_load %arg25[%swap3A_316] {strides = array<i32>} : memref<384xf32, #tpu.memory_space<vmem>>, vector<16xf32>,
      %swap3A_318 = vector.shape_cast %swap3A_317 : vector<16xf32> to vector<16xf32>
      %swap3A_319 = vector.shape_cast %broadcast_in_dim3A_8 : vector<16xf32> to vector<16xf32>
      tpu.vector_store %arg25[%swap3A_316], %swap3A_319 {strides = array<i32>} : memref<384xf32, #tpu.memory_space<vmem>>, vector<16xf32>,
      %swap3A_320 = arith.constant 144 : index
      %swap3A_321 = tpu.vector_load %arg26[%swap3A_320] {strides = array<i32>} : memref<384xf32, #tpu.memory_space<vmem>>, vector<16xf32>,
      %swap3A_322 = vector.shape_cast %swap3A_321 : vector<16xf32> to vector<16xf32>
      %swap3A_323 = vector.shape_cast %broadcast_in_dim3A_8 : vector<16xf32> to vector<16xf32>
      tpu.vector_store %arg26[%swap3A_320], %swap3A_323 {strides = array<i32>} : memref<384xf32, #tpu.memory_space<vmem>>, vector<16xf32>,
      %swap3A_324 = arith.constant 144 : index
      %swap3A_325 = tpu.vector_load %arg27[%swap3A_324] {strides = array<i32>} : memref<384xf32, #tpu.memory_space<vmem>>, vector<16xf32>,
      %swap3A_326 = vector.shape_cast %swap3A_325 : vector<16xf32> to vector<16xf32>
      %swap3A_327 = vector.shape_cast %broadcast_in_dim3A_8 : vector<16xf32> to vector<16xf32>
      tpu.vector_store %arg27[%swap3A_324], %swap3A_327 {strides = array<i32>} : memref<384xf32, #tpu.memory_space<vmem>>, vector<16xf32>,
      %broadcast_in_dim3A_328 = arith.constant -1 : i32
      %broadcast_in_dim3A_329 = vector.broadcast %broadcast_in_dim3A_328 : i32 to vector<16xi32>
      %swap3A_330 = arith.constant 144 : index
      %swap3A_331 = tpu.vector_load %arg28[%swap3A_330] {strides = array<i32>} : memref<384xi32, #tpu.memory_space<vmem>>, vector<16xi32>,
      %swap3A_332 = vector.shape_cast %swap3A_331 : vector<16xi32> to vector<16xi32>
      %swap3A_333 = vector.shape_cast %broadcast_in_dim3A_329 : vector<16xi32> to vector<16xi32>
      tpu.vector_store %arg28[%swap3A_330], %swap3A_333 {strides = array<i32>} : memref<384xi32, #tpu.memory_space<vmem>>, vector<16xi32>,
      %swap3A_334 = arith.constant 144 : index
      %swap3A_335 = tpu.vector_load %arg29[%swap3A_334] {strides = array<i32>} : memref<384xf32, #tpu.memory_space<vmem>>, vector<16xf32>,
      %swap3A_336 = vector.shape_cast %swap3A_335 : vector<16xf32> to vector<16xf32>
      %swap3A_337 = vector.shape_cast %broadcast_in_dim3A_8 : vector<16xf32> to vector<16xf32>
      tpu.vector_store %arg29[%swap3A_334], %swap3A_337 {strides = array<i32>} : memref<384xf32, #tpu.memory_space<vmem>>, vector<16xf32>,
      %swap3A_338 = arith.constant 160 : index
      %swap3A_339 = tpu.vector_load %arg23[%swap3A_338] {strides = array<i32>} : memref<384xf32, #tpu.memory_space<vmem>>, vector<16xf32>,
      %swap3A_340 = vector.shape_cast %swap3A_339 : vector<16xf32> to vector<16xf32>
      %swap3A_341 = vector.shape_cast %broadcast_in_dim3A_8 : vector<16xf32> to vector<16xf32>
      tpu.vector_store %arg23[%swap3A_338], %swap3A_341 {strides = array<i32>} : memref<384xf32, #tpu.memory_space<vmem>>, vector<16xf32>,
      %swap3A_342 = arith.constant 160 : index
      %swap3A_343 = tpu.vector_load %arg24[%swap3A_342] {strides = array<i32>} : memref<384xf32, #tpu.memory_space<vmem>>, vector<16xf32>,
      %swap3A_344 = vector.shape_cast %swap3A_343 : vector<16xf32> to vector<16xf32>
      %swap3A_345 = vector.shape_cast %broadcast_in_dim3A_8 : vector<16xf32> to vector<16xf32>
      tpu.vector_store %arg24[%swap3A_342], %swap3A_345 {strides = array<i32>} : memref<384xf32, #tpu.memory_space<vmem>>, vector<16xf32>,
      %swap3A_346 = arith.constant 160 : index
      %swap3A_347 = tpu.vector_load %arg25[%swap3A_346] {strides = array<i32>} : memref<384xf32, #tpu.memory_space<vmem>>, vector<16xf32>,
      %swap3A_348 = vector.shape_cast %swap3A_347 : vector<16xf32> to vector<16xf32>
      %swap3A_349 = vector.shape_cast %broadcast_in_dim3A_8 : vector<16xf32> to vector<16xf32>
      tpu.vector_store %arg25[%swap3A_346], %swap3A_349 {strides = array<i32>} : memref<384xf32, #tpu.memory_space<vmem>>, vector<16xf32>,
      %swap3A_350 = arith.constant 160 : index
      %swap3A_351 = tpu.vector_load %arg26[%swap3A_350] {strides = array<i32>} : memref<384xf32, #tpu.memory_space<vmem>>, vector<16xf32>,
      %swap3A_352 = vector.shape_cast %swap3A_351 : vector<16xf32> to vector<16xf32>
      %swap3A_353 = vector.shape_cast %broadcast_in_dim3A_8 : vector<16xf32> to vector<16xf32>
      tpu.vector_store %arg26[%swap3A_350], %swap3A_353 {strides = array<i32>} : memref<384xf32, #tpu.memory_space<vmem>>, vector<16xf32>,
      %swap3A_354 = arith.constant 160 : index
      %swap3A_355 = tpu.vector_load %arg27[%swap3A_354] {strides = array<i32>} : memref<384xf32, #tpu.memory_space<vmem>>, vector<16xf32>,
      %swap3A_356 = vector.shape_cast %swap3A_355 : vector<16xf32> to vector<16xf32>
      %swap3A_357 = vector.shape_cast %broadcast_in_dim3A_8 : vector<16xf32> to vector<16xf32>
      tpu.vector_store %arg27[%swap3A_354], %swap3A_357 {strides = array<i32>} : memref<384xf32, #tpu.memory_space<vmem>>, vector<16xf32>,
      %broadcast_in_dim3A_358 = arith.constant -1 : i32
      %broadcast_in_dim3A_359 = vector.broadcast %broadcast_in_dim3A_358 : i32 to vector<16xi32>
      %swap3A_360 = arith.constant 160 : index
      %swap3A_361 = tpu.vector_load %arg28[%swap3A_360] {strides = array<i32>} : memref<384xi32, #tpu.memory_space<vmem>>, vector<16xi32>,
      %swap3A_362 = vector.shape_cast %swap3A_361 : vector<16xi32> to vector<16xi32>
      %swap3A_363 = vector.shape_cast %broadcast_in_dim3A_359 : vector<16xi32> to vector<16xi32>
      tpu.vector_store %arg28[%swap3A_360], %swap3A_363 {strides = array<i32>} : memref<384xi32, #tpu.memory_space<vmem>>, vector<16xi32>,
      %swap3A_364 = arith.constant 160 : index
      %swap3A_365 = tpu.vector_load %arg29[%swap3A_364] {strides = array<i32>} : memref<384xf32, #tpu.memory_space<vmem>>, vector<16xf32>,
      %swap3A_366 = vector.shape_cast %swap3A_365 : vector<16xf32> to vector<16xf32>
      %swap3A_367 = vector.shape_cast %broadcast_in_dim3A_8 : vector<16xf32> to vector<16xf32>
      tpu.vector_store %arg29[%swap3A_364], %swap3A_367 {strides = array<i32>} : memref<384xf32, #tpu.memory_space<vmem>>, vector<16xf32>,
      %swap3A_368 = arith.constant 176 : index
      %swap3A_369 = tpu.vector_load %arg23[%swap3A_368] {strides = array<i32>} : memref<384xf32, #tpu.memory_space<vmem>>, vector<16xf32>,
      %swap3A_370 = vector.shape_cast %swap3A_369 : vector<16xf32> to vector<16xf32>
      %swap3A_371 = vector.shape_cast %broadcast_in_dim3A_8 : vector<16xf32> to vector<16xf32>
      tpu.vector_store %arg23[%swap3A_368], %swap3A_371 {strides = array<i32>} : memref<384xf32, #tpu.memory_space<vmem>>, vector<16xf32>,
      %swap3A_372 = arith.constant 176 : index
      %swap3A_373 = tpu.vector_load %arg24[%swap3A_372] {strides = array<i32>} : memref<384xf32, #tpu.memory_space<vmem>>, vector<16xf32>,
      %swap3A_374 = vector.shape_cast %swap3A_373 : vector<16xf32> to vector<16xf32>
      %swap3A_375 = vector.shape_cast %broadcast_in_dim3A_8 : vector<16xf32> to vector<16xf32>
      tpu.vector_store %arg24[%swap3A_372], %swap3A_375 {strides = array<i32>} : memref<384xf32, #tpu.memory_space<vmem>>, vector<16xf32>,
      %swap3A_376 = arith.constant 176 : index
      %swap3A_377 = tpu.vector_load %arg25[%swap3A_376] {strides = array<i32>} : memref<384xf32, #tpu.memory_space<vmem>>, vector<16xf32>,
      %swap3A_378 = vector.shape_cast %swap3A_377 : vector<16xf32> to vector<16xf32>
      %swap3A_379 = vector.shape_cast %broadcast_in_dim3A_8 : vector<16xf32> to vector<16xf32>
      tpu.vector_store %arg25[%swap3A_376], %swap3A_379 {strides = array<i32>} : memref<384xf32, #tpu.memory_space<vmem>>, vector<16xf32>,
      %swap3A_380 = arith.constant 176 : index
      %swap3A_381 = tpu.vector_load %arg26[%swap3A_380] {strides = array<i32>} : memref<384xf32, #tpu.memory_space<vmem>>, vector<16xf32>,
      %swap3A_382 = vector.shape_cast %swap3A_381 : vector<16xf32> to vector<16xf32>
      %swap3A_383 = vector.shape_cast %broadcast_in_dim3A_8 : vector<16xf32> to vector<16xf32>
      tpu.vector_store %arg26[%swap3A_380], %swap3A_383 {strides = array<i32>} : memref<384xf32, #tpu.memory_space<vmem>>, vector<16xf32>,
      %swap3A_384 = arith.constant 176 : index
      %swap3A_385 = tpu.vector_load %arg27[%swap3A_384] {strides = array<i32>} : memref<384xf32, #tpu.memory_space<vmem>>, vector<16xf32>,
      %swap3A_386 = vector.shape_cast %swap3A_385 : vector<16xf32> to vector<16xf32>
      %swap3A_387 = vector.shape_cast %broadcast_in_dim3A_8 : vector<16xf32> to vector<16xf32>
      tpu.vector_store %arg27[%swap3A_384], %swap3A_387 {strides = array<i32>} : memref<384xf32, #tpu.memory_space<vmem>>, vector<16xf32>,
      %broadcast_in_dim3A_388 = arith.constant -1 : i32
      %broadcast_in_dim3A_389 = vector.broadcast %broadcast_in_dim3A_388 : i32 to vector<16xi32>
      %swap3A_390 = arith.constant 176 : index
      %swap3A_391 = tpu.vector_load %arg28[%swap3A_390] {strides = array<i32>} : memref<384xi32, #tpu.memory_space<vmem>>, vector<16xi32>,
      %swap3A_392 = vector.shape_cast %swap3A_391 : vector<16xi32> to vector<16xi32>
      %swap3A_393 = vector.shape_cast %broadcast_in_dim3A_389 : vector<16xi32> to vector<16xi32>
      tpu.vector_store %arg28[%swap3A_390], %swap3A_393 {strides = array<i32>} : memref<384xi32, #tpu.memory_space<vmem>>, vector<16xi32>,
      %swap3A_394 = arith.constant 176 : index
      %swap3A_395 = tpu.vector_load %arg29[%swap3A_394] {strides = array<i32>} : memref<384xf32, #tpu.memory_space<vmem>>, vector<16xf32>,
      %swap3A_396 = vector.shape_cast %swap3A_395 : vector<16xf32> to vector<16xf32>
      %swap3A_397 = vector.shape_cast %broadcast_in_dim3A_8 : vector<16xf32> to vector<16xf32>
      tpu.vector_store %arg29[%swap3A_394], %swap3A_397 {strides = array<i32>} : memref<384xf32, #tpu.memory_space<vmem>>, vector<16xf32>,
      %swap3A_398 = arith.constant 192 : index
      %swap3A_399 = tpu.vector_load %arg23[%swap3A_398] {strides = array<i32>} : memref<384xf32, #tpu.memory_space<vmem>>, vector<16xf32>,
      %swap3A_400 = vector.shape_cast %swap3A_399 : vector<16xf32> to vector<16xf32>
      %swap3A_401 = vector.shape_cast %broadcast_in_dim3A_8 : vector<16xf32> to vector<16xf32>
      tpu.vector_store %arg23[%swap3A_398], %swap3A_401 {strides = array<i32>} : memref<384xf32, #tpu.memory_space<vmem>>, vector<16xf32>,
      %swap3A_402 = arith.constant 192 : index
      %swap3A_403 = tpu.vector_load %arg24[%swap3A_402] {strides = array<i32>} : memref<384xf32, #tpu.memory_space<vmem>>, vector<16xf32>,
      %swap3A_404 = vector.shape_cast %swap3A_403 : vector<16xf32> to vector<16xf32>
      %swap3A_405 = vector.shape_cast %broadcast_in_dim3A_8 : vector<16xf32> to vector<16xf32>
      tpu.vector_store %arg24[%swap3A_402], %swap3A_405 {strides = array<i32>} : memref<384xf32, #tpu.memory_space<vmem>>, vector<16xf32>,
      %swap3A_406 = arith.constant 192 : index
      %swap3A_407 = tpu.vector_load %arg25[%swap3A_406] {strides = array<i32>} : memref<384xf32, #tpu.memory_space<vmem>>, vector<16xf32>,
      %swap3A_408 = vector.shape_cast %swap3A_407 : vector<16xf32> to vector<16xf32>
      %swap3A_409 = vector.shape_cast %broadcast_in_dim3A_8 : vector<16xf32> to vector<16xf32>
      tpu.vector_store %arg25[%swap3A_406], %swap3A_409 {strides = array<i32>} : memref<384xf32, #tpu.memory_space<vmem>>, vector<16xf32>,
      %swap3A_410 = arith.constant 192 : index
      %swap3A_411 = tpu.vector_load %arg26[%swap3A_410] {strides = array<i32>} : memref<384xf32, #tpu.memory_space<vmem>>, vector<16xf32>,
      %swap3A_412 = vector.shape_cast %swap3A_411 : vector<16xf32> to vector<16xf32>
      %swap3A_413 = vector.shape_cast %broadcast_in_dim3A_8 : vector<16xf32> to vector<16xf32>
      tpu.vector_store %arg26[%swap3A_410], %swap3A_413 {strides = array<i32>} : memref<384xf32, #tpu.memory_space<vmem>>, vector<16xf32>,
      %swap3A_414 = arith.constant 192 : index
      %swap3A_415 = tpu.vector_load %arg27[%swap3A_414] {strides = array<i32>} : memref<384xf32, #tpu.memory_space<vmem>>, vector<16xf32>,
      %swap3A_416 = vector.shape_cast %swap3A_415 : vector<16xf32> to vector<16xf32>
      %swap3A_417 = vector.shape_cast %broadcast_in_dim3A_8 : vector<16xf32> to vector<16xf32>
      tpu.vector_store %arg27[%swap3A_414], %swap3A_417 {strides = array<i32>} : memref<384xf32, #tpu.memory_space<vmem>>, vector<16xf32>,
      %broadcast_in_dim3A_418 = arith.constant -1 : i32
      %broadcast_in_dim3A_419 = vector.broadcast %broadcast_in_dim3A_418 : i32 to vector<16xi32>
      %swap3A_420 = arith.constant 192 : index
      %swap3A_421 = tpu.vector_load %arg28[%swap3A_420] {strides = array<i32>} : memref<384xi32, #tpu.memory_space<vmem>>, vector<16xi32>,
      %swap3A_422 = vector.shape_cast %swap3A_421 : vector<16xi32> to vector<16xi32>
      %swap3A_423 = vector.shape_cast %broadcast_in_dim3A_419 : vector<16xi32> to vector<16xi32>
      tpu.vector_store %arg28[%swap3A_420], %swap3A_423 {strides = array<i32>} : memref<384xi32, #tpu.memory_space<vmem>>, vector<16xi32>,
      %swap3A_424 = arith.constant 192 : index
      %swap3A_425 = tpu.vector_load %arg29[%swap3A_424] {strides = array<i32>} : memref<384xf32, #tpu.memory_space<vmem>>, vector<16xf32>,
      %swap3A_426 = vector.shape_cast %swap3A_425 : vector<16xf32> to vector<16xf32>
      %swap3A_427 = vector.shape_cast %broadcast_in_dim3A_8 : vector<16xf32> to vector<16xf32>
      tpu.vector_store %arg29[%swap3A_424], %swap3A_427 {strides = array<i32>} : memref<384xf32, #tpu.memory_space<vmem>>, vector<16xf32>,
      %swap3A_428 = arith.constant 208 : index
      %swap3A_429 = tpu.vector_load %arg23[%swap3A_428] {strides = array<i32>} : memref<384xf32, #tpu.memory_space<vmem>>, vector<16xf32>,
      %swap3A_430 = vector.shape_cast %swap3A_429 : vector<16xf32> to vector<16xf32>
      %swap3A_431 = vector.shape_cast %broadcast_in_dim3A_8 : vector<16xf32> to vector<16xf32>
      tpu.vector_store %arg23[%swap3A_428], %swap3A_431 {strides = array<i32>} : memref<384xf32, #tpu.memory_space<vmem>>, vector<16xf32>,
      %swap3A_432 = arith.constant 208 : index
      %swap3A_433 = tpu.vector_load %arg24[%swap3A_432] {strides = array<i32>} : memref<384xf32, #tpu.memory_space<vmem>>, vector<16xf32>,
      %swap3A_434 = vector.shape_cast %swap3A_433 : vector<16xf32> to vector<16xf32>
      %swap3A_435 = vector.shape_cast %broadcast_in_dim3A_8 : vector<16xf32> to vector<16xf32>
      tpu.vector_store %arg24[%swap3A_432], %swap3A_435 {strides = array<i32>} : memref<384xf32, #tpu.memory_space<vmem>>, vector<16xf32>,
      %swap3A_436 = arith.constant 208 : index
      %swap3A_437 = tpu.vector_load %arg25[%swap3A_436] {strides = array<i32>} : memref<384xf32, #tpu.memory_space<vmem>>, vector<16xf32>,
      %swap3A_438 = vector.shape_cast %swap3A_437 : vector<16xf32> to vector<16xf32>
      %swap3A_439 = vector.shape_cast %broadcast_in_dim3A_8 : vector<16xf32> to vector<16xf32>
      tpu.vector_store %arg25[%swap3A_436], %swap3A_439 {strides = array<i32>} : memref<384xf32, #tpu.memory_space<vmem>>, vector<16xf32>,
      %swap3A_440 = arith.constant 208 : index
      %swap3A_441 = tpu.vector_load %arg26[%swap3A_440] {strides = array<i32>} : memref<384xf32, #tpu.memory_space<vmem>>, vector<16xf32>,
      %swap3A_442 = vector.shape_cast %swap3A_441 : vector<16xf32> to vector<16xf32>
      %swap3A_443 = vector.shape_cast %broadcast_in_dim3A_8 : vector<16xf32> to vector<16xf32>
      tpu.vector_store %arg26[%swap3A_440], %swap3A_443 {strides = array<i32>} : memref<384xf32, #tpu.memory_space<vmem>>, vector<16xf32>,
      %swap3A_444 = arith.constant 208 : index
      %swap3A_445 = tpu.vector_load %arg27[%swap3A_444] {strides = array<i32>} : memref<384xf32, #tpu.memory_space<vmem>>, vector<16xf32>,
      %swap3A_446 = vector.shape_cast %swap3A_445 : vector<16xf32> to vector<16xf32>
      %swap3A_447 = vector.shape_cast %broadcast_in_dim3A_8 : vector<16xf32> to vector<16xf32>
      tpu.vector_store %arg27[%swap3A_444], %swap3A_447 {strides = array<i32>} : memref<384xf32, #tpu.memory_space<vmem>>, vector<16xf32>,
      %broadcast_in_dim3A_448 = arith.constant -1 : i32
      %broadcast_in_dim3A_449 = vector.broadcast %broadcast_in_dim3A_448 : i32 to vector<16xi32>
      %swap3A_450 = arith.constant 208 : index
      %swap3A_451 = tpu.vector_load %arg28[%swap3A_450] {strides = array<i32>} : memref<384xi32, #tpu.memory_space<vmem>>, vector<16xi32>,
      %swap3A_452 = vector.shape_cast %swap3A_451 : vector<16xi32> to vector<16xi32>
      %swap3A_453 = vector.shape_cast %broadcast_in_dim3A_449 : vector<16xi32> to vector<16xi32>
      tpu.vector_store %arg28[%swap3A_450], %swap3A_453 {strides = array<i32>} : memref<384xi32, #tpu.memory_space<vmem>>, vector<16xi32>,
      %swap3A_454 = arith.constant 208 : index
      %swap3A_455 = tpu.vector_load %arg29[%swap3A_454] {strides = array<i32>} : memref<384xf32, #tpu.memory_space<vmem>>, vector<16xf32>,
      %swap3A_456 = vector.shape_cast %swap3A_455 : vector<16xf32> to vector<16xf32>
      %swap3A_457 = vector.shape_cast %broadcast_in_dim3A_8 : vector<16xf32> to vector<16xf32>
      tpu.vector_store %arg29[%swap3A_454], %swap3A_457 {strides = array<i32>} : memref<384xf32, #tpu.memory_space<vmem>>, vector<16xf32>,
      %swap3A_458 = arith.constant 224 : index
      %swap3A_459 = tpu.vector_load %arg23[%swap3A_458] {strides = array<i32>} : memref<384xf32, #tpu.memory_space<vmem>>, vector<16xf32>,
      %swap3A_460 = vector.shape_cast %swap3A_459 : vector<16xf32> to vector<16xf32>
      %swap3A_461 = vector.shape_cast %broadcast_in_dim3A_8 : vector<16xf32> to vector<16xf32>
      tpu.vector_store %arg23[%swap3A_458], %swap3A_461 {strides = array<i32>} : memref<384xf32, #tpu.memory_space<vmem>>, vector<16xf32>,
      %swap3A_462 = arith.constant 224 : index
      %swap3A_463 = tpu.vector_load %arg24[%swap3A_462] {strides = array<i32>} : memref<384xf32, #tpu.memory_space<vmem>>, vector<16xf32>,
      %swap3A_464 = vector.shape_cast %swap3A_463 : vector<16xf32> to vector<16xf32>
      %swap3A_465 = vector.shape_cast %broadcast_in_dim3A_8 : vector<16xf32> to vector<16xf32>
      tpu.vector_store %arg24[%swap3A_462], %swap3A_465 {strides = array<i32>} : memref<384xf32, #tpu.memory_space<vmem>>, vector<16xf32>,
      %swap3A_466 = arith.constant 224 : index
      %swap3A_467 = tpu.vector_load %arg25[%swap3A_466] {strides = array<i32>} : memref<384xf32, #tpu.memory_space<vmem>>, vector<16xf32>,
      %swap3A_468 = vector.shape_cast %swap3A_467 : vector<16xf32> to vector<16xf32>
      %swap3A_469 = vector.shape_cast %broadcast_in_dim3A_8 : vector<16xf32> to vector<16xf32>
      tpu.vector_store %arg25[%swap3A_466], %swap3A_469 {strides = array<i32>} : memref<384xf32, #tpu.memory_space<vmem>>, vector<16xf32>,
      %swap3A_470 = arith.constant 224 : index
      %swap3A_471 = tpu.vector_load %arg26[%swap3A_470] {strides = array<i32>} : memref<384xf32, #tpu.memory_space<vmem>>, vector<16xf32>,
      %swap3A_472 = vector.shape_cast %swap3A_471 : vector<16xf32> to vector<16xf32>
      %swap3A_473 = vector.shape_cast %broadcast_in_dim3A_8 : vector<16xf32> to vector<16xf32>
      tpu.vector_store %arg26[%swap3A_470], %swap3A_473 {strides = array<i32>} : memref<384xf32, #tpu.memory_space<vmem>>, vector<16xf32>,
      %swap3A_474 = arith.constant 224 : index
      %swap3A_475 = tpu.vector_load %arg27[%swap3A_474] {strides = array<i32>} : memref<384xf32, #tpu.memory_space<vmem>>, vector<16xf32>,
      %swap3A_476 = vector.shape_cast %swap3A_475 : vector<16xf32> to vector<16xf32>
      %swap3A_477 = vector.shape_cast %broadcast_in_dim3A_8 : vector<16xf32> to vector<16xf32>
      tpu.vector_store %arg27[%swap3A_474], %swap3A_477 {strides = array<i32>} : memref<384xf32, #tpu.memory_space<vmem>>, vector<16xf32>,
      %broadcast_in_dim3A_478 = arith.constant -1 : i32
      %broadcast_in_dim3A_479 = vector.broadcast %broadcast_in_dim3A_478 : i32 to vector<16xi32>
      %swap3A_480 = arith.constant 224 : index
      %swap3A_481 = tpu.vector_load %arg28[%swap3A_480] {strides = array<i32>} : memref<384xi32, #tpu.memory_space<vmem>>, vector<16xi32>,
      %swap3A_482 = vector.shape_cast %swap3A_481 : vector<16xi32> to vector<16xi32>
      %swap3A_483 = vector.shape_cast %broadcast_in_dim3A_479 : vector<16xi32> to vector<16xi32>
      tpu.vector_store %arg28[%swap3A_480], %swap3A_483 {strides = array<i32>} : memref<384xi32, #tpu.memory_space<vmem>>, vector<16xi32>,
      %swap3A_484 = arith.constant 224 : index
      %swap3A_485 = tpu.vector_load %arg29[%swap3A_484] {strides = array<i32>} : memref<384xf32, #tpu.memory_space<vmem>>, vector<16xf32>,
      %swap3A_486 = vector.shape_cast %swap3A_485 : vector<16xf32> to vector<16xf32>
      %swap3A_487 = vector.shape_cast %broadcast_in_dim3A_8 : vector<16xf32> to vector<16xf32>
      tpu.vector_store %arg29[%swap3A_484], %swap3A_487 {strides = array<i32>} : memref<384xf32, #tpu.memory_space<vmem>>, vector<16xf32>,
      %swap3A_488 = arith.constant 240 : index
      %swap3A_489 = tpu.vector_load %arg23[%swap3A_488] {strides = array<i32>} : memref<384xf32, #tpu.memory_space<vmem>>, vector<16xf32>,
      %swap3A_490 = vector.shape_cast %swap3A_489 : vector<16xf32> to vector<16xf32>
      %swap3A_491 = vector.shape_cast %broadcast_in_dim3A_8 : vector<16xf32> to vector<16xf32>
      tpu.vector_store %arg23[%swap3A_488], %swap3A_491 {strides = array<i32>} : memref<384xf32, #tpu.memory_space<vmem>>, vector<16xf32>,
      %swap3A_492 = arith.constant 240 : index
      %swap3A_493 = tpu.vector_load %arg24[%swap3A_492] {strides = array<i32>} : memref<384xf32, #tpu.memory_space<vmem>>, vector<16xf32>,
      %swap3A_494 = vector.shape_cast %swap3A_493 : vector<16xf32> to vector<16xf32>
      %swap3A_495 = vector.shape_cast %broadcast_in_dim3A_8 : vector<16xf32> to vector<16xf32>
      tpu.vector_store %arg24[%swap3A_492], %swap3A_495 {strides = array<i32>} : memref<384xf32, #tpu.memory_space<vmem>>, vector<16xf32>,
      %swap3A_496 = arith.constant 240 : index
      %swap3A_497 = tpu.vector_load %arg25[%swap3A_496] {strides = array<i32>} : memref<384xf32, #tpu.memory_space<vmem>>, vector<16xf32>,
      %swap3A_498 = vector.shape_cast %swap3A_497 : vector<16xf32> to vector<16xf32>
      %swap3A_499 = vector.shape_cast %broadcast_in_dim3A_8 : vector<16xf32> to vector<16xf32>
      tpu.vector_store %arg25[%swap3A_496], %swap3A_499 {strides = array<i32>} : memref<384xf32, #tpu.memory_space<vmem>>, vector<16xf32>,
      %swap3A_500 = arith.constant 240 : index
      %swap3A_501 = tpu.vector_load %arg26[%swap3A_500] {strides = array<i32>} : memref<384xf32, #tpu.memory_space<vmem>>, vector<16xf32>,
      %swap3A_502 = vector.shape_cast %swap3A_501 : vector<16xf32> to vector<16xf32>
      %swap3A_503 = vector.shape_cast %broadcast_in_dim3A_8 : vector<16xf32> to vector<16xf32>
      tpu.vector_store %arg26[%swap3A_500], %swap3A_503 {strides = array<i32>} : memref<384xf32, #tpu.memory_space<vmem>>, vector<16xf32>,
      %swap3A_504 = arith.constant 240 : index
      %swap3A_505 = tpu.vector_load %arg27[%swap3A_504] {strides = array<i32>} : memref<384xf32, #tpu.memory_space<vmem>>, vector<16xf32>,
      %swap3A_506 = vector.shape_cast %swap3A_505 : vector<16xf32> to vector<16xf32>
      %swap3A_507 = vector.shape_cast %broadcast_in_dim3A_8 : vector<16xf32> to vector<16xf32>
      tpu.vector_store %arg27[%swap3A_504], %swap3A_507 {strides = array<i32>} : memref<384xf32, #tpu.memory_space<vmem>>, vector<16xf32>,
      %broadcast_in_dim3A_508 = arith.constant -1 : i32
      %broadcast_in_dim3A_509 = vector.broadcast %broadcast_in_dim3A_508 : i32 to vector<16xi32>
      %swap3A_510 = arith.constant 240 : index
      %swap3A_511 = tpu.vector_load %arg28[%swap3A_510] {strides = array<i32>} : memref<384xi32, #tpu.memory_space<vmem>>, vector<16xi32>,
      %swap3A_512 = vector.shape_cast %swap3A_511 : vector<16xi32> to vector<16xi32>
      %swap3A_513 = vector.shape_cast %broadcast_in_dim3A_509 : vector<16xi32> to vector<16xi32>
      tpu.vector_store %arg28[%swap3A_510], %swap3A_513 {strides = array<i32>} : memref<384xi32, #tpu.memory_space<vmem>>, vector<16xi32>,
      %swap3A_514 = arith.constant 240 : index
      %swap3A_515 = tpu.vector_load %arg29[%swap3A_514] {strides = array<i32>} : memref<384xf32, #tpu.memory_space<vmem>>, vector<16xf32>,
      %swap3A_516 = vector.shape_cast %swap3A_515 : vector<16xf32> to vector<16xf32>
      %swap3A_517 = vector.shape_cast %broadcast_in_dim3A_8 : vector<16xf32> to vector<16xf32>
      tpu.vector_store %arg29[%swap3A_514], %swap3A_517 {strides = array<i32>} : memref<384xf32, #tpu.memory_space<vmem>>, vector<16xf32>,
      %swap3A_518 = arith.constant 256 : index
      %swap3A_519 = tpu.vector_load %arg23[%swap3A_518] {strides = array<i32>} : memref<384xf32, #tpu.memory_space<vmem>>, vector<16xf32>,
      %swap3A_520 = vector.shape_cast %swap3A_519 : vector<16xf32> to vector<16xf32>
      %swap3A_521 = vector.shape_cast %broadcast_in_dim3A_8 : vector<16xf32> to vector<16xf32>
      tpu.vector_store %arg23[%swap3A_518], %swap3A_521 {strides = array<i32>} : memref<384xf32, #tpu.memory_space<vmem>>, vector<16xf32>,
      %swap3A_522 = arith.constant 256 : index
      %swap3A_523 = tpu.vector_load %arg24[%swap3A_522] {strides = array<i32>} : memref<384xf32, #tpu.memory_space<vmem>>, vector<16xf32>,
      %swap3A_524 = vector.shape_cast %swap3A_523 : vector<16xf32> to vector<16xf32>
      %swap3A_525 = vector.shape_cast %broadcast_in_dim3A_8 : vector<16xf32> to vector<16xf32>
      tpu.vector_store %arg24[%swap3A_522], %swap3A_525 {strides = array<i32>} : memref<384xf32, #tpu.memory_space<vmem>>, vector<16xf32>,
      %swap3A_526 = arith.constant 256 : index
      %swap3A_527 = tpu.vector_load %arg25[%swap3A_526] {strides = array<i32>} : memref<384xf32, #tpu.memory_space<vmem>>, vector<16xf32>,
      %swap3A_528 = vector.shape_cast %swap3A_527 : vector<16xf32> to vector<16xf32>
      %swap3A_529 = vector.shape_cast %broadcast_in_dim3A_8 : vector<16xf32> to vector<16xf32>
      tpu.vector_store %arg25[%swap3A_526], %swap3A_529 {strides = array<i32>} : memref<384xf32, #tpu.memory_space<vmem>>, vector<16xf32>,
      %swap3A_530 = arith.constant 256 : index
      %swap3A_531 = tpu.vector_load %arg26[%swap3A_530] {strides = array<i32>} : memref<384xf32, #tpu.memory_space<vmem>>, vector<16xf32>,
      %swap3A_532 = vector.shape_cast %swap3A_531 : vector<16xf32> to vector<16xf32>
      %swap3A_533 = vector.shape_cast %broadcast_in_dim3A_8 : vector<16xf32> to vector<16xf32>
      tpu.vector_store %arg26[%swap3A_530], %swap3A_533 {strides = array<i32>} : memref<384xf32, #tpu.memory_space<vmem>>, vector<16xf32>,
      %swap3A_534 = arith.constant 256 : index
      %swap3A_535 = tpu.vector_load %arg27[%swap3A_534] {strides = array<i32>} : memref<384xf32, #tpu.memory_space<vmem>>, vector<16xf32>,
      %swap3A_536 = vector.shape_cast %swap3A_535 : vector<16xf32> to vector<16xf32>
      %swap3A_537 = vector.shape_cast %broadcast_in_dim3A_8 : vector<16xf32> to vector<16xf32>
      tpu.vector_store %arg27[%swap3A_534], %swap3A_537 {strides = array<i32>} : memref<384xf32, #tpu.memory_space<vmem>>, vector<16xf32>,
      %broadcast_in_dim3A_538 = arith.constant -1 : i32
      %broadcast_in_dim3A_539 = vector.broadcast %broadcast_in_dim3A_538 : i32 to vector<16xi32>
      %swap3A_540 = arith.constant 256 : index
      %swap3A_541 = tpu.vector_load %arg28[%swap3A_540] {strides = array<i32>} : memref<384xi32, #tpu.memory_space<vmem>>, vector<16xi32>,
      %swap3A_542 = vector.shape_cast %swap3A_541 : vector<16xi32> to vector<16xi32>
      %swap3A_543 = vector.shape_cast %broadcast_in_dim3A_539 : vector<16xi32> to vector<16xi32>
      tpu.vector_store %arg28[%swap3A_540], %swap3A_543 {strides = array<i32>} : memref<384xi32, #tpu.memory_space<vmem>>, vector<16xi32>,
      %swap3A_544 = arith.constant 256 : index
      %swap3A_545 = tpu.vector_load %arg29[%swap3A_544] {strides = array<i32>} : memref<384xf32, #tpu.memory_space<vmem>>, vector<16xf32>,
      %swap3A_546 = vector.shape_cast %swap3A_545 : vector<16xf32> to vector<16xf32>
      %swap3A_547 = vector.shape_cast %broadcast_in_dim3A_8 : vector<16xf32> to vector<16xf32>
      tpu.vector_store %arg29[%swap3A_544], %swap3A_547 {strides = array<i32>} : memref<384xf32, #tpu.memory_space<vmem>>, vector<16xf32>,
      %swap3A_548 = arith.constant 272 : index
      %swap3A_549 = tpu.vector_load %arg23[%swap3A_548] {strides = array<i32>} : memref<384xf32, #tpu.memory_space<vmem>>, vector<16xf32>,
      %swap3A_550 = vector.shape_cast %swap3A_549 : vector<16xf32> to vector<16xf32>
      %swap3A_551 = vector.shape_cast %broadcast_in_dim3A_8 : vector<16xf32> to vector<16xf32>
      tpu.vector_store %arg23[%swap3A_548], %swap3A_551 {strides = array<i32>} : memref<384xf32, #tpu.memory_space<vmem>>, vector<16xf32>,
      %swap3A_552 = arith.constant 272 : index
      %swap3A_553 = tpu.vector_load %arg24[%swap3A_552] {strides = array<i32>} : memref<384xf32, #tpu.memory_space<vmem>>, vector<16xf32>,
      %swap3A_554 = vector.shape_cast %swap3A_553 : vector<16xf32> to vector<16xf32>
      %swap3A_555 = vector.shape_cast %broadcast_in_dim3A_8 : vector<16xf32> to vector<16xf32>
      tpu.vector_store %arg24[%swap3A_552], %swap3A_555 {strides = array<i32>} : memref<384xf32, #tpu.memory_space<vmem>>, vector<16xf32>,
      %swap3A_556 = arith.constant 272 : index
      %swap3A_557 = tpu.vector_load %arg25[%swap3A_556] {strides = array<i32>} : memref<384xf32, #tpu.memory_space<vmem>>, vector<16xf32>,
      %swap3A_558 = vector.shape_cast %swap3A_557 : vector<16xf32> to vector<16xf32>
      %swap3A_559 = vector.shape_cast %broadcast_in_dim3A_8 : vector<16xf32> to vector<16xf32>
      tpu.vector_store %arg25[%swap3A_556], %swap3A_559 {strides = array<i32>} : memref<384xf32, #tpu.memory_space<vmem>>, vector<16xf32>,
      %swap3A_560 = arith.constant 272 : index
      %swap3A_561 = tpu.vector_load %arg26[%swap3A_560] {strides = array<i32>} : memref<384xf32, #tpu.memory_space<vmem>>, vector<16xf32>,
      %swap3A_562 = vector.shape_cast %swap3A_561 : vector<16xf32> to vector<16xf32>
      %swap3A_563 = vector.shape_cast %broadcast_in_dim3A_8 : vector<16xf32> to vector<16xf32>
      tpu.vector_store %arg26[%swap3A_560], %swap3A_563 {strides = array<i32>} : memref<384xf32, #tpu.memory_space<vmem>>, vector<16xf32>,
      %swap3A_564 = arith.constant 272 : index
      %swap3A_565 = tpu.vector_load %arg27[%swap3A_564] {strides = array<i32>} : memref<384xf32, #tpu.memory_space<vmem>>, vector<16xf32>,
      %swap3A_566 = vector.shape_cast %swap3A_565 : vector<16xf32> to vector<16xf32>
      %swap3A_567 = vector.shape_cast %broadcast_in_dim3A_8 : vector<16xf32> to vector<16xf32>
      tpu.vector_store %arg27[%swap3A_564], %swap3A_567 {strides = array<i32>} : memref<384xf32, #tpu.memory_space<vmem>>, vector<16xf32>,
      %broadcast_in_dim3A_568 = arith.constant -1 : i32
      %broadcast_in_dim3A_569 = vector.broadcast %broadcast_in_dim3A_568 : i32 to vector<16xi32>
      %swap3A_570 = arith.constant 272 : index
      %swap3A_571 = tpu.vector_load %arg28[%swap3A_570] {strides = array<i32>} : memref<384xi32, #tpu.memory_space<vmem>>, vector<16xi32>,
      %swap3A_572 = vector.shape_cast %swap3A_571 : vector<16xi32> to vector<16xi32>
      %swap3A_573 = vector.shape_cast %broadcast_in_dim3A_569 : vector<16xi32> to vector<16xi32>
      tpu.vector_store %arg28[%swap3A_570], %swap3A_573 {strides = array<i32>} : memref<384xi32, #tpu.memory_space<vmem>>, vector<16xi32>,
      %swap3A_574 = arith.constant 272 : index
      %swap3A_575 = tpu.vector_load %arg29[%swap3A_574] {strides = array<i32>} : memref<384xf32, #tpu.memory_space<vmem>>, vector<16xf32>,
      %swap3A_576 = vector.shape_cast %swap3A_575 : vector<16xf32> to vector<16xf32>
      %swap3A_577 = vector.shape_cast %broadcast_in_dim3A_8 : vector<16xf32> to vector<16xf32>
      tpu.vector_store %arg29[%swap3A_574], %swap3A_577 {strides = array<i32>} : memref<384xf32, #tpu.memory_space<vmem>>, vector<16xf32>,
      %swap3A_578 = arith.constant 288 : index
      %swap3A_579 = tpu.vector_load %arg23[%swap3A_578] {strides = array<i32>} : memref<384xf32, #tpu.memory_space<vmem>>, vector<16xf32>,
      %swap3A_580 = vector.shape_cast %swap3A_579 : vector<16xf32> to vector<16xf32>
      %swap3A_581 = vector.shape_cast %broadcast_in_dim3A_8 : vector<16xf32> to vector<16xf32>
      tpu.vector_store %arg23[%swap3A_578], %swap3A_581 {strides = array<i32>} : memref<384xf32, #tpu.memory_space<vmem>>, vector<16xf32>,
      %swap3A_582 = arith.constant 288 : index
      %swap3A_583 = tpu.vector_load %arg24[%swap3A_582] {strides = array<i32>} : memref<384xf32, #tpu.memory_space<vmem>>, vector<16xf32>,
      %swap3A_584 = vector.shape_cast %swap3A_583 : vector<16xf32> to vector<16xf32>
      %swap3A_585 = vector.shape_cast %broadcast_in_dim3A_8 : vector<16xf32> to vector<16xf32>
      tpu.vector_store %arg24[%swap3A_582], %swap3A_585 {strides = array<i32>} : memref<384xf32, #tpu.memory_space<vmem>>, vector<16xf32>,
      %swap3A_586 = arith.constant 288 : index
      %swap3A_587 = tpu.vector_load %arg25[%swap3A_586] {strides = array<i32>} : memref<384xf32, #tpu.memory_space<vmem>>, vector<16xf32>,
      %swap3A_588 = vector.shape_cast %swap3A_587 : vector<16xf32> to vector<16xf32>
      %swap3A_589 = vector.shape_cast %broadcast_in_dim3A_8 : vector<16xf32> to vector<16xf32>
      tpu.vector_store %arg25[%swap3A_586], %swap3A_589 {strides = array<i32>} : memref<384xf32, #tpu.memory_space<vmem>>, vector<16xf32>,
      %swap3A_590 = arith.constant 288 : index
      %swap3A_591 = tpu.vector_load %arg26[%swap3A_590] {strides = array<i32>} : memref<384xf32, #tpu.memory_space<vmem>>, vector<16xf32>,
      %swap3A_592 = vector.shape_cast %swap3A_591 : vector<16xf32> to vector<16xf32>
      %swap3A_593 = vector.shape_cast %broadcast_in_dim3A_8 : vector<16xf32> to vector<16xf32>
      tpu.vector_store %arg26[%swap3A_590], %swap3A_593 {strides = array<i32>} : memref<384xf32, #tpu.memory_space<vmem>>, vector<16xf32>,
      %swap3A_594 = arith.constant 288 : index
      %swap3A_595 = tpu.vector_load %arg27[%swap3A_594] {strides = array<i32>} : memref<384xf32, #tpu.memory_space<vmem>>, vector<16xf32>,
      %swap3A_596 = vector.shape_cast %swap3A_595 : vector<16xf32> to vector<16xf32>
      %swap3A_597 = vector.shape_cast %broadcast_in_dim3A_8 : vector<16xf32> to vector<16xf32>
      tpu.vector_store %arg27[%swap3A_594], %swap3A_597 {strides = array<i32>} : memref<384xf32, #tpu.memory_space<vmem>>, vector<16xf32>,
      %broadcast_in_dim3A_598 = arith.constant -1 : i32
      %broadcast_in_dim3A_599 = vector.broadcast %broadcast_in_dim3A_598 : i32 to vector<16xi32>
      %swap3A_600 = arith.constant 288 : index
      %swap3A_601 = tpu.vector_load %arg28[%swap3A_600] {strides = array<i32>} : memref<384xi32, #tpu.memory_space<vmem>>, vector<16xi32>,
      %swap3A_602 = vector.shape_cast %swap3A_601 : vector<16xi32> to vector<16xi32>
      %swap3A_603 = vector.shape_cast %broadcast_in_dim3A_599 : vector<16xi32> to vector<16xi32>
      tpu.vector_store %arg28[%swap3A_600], %swap3A_603 {strides = array<i32>} : memref<384xi32, #tpu.memory_space<vmem>>, vector<16xi32>,
      %swap3A_604 = arith.constant 288 : index
      %swap3A_605 = tpu.vector_load %arg29[%swap3A_604] {strides = array<i32>} : memref<384xf32, #tpu.memory_space<vmem>>, vector<16xf32>,
      %swap3A_606 = vector.shape_cast %swap3A_605 : vector<16xf32> to vector<16xf32>
      %swap3A_607 = vector.shape_cast %broadcast_in_dim3A_8 : vector<16xf32> to vector<16xf32>
      tpu.vector_store %arg29[%swap3A_604], %swap3A_607 {strides = array<i32>} : memref<384xf32, #tpu.memory_space<vmem>>, vector<16xf32>,
      %swap3A_608 = arith.constant 304 : index
      %swap3A_609 = tpu.vector_load %arg23[%swap3A_608] {strides = array<i32>} : memref<384xf32, #tpu.memory_space<vmem>>, vector<16xf32>,
      %swap3A_610 = vector.shape_cast %swap3A_609 : vector<16xf32> to vector<16xf32>
      %swap3A_611 = vector.shape_cast %broadcast_in_dim3A_8 : vector<16xf32> to vector<16xf32>
      tpu.vector_store %arg23[%swap3A_608], %swap3A_611 {strides = array<i32>} : memref<384xf32, #tpu.memory_space<vmem>>, vector<16xf32>,
      %swap3A_612 = arith.constant 304 : index
      %swap3A_613 = tpu.vector_load %arg24[%swap3A_612] {strides = array<i32>} : memref<384xf32, #tpu.memory_space<vmem>>, vector<16xf32>,
      %swap3A_614 = vector.shape_cast %swap3A_613 : vector<16xf32> to vector<16xf32>
      %swap3A_615 = vector.shape_cast %broadcast_in_dim3A_8 : vector<16xf32> to vector<16xf32>
      tpu.vector_store %arg24[%swap3A_612], %swap3A_615 {strides = array<i32>} : memref<384xf32, #tpu.memory_space<vmem>>, vector<16xf32>,
      %swap3A_616 = arith.constant 304 : index
      %swap3A_617 = tpu.vector_load %arg25[%swap3A_616] {strides = array<i32>} : memref<384xf32, #tpu.memory_space<vmem>>, vector<16xf32>,
      %swap3A_618 = vector.shape_cast %swap3A_617 : vector<16xf32> to vector<16xf32>
      %swap3A_619 = vector.shape_cast %broadcast_in_dim3A_8 : vector<16xf32> to vector<16xf32>
      tpu.vector_store %arg25[%swap3A_616], %swap3A_619 {strides = array<i32>} : memref<384xf32, #tpu.memory_space<vmem>>, vector<16xf32>,
      %swap3A_620 = arith.constant 304 : index
      %swap3A_621 = tpu.vector_load %arg26[%swap3A_620] {strides = array<i32>} : memref<384xf32, #tpu.memory_space<vmem>>, vector<16xf32>,
      %swap3A_622 = vector.shape_cast %swap3A_621 : vector<16xf32> to vector<16xf32>
      %swap3A_623 = vector.shape_cast %broadcast_in_dim3A_8 : vector<16xf32> to vector<16xf32>
      tpu.vector_store %arg26[%swap3A_620], %swap3A_623 {strides = array<i32>} : memref<384xf32, #tpu.memory_space<vmem>>, vector<16xf32>,
      %swap3A_624 = arith.constant 304 : index
      %swap3A_625 = tpu.vector_load %arg27[%swap3A_624] {strides = array<i32>} : memref<384xf32, #tpu.memory_space<vmem>>, vector<16xf32>,
      %swap3A_626 = vector.shape_cast %swap3A_625 : vector<16xf32> to vector<16xf32>
      %swap3A_627 = vector.shape_cast %broadcast_in_dim3A_8 : vector<16xf32> to vector<16xf32>
      tpu.vector_store %arg27[%swap3A_624], %swap3A_627 {strides = array<i32>} : memref<384xf32, #tpu.memory_space<vmem>>, vector<16xf32>,
      %broadcast_in_dim3A_628 = arith.constant -1 : i32
      %broadcast_in_dim3A_629 = vector.broadcast %broadcast_in_dim3A_628 : i32 to vector<16xi32>
      %swap3A_630 = arith.constant 304 : index
      %swap3A_631 = tpu.vector_load %arg28[%swap3A_630] {strides = array<i32>} : memref<384xi32, #tpu.memory_space<vmem>>, vector<16xi32>,
      %swap3A_632 = vector.shape_cast %swap3A_631 : vector<16xi32> to vector<16xi32>
      %swap3A_633 = vector.shape_cast %broadcast_in_dim3A_629 : vector<16xi32> to vector<16xi32>
      tpu.vector_store %arg28[%swap3A_630], %swap3A_633 {strides = array<i32>} : memref<384xi32, #tpu.memory_space<vmem>>, vector<16xi32>,
      %swap3A_634 = arith.constant 304 : index
      %swap3A_635 = tpu.vector_load %arg29[%swap3A_634] {strides = array<i32>} : memref<384xf32, #tpu.memory_space<vmem>>, vector<16xf32>,
      %swap3A_636 = vector.shape_cast %swap3A_635 : vector<16xf32> to vector<16xf32>
      %swap3A_637 = vector.shape_cast %broadcast_in_dim3A_8 : vector<16xf32> to vector<16xf32>
      tpu.vector_store %arg29[%swap3A_634], %swap3A_637 {strides = array<i32>} : memref<384xf32, #tpu.memory_space<vmem>>, vector<16xf32>,
      %swap3A_638 = arith.constant 320 : index
      %swap3A_639 = tpu.vector_load %arg23[%swap3A_638] {strides = array<i32>} : memref<384xf32, #tpu.memory_space<vmem>>, vector<16xf32>,
      %swap3A_640 = vector.shape_cast %swap3A_639 : vector<16xf32> to vector<16xf32>
      %swap3A_641 = vector.shape_cast %broadcast_in_dim3A_8 : vector<16xf32> to vector<16xf32>
      tpu.vector_store %arg23[%swap3A_638], %swap3A_641 {strides = array<i32>} : memref<384xf32, #tpu.memory_space<vmem>>, vector<16xf32>,
      %swap3A_642 = arith.constant 320 : index
      %swap3A_643 = tpu.vector_load %arg24[%swap3A_642] {strides = array<i32>} : memref<384xf32, #tpu.memory_space<vmem>>, vector<16xf32>,
      %swap3A_644 = vector.shape_cast %swap3A_643 : vector<16xf32> to vector<16xf32>
      %swap3A_645 = vector.shape_cast %broadcast_in_dim3A_8 : vector<16xf32> to vector<16xf32>
      tpu.vector_store %arg24[%swap3A_642], %swap3A_645 {strides = array<i32>} : memref<384xf32, #tpu.memory_space<vmem>>, vector<16xf32>,
      %swap3A_646 = arith.constant 320 : index
      %swap3A_647 = tpu.vector_load %arg25[%swap3A_646] {strides = array<i32>} : memref<384xf32, #tpu.memory_space<vmem>>, vector<16xf32>,
      %swap3A_648 = vector.shape_cast %swap3A_647 : vector<16xf32> to vector<16xf32>
      %swap3A_649 = vector.shape_cast %broadcast_in_dim3A_8 : vector<16xf32> to vector<16xf32>
      tpu.vector_store %arg25[%swap3A_646], %swap3A_649 {strides = array<i32>} : memref<384xf32, #tpu.memory_space<vmem>>, vector<16xf32>,
      %swap3A_650 = arith.constant 320 : index
      %swap3A_651 = tpu.vector_load %arg26[%swap3A_650] {strides = array<i32>} : memref<384xf32, #tpu.memory_space<vmem>>, vector<16xf32>,
      %swap3A_652 = vector.shape_cast %swap3A_651 : vector<16xf32> to vector<16xf32>
      %swap3A_653 = vector.shape_cast %broadcast_in_dim3A_8 : vector<16xf32> to vector<16xf32>
      tpu.vector_store %arg26[%swap3A_650], %swap3A_653 {strides = array<i32>} : memref<384xf32, #tpu.memory_space<vmem>>, vector<16xf32>,
      %swap3A_654 = arith.constant 320 : index
      %swap3A_655 = tpu.vector_load %arg27[%swap3A_654] {strides = array<i32>} : memref<384xf32, #tpu.memory_space<vmem>>, vector<16xf32>,
      %swap3A_656 = vector.shape_cast %swap3A_655 : vector<16xf32> to vector<16xf32>
      %swap3A_657 = vector.shape_cast %broadcast_in_dim3A_8 : vector<16xf32> to vector<16xf32>
      tpu.vector_store %arg27[%swap3A_654], %swap3A_657 {strides = array<i32>} : memref<384xf32, #tpu.memory_space<vmem>>, vector<16xf32>,
      %broadcast_in_dim3A_658 = arith.constant -1 : i32
      %broadcast_in_dim3A_659 = vector.broadcast %broadcast_in_dim3A_658 : i32 to vector<16xi32>
      %swap3A_660 = arith.constant 320 : index
      %swap3A_661 = tpu.vector_load %arg28[%swap3A_660] {strides = array<i32>} : memref<384xi32, #tpu.memory_space<vmem>>, vector<16xi32>,
      %swap3A_662 = vector.shape_cast %swap3A_661 : vector<16xi32> to vector<16xi32>
      %swap3A_663 = vector.shape_cast %broadcast_in_dim3A_659 : vector<16xi32> to vector<16xi32>
      tpu.vector_store %arg28[%swap3A_660], %swap3A_663 {strides = array<i32>} : memref<384xi32, #tpu.memory_space<vmem>>, vector<16xi32>,
      %swap3A_664 = arith.constant 320 : index
      %swap3A_665 = tpu.vector_load %arg29[%swap3A_664] {strides = array<i32>} : memref<384xf32, #tpu.memory_space<vmem>>, vector<16xf32>,
      %swap3A_666 = vector.shape_cast %swap3A_665 : vector<16xf32> to vector<16xf32>
      %swap3A_667 = vector.shape_cast %broadcast_in_dim3A_8 : vector<16xf32> to vector<16xf32>
      tpu.vector_store %arg29[%swap3A_664], %swap3A_667 {strides = array<i32>} : memref<384xf32, #tpu.memory_space<vmem>>, vector<16xf32>,
      %swap3A_668 = arith.constant 336 : index
      %swap3A_669 = tpu.vector_load %arg23[%swap3A_668] {strides = array<i32>} : memref<384xf32, #tpu.memory_space<vmem>>, vector<16xf32>,
      %swap3A_670 = vector.shape_cast %swap3A_669 : vector<16xf32> to vector<16xf32>
      %swap3A_671 = vector.shape_cast %broadcast_in_dim3A_8 : vector<16xf32> to vector<16xf32>
      tpu.vector_store %arg23[%swap3A_668], %swap3A_671 {strides = array<i32>} : memref<384xf32, #tpu.memory_space<vmem>>, vector<16xf32>,
      %swap3A_672 = arith.constant 336 : index
      %swap3A_673 = tpu.vector_load %arg24[%swap3A_672] {strides = array<i32>} : memref<384xf32, #tpu.memory_space<vmem>>, vector<16xf32>,
      %swap3A_674 = vector.shape_cast %swap3A_673 : vector<16xf32> to vector<16xf32>
      %swap3A_675 = vector.shape_cast %broadcast_in_dim3A_8 : vector<16xf32> to vector<16xf32>
      tpu.vector_store %arg24[%swap3A_672], %swap3A_675 {strides = array<i32>} : memref<384xf32, #tpu.memory_space<vmem>>, vector<16xf32>,
      %swap3A_676 = arith.constant 336 : index
      %swap3A_677 = tpu.vector_load %arg25[%swap3A_676] {strides = array<i32>} : memref<384xf32, #tpu.memory_space<vmem>>, vector<16xf32>,
      %swap3A_678 = vector.shape_cast %swap3A_677 : vector<16xf32> to vector<16xf32>
      %swap3A_679 = vector.shape_cast %broadcast_in_dim3A_8 : vector<16xf32> to vector<16xf32>
      tpu.vector_store %arg25[%swap3A_676], %swap3A_679 {strides = array<i32>} : memref<384xf32, #tpu.memory_space<vmem>>, vector<16xf32>,
      %swap3A_680 = arith.constant 336 : index
      %swap3A_681 = tpu.vector_load %arg26[%swap3A_680] {strides = array<i32>} : memref<384xf32, #tpu.memory_space<vmem>>, vector<16xf32>,
      %swap3A_682 = vector.shape_cast %swap3A_681 : vector<16xf32> to vector<16xf32>
      %swap3A_683 = vector.shape_cast %broadcast_in_dim3A_8 : vector<16xf32> to vector<16xf32>
      tpu.vector_store %arg26[%swap3A_680], %swap3A_683 {strides = array<i32>} : memref<384xf32, #tpu.memory_space<vmem>>, vector<16xf32>,
      %swap3A_684 = arith.constant 336 : index
      %swap3A_685 = tpu.vector_load %arg27[%swap3A_684] {strides = array<i32>} : memref<384xf32, #tpu.memory_space<vmem>>, vector<16xf32>,
      %swap3A_686 = vector.shape_cast %swap3A_685 : vector<16xf32> to vector<16xf32>
      %swap3A_687 = vector.shape_cast %broadcast_in_dim3A_8 : vector<16xf32> to vector<16xf32>
      tpu.vector_store %arg27[%swap3A_684], %swap3A_687 {strides = array<i32>} : memref<384xf32, #tpu.memory_space<vmem>>, vector<16xf32>,
      %broadcast_in_dim3A_688 = arith.constant -1 : i32
      %broadcast_in_dim3A_689 = vector.broadcast %broadcast_in_dim3A_688 : i32 to vector<16xi32>
      %swap3A_690 = arith.constant 336 : index
      %swap3A_691 = tpu.vector_load %arg28[%swap3A_690] {strides = array<i32>} : memref<384xi32, #tpu.memory_space<vmem>>, vector<16xi32>,
      %swap3A_692 = vector.shape_cast %swap3A_691 : vector<16xi32> to vector<16xi32>
      %swap3A_693 = vector.shape_cast %broadcast_in_dim3A_689 : vector<16xi32> to vector<16xi32>
      tpu.vector_store %arg28[%swap3A_690], %swap3A_693 {strides = array<i32>} : memref<384xi32, #tpu.memory_space<vmem>>, vector<16xi32>,
      %swap3A_694 = arith.constant 336 : index
      %swap3A_695 = tpu.vector_load %arg29[%swap3A_694] {strides = array<i32>} : memref<384xf32, #tpu.memory_space<vmem>>, vector<16xf32>,
      %swap3A_696 = vector.shape_cast %swap3A_695 : vector<16xf32> to vector<16xf32>
      %swap3A_697 = vector.shape_cast %broadcast_in_dim3A_8 : vector<16xf32> to vector<16xf32>
      tpu.vector_store %arg29[%swap3A_694], %swap3A_697 {strides = array<i32>} : memref<384xf32, #tpu.memory_space<vmem>>, vector<16xf32>,
      %swap3A_698 = arith.constant 352 : index
      %swap3A_699 = tpu.vector_load %arg23[%swap3A_698] {strides = array<i32>} : memref<384xf32, #tpu.memory_space<vmem>>, vector<16xf32>,
      %swap3A_700 = vector.shape_cast %swap3A_699 : vector<16xf32> to vector<16xf32>
      %swap3A_701 = vector.shape_cast %broadcast_in_dim3A_8 : vector<16xf32> to vector<16xf32>
      tpu.vector_store %arg23[%swap3A_698], %swap3A_701 {strides = array<i32>} : memref<384xf32, #tpu.memory_space<vmem>>, vector<16xf32>,
      %swap3A_702 = arith.constant 352 : index
      %swap3A_703 = tpu.vector_load %arg24[%swap3A_702] {strides = array<i32>} : memref<384xf32, #tpu.memory_space<vmem>>, vector<16xf32>,
      %swap3A_704 = vector.shape_cast %swap3A_703 : vector<16xf32> to vector<16xf32>
      %swap3A_705 = vector.shape_cast %broadcast_in_dim3A_8 : vector<16xf32> to vector<16xf32>
      tpu.vector_store %arg24[%swap3A_702], %swap3A_705 {strides = array<i32>} : memref<384xf32, #tpu.memory_space<vmem>>, vector<16xf32>,
      %swap3A_706 = arith.constant 352 : index
      %swap3A_707 = tpu.vector_load %arg25[%swap3A_706] {strides = array<i32>} : memref<384xf32, #tpu.memory_space<vmem>>, vector<16xf32>,
      %swap3A_708 = vector.shape_cast %swap3A_707 : vector<16xf32> to vector<16xf32>
      %swap3A_709 = vector.shape_cast %broadcast_in_dim3A_8 : vector<16xf32> to vector<16xf32>
      tpu.vector_store %arg25[%swap3A_706], %swap3A_709 {strides = array<i32>} : memref<384xf32, #tpu.memory_space<vmem>>, vector<16xf32>,
      %swap3A_710 = arith.constant 352 : index
      %swap3A_711 = tpu.vector_load %arg26[%swap3A_710] {strides = array<i32>} : memref<384xf32, #tpu.memory_space<vmem>>, vector<16xf32>,
      %swap3A_712 = vector.shape_cast %swap3A_711 : vector<16xf32> to vector<16xf32>
      %swap3A_713 = vector.shape_cast %broadcast_in_dim3A_8 : vector<16xf32> to vector<16xf32>
      tpu.vector_store %arg26[%swap3A_710], %swap3A_713 {strides = array<i32>} : memref<384xf32, #tpu.memory_space<vmem>>, vector<16xf32>,
      %swap3A_714 = arith.constant 352 : index
      %swap3A_715 = tpu.vector_load %arg27[%swap3A_714] {strides = array<i32>} : memref<384xf32, #tpu.memory_space<vmem>>, vector<16xf32>,
      %swap3A_716 = vector.shape_cast %swap3A_715 : vector<16xf32> to vector<16xf32>
      %swap3A_717 = vector.shape_cast %broadcast_in_dim3A_8 : vector<16xf32> to vector<16xf32>
      tpu.vector_store %arg27[%swap3A_714], %swap3A_717 {strides = array<i32>} : memref<384xf32, #tpu.memory_space<vmem>>, vector<16xf32>,
      %broadcast_in_dim3A_718 = arith.constant -1 : i32
      %broadcast_in_dim3A_719 = vector.broadcast %broadcast_in_dim3A_718 : i32 to vector<16xi32>
      %swap3A_720 = arith.constant 352 : index
      %swap3A_721 = tpu.vector_load %arg28[%swap3A_720] {strides = array<i32>} : memref<384xi32, #tpu.memory_space<vmem>>, vector<16xi32>,
      %swap3A_722 = vector.shape_cast %swap3A_721 : vector<16xi32> to vector<16xi32>
      %swap3A_723 = vector.shape_cast %broadcast_in_dim3A_719 : vector<16xi32> to vector<16xi32>
      tpu.vector_store %arg28[%swap3A_720], %swap3A_723 {strides = array<i32>} : memref<384xi32, #tpu.memory_space<vmem>>, vector<16xi32>,
      %swap3A_724 = arith.constant 352 : index
      %swap3A_725 = tpu.vector_load %arg29[%swap3A_724] {strides = array<i32>} : memref<384xf32, #tpu.memory_space<vmem>>, vector<16xf32>,
      %swap3A_726 = vector.shape_cast %swap3A_725 : vector<16xf32> to vector<16xf32>
      %swap3A_727 = vector.shape_cast %broadcast_in_dim3A_8 : vector<16xf32> to vector<16xf32>
      tpu.vector_store %arg29[%swap3A_724], %swap3A_727 {strides = array<i32>} : memref<384xf32, #tpu.memory_space<vmem>>, vector<16xf32>,
      %swap3A_728 = arith.constant 368 : index
      %swap3A_729 = tpu.vector_load %arg23[%swap3A_728] {strides = array<i32>} : memref<384xf32, #tpu.memory_space<vmem>>, vector<16xf32>,
      %swap3A_730 = vector.shape_cast %swap3A_729 : vector<16xf32> to vector<16xf32>
      %swap3A_731 = vector.shape_cast %broadcast_in_dim3A_8 : vector<16xf32> to vector<16xf32>
      tpu.vector_store %arg23[%swap3A_728], %swap3A_731 {strides = array<i32>} : memref<384xf32, #tpu.memory_space<vmem>>, vector<16xf32>,
      %swap3A_732 = arith.constant 368 : index
      %swap3A_733 = tpu.vector_load %arg24[%swap3A_732] {strides = array<i32>} : memref<384xf32, #tpu.memory_space<vmem>>, vector<16xf32>,
      %swap3A_734 = vector.shape_cast %swap3A_733 : vector<16xf32> to vector<16xf32>
      %swap3A_735 = vector.shape_cast %broadcast_in_dim3A_8 : vector<16xf32> to vector<16xf32>
      tpu.vector_store %arg24[%swap3A_732], %swap3A_735 {strides = array<i32>} : memref<384xf32, #tpu.memory_space<vmem>>, vector<16xf32>,
      %swap3A_736 = arith.constant 368 : index
      %swap3A_737 = tpu.vector_load %arg25[%swap3A_736] {strides = array<i32>} : memref<384xf32, #tpu.memory_space<vmem>>, vector<16xf32>,
      %swap3A_738 = vector.shape_cast %swap3A_737 : vector<16xf32> to vector<16xf32>
      %swap3A_739 = vector.shape_cast %broadcast_in_dim3A_8 : vector<16xf32> to vector<16xf32>
      tpu.vector_store %arg25[%swap3A_736], %swap3A_739 {strides = array<i32>} : memref<384xf32, #tpu.memory_space<vmem>>, vector<16xf32>,
      %swap3A_740 = arith.constant 368 : index
      %swap3A_741 = tpu.vector_load %arg26[%swap3A_740] {strides = array<i32>} : memref<384xf32, #tpu.memory_space<vmem>>, vector<16xf32>,
      %swap3A_742 = vector.shape_cast %swap3A_741 : vector<16xf32> to vector<16xf32>
      %swap3A_743 = vector.shape_cast %broadcast_in_dim3A_8 : vector<16xf32> to vector<16xf32>
      tpu.vector_store %arg26[%swap3A_740], %swap3A_743 {strides = array<i32>} : memref<384xf32, #tpu.memory_space<vmem>>, vector<16xf32>,
      %swap3A_744 = arith.constant 368 : index
      %swap3A_745 = tpu.vector_load %arg27[%swap3A_744] {strides = array<i32>} : memref<384xf32, #tpu.memory_space<vmem>>, vector<16xf32>,
      %swap3A_746 = vector.shape_cast %swap3A_745 : vector<16xf32> to vector<16xf32>
      %swap3A_747 = vector.shape_cast %broadcast_in_dim3A_8 : vector<16xf32> to vector<16xf32>
      tpu.vector_store %arg27[%swap3A_744], %swap3A_747 {strides = array<i32>} : memref<384xf32, #tpu.memory_space<vmem>>, vector<16xf32>,
      %broadcast_in_dim3A_748 = arith.constant -1 : i32
      %broadcast_in_dim3A_749 = vector.broadcast %broadcast_in_dim3A_748 : i32 to vector<16xi32>
      %swap3A_750 = arith.constant 368 : index
      %swap3A_751 = tpu.vector_load %arg28[%swap3A_750] {strides = array<i32>} : memref<384xi32, #tpu.memory_space<vmem>>, vector<16xi32>,
      %swap3A_752 = vector.shape_cast %swap3A_751 : vector<16xi32> to vector<16xi32>
      %swap3A_753 = vector.shape_cast %broadcast_in_dim3A_749 : vector<16xi32> to vector<16xi32>
      tpu.vector_store %arg28[%swap3A_750], %swap3A_753 {strides = array<i32>} : memref<384xi32, #tpu.memory_space<vmem>>, vector<16xi32>,
      %swap3A_754 = arith.constant 368 : index
      %swap3A_755 = tpu.vector_load %arg29[%swap3A_754] {strides = array<i32>} : memref<384xf32, #tpu.memory_space<vmem>>, vector<16xf32>,
      %swap3A_756 = vector.shape_cast %swap3A_755 : vector<16xf32> to vector<16xf32>
      %swap3A_757 = vector.shape_cast %broadcast_in_dim3A_8 : vector<16xf32> to vector<16xf32>
      tpu.vector_store %arg29[%swap3A_754], %swap3A_757 {strides = array<i32>} : memref<384xf32, #tpu.memory_space<vmem>>, vector<16xf32>,
      %dma_wait3A = arith.constant 0 : i32
      %dma_wait3A_758 = tpu.memref_slice %arg16[%dma_wait3A] : memref<20496xf32, #tpu.memory_space<vmem>> -> memref<20000xf32, #tpu.memory_space<vmem>>
      %dma_wait3A_759 = tpu.memref_slice %arg2[%mul3A_7] : memref<320000xf32, #tpu.memory_space<hbm>> -> memref<20000xf32, #tpu.memory_space<hbm>>
      %dma_wait3A_760 = arith.constant 0 : i32
      %dma_wait3A_761 = tpu.memref_slice %arg16[%dma_wait3A_760] : memref<20496xf32, #tpu.memory_space<vmem>> -> memref<20000xf32, #tpu.memory_space<vmem>>
      %dma_wait3A_762 = tpu.memref_slice %arg2[%mul3A_7] : memref<320000xf32, #tpu.memory_space<hbm>> -> memref<20000xf32, #tpu.memory_space<hbm>>
      tpu.wait_dma2 semaphore(%arg35 : memref<!tpu.dma_semaphore, #tpu.memory_space<semaphore_mem>>) src(%dma_wait3A_762 : memref<20000xf32, #tpu.memory_space<hbm>>) dst(%dma_wait3A_761 : memref<20000xf32, #tpu.memory_space<vmem>>)
      %dma_wait3A_763 = arith.constant 0 : i32
      %dma_wait3A_764 = tpu.memref_slice %arg17[%dma_wait3A_763] : memref<20496xf32, #tpu.memory_space<vmem>> -> memref<20000xf32, #tpu.memory_space<vmem>>
      %dma_wait3A_765 = tpu.memref_slice %arg3[%mul3A_7] : memref<320000xf32, #tpu.memory_space<hbm>> -> memref<20000xf32, #tpu.memory_space<hbm>>
      %dma_wait3A_766 = arith.constant 0 : i32
      %dma_wait3A_767 = tpu.memref_slice %arg17[%dma_wait3A_766] : memref<20496xf32, #tpu.memory_space<vmem>> -> memref<20000xf32, #tpu.memory_space<vmem>>
      %dma_wait3A_768 = tpu.memref_slice %arg3[%mul3A_7] : memref<320000xf32, #tpu.memory_space<hbm>> -> memref<20000xf32, #tpu.memory_space<hbm>>
      tpu.wait_dma2 semaphore(%arg35 : memref<!tpu.dma_semaphore, #tpu.memory_space<semaphore_mem>>) src(%dma_wait3A_768 : memref<20000xf32, #tpu.memory_space<hbm>>) dst(%dma_wait3A_767 : memref<20000xf32, #tpu.memory_space<vmem>>)
      %dma_wait3A_769 = arith.constant 0 : i32
      %dma_wait3A_770 = tpu.memref_slice %arg18[%dma_wait3A_769] : memref<20496xf32, #tpu.memory_space<vmem>> -> memref<20000xf32, #tpu.memory_space<vmem>>
      %dma_wait3A_771 = tpu.memref_slice %arg4[%mul3A_7] : memref<320000xf32, #tpu.memory_space<hbm>> -> memref<20000xf32, #tpu.memory_space<hbm>>
      %dma_wait3A_772 = arith.constant 0 : i32
      %dma_wait3A_773 = tpu.memref_slice %arg18[%dma_wait3A_772] : memref<20496xf32, #tpu.memory_space<vmem>> -> memref<20000xf32, #tpu.memory_space<vmem>>
      %dma_wait3A_774 = tpu.memref_slice %arg4[%mul3A_7] : memref<320000xf32, #tpu.memory_space<hbm>> -> memref<20000xf32, #tpu.memory_space<hbm>>
      tpu.wait_dma2 semaphore(%arg35 : memref<!tpu.dma_semaphore, #tpu.memory_space<semaphore_mem>>) src(%dma_wait3A_774 : memref<20000xf32, #tpu.memory_space<hbm>>) dst(%dma_wait3A_773 : memref<20000xf32, #tpu.memory_space<vmem>>)
      %dma_wait3A_775 = arith.constant 0 : i32
      %dma_wait3A_776 = tpu.memref_slice %arg19[%dma_wait3A_775] : memref<20496xf32, #tpu.memory_space<vmem>> -> memref<20000xf32, #tpu.memory_space<vmem>>
      %dma_wait3A_777 = tpu.memref_slice %arg5[%mul3A_7] : memref<320000xf32, #tpu.memory_space<hbm>> -> memref<20000xf32, #tpu.memory_space<hbm>>
      %dma_wait3A_778 = arith.constant 0 : i32
      %dma_wait3A_779 = tpu.memref_slice %arg19[%dma_wait3A_778] : memref<20496xf32, #tpu.memory_space<vmem>> -> memref<20000xf32, #tpu.memory_space<vmem>>
      %dma_wait3A_780 = tpu.memref_slice %arg5[%mul3A_7] : memref<320000xf32, #tpu.memory_space<hbm>> -> memref<20000xf32, #tpu.memory_space<hbm>>
      tpu.wait_dma2 semaphore(%arg35 : memref<!tpu.dma_semaphore, #tpu.memory_space<semaphore_mem>>) src(%dma_wait3A_780 : memref<20000xf32, #tpu.memory_space<hbm>>) dst(%dma_wait3A_779 : memref<20000xf32, #tpu.memory_space<vmem>>)
      %dma_wait3A_781 = arith.constant 0 : i32
      %dma_wait3A_782 = tpu.memref_slice %arg20[%dma_wait3A_781] : memref<20496xf32, #tpu.memory_space<vmem>> -> memref<20000xf32, #tpu.memory_space<vmem>>
      %dma_wait3A_783 = tpu.memref_slice %arg6[%mul3A_7] : memref<320000xf32, #tpu.memory_space<hbm>> -> memref<20000xf32, #tpu.memory_space<hbm>>
      %dma_wait3A_784 = arith.constant 0 : i32
      %dma_wait3A_785 = tpu.memref_slice %arg20[%dma_wait3A_784] : memref<20496xf32, #tpu.memory_space<vmem>> -> memref<20000xf32, #tpu.memory_space<vmem>>
      %dma_wait3A_786 = tpu.memref_slice %arg6[%mul3A_7] : memref<320000xf32, #tpu.memory_space<hbm>> -> memref<20000xf32, #tpu.memory_space<hbm>>
      tpu.wait_dma2 semaphore(%arg35 : memref<!tpu.dma_semaphore, #tpu.memory_space<semaphore_mem>>) src(%dma_wait3A_786 : memref<20000xf32, #tpu.memory_space<hbm>>) dst(%dma_wait3A_785 : memref<20000xf32, #tpu.memory_space<vmem>>)
      %swap3A_787 = arith.constant 20000 : index
      %swap3A_788 = tpu.vector_load %arg16[%swap3A_787] {strides = array<i32>} : memref<20496xf32, #tpu.memory_space<vmem>>, vector<16xf32>,
      %swap3A_789 = vector.shape_cast %swap3A_788 : vector<16xf32> to vector<16xf32>
      %swap3A_790 = vector.shape_cast %broadcast_in_dim3A_9 : vector<16xf32> to vector<16xf32>
      tpu.vector_store %arg16[%swap3A_787], %swap3A_790 {strides = array<i32>} : memref<20496xf32, #tpu.memory_space<vmem>>, vector<16xf32>,
      %swap3A_791 = arith.constant 20016 : index
      %swap3A_792 = tpu.vector_load %arg16[%swap3A_791] {strides = array<i32>} : memref<20496xf32, #tpu.memory_space<vmem>>, vector<16xf32>,
      %swap3A_793 = vector.shape_cast %swap3A_792 : vector<16xf32> to vector<16xf32>
      %swap3A_794 = vector.shape_cast %broadcast_in_dim3A_9 : vector<16xf32> to vector<16xf32>
      tpu.vector_store %arg16[%swap3A_791], %swap3A_794 {strides = array<i32>} : memref<20496xf32, #tpu.memory_space<vmem>>, vector<16xf32>,
      %swap3A_795 = arith.constant 20032 : index
      %swap3A_796 = tpu.vector_load %arg16[%swap3A_795] {strides = array<i32>} : memref<20496xf32, #tpu.memory_space<vmem>>, vector<16xf32>,
      %swap3A_797 = vector.shape_cast %swap3A_796 : vector<16xf32> to vector<16xf32>
      %swap3A_798 = vector.shape_cast %broadcast_in_dim3A_9 : vector<16xf32> to vector<16xf32>
      tpu.vector_store %arg16[%swap3A_795], %swap3A_798 {strides = array<i32>} : memref<20496xf32, #tpu.memory_space<vmem>>, vector<16xf32>,
      %swap3A_799 = arith.constant 20048 : index
      %swap3A_800 = tpu.vector_load %arg16[%swap3A_799] {strides = array<i32>} : memref<20496xf32, #tpu.memory_space<vmem>>, vector<16xf32>,
      %swap3A_801 = vector.shape_cast %swap3A_800 : vector<16xf32> to vector<16xf32>
      %swap3A_802 = vector.shape_cast %broadcast_in_dim3A_9 : vector<16xf32> to vector<16xf32>
      tpu.vector_store %arg16[%swap3A_799], %swap3A_802 {strides = array<i32>} : memref<20496xf32, #tpu.memory_space<vmem>>, vector<16xf32>,
      %swap3A_803 = arith.constant 20064 : index
      %swap3A_804 = tpu.vector_load %arg16[%swap3A_803] {strides = array<i32>} : memref<20496xf32, #tpu.memory_space<vmem>>, vector<16xf32>,
      %swap3A_805 = vector.shape_cast %swap3A_804 : vector<16xf32> to vector<16xf32>
      %swap3A_806 = vector.shape_cast %broadcast_in_dim3A_9 : vector<16xf32> to vector<16xf32>
      tpu.vector_store %arg16[%swap3A_803], %swap3A_806 {strides = array<i32>} : memref<20496xf32, #tpu.memory_space<vmem>>, vector<16xf32>,
      %swap3A_807 = arith.constant 20080 : index
      %swap3A_808 = tpu.vector_load %arg16[%swap3A_807] {strides = array<i32>} : memref<20496xf32, #tpu.memory_space<vmem>>, vector<16xf32>,
      %swap3A_809 = vector.shape_cast %swap3A_808 : vector<16xf32> to vector<16xf32>
      %swap3A_810 = vector.shape_cast %broadcast_in_dim3A_9 : vector<16xf32> to vector<16xf32>
      tpu.vector_store %arg16[%swap3A_807], %swap3A_810 {strides = array<i32>} : memref<20496xf32, #tpu.memory_space<vmem>>, vector<16xf32>,
      %swap3A_811 = arith.constant 20096 : index
      %swap3A_812 = tpu.vector_load %arg16[%swap3A_811] {strides = array<i32>} : memref<20496xf32, #tpu.memory_space<vmem>>, vector<16xf32>,
      %swap3A_813 = vector.shape_cast %swap3A_812 : vector<16xf32> to vector<16xf32>
      %swap3A_814 = vector.shape_cast %broadcast_in_dim3A_9 : vector<16xf32> to vector<16xf32>
      tpu.vector_store %arg16[%swap3A_811], %swap3A_814 {strides = array<i32>} : memref<20496xf32, #tpu.memory_space<vmem>>, vector<16xf32>,
      %swap3A_815 = arith.constant 20112 : index
      %swap3A_816 = tpu.vector_load %arg16[%swap3A_815] {strides = array<i32>} : memref<20496xf32, #tpu.memory_space<vmem>>, vector<16xf32>,
      %swap3A_817 = vector.shape_cast %swap3A_816 : vector<16xf32> to vector<16xf32>
      %swap3A_818 = vector.shape_cast %broadcast_in_dim3A_9 : vector<16xf32> to vector<16xf32>
      tpu.vector_store %arg16[%swap3A_815], %swap3A_818 {strides = array<i32>} : memref<20496xf32, #tpu.memory_space<vmem>>, vector<16xf32>,
      %swap3A_819 = arith.constant 20128 : index
      %swap3A_820 = tpu.vector_load %arg16[%swap3A_819] {strides = array<i32>} : memref<20496xf32, #tpu.memory_space<vmem>>, vector<16xf32>,
      %swap3A_821 = vector.shape_cast %swap3A_820 : vector<16xf32> to vector<16xf32>
      %swap3A_822 = vector.shape_cast %broadcast_in_dim3A_9 : vector<16xf32> to vector<16xf32>
      tpu.vector_store %arg16[%swap3A_819], %swap3A_822 {strides = array<i32>} : memref<20496xf32, #tpu.memory_space<vmem>>, vector<16xf32>,
      %swap3A_823 = arith.constant 20144 : index
      %swap3A_824 = tpu.vector_load %arg16[%swap3A_823] {strides = array<i32>} : memref<20496xf32, #tpu.memory_space<vmem>>, vector<16xf32>,
      %swap3A_825 = vector.shape_cast %swap3A_824 : vector<16xf32> to vector<16xf32>
      %swap3A_826 = vector.shape_cast %broadcast_in_dim3A_9 : vector<16xf32> to vector<16xf32>
      tpu.vector_store %arg16[%swap3A_823], %swap3A_826 {strides = array<i32>} : memref<20496xf32, #tpu.memory_space<vmem>>, vector<16xf32>,
      %swap3A_827 = arith.constant 20160 : index
      %swap3A_828 = tpu.vector_load %arg16[%swap3A_827] {strides = array<i32>} : memref<20496xf32, #tpu.memory_space<vmem>>, vector<16xf32>,
      %swap3A_829 = vector.shape_cast %swap3A_828 : vector<16xf32> to vector<16xf32>
      %swap3A_830 = vector.shape_cast %broadcast_in_dim3A_9 : vector<16xf32> to vector<16xf32>
      tpu.vector_store %arg16[%swap3A_827], %swap3A_830 {strides = array<i32>} : memref<20496xf32, #tpu.memory_space<vmem>>, vector<16xf32>,
      %swap3A_831 = arith.constant 20176 : index
      %swap3A_832 = tpu.vector_load %arg16[%swap3A_831] {strides = array<i32>} : memref<20496xf32, #tpu.memory_space<vmem>>, vector<16xf32>,
      %swap3A_833 = vector.shape_cast %swap3A_832 : vector<16xf32> to vector<16xf32>
      %swap3A_834 = vector.shape_cast %broadcast_in_dim3A_9 : vector<16xf32> to vector<16xf32>
      tpu.vector_store %arg16[%swap3A_831], %swap3A_834 {strides = array<i32>} : memref<20496xf32, #tpu.memory_space<vmem>>, vector<16xf32>,
      %swap3A_835 = arith.constant 20192 : index
      %swap3A_836 = tpu.vector_load %arg16[%swap3A_835] {strides = array<i32>} : memref<20496xf32, #tpu.memory_space<vmem>>, vector<16xf32>,
      %swap3A_837 = vector.shape_cast %swap3A_836 : vector<16xf32> to vector<16xf32>
      %swap3A_838 = vector.shape_cast %broadcast_in_dim3A_9 : vector<16xf32> to vector<16xf32>
      tpu.vector_store %arg16[%swap3A_835], %swap3A_838 {strides = array<i32>} : memref<20496xf32, #tpu.memory_space<vmem>>, vector<16xf32>,
      %swap3A_839 = arith.constant 20208 : index
      %swap3A_840 = tpu.vector_load %arg16[%swap3A_839] {strides = array<i32>} : memref<20496xf32, #tpu.memory_space<vmem>>, vector<16xf32>,
      %swap3A_841 = vector.shape_cast %swap3A_840 : vector<16xf32> to vector<16xf32>
      %swap3A_842 = vector.shape_cast %broadcast_in_dim3A_9 : vector<16xf32> to vector<16xf32>
      tpu.vector_store %arg16[%swap3A_839], %swap3A_842 {strides = array<i32>} : memref<20496xf32, #tpu.memory_space<vmem>>, vector<16xf32>,
      %swap3A_843 = arith.constant 20224 : index
      %swap3A_844 = tpu.vector_load %arg16[%swap3A_843] {strides = array<i32>} : memref<20496xf32, #tpu.memory_space<vmem>>, vector<16xf32>,
      %swap3A_845 = vector.shape_cast %swap3A_844 : vector<16xf32> to vector<16xf32>
      %swap3A_846 = vector.shape_cast %broadcast_in_dim3A_9 : vector<16xf32> to vector<16xf32>
      tpu.vector_store %arg16[%swap3A_843], %swap3A_846 {strides = array<i32>} : memref<20496xf32, #tpu.memory_space<vmem>>, vector<16xf32>,
      %swap3A_847 = arith.constant 20240 : index
      %swap3A_848 = tpu.vector_load %arg16[%swap3A_847] {strides = array<i32>} : memref<20496xf32, #tpu.memory_space<vmem>>, vector<16xf32>,
      %swap3A_849 = vector.shape_cast %swap3A_848 : vector<16xf32> to vector<16xf32>
      %swap3A_850 = vector.shape_cast %broadcast_in_dim3A_9 : vector<16xf32> to vector<16xf32>
      tpu.vector_store %arg16[%swap3A_847], %swap3A_850 {strides = array<i32>} : memref<20496xf32, #tpu.memory_space<vmem>>, vector<16xf32>,
      %swap3A_851 = arith.constant 20256 : index
      %swap3A_852 = tpu.vector_load %arg16[%swap3A_851] {strides = array<i32>} : memref<20496xf32, #tpu.memory_space<vmem>>, vector<16xf32>,
      %swap3A_853 = vector.shape_cast %swap3A_852 : vector<16xf32> to vector<16xf32>
      %swap3A_854 = vector.shape_cast %broadcast_in_dim3A_9 : vector<16xf32> to vector<16xf32>
      tpu.vector_store %arg16[%swap3A_851], %swap3A_854 {strides = array<i32>} : memref<20496xf32, #tpu.memory_space<vmem>>, vector<16xf32>,
      %swap3A_855 = arith.constant 20272 : index
      %swap3A_856 = tpu.vector_load %arg16[%swap3A_855] {strides = array<i32>} : memref<20496xf32, #tpu.memory_space<vmem>>, vector<16xf32>,
      %swap3A_857 = vector.shape_cast %swap3A_856 : vector<16xf32> to vector<16xf32>
      %swap3A_858 = vector.shape_cast %broadcast_in_dim3A_9 : vector<16xf32> to vector<16xf32>
      tpu.vector_store %arg16[%swap3A_855], %swap3A_858 {strides = array<i32>} : memref<20496xf32, #tpu.memory_space<vmem>>, vector<16xf32>,
      %swap3A_859 = arith.constant 20288 : index
      %swap3A_860 = tpu.vector_load %arg16[%swap3A_859] {strides = array<i32>} : memref<20496xf32, #tpu.memory_space<vmem>>, vector<16xf32>,
      %swap3A_861 = vector.shape_cast %swap3A_860 : vector<16xf32> to vector<16xf32>
      %swap3A_862 = vector.shape_cast %broadcast_in_dim3A_9 : vector<16xf32> to vector<16xf32>
      tpu.vector_store %arg16[%swap3A_859], %swap3A_862 {strides = array<i32>} : memref<20496xf32, #tpu.memory_space<vmem>>, vector<16xf32>,
      %swap3A_863 = arith.constant 20304 : index
      %swap3A_864 = tpu.vector_load %arg16[%swap3A_863] {strides = array<i32>} : memref<20496xf32, #tpu.memory_space<vmem>>, vector<16xf32>,
      %swap3A_865 = vector.shape_cast %swap3A_864 : vector<16xf32> to vector<16xf32>
      %swap3A_866 = vector.shape_cast %broadcast_in_dim3A_9 : vector<16xf32> to vector<16xf32>
      tpu.vector_store %arg16[%swap3A_863], %swap3A_866 {strides = array<i32>} : memref<20496xf32, #tpu.memory_space<vmem>>, vector<16xf32>,
      %swap3A_867 = arith.constant 20320 : index
      %swap3A_868 = tpu.vector_load %arg16[%swap3A_867] {strides = array<i32>} : memref<20496xf32, #tpu.memory_space<vmem>>, vector<16xf32>,
      %swap3A_869 = vector.shape_cast %swap3A_868 : vector<16xf32> to vector<16xf32>
      %swap3A_870 = vector.shape_cast %broadcast_in_dim3A_9 : vector<16xf32> to vector<16xf32>
      tpu.vector_store %arg16[%swap3A_867], %swap3A_870 {strides = array<i32>} : memref<20496xf32, #tpu.memory_space<vmem>>, vector<16xf32>,
      %swap3A_871 = arith.constant 20336 : index
      %swap3A_872 = tpu.vector_load %arg16[%swap3A_871] {strides = array<i32>} : memref<20496xf32, #tpu.memory_space<vmem>>, vector<16xf32>,
      %swap3A_873 = vector.shape_cast %swap3A_872 : vector<16xf32> to vector<16xf32>
      %swap3A_874 = vector.shape_cast %broadcast_in_dim3A_9 : vector<16xf32> to vector<16xf32>
      tpu.vector_store %arg16[%swap3A_871], %swap3A_874 {strides = array<i32>} : memref<20496xf32, #tpu.memory_space<vmem>>, vector<16xf32>,
      %swap3A_875 = arith.constant 20352 : index
      %swap3A_876 = tpu.vector_load %arg16[%swap3A_875] {strides = array<i32>} : memref<20496xf32, #tpu.memory_space<vmem>>, vector<16xf32>,
      %swap3A_877 = vector.shape_cast %swap3A_876 : vector<16xf32> to vector<16xf32>
      %swap3A_878 = vector.shape_cast %broadcast_in_dim3A_9 : vector<16xf32> to vector<16xf32>
      tpu.vector_store %arg16[%swap3A_875], %swap3A_878 {strides = array<i32>} : memref<20496xf32, #tpu.memory_space<vmem>>, vector<16xf32>,
      %swap3A_879 = arith.constant 20368 : index
      %swap3A_880 = tpu.vector_load %arg16[%swap3A_879] {strides = array<i32>} : memref<20496xf32, #tpu.memory_space<vmem>>, vector<16xf32>,
      %swap3A_881 = vector.shape_cast %swap3A_880 : vector<16xf32> to vector<16xf32>
      %swap3A_882 = vector.shape_cast %broadcast_in_dim3A_9 : vector<16xf32> to vector<16xf32>
      tpu.vector_store %arg16[%swap3A_879], %swap3A_882 {strides = array<i32>} : memref<20496xf32, #tpu.memory_space<vmem>>, vector<16xf32>,
      %swap3A_883 = arith.constant 20384 : index
      %swap3A_884 = tpu.vector_load %arg16[%swap3A_883] {strides = array<i32>} : memref<20496xf32, #tpu.memory_space<vmem>>, vector<16xf32>,
      %swap3A_885 = vector.shape_cast %swap3A_884 : vector<16xf32> to vector<16xf32>
      %swap3A_886 = vector.shape_cast %broadcast_in_dim3A_9 : vector<16xf32> to vector<16xf32>
      tpu.vector_store %arg16[%swap3A_883], %swap3A_886 {strides = array<i32>} : memref<20496xf32, #tpu.memory_space<vmem>>, vector<16xf32>,
      %swap3A_887 = arith.constant 20400 : index
      %swap3A_888 = tpu.vector_load %arg16[%swap3A_887] {strides = array<i32>} : memref<20496xf32, #tpu.memory_space<vmem>>, vector<16xf32>,
      %swap3A_889 = vector.shape_cast %swap3A_888 : vector<16xf32> to vector<16xf32>
      %swap3A_890 = vector.shape_cast %broadcast_in_dim3A_9 : vector<16xf32> to vector<16xf32>
      tpu.vector_store %arg16[%swap3A_887], %swap3A_890 {strides = array<i32>} : memref<20496xf32, #tpu.memory_space<vmem>>, vector<16xf32>,
      %swap3A_891 = arith.constant 20416 : index
      %swap3A_892 = tpu.vector_load %arg16[%swap3A_891] {strides = array<i32>} : memref<20496xf32, #tpu.memory_space<vmem>>, vector<16xf32>,
      %swap3A_893 = vector.shape_cast %swap3A_892 : vector<16xf32> to vector<16xf32>
      %swap3A_894 = vector.shape_cast %broadcast_in_dim3A_9 : vector<16xf32> to vector<16xf32>
      tpu.vector_store %arg16[%swap3A_891], %swap3A_894 {strides = array<i32>} : memref<20496xf32, #tpu.memory_space<vmem>>, vector<16xf32>,
      %swap3A_895 = arith.constant 20432 : index
      %swap3A_896 = tpu.vector_load %arg16[%swap3A_895] {strides = array<i32>} : memref<20496xf32, #tpu.memory_space<vmem>>, vector<16xf32>,
      %swap3A_897 = vector.shape_cast %swap3A_896 : vector<16xf32> to vector<16xf32>
      %swap3A_898 = vector.shape_cast %broadcast_in_dim3A_9 : vector<16xf32> to vector<16xf32>
      tpu.vector_store %arg16[%swap3A_895], %swap3A_898 {strides = array<i32>} : memref<20496xf32, #tpu.memory_space<vmem>>, vector<16xf32>,
      %swap3A_899 = arith.constant 20448 : index
      %swap3A_900 = tpu.vector_load %arg16[%swap3A_899] {strides = array<i32>} : memref<20496xf32, #tpu.memory_space<vmem>>, vector<16xf32>,
      %swap3A_901 = vector.shape_cast %swap3A_900 : vector<16xf32> to vector<16xf32>
      %swap3A_902 = vector.shape_cast %broadcast_in_dim3A_9 : vector<16xf32> to vector<16xf32>
      tpu.vector_store %arg16[%swap3A_899], %swap3A_902 {strides = array<i32>} : memref<20496xf32, #tpu.memory_space<vmem>>, vector<16xf32>,
      %swap3A_903 = arith.constant 20464 : index
      %swap3A_904 = tpu.vector_load %arg16[%swap3A_903] {strides = array<i32>} : memref<20496xf32, #tpu.memory_space<vmem>>, vector<16xf32>,
      %swap3A_905 = vector.shape_cast %swap3A_904 : vector<16xf32> to vector<16xf32>
      %swap3A_906 = vector.shape_cast %broadcast_in_dim3A_9 : vector<16xf32> to vector<16xf32>
      tpu.vector_store %arg16[%swap3A_903], %swap3A_906 {strides = array<i32>} : memref<20496xf32, #tpu.memory_space<vmem>>, vector<16xf32>,
      %scan3A = arith.constant 0 : i32
      %scan3A_907 = arith.constant 0 : i32
      %scan3A_908 = arith.constant 1280 : i32
      %scan3A_909 = arith.addi %scan3A_907, %scan3A_908 : i32
      %scan3A_910 = arith.constant 1 : i32
      scf.for %scan3A_1265 = %scan3A_907 to %scan3A_909 step %scan3A_910  : i32 {
        %mul3A_1266 = arith.constant 16 : i32
        %mul3A_1267 = arith.muli %scan3A_1265, %mul3A_1266 : i32
        %get3A_1268 = arith.index_cast %mul3A_1267 : i32 to index
        %get3A_1269 = tpu.vector_load %arg16[%get3A_1268] {strides = array<i32>} : memref<20496xf32, #tpu.memory_space<vmem>>, vector<16xf32>,
        %get3A_1270 = vector.shape_cast %get3A_1269 : vector<16xf32> to vector<16xf32>
        %add3A_1271 = arith.constant 8 : i32
        %add3A_1272 = vector.broadcast %add3A_1271 : i32 to vector<16xi32>
        %add3A_1273 = arith.addi %iota3A, %add3A_1272 : vector<16xi32>
        %and3A = arith.constant 15 : i32
        %and3A_1274 = vector.broadcast %and3A : i32 to vector<16xi32>
        %and3A_1275 = arith.andi %add3A_1273, %and3A_1274 : vector<16xi32>
        %broadcast_in_dim3A_1276 = vector.shape_cast %and3A_1275 : vector<16xi32> to vector<16x1xi32>
        %gather3A = vector.shape_cast %broadcast_in_dim3A_1276 : vector<16x1xi32> to vector<16xi32>
        %gather3A_1277 = tpu.dynamic_gather %get3A_1270[%gather3A] in [0] : vector<16xf32>, vector<16xi32> -> vector<16xf32>
        %max3A_1278 = arith.maximumf %get3A_1270, %gather3A_1277 : vector<16xf32>
        %add3A_1279 = arith.constant 4 : i32
        %add3A_1280 = vector.broadcast %add3A_1279 : i32 to vector<16xi32>
        %add3A_1281 = arith.addi %iota3A, %add3A_1280 : vector<16xi32>
        %and3A_1282 = arith.constant 15 : i32
        %and3A_1283 = vector.broadcast %and3A_1282 : i32 to vector<16xi32>
        %and3A_1284 = arith.andi %add3A_1281, %and3A_1283 : vector<16xi32>
        %broadcast_in_dim3A_1285 = vector.shape_cast %and3A_1284 : vector<16xi32> to vector<16x1xi32>
        %gather3A_1286 = vector.shape_cast %broadcast_in_dim3A_1285 : vector<16x1xi32> to vector<16xi32>
        %gather3A_1287 = tpu.dynamic_gather %max3A_1278[%gather3A_1286] in [0] : vector<16xf32>, vector<16xi32> -> vector<16xf32>
        %max3A_1288 = arith.maximumf %max3A_1278, %gather3A_1287 : vector<16xf32>
        %add3A_1289 = arith.constant 2 : i32
        %add3A_1290 = vector.broadcast %add3A_1289 : i32 to vector<16xi32>
        %add3A_1291 = arith.addi %iota3A, %add3A_1290 : vector<16xi32>
        %and3A_1292 = arith.constant 15 : i32
        %and3A_1293 = vector.broadcast %and3A_1292 : i32 to vector<16xi32>
        %and3A_1294 = arith.andi %add3A_1291, %and3A_1293 : vector<16xi32>
        %broadcast_in_dim3A_1295 = vector.shape_cast %and3A_1294 : vector<16xi32> to vector<16x1xi32>
        %gather3A_1296 = vector.shape_cast %broadcast_in_dim3A_1295 : vector<16x1xi32> to vector<16xi32>
        %gather3A_1297 = tpu.dynamic_gather %max3A_1288[%gather3A_1296] in [0] : vector<16xf32>, vector<16xi32> -> vector<16xf32>
        %max3A_1298 = arith.maximumf %max3A_1288, %gather3A_1297 : vector<16xf32>
        %add3A_1299 = arith.constant 1 : i32
        %add3A_1300 = vector.broadcast %add3A_1299 : i32 to vector<16xi32>
        %add3A_1301 = arith.addi %iota3A, %add3A_1300 : vector<16xi32>
        %and3A_1302 = arith.constant 15 : i32
        %and3A_1303 = vector.broadcast %and3A_1302 : i32 to vector<16xi32>
        %and3A_1304 = arith.andi %add3A_1301, %and3A_1303 : vector<16xi32>
        %broadcast_in_dim3A_1305 = vector.shape_cast %and3A_1304 : vector<16xi32> to vector<16x1xi32>
        %gather3A_1306 = vector.shape_cast %broadcast_in_dim3A_1305 : vector<16x1xi32> to vector<16xi32>
        %gather3A_1307 = tpu.dynamic_gather %max3A_1298[%gather3A_1306] in [0] : vector<16xf32>, vector<16xi32> -> vector<16xf32>
        %max3A_1308 = arith.maximumf %max3A_1298, %gather3A_1307 : vector<16xf32>
        %slice3A = vector.extract_strided_slice %max3A_1308 {offsets = [0], sizes = [1], strides = [1]} : vector<16xf32> to vector<1xf32>
        %squeeze3A = vector.extract %slice3A[0] : f32 from vector<1xf32>
        %get3A_1309 = arith.index_cast %scan3A_1265 : i32 to index
        %get3A_1310 = tpu.vector_load %arg21[%get3A_1309] {strides = array<i32>} : memref<1296xf32, #tpu.memory_space<vmem>>, vector<16xf32>,
        %get3A_1311 = vector.shape_cast %get3A_1310 : vector<16xf32> to vector<16xf32>
        %broadcast_in_dim3A_1312 = vector.broadcast %squeeze3A : f32 to vector<16xf32>
        %select_n3A_1313 = arith.select %eq3A_2, %broadcast_in_dim3A_1312, %get3A_1311 : vector<16xi1>, vector<16xf32>
        %swap3A_1314 = arith.index_cast %scan3A_1265 : i32 to index
        %swap3A_1315 = tpu.vector_load %arg21[%swap3A_1314] {strides = array<i32>} : memref<1296xf32, #tpu.memory_space<vmem>>, vector<16xf32>,
        %swap3A_1316 = vector.shape_cast %swap3A_1315 : vector<16xf32> to vector<16xf32>
        %swap3A_1317 = vector.shape_cast %select_n3A_1313 : vector<16xf32> to vector<16xf32>
        tpu.vector_store %arg21[%swap3A_1314], %swap3A_1317 {strides = array<i32>} : memref<1296xf32, #tpu.memory_space<vmem>>, vector<16xf32>,
      }
      %scan3A_911 = arith.constant 1280 : i32
      %scan3A_912 = arith.constant 0 : i32
      %scan3A_913 = arith.constant 0 : i32
      %scan3A_914 = arith.constant 80 : i32
      %scan3A_915 = arith.addi %scan3A_913, %scan3A_914 : i32
      %scan3A_916 = arith.constant 1 : i32
      scf.for %scan3A_1265 = %scan3A_913 to %scan3A_915 step %scan3A_916  : i32 {
        %mul3A_1266 = arith.constant 16 : i32
        %mul3A_1267 = arith.muli %scan3A_1265, %mul3A_1266 : i32
        %get3A_1268 = arith.index_cast %mul3A_1267 : i32 to index
        %get3A_1269 = tpu.vector_load %arg21[%get3A_1268] {strides = array<i32>} : memref<1296xf32, #tpu.memory_space<vmem>>, vector<16xf32>,
        %get3A_1270 = vector.shape_cast %get3A_1269 : vector<16xf32> to vector<16xf32>
        %add3A_1271 = arith.constant 8 : i32
        %add3A_1272 = vector.broadcast %add3A_1271 : i32 to vector<16xi32>
        %add3A_1273 = arith.addi %iota3A, %add3A_1272 : vector<16xi32>
        %and3A = arith.constant 15 : i32
        %and3A_1274 = vector.broadcast %and3A : i32 to vector<16xi32>
        %and3A_1275 = arith.andi %add3A_1273, %and3A_1274 : vector<16xi32>
        %broadcast_in_dim3A_1276 = vector.shape_cast %and3A_1275 : vector<16xi32> to vector<16x1xi32>
        %gather3A = vector.shape_cast %broadcast_in_dim3A_1276 : vector<16x1xi32> to vector<16xi32>
        %gather3A_1277 = tpu.dynamic_gather %get3A_1270[%gather3A] in [0] : vector<16xf32>, vector<16xi32> -> vector<16xf32>
        %max3A_1278 = arith.maximumf %get3A_1270, %gather3A_1277 : vector<16xf32>
        %add3A_1279 = arith.constant 4 : i32
        %add3A_1280 = vector.broadcast %add3A_1279 : i32 to vector<16xi32>
        %add3A_1281 = arith.addi %iota3A, %add3A_1280 : vector<16xi32>
        %and3A_1282 = arith.constant 15 : i32
        %and3A_1283 = vector.broadcast %and3A_1282 : i32 to vector<16xi32>
        %and3A_1284 = arith.andi %add3A_1281, %and3A_1283 : vector<16xi32>
        %broadcast_in_dim3A_1285 = vector.shape_cast %and3A_1284 : vector<16xi32> to vector<16x1xi32>
        %gather3A_1286 = vector.shape_cast %broadcast_in_dim3A_1285 : vector<16x1xi32> to vector<16xi32>
        %gather3A_1287 = tpu.dynamic_gather %max3A_1278[%gather3A_1286] in [0] : vector<16xf32>, vector<16xi32> -> vector<16xf32>
        %max3A_1288 = arith.maximumf %max3A_1278, %gather3A_1287 : vector<16xf32>
        %add3A_1289 = arith.constant 2 : i32
        %add3A_1290 = vector.broadcast %add3A_1289 : i32 to vector<16xi32>
        %add3A_1291 = arith.addi %iota3A, %add3A_1290 : vector<16xi32>
        %and3A_1292 = arith.constant 15 : i32
        %and3A_1293 = vector.broadcast %and3A_1292 : i32 to vector<16xi32>
        %and3A_1294 = arith.andi %add3A_1291, %and3A_1293 : vector<16xi32>
        %broadcast_in_dim3A_1295 = vector.shape_cast %and3A_1294 : vector<16xi32> to vector<16x1xi32>
        %gather3A_1296 = vector.shape_cast %broadcast_in_dim3A_1295 : vector<16x1xi32> to vector<16xi32>
        %gather3A_1297 = tpu.dynamic_gather %max3A_1288[%gather3A_1296] in [0] : vector<16xf32>, vector<16xi32> -> vector<16xf32>
        %max3A_1298 = arith.maximumf %max3A_1288, %gather3A_1297 : vector<16xf32>
        %add3A_1299 = arith.constant 1 : i32
        %add3A_1300 = vector.broadcast %add3A_1299 : i32 to vector<16xi32>
        %add3A_1301 = arith.addi %iota3A, %add3A_1300 : vector<16xi32>
        %and3A_1302 = arith.constant 15 : i32
        %and3A_1303 = vector.broadcast %and3A_1302 : i32 to vector<16xi32>
        %and3A_1304 = arith.andi %add3A_1301, %and3A_1303 : vector<16xi32>
        %broadcast_in_dim3A_1305 = vector.shape_cast %and3A_1304 : vector<16xi32> to vector<16x1xi32>
        %gather3A_1306 = vector.shape_cast %broadcast_in_dim3A_1305 : vector<16x1xi32> to vector<16xi32>
        %gather3A_1307 = tpu.dynamic_gather %max3A_1298[%gather3A_1306] in [0] : vector<16xf32>, vector<16xi32> -> vector<16xf32>
        %max3A_1308 = arith.maximumf %max3A_1298, %gather3A_1307 : vector<16xf32>
        %slice3A = vector.extract_strided_slice %max3A_1308 {offsets = [0], sizes = [1], strides = [1]} : vector<16xf32> to vector<1xf32>
        %squeeze3A = vector.extract %slice3A[0] : f32 from vector<1xf32>
        %get3A_1309 = arith.index_cast %scan3A_1265 : i32 to index
        %get3A_1310 = tpu.vector_load %arg22[%get3A_1309] {strides = array<i32>} : memref<96xf32, #tpu.memory_space<vmem>>, vector<16xf32>,
        %get3A_1311 = vector.shape_cast %get3A_1310 : vector<16xf32> to vector<16xf32>
        %broadcast_in_dim3A_1312 = vector.broadcast %squeeze3A : f32 to vector<16xf32>
        %select_n3A_1313 = arith.select %eq3A_2, %broadcast_in_dim3A_1312, %get3A_1311 : vector<16xi1>, vector<16xf32>
        %swap3A_1314 = arith.index_cast %scan3A_1265 : i32 to index
        %swap3A_1315 = tpu.vector_load %arg22[%swap3A_1314] {strides = array<i32>} : memref<96xf32, #tpu.memory_space<vmem>>, vector<16xf32>,
        %swap3A_1316 = vector.shape_cast %swap3A_1315 : vector<16xf32> to vector<16xf32>
        %swap3A_1317 = vector.shape_cast %select_n3A_1313 : vector<16xf32> to vector<16xf32>
        tpu.vector_store %arg22[%swap3A_1314], %swap3A_1317 {strides = array<i32>} : memref<96xf32, #tpu.memory_space<vmem>>, vector<16xf32>,
      }
      %scan3A_917 = arith.constant 80 : i32
      %swap3A_918 = arith.constant 0 : i32
      %swap3A_919 = arith.constant 0 : i32
      %swap3A_920 = arith.index_cast %swap3A_919 : i32 to index
      %swap3A_921 = memref.load %arg34[%swap3A_920] : memref<2xi32, #tpu.memory_space<smem>>
      memref.store %swap3A_918, %arg34[%swap3A_920] : memref<2xi32, #tpu.memory_space<smem>>
      %swap3A_922 = arith.constant 0 : i32
      %swap3A_923 = arith.constant 1 : i32
      %swap3A_924 = arith.index_cast %swap3A_923 : i32 to index
      %swap3A_925 = memref.load %arg34[%swap3A_924] : memref<2xi32, #tpu.memory_space<smem>>
      memref.store %swap3A_922, %arg34[%swap3A_924] : memref<2xi32, #tpu.memory_space<smem>>
      %broadcast_in_dim3A_926 = arith.constant 9999 : i32
      %broadcast_in_dim3A_927 = vector.broadcast %broadcast_in_dim3A_926 : i32 to vector<16xi32>
      %scan3A_928 = arith.constant 0 : i32
      %scan3A_929 = arith.constant 0 : i32
      %scan3A_930 = arith.constant 160 : i32
      %scan3A_931 = arith.addi %scan3A_929, %scan3A_930 : i32
      %scan3A_932 = arith.constant 1 : i32
      scf.for %scan3A_1265 = %scan3A_929 to %scan3A_931 step %scan3A_932  : i32 {
        %get3A_1266 = arith.constant 0 : i32
        %get3A_1267 = arith.index_cast %get3A_1266 : i32 to index
        %get3A_1268 = memref.load %arg34[%get3A_1267] : memref<2xi32, #tpu.memory_space<smem>>
        %lt3A_1269 = arith.constant 301 : i32
        %lt3A_1270 = arith.cmpi slt, %get3A_1268, %lt3A_1269 : i32
        %get3A_1271 = arith.constant 1 : i32
        %get3A_1272 = arith.index_cast %get3A_1271 : i32 to index
        %get3A_1273 = memref.load %arg34[%get3A_1272] : memref<2xi32, #tpu.memory_space<smem>>
        %eq3A_1274 = arith.constant 0 : i32
        %eq3A_1275 = arith.cmpi eq, %get3A_1273, %eq3A_1274 : i32
        %and3A = arith.andi %lt3A_1270, %eq3A_1275 : i1
        %convert_element_type3A_1276 = arith.extui %and3A : i1 to i32
        %cond3A_1277 = arith.constant 0 : i32
        %cond3A_1278 = arith.cmpi ne, %convert_element_type3A_1276, %cond3A_1277 : i32
        scf.if %cond3A_1278 {
          %scan3A_1279 = arith.constant 0 : i32
          %scan3A_1280 = arith.constant 0 : i32
          %scan3A_1281 = arith.constant 128 : i32
          %scan3A_1282 = arith.addi %scan3A_1280, %scan3A_1281 : i32
          %scan3A_1283 = arith.constant 1 : i32
          scf.for %scan3A_1285 = %scan3A_1280 to %scan3A_1282 step %scan3A_1283  : i32 {
            %get3A_1286 = arith.constant 0 : i32
            %get3A_1287 = arith.index_cast %get3A_1286 : i32 to index
            %get3A_1288 = memref.load %arg34[%get3A_1287] : memref<2xi32, #tpu.memory_space<smem>>
            %lt3A_1289 = arith.constant 301 : i32
            %lt3A_1290 = arith.cmpi slt, %get3A_1288, %lt3A_1289 : i32
            %get3A_1291 = arith.constant 1 : i32
            %get3A_1292 = arith.index_cast %get3A_1291 : i32 to index
            %get3A_1293 = memref.load %arg34[%get3A_1292] : memref<2xi32, #tpu.memory_space<smem>>
            %eq3A_1294 = arith.constant 0 : i32
            %eq3A_1295 = arith.cmpi eq, %get3A_1293, %eq3A_1294 : i32
            %and3A_1296 = arith.andi %lt3A_1290, %eq3A_1295 : i1
            %convert_element_type3A_1297 = arith.extui %and3A_1296 : i1 to i32
            %cond3A_1298 = arith.constant 0 : i32
            %cond3A_1299 = arith.cmpi ne, %convert_element_type3A_1297, %cond3A_1298 : i32
            scf.if %cond3A_1299 {
              %get3A_1300 = arith.constant 0 : index
              %get3A_1301 = tpu.vector_load %arg22[%get3A_1300] {strides = array<i32>} : memref<96xf32, #tpu.memory_space<vmem>>, vector<16xf32>,
              %get3A_1302 = vector.shape_cast %get3A_1301 : vector<16xf32> to vector<16xf32>
              %get3A_1303 = arith.constant 16 : index
              %get3A_1304 = tpu.vector_load %arg22[%get3A_1303] {strides = array<i32>} : memref<96xf32, #tpu.memory_space<vmem>>, vector<16xf32>,
              %get3A_1305 = vector.shape_cast %get3A_1304 : vector<16xf32> to vector<16xf32>
              %get3A_1306 = arith.constant 32 : index
              %get3A_1307 = tpu.vector_load %arg22[%get3A_1306] {strides = array<i32>} : memref<96xf32, #tpu.memory_space<vmem>>, vector<16xf32>,
              %get3A_1308 = vector.shape_cast %get3A_1307 : vector<16xf32> to vector<16xf32>
              %get3A_1309 = arith.constant 48 : index
              %get3A_1310 = tpu.vector_load %arg22[%get3A_1309] {strides = array<i32>} : memref<96xf32, #tpu.memory_space<vmem>>, vector<16xf32>,
              %get3A_1311 = vector.shape_cast %get3A_1310 : vector<16xf32> to vector<16xf32>
              %get3A_1312 = arith.constant 64 : index
              %get3A_1313 = tpu.vector_load %arg22[%get3A_1312] {strides = array<i32>} : memref<96xf32, #tpu.memory_space<vmem>>, vector<16xf32>,
              %get3A_1314 = vector.shape_cast %get3A_1313 : vector<16xf32> to vector<16xf32>
              %max3A_1315 = arith.maximumf %get3A_1302, %get3A_1305 : vector<16xf32>
              %max3A_1316 = arith.maximumf %max3A_1315, %get3A_1308 : vector<16xf32>
              %max3A_1317 = arith.maximumf %max3A_1316, %get3A_1311 : vector<16xf32>
              %max3A_1318 = arith.maximumf %max3A_1317, %get3A_1314 : vector<16xf32>
              %add3A_1319 = arith.constant 8 : i32
              %add3A_1320 = vector.broadcast %add3A_1319 : i32 to vector<16xi32>
              %add3A_1321 = arith.addi %iota3A, %add3A_1320 : vector<16xi32>
              %and3A_1322 = arith.constant 15 : i32
              %and3A_1323 = vector.broadcast %and3A_1322 : i32 to vector<16xi32>
              %and3A_1324 = arith.andi %add3A_1321, %and3A_1323 : vector<16xi32>
              %broadcast_in_dim3A_1325 = vector.shape_cast %and3A_1324 : vector<16xi32> to vector<16x1xi32>
              %gather3A = vector.shape_cast %broadcast_in_dim3A_1325 : vector<16x1xi32> to vector<16xi32>
              %gather3A_1326 = tpu.dynamic_gather %max3A_1318[%gather3A] in [0] : vector<16xf32>, vector<16xi32> -> vector<16xf32>
              %max3A_1327 = arith.maximumf %max3A_1318, %gather3A_1326 : vector<16xf32>
              %add3A_1328 = arith.constant 4 : i32
              %add3A_1329 = vector.broadcast %add3A_1328 : i32 to vector<16xi32>
              %add3A_1330 = arith.addi %iota3A, %add3A_1329 : vector<16xi32>
              %and3A_1331 = arith.constant 15 : i32
              %and3A_1332 = vector.broadcast %and3A_1331 : i32 to vector<16xi32>
              %and3A_1333 = arith.andi %add3A_1330, %and3A_1332 : vector<16xi32>
              %broadcast_in_dim3A_1334 = vector.shape_cast %and3A_1333 : vector<16xi32> to vector<16x1xi32>
              %gather3A_1335 = vector.shape_cast %broadcast_in_dim3A_1334 : vector<16x1xi32> to vector<16xi32>
              %gather3A_1336 = tpu.dynamic_gather %max3A_1327[%gather3A_1335] in [0] : vector<16xf32>, vector<16xi32> -> vector<16xf32>
              %max3A_1337 = arith.maximumf %max3A_1327, %gather3A_1336 : vector<16xf32>
              %add3A_1338 = arith.constant 2 : i32
              %add3A_1339 = vector.broadcast %add3A_1338 : i32 to vector<16xi32>
              %add3A_1340 = arith.addi %iota3A, %add3A_1339 : vector<16xi32>
              %and3A_1341 = arith.constant 15 : i32
              %and3A_1342 = vector.broadcast %and3A_1341 : i32 to vector<16xi32>
              %and3A_1343 = arith.andi %add3A_1340, %and3A_1342 : vector<16xi32>
              %broadcast_in_dim3A_1344 = vector.shape_cast %and3A_1343 : vector<16xi32> to vector<16x1xi32>
              %gather3A_1345 = vector.shape_cast %broadcast_in_dim3A_1344 : vector<16x1xi32> to vector<16xi32>
              %gather3A_1346 = tpu.dynamic_gather %max3A_1337[%gather3A_1345] in [0] : vector<16xf32>, vector<16xi32> -> vector<16xf32>
              %max3A_1347 = arith.maximumf %max3A_1337, %gather3A_1346 : vector<16xf32>
              %add3A_1348 = arith.constant 1 : i32
              %add3A_1349 = vector.broadcast %add3A_1348 : i32 to vector<16xi32>
              %add3A_1350 = arith.addi %iota3A, %add3A_1349 : vector<16xi32>
              %and3A_1351 = arith.constant 15 : i32
              %and3A_1352 = vector.broadcast %and3A_1351 : i32 to vector<16xi32>
              %and3A_1353 = arith.andi %add3A_1350, %and3A_1352 : vector<16xi32>
              %broadcast_in_dim3A_1354 = vector.shape_cast %and3A_1353 : vector<16xi32> to vector<16x1xi32>
              %gather3A_1355 = vector.shape_cast %broadcast_in_dim3A_1354 : vector<16x1xi32> to vector<16xi32>
              %gather3A_1356 = tpu.dynamic_gather %max3A_1347[%gather3A_1355] in [0] : vector<16xf32>, vector<16xi32> -> vector<16xf32>
              %max3A_1357 = arith.maximumf %max3A_1347, %gather3A_1356 : vector<16xf32>
              %slice3A = vector.extract_strided_slice %max3A_1357 {offsets = [0], sizes = [1], strides = [1]} : vector<16xf32> to vector<1xf32>
              %squeeze3A = vector.extract %slice3A[0] : f32 from vector<1xf32>
              %eq3A_1358 = arith.cmpf oeq, %squeeze3A, %cond3A : f32
              %convert_element_type3A_1359 = arith.extui %eq3A_1358 : i1 to i32
              %cond3A_1360 = arith.constant 0 : i32
              %cond3A_1361 = arith.cmpi ne, %convert_element_type3A_1359, %cond3A_1360 : i32
              scf.if %cond3A_1361 {
                %swap3A_1365 = arith.constant 1 : i32
                %swap3A_1366 = arith.constant 1 : i32
                %swap3A_1367 = arith.index_cast %swap3A_1366 : i32 to index
                %swap3A_1368 = memref.load %arg34[%swap3A_1367] : memref<2xi32, #tpu.memory_space<smem>>
                memref.store %swap3A_1365, %arg34[%swap3A_1367] : memref<2xi32, #tpu.memory_space<smem>>
              } else {
              }
              %gt3A = arith.cmpf ogt, %squeeze3A, %cond3A : f32
              %convert_element_type3A_1362 = arith.extui %gt3A : i1 to i32
              %cond3A_1363 = arith.constant 0 : i32
              %cond3A_1364 = arith.cmpi ne, %convert_element_type3A_1362, %cond3A_1363 : i32
              scf.if %cond3A_1364 {
                %eq3A_1365 = vector.broadcast %squeeze3A : f32 to vector<16xf32>
                %eq3A_1366 = arith.cmpf oeq, %get3A_1302, %eq3A_1365 : vector<16xf32>
                %add3A_1367 = arith.constant 0 : i32
                %add3A_1368 = vector.broadcast %add3A_1367 : i32 to vector<16xi32>
                %add3A_1369 = arith.addi %iota3A, %add3A_1368 : vector<16xi32>
                %jit3A_1370 = arith.constant 9999 : i32
                %broadcast_in_dim3A_1371 = vector.broadcast %jit3A_1370 : i32 to vector<16xi32>
                %select_n3A_1372 = arith.select %eq3A_1366, %add3A_1369, %broadcast_in_dim3A_1371 : vector<16xi1>, vector<16xi32>
                %min3A = arith.minsi %broadcast_in_dim3A_927, %select_n3A_1372 : vector<16xi32>
                %eq3A_1373 = vector.broadcast %squeeze3A : f32 to vector<16xf32>
                %eq3A_1374 = arith.cmpf oeq, %get3A_1305, %eq3A_1373 : vector<16xf32>
                %add3A_1375 = arith.constant 16 : i32
                %add3A_1376 = vector.broadcast %add3A_1375 : i32 to vector<16xi32>
                %add3A_1377 = arith.addi %iota3A, %add3A_1376 : vector<16xi32>
                %jit3A_1378 = arith.constant 9999 : i32
                %broadcast_in_dim3A_1379 = vector.broadcast %jit3A_1378 : i32 to vector<16xi32>
                %select_n3A_1380 = arith.select %eq3A_1374, %add3A_1377, %broadcast_in_dim3A_1379 : vector<16xi1>, vector<16xi32>
                %min3A_1381 = arith.minsi %min3A, %select_n3A_1380 : vector<16xi32>
                %eq3A_1382 = vector.broadcast %squeeze3A : f32 to vector<16xf32>
                %eq3A_1383 = arith.cmpf oeq, %get3A_1308, %eq3A_1382 : vector<16xf32>
                %add3A_1384 = arith.constant 32 : i32
                %add3A_1385 = vector.broadcast %add3A_1384 : i32 to vector<16xi32>
                %add3A_1386 = arith.addi %iota3A, %add3A_1385 : vector<16xi32>
                %jit3A_1387 = arith.constant 9999 : i32
                %broadcast_in_dim3A_1388 = vector.broadcast %jit3A_1387 : i32 to vector<16xi32>
                %select_n3A_1389 = arith.select %eq3A_1383, %add3A_1386, %broadcast_in_dim3A_1388 : vector<16xi1>, vector<16xi32>
                %min3A_1390 = arith.minsi %min3A_1381, %select_n3A_1389 : vector<16xi32>
                %eq3A_1391 = vector.broadcast %squeeze3A : f32 to vector<16xf32>
                %eq3A_1392 = arith.cmpf oeq, %get3A_1311, %eq3A_1391 : vector<16xf32>
                %add3A_1393 = arith.constant 48 : i32
                %add3A_1394 = vector.broadcast %add3A_1393 : i32 to vector<16xi32>
                %add3A_1395 = arith.addi %iota3A, %add3A_1394 : vector<16xi32>
                %jit3A_1396 = arith.constant 9999 : i32
                %broadcast_in_dim3A_1397 = vector.broadcast %jit3A_1396 : i32 to vector<16xi32>
                %select_n3A_1398 = arith.select %eq3A_1392, %add3A_1395, %broadcast_in_dim3A_1397 : vector<16xi1>, vector<16xi32>
                %min3A_1399 = arith.minsi %min3A_1390, %select_n3A_1398 : vector<16xi32>
                %eq3A_1400 = vector.broadcast %squeeze3A : f32 to vector<16xf32>
                %eq3A_1401 = arith.cmpf oeq, %get3A_1314, %eq3A_1400 : vector<16xf32>
                %add3A_1402 = arith.constant 64 : i32
                %add3A_1403 = vector.broadcast %add3A_1402 : i32 to vector<16xi32>
                %add3A_1404 = arith.addi %iota3A, %add3A_1403 : vector<16xi32>
                %jit3A_1405 = arith.constant 9999 : i32
                %broadcast_in_dim3A_1406 = vector.broadcast %jit3A_1405 : i32 to vector<16xi32>
                %select_n3A_1407 = arith.select %eq3A_1401, %add3A_1404, %broadcast_in_dim3A_1406 : vector<16xi1>, vector<16xi32>
                %min3A_1408 = arith.minsi %min3A_1399, %select_n3A_1407 : vector<16xi32>
                %add3A_1409 = arith.constant 8 : i32
                %add3A_1410 = vector.broadcast %add3A_1409 : i32 to vector<16xi32>
                %add3A_1411 = arith.addi %iota3A, %add3A_1410 : vector<16xi32>
                %and3A_1412 = arith.constant 15 : i32
                %and3A_1413 = vector.broadcast %and3A_1412 : i32 to vector<16xi32>
                %and3A_1414 = arith.andi %add3A_1411, %and3A_1413 : vector<16xi32>
                %broadcast_in_dim3A_1415 = vector.shape_cast %and3A_1414 : vector<16xi32> to vector<16x1xi32>
                %gather3A_1416 = vector.shape_cast %broadcast_in_dim3A_1415 : vector<16x1xi32> to vector<16xi32>
                %gather3A_1417 = tpu.dynamic_gather %min3A_1408[%gather3A_1416] in [0] : vector<16xi32>, vector<16xi32> -> vector<16xi32>
                %min3A_1418 = arith.minsi %min3A_1408, %gather3A_1417 : vector<16xi32>
                %add3A_1419 = arith.constant 4 : i32
                %add3A_1420 = vector.broadcast %add3A_1419 : i32 to vector<16xi32>
                %add3A_1421 = arith.addi %iota3A, %add3A_1420 : vector<16xi32>
                %and3A_1422 = arith.constant 15 : i32
                %and3A_1423 = vector.broadcast %and3A_1422 : i32 to vector<16xi32>
                %and3A_1424 = arith.andi %add3A_1421, %and3A_1423 : vector<16xi32>
                %broadcast_in_dim3A_1425 = vector.shape_cast %and3A_1424 : vector<16xi32> to vector<16x1xi32>
                %gather3A_1426 = vector.shape_cast %broadcast_in_dim3A_1425 : vector<16x1xi32> to vector<16xi32>
                %gather3A_1427 = tpu.dynamic_gather %min3A_1418[%gather3A_1426] in [0] : vector<16xi32>, vector<16xi32> -> vector<16xi32>
                %min3A_1428 = arith.minsi %min3A_1418, %gather3A_1427 : vector<16xi32>
                %add3A_1429 = arith.constant 2 : i32
                %add3A_1430 = vector.broadcast %add3A_1429 : i32 to vector<16xi32>
                %add3A_1431 = arith.addi %iota3A, %add3A_1430 : vector<16xi32>
                %and3A_1432 = arith.constant 15 : i32
                %and3A_1433 = vector.broadcast %and3A_1432 : i32 to vector<16xi32>
                %and3A_1434 = arith.andi %add3A_1431, %and3A_1433 : vector<16xi32>
                %broadcast_in_dim3A_1435 = vector.shape_cast %and3A_1434 : vector<16xi32> to vector<16x1xi32>
                %gather3A_1436 = vector.shape_cast %broadcast_in_dim3A_1435 : vector<16x1xi32> to vector<16xi32>
                %gather3A_1437 = tpu.dynamic_gather %min3A_1428[%gather3A_1436] in [0] : vector<16xi32>, vector<16xi32> -> vector<16xi32>
                %min3A_1438 = arith.minsi %min3A_1428, %gather3A_1437 : vector<16xi32>
                %add3A_1439 = arith.constant 1 : i32
                %add3A_1440 = vector.broadcast %add3A_1439 : i32 to vector<16xi32>
                %add3A_1441 = arith.addi %iota3A, %add3A_1440 : vector<16xi32>
                %and3A_1442 = arith.constant 15 : i32
                %and3A_1443 = vector.broadcast %and3A_1442 : i32 to vector<16xi32>
                %and3A_1444 = arith.andi %add3A_1441, %and3A_1443 : vector<16xi32>
                %broadcast_in_dim3A_1445 = vector.shape_cast %and3A_1444 : vector<16xi32> to vector<16x1xi32>
                %gather3A_1446 = vector.shape_cast %broadcast_in_dim3A_1445 : vector<16x1xi32> to vector<16xi32>
                %gather3A_1447 = tpu.dynamic_gather %min3A_1438[%gather3A_1446] in [0] : vector<16xi32>, vector<16xi32> -> vector<16xi32>
                %min3A_1448 = arith.minsi %min3A_1438, %gather3A_1447 : vector<16xi32>
                %slice3A_1449 = vector.extract_strided_slice %min3A_1448 {offsets = [0], sizes = [1], strides = [1]} : vector<16xi32> to vector<1xi32>
                %squeeze3A_1450 = vector.extract %slice3A_1449[0] : i32 from vector<1xi32>
                %mul3A_1451 = arith.constant 16 : i32
                %mul3A_1452 = arith.muli %squeeze3A_1450, %mul3A_1451 : i32
                %get3A_1453 = arith.index_cast %mul3A_1452 : i32 to index
                %get3A_1454 = tpu.vector_load %arg21[%get3A_1453] {strides = array<i32>} : memref<1296xf32, #tpu.memory_space<vmem>>, vector<16xf32>,
                %get3A_1455 = vector.shape_cast %get3A_1454 : vector<16xf32> to vector<16xf32>
                %eq3A_1456 = vector.broadcast %squeeze3A : f32 to vector<16xf32>
                %eq3A_1457 = arith.cmpf oeq, %get3A_1455, %eq3A_1456 : vector<16xf32>
                %jit3A_1458 = arith.constant 9999 : i32
                %broadcast_in_dim3A_1459 = vector.broadcast %jit3A_1458 : i32 to vector<16xi32>
                %select_n3A_1460 = arith.select %eq3A_1457, %iota3A, %broadcast_in_dim3A_1459 : vector<16xi1>, vector<16xi32>
                %add3A_1461 = arith.constant 8 : i32
                %add3A_1462 = vector.broadcast %add3A_1461 : i32 to vector<16xi32>
                %add3A_1463 = arith.addi %iota3A, %add3A_1462 : vector<16xi32>
                %and3A_1464 = arith.constant 15 : i32
                %and3A_1465 = vector.broadcast %and3A_1464 : i32 to vector<16xi32>
                %and3A_1466 = arith.andi %add3A_1463, %and3A_1465 : vector<16xi32>
                %broadcast_in_dim3A_1467 = vector.shape_cast %and3A_1466 : vector<16xi32> to vector<16x1xi32>
                %gather3A_1468 = vector.shape_cast %broadcast_in_dim3A_1467 : vector<16x1xi32> to vector<16xi32>
                %gather3A_1469 = tpu.dynamic_gather %select_n3A_1460[%gather3A_1468] in [0] : vector<16xi32>, vector<16xi32> -> vector<16xi32>
                %min3A_1470 = arith.minsi %select_n3A_1460, %gather3A_1469 : vector<16xi32>
                %add3A_1471 = arith.constant 4 : i32
                %add3A_1472 = vector.broadcast %add3A_1471 : i32 to vector<16xi32>
                %add3A_1473 = arith.addi %iota3A, %add3A_1472 : vector<16xi32>
                %and3A_1474 = arith.constant 15 : i32
                %and3A_1475 = vector.broadcast %and3A_1474 : i32 to vector<16xi32>
                %and3A_1476 = arith.andi %add3A_1473, %and3A_1475 : vector<16xi32>
                %broadcast_in_dim3A_1477 = vector.shape_cast %and3A_1476 : vector<16xi32> to vector<16x1xi32>
                %gather3A_1478 = vector.shape_cast %broadcast_in_dim3A_1477 : vector<16x1xi32> to vector<16xi32>
                %gather3A_1479 = tpu.dynamic_gather %min3A_1470[%gather3A_1478] in [0] : vector<16xi32>, vector<16xi32> -> vector<16xi32>
                %min3A_1480 = arith.minsi %min3A_1470, %gather3A_1479 : vector<16xi32>
                %add3A_1481 = arith.constant 2 : i32
                %add3A_1482 = vector.broadcast %add3A_1481 : i32 to vector<16xi32>
                %add3A_1483 = arith.addi %iota3A, %add3A_1482 : vector<16xi32>
                %and3A_1484 = arith.constant 15 : i32
                %and3A_1485 = vector.broadcast %and3A_1484 : i32 to vector<16xi32>
                %and3A_1486 = arith.andi %add3A_1483, %and3A_1485 : vector<16xi32>
                %broadcast_in_dim3A_1487 = vector.shape_cast %and3A_1486 : vector<16xi32> to vector<16x1xi32>
                %gather3A_1488 = vector.shape_cast %broadcast_in_dim3A_1487 : vector<16x1xi32> to vector<16xi32>
                %gather3A_1489 = tpu.dynamic_gather %min3A_1480[%gather3A_1488] in [0] : vector<16xi32>, vector<16xi32> -> vector<16xi32>
                %min3A_1490 = arith.minsi %min3A_1480, %gather3A_1489 : vector<16xi32>
                %add3A_1491 = arith.constant 1 : i32
                %add3A_1492 = vector.broadcast %add3A_1491 : i32 to vector<16xi32>
                %add3A_1493 = arith.addi %iota3A, %add3A_1492 : vector<16xi32>
                %and3A_1494 = arith.constant 15 : i32
                %and3A_1495 = vector.broadcast %and3A_1494 : i32 to vector<16xi32>
                %and3A_1496 = arith.andi %add3A_1493, %and3A_1495 : vector<16xi32>
                %broadcast_in_dim3A_1497 = vector.shape_cast %and3A_1496 : vector<16xi32> to vector<16x1xi32>
                %gather3A_1498 = vector.shape_cast %broadcast_in_dim3A_1497 : vector<16x1xi32> to vector<16xi32>
                %gather3A_1499 = tpu.dynamic_gather %min3A_1490[%gather3A_1498] in [0] : vector<16xi32>, vector<16xi32> -> vector<16xi32>
                %min3A_1500 = arith.minsi %min3A_1490, %gather3A_1499 : vector<16xi32>
                %slice3A_1501 = vector.extract_strided_slice %min3A_1500 {offsets = [0], sizes = [1], strides = [1]} : vector<16xi32> to vector<1xi32>
                %squeeze3A_1502 = vector.extract %slice3A_1501[0] : i32 from vector<1xi32>
                %mul3A_1503 = arith.constant 16 : i32
                %mul3A_1504 = arith.muli %squeeze3A_1450, %mul3A_1503 : i32
                %add3A_1505 = arith.addi %mul3A_1504, %squeeze3A_1502 : i32
                %mul3A_1506 = arith.constant 16 : i32
                %mul3A_1507 = arith.muli %add3A_1505, %mul3A_1506 : i32
                %get3A_1508 = arith.index_cast %mul3A_1507 : i32 to index
                %get3A_1509 = tpu.vector_load %arg16[%get3A_1508] {strides = array<i32>} : memref<20496xf32, #tpu.memory_space<vmem>>, vector<16xf32>,
                %get3A_1510 = vector.shape_cast %get3A_1509 : vector<16xf32> to vector<16xf32>
                %eq3A_1511 = vector.broadcast %squeeze3A : f32 to vector<16xf32>
                %eq3A_1512 = arith.cmpf oeq, %get3A_1510, %eq3A_1511 : vector<16xf32>
                %jit3A_1513 = arith.constant 9999 : i32
                %broadcast_in_dim3A_1514 = vector.broadcast %jit3A_1513 : i32 to vector<16xi32>
                %select_n3A_1515 = arith.select %eq3A_1512, %iota3A, %broadcast_in_dim3A_1514 : vector<16xi1>, vector<16xi32>
                %add3A_1516 = arith.constant 8 : i32
                %add3A_1517 = vector.broadcast %add3A_1516 : i32 to vector<16xi32>
                %add3A_1518 = arith.addi %iota3A, %add3A_1517 : vector<16xi32>
                %and3A_1519 = arith.constant 15 : i32
                %and3A_1520 = vector.broadcast %and3A_1519 : i32 to vector<16xi32>
                %and3A_1521 = arith.andi %add3A_1518, %and3A_1520 : vector<16xi32>
                %broadcast_in_dim3A_1522 = vector.shape_cast %and3A_1521 : vector<16xi32> to vector<16x1xi32>
                %gather3A_1523 = vector.shape_cast %broadcast_in_dim3A_1522 : vector<16x1xi32> to vector<16xi32>
                %gather3A_1524 = tpu.dynamic_gather %select_n3A_1515[%gather3A_1523] in [0] : vector<16xi32>, vector<16xi32> -> vector<16xi32>
                %min3A_1525 = arith.minsi %select_n3A_1515, %gather3A_1524 : vector<16xi32>
                %add3A_1526 = arith.constant 4 : i32
                %add3A_1527 = vector.broadcast %add3A_1526 : i32 to vector<16xi32>
                %add3A_1528 = arith.addi %iota3A, %add3A_1527 : vector<16xi32>
                %and3A_1529 = arith.constant 15 : i32
                %and3A_1530 = vector.broadcast %and3A_1529 : i32 to vector<16xi32>
                %and3A_1531 = arith.andi %add3A_1528, %and3A_1530 : vector<16xi32>
                %broadcast_in_dim3A_1532 = vector.shape_cast %and3A_1531 : vector<16xi32> to vector<16x1xi32>
                %gather3A_1533 = vector.shape_cast %broadcast_in_dim3A_1532 : vector<16x1xi32> to vector<16xi32>
                %gather3A_1534 = tpu.dynamic_gather %min3A_1525[%gather3A_1533] in [0] : vector<16xi32>, vector<16xi32> -> vector<16xi32>
                %min3A_1535 = arith.minsi %min3A_1525, %gather3A_1534 : vector<16xi32>
                %add3A_1536 = arith.constant 2 : i32
                %add3A_1537 = vector.broadcast %add3A_1536 : i32 to vector<16xi32>
                %add3A_1538 = arith.addi %iota3A, %add3A_1537 : vector<16xi32>
                %and3A_1539 = arith.constant 15 : i32
                %and3A_1540 = vector.broadcast %and3A_1539 : i32 to vector<16xi32>
                %and3A_1541 = arith.andi %add3A_1538, %and3A_1540 : vector<16xi32>
                %broadcast_in_dim3A_1542 = vector.shape_cast %and3A_1541 : vector<16xi32> to vector<16x1xi32>
                %gather3A_1543 = vector.shape_cast %broadcast_in_dim3A_1542 : vector<16x1xi32> to vector<16xi32>
                %gather3A_1544 = tpu.dynamic_gather %min3A_1535[%gather3A_1543] in [0] : vector<16xi32>, vector<16xi32> -> vector<16xi32>
                %min3A_1545 = arith.minsi %min3A_1535, %gather3A_1544 : vector<16xi32>
                %add3A_1546 = arith.constant 1 : i32
                %add3A_1547 = vector.broadcast %add3A_1546 : i32 to vector<16xi32>
                %add3A_1548 = arith.addi %iota3A, %add3A_1547 : vector<16xi32>
                %and3A_1549 = arith.constant 15 : i32
                %and3A_1550 = vector.broadcast %and3A_1549 : i32 to vector<16xi32>
                %and3A_1551 = arith.andi %add3A_1548, %and3A_1550 : vector<16xi32>
                %broadcast_in_dim3A_1552 = vector.shape_cast %and3A_1551 : vector<16xi32> to vector<16x1xi32>
                %gather3A_1553 = vector.shape_cast %broadcast_in_dim3A_1552 : vector<16x1xi32> to vector<16xi32>
                %gather3A_1554 = tpu.dynamic_gather %min3A_1545[%gather3A_1553] in [0] : vector<16xi32>, vector<16xi32> -> vector<16xi32>
                %min3A_1555 = arith.minsi %min3A_1545, %gather3A_1554 : vector<16xi32>
                %slice3A_1556 = vector.extract_strided_slice %min3A_1555 {offsets = [0], sizes = [1], strides = [1]} : vector<16xi32> to vector<1xi32>
                %squeeze3A_1557 = vector.extract %slice3A_1556[0] : i32 from vector<1xi32>
                %mul3A_1558 = arith.constant 16 : i32
                %mul3A_1559 = arith.muli %add3A_1505, %mul3A_1558 : i32
                %add3A_1560 = arith.addi %mul3A_1559, %squeeze3A_1557 : i32
                %get3A_1561 = arith.index_cast %add3A_1560 : i32 to index
                %get3A_1562 = tpu.vector_load %arg17[%get3A_1561] {strides = array<i32>} : memref<20496xf32, #tpu.memory_space<vmem>>, vector<16xf32>,
                %get3A_1563 = vector.shape_cast %get3A_1562 : vector<16xf32> to vector<16xf32>
                %slice3A_1564 = vector.extract_strided_slice %get3A_1563 {offsets = [0], sizes = [1], strides = [1]} : vector<16xf32> to vector<1xf32>
                %squeeze3A_1565 = vector.extract %slice3A_1564[0] : f32 from vector<1xf32>
                %get3A_1566 = arith.index_cast %add3A_1560 : i32 to index
                %get3A_1567 = tpu.vector_load %arg18[%get3A_1566] {strides = array<i32>} : memref<20496xf32, #tpu.memory_space<vmem>>, vector<16xf32>,
                %get3A_1568 = vector.shape_cast %get3A_1567 : vector<16xf32> to vector<16xf32>
                %slice3A_1569 = vector.extract_strided_slice %get3A_1568 {offsets = [0], sizes = [1], strides = [1]} : vector<16xf32> to vector<1xf32>
                %squeeze3A_1570 = vector.extract %slice3A_1569[0] : f32 from vector<1xf32>
                %get3A_1571 = arith.index_cast %add3A_1560 : i32 to index
                %get3A_1572 = tpu.vector_load %arg19[%get3A_1571] {strides = array<i32>} : memref<20496xf32, #tpu.memory_space<vmem>>, vector<16xf32>,
                %get3A_1573 = vector.shape_cast %get3A_1572 : vector<16xf32> to vector<16xf32>
                %slice3A_1574 = vector.extract_strided_slice %get3A_1573 {offsets = [0], sizes = [1], strides = [1]} : vector<16xf32> to vector<1xf32>
                %squeeze3A_1575 = vector.extract %slice3A_1574[0] : f32 from vector<1xf32>
                %get3A_1576 = arith.index_cast %add3A_1560 : i32 to index
                %get3A_1577 = tpu.vector_load %arg20[%get3A_1576] {strides = array<i32>} : memref<20496xf32, #tpu.memory_space<vmem>>, vector<16xf32>,
                %get3A_1578 = vector.shape_cast %get3A_1577 : vector<16xf32> to vector<16xf32>
                %slice3A_1579 = vector.extract_strided_slice %get3A_1578 {offsets = [0], sizes = [1], strides = [1]} : vector<16xf32> to vector<1xf32>
                %squeeze3A_1580 = vector.extract %slice3A_1579[0] : f32 from vector<1xf32>
                %sub3A = arith.subf %squeeze3A_1575, %squeeze3A_1565 : f32
                %sub3A_1581 = arith.subf %squeeze3A_1580, %squeeze3A_1570 : f32
                %mul3A_1582 = arith.mulf %sub3A, %sub3A_1581 : f32
                %add3A_1583 = arith.constant 63 : i32
                %add3A_1584 = arith.addi %get3A_1288, %add3A_1583 : i32
                %jit3A_1585 = arith.constant 64 : i32
                %div3A = arith.divsi %add3A_1584, %jit3A_1585 : i32
                %sign3A = arith.constant 0 : i32
                %sign3A_1586 = arith.cmpi sgt, %add3A_1584, %sign3A : i32
                %sign3A_1587 = arith.extui %sign3A_1586 : i1 to i32
                %sign3A_1588 = arith.constant 0 : i32
                %sign3A_1589 = arith.cmpi slt, %add3A_1584, %sign3A_1588 : i32
                %sign3A_1590 = arith.extui %sign3A_1589 : i1 to i32
                %sign3A_1591 = arith.subi %sign3A_1587, %sign3A_1590 : i32
                %sign3A_1592 = arith.constant 0 : i32
                %sign3A_1593 = arith.cmpi sgt, %jit3A_1585, %sign3A_1592 : i32
                %sign3A_1594 = arith.extui %sign3A_1593 : i1 to i32
                %sign3A_1595 = arith.constant 0 : i32
                %sign3A_1596 = arith.cmpi slt, %jit3A_1585, %sign3A_1595 : i32
                %sign3A_1597 = arith.extui %sign3A_1596 : i1 to i32
                %sign3A_1598 = arith.subi %sign3A_1594, %sign3A_1597 : i32
                %ne3A = arith.cmpi ne, %sign3A_1591, %sign3A_1598 : i32
                %rem3A = arith.remsi %add3A_1584, %jit3A_1585 : i32
                %ne3A_1599 = arith.constant 0 : i32
                %ne3A_1600 = arith.cmpi ne, %rem3A, %ne3A_1599 : i32
                %and3A_1601 = arith.andi %ne3A, %ne3A_1600 : i1
                %sub3A_1602 = arith.constant 1 : i32
                %sub3A_1603 = arith.subi %div3A, %sub3A_1602 : i32
                %select_n3A_1604 = arith.select %and3A_1601, %sub3A_1603, %div3A : i32
                %swap3A_1605 = arith.constant 0 : index
                %swap3A_1606 = tpu.vector_load %arg33[%swap3A_1605] {strides = array<i32>} : memref<16xf32, #tpu.memory_space<vmem>>, vector<16xf32>,
                %swap3A_1607 = vector.shape_cast %swap3A_1606 : vector<16xf32> to vector<16xf32>
                %swap3A_1608 = vector.shape_cast %broadcast_in_dim3A_8 : vector<16xf32> to vector<16xf32>
                tpu.vector_store %arg33[%swap3A_1605], %swap3A_1608 {strides = array<i32>} : memref<16xf32, #tpu.memory_space<vmem>>, vector<16xf32>,
                %while3A = arith.constant 0 : i32
                %while3A_1609 = arith.constant 0 : i32
                %while3A_1610 = arith.subi %select_n3A_1604, %while3A_1609 : i32
                %while3A_1611 = arith.addi %while3A_1609, %while3A_1610 : i32
                %while3A_1612 = arith.constant 1 : i32
                %while3A_1613 = arith.divsi %while3A_1610, %while3A_1612 : i32
                %while3A_1614 = arith.muli %while3A_1613, %while3A_1612 : i32
                %while3A_1615 = arith.addi %while3A_1609, %while3A_1614 : i32
                %while3A_1616 = arith.constant 1 : i32
                scf.for %while3A_1792 = %while3A_1609 to %while3A_1615 step %while3A_1616  : i32 {
                  %mul3A_1793 = arith.constant 64 : i32
                  %mul3A_1794 = arith.muli %while3A_1792, %mul3A_1793 : i32
                  %add3A_1795 = arith.constant 0 : i32
                  %add3A_1796 = arith.addi %mul3A_1794, %add3A_1795 : i32
                  %get3A_1797 = arith.index_cast %add3A_1796 : i32 to index
                  %get3A_1798 = tpu.vector_load %arg23[%get3A_1797] {strides = array<i32>} : memref<384xf32, #tpu.memory_space<vmem>>, vector<16xf32>,
                  %get3A_1799 = vector.shape_cast %get3A_1798 : vector<16xf32> to vector<16xf32>
                  %max3A_1800 = vector.broadcast %squeeze3A_1565 : f32 to vector<16xf32>
                  %max3A_1801 = arith.maximumf %get3A_1799, %max3A_1800 : vector<16xf32>
                  %get3A_1802 = arith.index_cast %add3A_1796 : i32 to index
                  %get3A_1803 = tpu.vector_load %arg24[%get3A_1802] {strides = array<i32>} : memref<384xf32, #tpu.memory_space<vmem>>, vector<16xf32>,
                  %get3A_1804 = vector.shape_cast %get3A_1803 : vector<16xf32> to vector<16xf32>
                  %max3A_1805 = vector.broadcast %squeeze3A_1570 : f32 to vector<16xf32>
                  %max3A_1806 = arith.maximumf %get3A_1804, %max3A_1805 : vector<16xf32>
                  %get3A_1807 = arith.index_cast %add3A_1796 : i32 to index
                  %get3A_1808 = tpu.vector_load %arg25[%get3A_1807] {strides = array<i32>} : memref<384xf32, #tpu.memory_space<vmem>>, vector<16xf32>,
                  %get3A_1809 = vector.shape_cast %get3A_1808 : vector<16xf32> to vector<16xf32>
                  %min3A_1810 = vector.broadcast %squeeze3A_1575 : f32 to vector<16xf32>
                  %min3A_1811 = arith.minimumf %get3A_1809, %min3A_1810 : vector<16xf32>
                  %get3A_1812 = arith.index_cast %add3A_1796 : i32 to index
                  %get3A_1813 = tpu.vector_load %arg26[%get3A_1812] {strides = array<i32>} : memref<384xf32, #tpu.memory_space<vmem>>, vector<16xf32>,
                  %get3A_1814 = vector.shape_cast %get3A_1813 : vector<16xf32> to vector<16xf32>
                  %min3A_1815 = vector.broadcast %squeeze3A_1580 : f32 to vector<16xf32>
                  %min3A_1816 = arith.minimumf %get3A_1814, %min3A_1815 : vector<16xf32>
                  %sub3A_1817 = arith.subf %min3A_1811, %max3A_1801 : vector<16xf32>
                  %max3A_1818 = arith.constant 0.000000e+00 : f32
                  %max3A_1819 = vector.broadcast %max3A_1818 : f32 to vector<16xf32>
                  %max3A_1820 = arith.maximumf %sub3A_1817, %max3A_1819 : vector<16xf32>
                  %sub3A_1821 = arith.subf %min3A_1816, %max3A_1806 : vector<16xf32>
                  %max3A_1822 = arith.constant 0.000000e+00 : f32
                  %max3A_1823 = vector.broadcast %max3A_1822 : f32 to vector<16xf32>
                  %max3A_1824 = arith.maximumf %sub3A_1821, %max3A_1823 : vector<16xf32>
                  %mul3A_1825 = arith.mulf %max3A_1820, %max3A_1824 : vector<16xf32>
                  %get3A_1826 = arith.index_cast %add3A_1796 : i32 to index
                  %get3A_1827 = tpu.vector_load %arg27[%get3A_1826] {strides = array<i32>} : memref<384xf32, #tpu.memory_space<vmem>>, vector<16xf32>,
                  %get3A_1828 = vector.shape_cast %get3A_1827 : vector<16xf32> to vector<16xf32>
                  %add3A_1829 = vector.broadcast %mul3A_1582 : f32 to vector<16xf32>
                  %add3A_1830 = arith.addf %get3A_1828, %add3A_1829 : vector<16xf32>
                  %sub3A_1831 = arith.subf %add3A_1830, %mul3A_1825 : vector<16xf32>
                  %add3A_1832 = arith.constant 9.99999971E-10 : f32
                  %add3A_1833 = vector.broadcast %add3A_1832 : f32 to vector<16xf32>
                  %add3A_1834 = arith.addf %sub3A_1831, %add3A_1833 : vector<16xf32>
                  %div3A_1835 = arith.divf %mul3A_1825, %add3A_1834 : vector<16xf32>
                  %max3A_1836 = arith.maximumf %broadcast_in_dim3A_8, %div3A_1835 : vector<16xf32>
                  %mul3A_1837 = arith.constant 64 : i32
                  %mul3A_1838 = arith.muli %while3A_1792, %mul3A_1837 : i32
                  %add3A_1839 = arith.constant 16 : i32
                  %add3A_1840 = arith.addi %mul3A_1838, %add3A_1839 : i32
                  %get3A_1841 = arith.index_cast %add3A_1840 : i32 to index
                  %get3A_1842 = tpu.vector_load %arg23[%get3A_1841] {strides = array<i32>} : memref<384xf32, #tpu.memory_space<vmem>>, vector<16xf32>,
                  %get3A_1843 = vector.shape_cast %get3A_1842 : vector<16xf32> to vector<16xf32>
                  %max3A_1844 = vector.broadcast %squeeze3A_1565 : f32 to vector<16xf32>
                  %max3A_1845 = arith.maximumf %get3A_1843, %max3A_1844 : vector<16xf32>
                  %get3A_1846 = arith.index_cast %add3A_1840 : i32 to index
                  %get3A_1847 = tpu.vector_load %arg24[%get3A_1846] {strides = array<i32>} : memref<384xf32, #tpu.memory_space<vmem>>, vector<16xf32>,
                  %get3A_1848 = vector.shape_cast %get3A_1847 : vector<16xf32> to vector<16xf32>
                  %max3A_1849 = vector.broadcast %squeeze3A_1570 : f32 to vector<16xf32>
                  %max3A_1850 = arith.maximumf %get3A_1848, %max3A_1849 : vector<16xf32>
                  %get3A_1851 = arith.index_cast %add3A_1840 : i32 to index
                  %get3A_1852 = tpu.vector_load %arg25[%get3A_1851] {strides = array<i32>} : memref<384xf32, #tpu.memory_space<vmem>>, vector<16xf32>,
                  %get3A_1853 = vector.shape_cast %get3A_1852 : vector<16xf32> to vector<16xf32>
                  %min3A_1854 = vector.broadcast %squeeze3A_1575 : f32 to vector<16xf32>
                  %min3A_1855 = arith.minimumf %get3A_1853, %min3A_1854 : vector<16xf32>
                  %get3A_1856 = arith.index_cast %add3A_1840 : i32 to index
                  %get3A_1857 = tpu.vector_load %arg26[%get3A_1856] {strides = array<i32>} : memref<384xf32, #tpu.memory_space<vmem>>, vector<16xf32>,
                  %get3A_1858 = vector.shape_cast %get3A_1857 : vector<16xf32> to vector<16xf32>
                  %min3A_1859 = vector.broadcast %squeeze3A_1580 : f32 to vector<16xf32>
                  %min3A_1860 = arith.minimumf %get3A_1858, %min3A_1859 : vector<16xf32>
                  %sub3A_1861 = arith.subf %min3A_1855, %max3A_1845 : vector<16xf32>
                  %max3A_1862 = arith.constant 0.000000e+00 : f32
                  %max3A_1863 = vector.broadcast %max3A_1862 : f32 to vector<16xf32>
                  %max3A_1864 = arith.maximumf %sub3A_1861, %max3A_1863 : vector<16xf32>
                  %sub3A_1865 = arith.subf %min3A_1860, %max3A_1850 : vector<16xf32>
                  %max3A_1866 = arith.constant 0.000000e+00 : f32
                  %max3A_1867 = vector.broadcast %max3A_1866 : f32 to vector<16xf32>
                  %max3A_1868 = arith.maximumf %sub3A_1865, %max3A_1867 : vector<16xf32>
                  %mul3A_1869 = arith.mulf %max3A_1864, %max3A_1868 : vector<16xf32>
                  %get3A_1870 = arith.index_cast %add3A_1840 : i32 to index
                  %get3A_1871 = tpu.vector_load %arg27[%get3A_1870] {strides = array<i32>} : memref<384xf32, #tpu.memory_space<vmem>>, vector<16xf32>,
                  %get3A_1872 = vector.shape_cast %get3A_1871 : vector<16xf32> to vector<16xf32>
                  %add3A_1873 = vector.broadcast %mul3A_1582 : f32 to vector<16xf32>
                  %add3A_1874 = arith.addf %get3A_1872, %add3A_1873 : vector<16xf32>
                  %sub3A_1875 = arith.subf %add3A_1874, %mul3A_1869 : vector<16xf32>
                  %add3A_1876 = arith.constant 9.99999971E-10 : f32
                  %add3A_1877 = vector.broadcast %add3A_1876 : f32 to vector<16xf32>
                  %add3A_1878 = arith.addf %sub3A_1875, %add3A_1877 : vector<16xf32>
                  %div3A_1879 = arith.divf %mul3A_1869, %add3A_1878 : vector<16xf32>
                  %max3A_1880 = arith.maximumf %max3A_1836, %div3A_1879 : vector<16xf32>
                  %mul3A_1881 = arith.constant 64 : i32
                  %mul3A_1882 = arith.muli %while3A_1792, %mul3A_1881 : i32
                  %add3A_1883 = arith.constant 32 : i32
                  %add3A_1884 = arith.addi %mul3A_1882, %add3A_1883 : i32
                  %get3A_1885 = arith.index_cast %add3A_1884 : i32 to index
                  %get3A_1886 = tpu.vector_load %arg23[%get3A_1885] {strides = array<i32>} : memref<384xf32, #tpu.memory_space<vmem>>, vector<16xf32>,
                  %get3A_1887 = vector.shape_cast %get3A_1886 : vector<16xf32> to vector<16xf32>
                  %max3A_1888 = vector.broadcast %squeeze3A_1565 : f32 to vector<16xf32>
                  %max3A_1889 = arith.maximumf %get3A_1887, %max3A_1888 : vector<16xf32>
                  %get3A_1890 = arith.index_cast %add3A_1884 : i32 to index
                  %get3A_1891 = tpu.vector_load %arg24[%get3A_1890] {strides = array<i32>} : memref<384xf32, #tpu.memory_space<vmem>>, vector<16xf32>,
                  %get3A_1892 = vector.shape_cast %get3A_1891 : vector<16xf32> to vector<16xf32>
                  %max3A_1893 = vector.broadcast %squeeze3A_1570 : f32 to vector<16xf32>
                  %max3A_1894 = arith.maximumf %get3A_1892, %max3A_1893 : vector<16xf32>
                  %get3A_1895 = arith.index_cast %add3A_1884 : i32 to index
                  %get3A_1896 = tpu.vector_load %arg25[%get3A_1895] {strides = array<i32>} : memref<384xf32, #tpu.memory_space<vmem>>, vector<16xf32>,
                  %get3A_1897 = vector.shape_cast %get3A_1896 : vector<16xf32> to vector<16xf32>
                  %min3A_1898 = vector.broadcast %squeeze3A_1575 : f32 to vector<16xf32>
                  %min3A_1899 = arith.minimumf %get3A_1897, %min3A_1898 : vector<16xf32>
                  %get3A_1900 = arith.index_cast %add3A_1884 : i32 to index
                  %get3A_1901 = tpu.vector_load %arg26[%get3A_1900] {strides = array<i32>} : memref<384xf32, #tpu.memory_space<vmem>>, vector<16xf32>,
                  %get3A_1902 = vector.shape_cast %get3A_1901 : vector<16xf32> to vector<16xf32>
                  %min3A_1903 = vector.broadcast %squeeze3A_1580 : f32 to vector<16xf32>
                  %min3A_1904 = arith.minimumf %get3A_1902, %min3A_1903 : vector<16xf32>
                  %sub3A_1905 = arith.subf %min3A_1899, %max3A_1889 : vector<16xf32>
                  %max3A_1906 = arith.constant 0.000000e+00 : f32
                  %max3A_1907 = vector.broadcast %max3A_1906 : f32 to vector<16xf32>
                  %max3A_1908 = arith.maximumf %sub3A_1905, %max3A_1907 : vector<16xf32>
                  %sub3A_1909 = arith.subf %min3A_1904, %max3A_1894 : vector<16xf32>
                  %max3A_1910 = arith.constant 0.000000e+00 : f32
                  %max3A_1911 = vector.broadcast %max3A_1910 : f32 to vector<16xf32>
                  %max3A_1912 = arith.maximumf %sub3A_1909, %max3A_1911 : vector<16xf32>
                  %mul3A_1913 = arith.mulf %max3A_1908, %max3A_1912 : vector<16xf32>
                  %get3A_1914 = arith.index_cast %add3A_1884 : i32 to index
                  %get3A_1915 = tpu.vector_load %arg27[%get3A_1914] {strides = array<i32>} : memref<384xf32, #tpu.memory_space<vmem>>, vector<16xf32>,
                  %get3A_1916 = vector.shape_cast %get3A_1915 : vector<16xf32> to vector<16xf32>
                  %add3A_1917 = vector.broadcast %mul3A_1582 : f32 to vector<16xf32>
                  %add3A_1918 = arith.addf %get3A_1916, %add3A_1917 : vector<16xf32>
                  %sub3A_1919 = arith.subf %add3A_1918, %mul3A_1913 : vector<16xf32>
                  %add3A_1920 = arith.constant 9.99999971E-10 : f32
                  %add3A_1921 = vector.broadcast %add3A_1920 : f32 to vector<16xf32>
                  %add3A_1922 = arith.addf %sub3A_1919, %add3A_1921 : vector<16xf32>
                  %div3A_1923 = arith.divf %mul3A_1913, %add3A_1922 : vector<16xf32>
                  %max3A_1924 = arith.maximumf %max3A_1880, %div3A_1923 : vector<16xf32>
                  %mul3A_1925 = arith.constant 64 : i32
                  %mul3A_1926 = arith.muli %while3A_1792, %mul3A_1925 : i32
                  %add3A_1927 = arith.constant 48 : i32
                  %add3A_1928 = arith.addi %mul3A_1926, %add3A_1927 : i32
                  %get3A_1929 = arith.index_cast %add3A_1928 : i32 to index
                  %get3A_1930 = tpu.vector_load %arg23[%get3A_1929] {strides = array<i32>} : memref<384xf32, #tpu.memory_space<vmem>>, vector<16xf32>,
                  %get3A_1931 = vector.shape_cast %get3A_1930 : vector<16xf32> to vector<16xf32>
                  %max3A_1932 = vector.broadcast %squeeze3A_1565 : f32 to vector<16xf32>
                  %max3A_1933 = arith.maximumf %get3A_1931, %max3A_1932 : vector<16xf32>
                  %get3A_1934 = arith.index_cast %add3A_1928 : i32 to index
                  %get3A_1935 = tpu.vector_load %arg24[%get3A_1934] {strides = array<i32>} : memref<384xf32, #tpu.memory_space<vmem>>, vector<16xf32>,
                  %get3A_1936 = vector.shape_cast %get3A_1935 : vector<16xf32> to vector<16xf32>
                  %max3A_1937 = vector.broadcast %squeeze3A_1570 : f32 to vector<16xf32>
                  %max3A_1938 = arith.maximumf %get3A_1936, %max3A_1937 : vector<16xf32>
                  %get3A_1939 = arith.index_cast %add3A_1928 : i32 to index
                  %get3A_1940 = tpu.vector_load %arg25[%get3A_1939] {strides = array<i32>} : memref<384xf32, #tpu.memory_space<vmem>>, vector<16xf32>,
                  %get3A_1941 = vector.shape_cast %get3A_1940 : vector<16xf32> to vector<16xf32>
                  %min3A_1942 = vector.broadcast %squeeze3A_1575 : f32 to vector<16xf32>
                  %min3A_1943 = arith.minimumf %get3A_1941, %min3A_1942 : vector<16xf32>
                  %get3A_1944 = arith.index_cast %add3A_1928 : i32 to index
                  %get3A_1945 = tpu.vector_load %arg26[%get3A_1944] {strides = array<i32>} : memref<384xf32, #tpu.memory_space<vmem>>, vector<16xf32>,
                  %get3A_1946 = vector.shape_cast %get3A_1945 : vector<16xf32> to vector<16xf32>
                  %min3A_1947 = vector.broadcast %squeeze3A_1580 : f32 to vector<16xf32>
                  %min3A_1948 = arith.minimumf %get3A_1946, %min3A_1947 : vector<16xf32>
                  %sub3A_1949 = arith.subf %min3A_1943, %max3A_1933 : vector<16xf32>
                  %max3A_1950 = arith.constant 0.000000e+00 : f32
                  %max3A_1951 = vector.broadcast %max3A_1950 : f32 to vector<16xf32>
                  %max3A_1952 = arith.maximumf %sub3A_1949, %max3A_1951 : vector<16xf32>
                  %sub3A_1953 = arith.subf %min3A_1948, %max3A_1938 : vector<16xf32>
                  %max3A_1954 = arith.constant 0.000000e+00 : f32
                  %max3A_1955 = vector.broadcast %max3A_1954 : f32 to vector<16xf32>
                  %max3A_1956 = arith.maximumf %sub3A_1953, %max3A_1955 : vector<16xf32>
                  %mul3A_1957 = arith.mulf %max3A_1952, %max3A_1956 : vector<16xf32>
                  %get3A_1958 = arith.index_cast %add3A_1928 : i32 to index
                  %get3A_1959 = tpu.vector_load %arg27[%get3A_1958] {strides = array<i32>} : memref<384xf32, #tpu.memory_space<vmem>>, vector<16xf32>,
                  %get3A_1960 = vector.shape_cast %get3A_1959 : vector<16xf32> to vector<16xf32>
                  %add3A_1961 = vector.broadcast %mul3A_1582 : f32 to vector<16xf32>
                  %add3A_1962 = arith.addf %get3A_1960, %add3A_1961 : vector<16xf32>
                  %sub3A_1963 = arith.subf %add3A_1962, %mul3A_1957 : vector<16xf32>
                  %add3A_1964 = arith.constant 9.99999971E-10 : f32
                  %add3A_1965 = vector.broadcast %add3A_1964 : f32 to vector<16xf32>
                  %add3A_1966 = arith.addf %sub3A_1963, %add3A_1965 : vector<16xf32>
                  %div3A_1967 = arith.divf %mul3A_1957, %add3A_1966 : vector<16xf32>
                  %max3A_1968 = arith.maximumf %max3A_1924, %div3A_1967 : vector<16xf32>
                  %get3A_1969 = arith.constant 0 : index
                  %get3A_1970 = tpu.vector_load %arg33[%get3A_1969] {strides = array<i32>} : memref<16xf32, #tpu.memory_space<vmem>>, vector<16xf32>,
                  %get3A_1971 = vector.shape_cast %get3A_1970 : vector<16xf32> to vector<16xf32>
                  %max3A_1972 = arith.maximumf %get3A_1971, %max3A_1968 : vector<16xf32>
                  %swap3A_1973 = arith.constant 0 : index
                  %swap3A_1974 = tpu.vector_load %arg33[%swap3A_1973] {strides = array<i32>} : memref<16xf32, #tpu.memory_space<vmem>>, vector<16xf32>,
                  %swap3A_1975 = vector.shape_cast %swap3A_1974 : vector<16xf32> to vector<16xf32>
                  %swap3A_1976 = vector.shape_cast %max3A_1972 : vector<16xf32> to vector<16xf32>
                  tpu.vector_store %arg33[%swap3A_1973], %swap3A_1976 {strides = array<i32>} : memref<16xf32, #tpu.memory_space<vmem>>, vector<16xf32>,
                }
                %while3A_1617 = arith.constant 1 : i32
                scf.for %while3A_1792 = %while3A_1615 to %while3A_1611 step %while3A_1617  : i32 {
                  %mul3A_1793 = arith.constant 64 : i32
                  %mul3A_1794 = arith.muli %while3A_1792, %mul3A_1793 : i32
                  %add3A_1795 = arith.constant 0 : i32
                  %add3A_1796 = arith.addi %mul3A_1794, %add3A_1795 : i32
                  %get3A_1797 = arith.index_cast %add3A_1796 : i32 to index
                  %get3A_1798 = tpu.vector_load %arg23[%get3A_1797] {strides = array<i32>} : memref<384xf32, #tpu.memory_space<vmem>>, vector<16xf32>,
                  %get3A_1799 = vector.shape_cast %get3A_1798 : vector<16xf32> to vector<16xf32>
                  %max3A_1800 = vector.broadcast %squeeze3A_1565 : f32 to vector<16xf32>
                  %max3A_1801 = arith.maximumf %get3A_1799, %max3A_1800 : vector<16xf32>
                  %get3A_1802 = arith.index_cast %add3A_1796 : i32 to index
                  %get3A_1803 = tpu.vector_load %arg24[%get3A_1802] {strides = array<i32>} : memref<384xf32, #tpu.memory_space<vmem>>, vector<16xf32>,
                  %get3A_1804 = vector.shape_cast %get3A_1803 : vector<16xf32> to vector<16xf32>
                  %max3A_1805 = vector.broadcast %squeeze3A_1570 : f32 to vector<16xf32>
                  %max3A_1806 = arith.maximumf %get3A_1804, %max3A_1805 : vector<16xf32>
                  %get3A_1807 = arith.index_cast %add3A_1796 : i32 to index
                  %get3A_1808 = tpu.vector_load %arg25[%get3A_1807] {strides = array<i32>} : memref<384xf32, #tpu.memory_space<vmem>>, vector<16xf32>,
                  %get3A_1809 = vector.shape_cast %get3A_1808 : vector<16xf32> to vector<16xf32>
                  %min3A_1810 = vector.broadcast %squeeze3A_1575 : f32 to vector<16xf32>
                  %min3A_1811 = arith.minimumf %get3A_1809, %min3A_1810 : vector<16xf32>
                  %get3A_1812 = arith.index_cast %add3A_1796 : i32 to index
                  %get3A_1813 = tpu.vector_load %arg26[%get3A_1812] {strides = array<i32>} : memref<384xf32, #tpu.memory_space<vmem>>, vector<16xf32>,
                  %get3A_1814 = vector.shape_cast %get3A_1813 : vector<16xf32> to vector<16xf32>
                  %min3A_1815 = vector.broadcast %squeeze3A_1580 : f32 to vector<16xf32>
                  %min3A_1816 = arith.minimumf %get3A_1814, %min3A_1815 : vector<16xf32>
                  %sub3A_1817 = arith.subf %min3A_1811, %max3A_1801 : vector<16xf32>
                  %max3A_1818 = arith.constant 0.000000e+00 : f32
                  %max3A_1819 = vector.broadcast %max3A_1818 : f32 to vector<16xf32>
                  %max3A_1820 = arith.maximumf %sub3A_1817, %max3A_1819 : vector<16xf32>
                  %sub3A_1821 = arith.subf %min3A_1816, %max3A_1806 : vector<16xf32>
                  %max3A_1822 = arith.constant 0.000000e+00 : f32
                  %max3A_1823 = vector.broadcast %max3A_1822 : f32 to vector<16xf32>
                  %max3A_1824 = arith.maximumf %sub3A_1821, %max3A_1823 : vector<16xf32>
                  %mul3A_1825 = arith.mulf %max3A_1820, %max3A_1824 : vector<16xf32>
                  %get3A_1826 = arith.index_cast %add3A_1796 : i32 to index
                  %get3A_1827 = tpu.vector_load %arg27[%get3A_1826] {strides = array<i32>} : memref<384xf32, #tpu.memory_space<vmem>>, vector<16xf32>,
                  %get3A_1828 = vector.shape_cast %get3A_1827 : vector<16xf32> to vector<16xf32>
                  %add3A_1829 = vector.broadcast %mul3A_1582 : f32 to vector<16xf32>
                  %add3A_1830 = arith.addf %get3A_1828, %add3A_1829 : vector<16xf32>
                  %sub3A_1831 = arith.subf %add3A_1830, %mul3A_1825 : vector<16xf32>
                  %add3A_1832 = arith.constant 9.99999971E-10 : f32
                  %add3A_1833 = vector.broadcast %add3A_1832 : f32 to vector<16xf32>
                  %add3A_1834 = arith.addf %sub3A_1831, %add3A_1833 : vector<16xf32>
                  %div3A_1835 = arith.divf %mul3A_1825, %add3A_1834 : vector<16xf32>
                  %max3A_1836 = arith.maximumf %broadcast_in_dim3A_8, %div3A_1835 : vector<16xf32>
                  %mul3A_1837 = arith.constant 64 : i32
                  %mul3A_1838 = arith.muli %while3A_1792, %mul3A_1837 : i32
                  %add3A_1839 = arith.constant 16 : i32
                  %add3A_1840 = arith.addi %mul3A_1838, %add3A_1839 : i32
                  %get3A_1841 = arith.index_cast %add3A_1840 : i32 to index
                  %get3A_1842 = tpu.vector_load %arg23[%get3A_1841] {strides = array<i32>} : memref<384xf32, #tpu.memory_space<vmem>>, vector<16xf32>,
                  %get3A_1843 = vector.shape_cast %get3A_1842 : vector<16xf32> to vector<16xf32>
                  %max3A_1844 = vector.broadcast %squeeze3A_1565 : f32 to vector<16xf32>
                  %max3A_1845 = arith.maximumf %get3A_1843, %max3A_1844 : vector<16xf32>
                  %get3A_1846 = arith.index_cast %add3A_1840 : i32 to index
                  %get3A_1847 = tpu.vector_load %arg24[%get3A_1846] {strides = array<i32>} : memref<384xf32, #tpu.memory_space<vmem>>, vector<16xf32>,
                  %get3A_1848 = vector.shape_cast %get3A_1847 : vector<16xf32> to vector<16xf32>
                  %max3A_1849 = vector.broadcast %squeeze3A_1570 : f32 to vector<16xf32>
                  %max3A_1850 = arith.maximumf %get3A_1848, %max3A_1849 : vector<16xf32>
                  %get3A_1851 = arith.index_cast %add3A_1840 : i32 to index
                  %get3A_1852 = tpu.vector_load %arg25[%get3A_1851] {strides = array<i32>} : memref<384xf32, #tpu.memory_space<vmem>>, vector<16xf32>,
                  %get3A_1853 = vector.shape_cast %get3A_1852 : vector<16xf32> to vector<16xf32>
                  %min3A_1854 = vector.broadcast %squeeze3A_1575 : f32 to vector<16xf32>
                  %min3A_1855 = arith.minimumf %get3A_1853, %min3A_1854 : vector<16xf32>
                  %get3A_1856 = arith.index_cast %add3A_1840 : i32 to index
                  %get3A_1857 = tpu.vector_load %arg26[%get3A_1856] {strides = array<i32>} : memref<384xf32, #tpu.memory_space<vmem>>, vector<16xf32>,
                  %get3A_1858 = vector.shape_cast %get3A_1857 : vector<16xf32> to vector<16xf32>
                  %min3A_1859 = vector.broadcast %squeeze3A_1580 : f32 to vector<16xf32>
                  %min3A_1860 = arith.minimumf %get3A_1858, %min3A_1859 : vector<16xf32>
                  %sub3A_1861 = arith.subf %min3A_1855, %max3A_1845 : vector<16xf32>
                  %max3A_1862 = arith.constant 0.000000e+00 : f32
                  %max3A_1863 = vector.broadcast %max3A_1862 : f32 to vector<16xf32>
                  %max3A_1864 = arith.maximumf %sub3A_1861, %max3A_1863 : vector<16xf32>
                  %sub3A_1865 = arith.subf %min3A_1860, %max3A_1850 : vector<16xf32>
                  %max3A_1866 = arith.constant 0.000000e+00 : f32
                  %max3A_1867 = vector.broadcast %max3A_1866 : f32 to vector<16xf32>
                  %max3A_1868 = arith.maximumf %sub3A_1865, %max3A_1867 : vector<16xf32>
                  %mul3A_1869 = arith.mulf %max3A_1864, %max3A_1868 : vector<16xf32>
                  %get3A_1870 = arith.index_cast %add3A_1840 : i32 to index
                  %get3A_1871 = tpu.vector_load %arg27[%get3A_1870] {strides = array<i32>} : memref<384xf32, #tpu.memory_space<vmem>>, vector<16xf32>,
                  %get3A_1872 = vector.shape_cast %get3A_1871 : vector<16xf32> to vector<16xf32>
                  %add3A_1873 = vector.broadcast %mul3A_1582 : f32 to vector<16xf32>
                  %add3A_1874 = arith.addf %get3A_1872, %add3A_1873 : vector<16xf32>
                  %sub3A_1875 = arith.subf %add3A_1874, %mul3A_1869 : vector<16xf32>
                  %add3A_1876 = arith.constant 9.99999971E-10 : f32
                  %add3A_1877 = vector.broadcast %add3A_1876 : f32 to vector<16xf32>
                  %add3A_1878 = arith.addf %sub3A_1875, %add3A_1877 : vector<16xf32>
                  %div3A_1879 = arith.divf %mul3A_1869, %add3A_1878 : vector<16xf32>
                  %max3A_1880 = arith.maximumf %max3A_1836, %div3A_1879 : vector<16xf32>
                  %mul3A_1881 = arith.constant 64 : i32
                  %mul3A_1882 = arith.muli %while3A_1792, %mul3A_1881 : i32
                  %add3A_1883 = arith.constant 32 : i32
                  %add3A_1884 = arith.addi %mul3A_1882, %add3A_1883 : i32
                  %get3A_1885 = arith.index_cast %add3A_1884 : i32 to index
                  %get3A_1886 = tpu.vector_load %arg23[%get3A_1885] {strides = array<i32>} : memref<384xf32, #tpu.memory_space<vmem>>, vector<16xf32>,
                  %get3A_1887 = vector.shape_cast %get3A_1886 : vector<16xf32> to vector<16xf32>
                  %max3A_1888 = vector.broadcast %squeeze3A_1565 : f32 to vector<16xf32>
                  %max3A_1889 = arith.maximumf %get3A_1887, %max3A_1888 : vector<16xf32>
                  %get3A_1890 = arith.index_cast %add3A_1884 : i32 to index
                  %get3A_1891 = tpu.vector_load %arg24[%get3A_1890] {strides = array<i32>} : memref<384xf32, #tpu.memory_space<vmem>>, vector<16xf32>,
                  %get3A_1892 = vector.shape_cast %get3A_1891 : vector<16xf32> to vector<16xf32>
                  %max3A_1893 = vector.broadcast %squeeze3A_1570 : f32 to vector<16xf32>
                  %max3A_1894 = arith.maximumf %get3A_1892, %max3A_1893 : vector<16xf32>
                  %get3A_1895 = arith.index_cast %add3A_1884 : i32 to index
                  %get3A_1896 = tpu.vector_load %arg25[%get3A_1895] {strides = array<i32>} : memref<384xf32, #tpu.memory_space<vmem>>, vector<16xf32>,
                  %get3A_1897 = vector.shape_cast %get3A_1896 : vector<16xf32> to vector<16xf32>
                  %min3A_1898 = vector.broadcast %squeeze3A_1575 : f32 to vector<16xf32>
                  %min3A_1899 = arith.minimumf %get3A_1897, %min3A_1898 : vector<16xf32>
                  %get3A_1900 = arith.index_cast %add3A_1884 : i32 to index
                  %get3A_1901 = tpu.vector_load %arg26[%get3A_1900] {strides = array<i32>} : memref<384xf32, #tpu.memory_space<vmem>>, vector<16xf32>,
                  %get3A_1902 = vector.shape_cast %get3A_1901 : vector<16xf32> to vector<16xf32>
                  %min3A_1903 = vector.broadcast %squeeze3A_1580 : f32 to vector<16xf32>
                  %min3A_1904 = arith.minimumf %get3A_1902, %min3A_1903 : vector<16xf32>
                  %sub3A_1905 = arith.subf %min3A_1899, %max3A_1889 : vector<16xf32>
                  %max3A_1906 = arith.constant 0.000000e+00 : f32
                  %max3A_1907 = vector.broadcast %max3A_1906 : f32 to vector<16xf32>
                  %max3A_1908 = arith.maximumf %sub3A_1905, %max3A_1907 : vector<16xf32>
                  %sub3A_1909 = arith.subf %min3A_1904, %max3A_1894 : vector<16xf32>
                  %max3A_1910 = arith.constant 0.000000e+00 : f32
                  %max3A_1911 = vector.broadcast %max3A_1910 : f32 to vector<16xf32>
                  %max3A_1912 = arith.maximumf %sub3A_1909, %max3A_1911 : vector<16xf32>
                  %mul3A_1913 = arith.mulf %max3A_1908, %max3A_1912 : vector<16xf32>
                  %get3A_1914 = arith.index_cast %add3A_1884 : i32 to index
                  %get3A_1915 = tpu.vector_load %arg27[%get3A_1914] {strides = array<i32>} : memref<384xf32, #tpu.memory_space<vmem>>, vector<16xf32>,
                  %get3A_1916 = vector.shape_cast %get3A_1915 : vector<16xf32> to vector<16xf32>
                  %add3A_1917 = vector.broadcast %mul3A_1582 : f32 to vector<16xf32>
                  %add3A_1918 = arith.addf %get3A_1916, %add3A_1917 : vector<16xf32>
                  %sub3A_1919 = arith.subf %add3A_1918, %mul3A_1913 : vector<16xf32>
                  %add3A_1920 = arith.constant 9.99999971E-10 : f32
                  %add3A_1921 = vector.broadcast %add3A_1920 : f32 to vector<16xf32>
                  %add3A_1922 = arith.addf %sub3A_1919, %add3A_1921 : vector<16xf32>
                  %div3A_1923 = arith.divf %mul3A_1913, %add3A_1922 : vector<16xf32>
                  %max3A_1924 = arith.maximumf %max3A_1880, %div3A_1923 : vector<16xf32>
                  %mul3A_1925 = arith.constant 64 : i32
                  %mul3A_1926 = arith.muli %while3A_1792, %mul3A_1925 : i32
                  %add3A_1927 = arith.constant 48 : i32
                  %add3A_1928 = arith.addi %mul3A_1926, %add3A_1927 : i32
                  %get3A_1929 = arith.index_cast %add3A_1928 : i32 to index
                  %get3A_1930 = tpu.vector_load %arg23[%get3A_1929] {strides = array<i32>} : memref<384xf32, #tpu.memory_space<vmem>>, vector<16xf32>,
                  %get3A_1931 = vector.shape_cast %get3A_1930 : vector<16xf32> to vector<16xf32>
                  %max3A_1932 = vector.broadcast %squeeze3A_1565 : f32 to vector<16xf32>
                  %max3A_1933 = arith.maximumf %get3A_1931, %max3A_1932 : vector<16xf32>
                  %get3A_1934 = arith.index_cast %add3A_1928 : i32 to index
                  %get3A_1935 = tpu.vector_load %arg24[%get3A_1934] {strides = array<i32>} : memref<384xf32, #tpu.memory_space<vmem>>, vector<16xf32>,
                  %get3A_1936 = vector.shape_cast %get3A_1935 : vector<16xf32> to vector<16xf32>
                  %max3A_1937 = vector.broadcast %squeeze3A_1570 : f32 to vector<16xf32>
                  %max3A_1938 = arith.maximumf %get3A_1936, %max3A_1937 : vector<16xf32>
                  %get3A_1939 = arith.index_cast %add3A_1928 : i32 to index
                  %get3A_1940 = tpu.vector_load %arg25[%get3A_1939] {strides = array<i32>} : memref<384xf32, #tpu.memory_space<vmem>>, vector<16xf32>,
                  %get3A_1941 = vector.shape_cast %get3A_1940 : vector<16xf32> to vector<16xf32>
                  %min3A_1942 = vector.broadcast %squeeze3A_1575 : f32 to vector<16xf32>
                  %min3A_1943 = arith.minimumf %get3A_1941, %min3A_1942 : vector<16xf32>
                  %get3A_1944 = arith.index_cast %add3A_1928 : i32 to index
                  %get3A_1945 = tpu.vector_load %arg26[%get3A_1944] {strides = array<i32>} : memref<384xf32, #tpu.memory_space<vmem>>, vector<16xf32>,
                  %get3A_1946 = vector.shape_cast %get3A_1945 : vector<16xf32> to vector<16xf32>
                  %min3A_1947 = vector.broadcast %squeeze3A_1580 : f32 to vector<16xf32>
                  %min3A_1948 = arith.minimumf %get3A_1946, %min3A_1947 : vector<16xf32>
                  %sub3A_1949 = arith.subf %min3A_1943, %max3A_1933 : vector<16xf32>
                  %max3A_1950 = arith.constant 0.000000e+00 : f32
                  %max3A_1951 = vector.broadcast %max3A_1950 : f32 to vector<16xf32>
                  %max3A_1952 = arith.maximumf %sub3A_1949, %max3A_1951 : vector<16xf32>
                  %sub3A_1953 = arith.subf %min3A_1948, %max3A_1938 : vector<16xf32>
                  %max3A_1954 = arith.constant 0.000000e+00 : f32
                  %max3A_1955 = vector.broadcast %max3A_1954 : f32 to vector<16xf32>
                  %max3A_1956 = arith.maximumf %sub3A_1953, %max3A_1955 : vector<16xf32>
                  %mul3A_1957 = arith.mulf %max3A_1952, %max3A_1956 : vector<16xf32>
                  %get3A_1958 = arith.index_cast %add3A_1928 : i32 to index
                  %get3A_1959 = tpu.vector_load %arg27[%get3A_1958] {strides = array<i32>} : memref<384xf32, #tpu.memory_space<vmem>>, vector<16xf32>,
                  %get3A_1960 = vector.shape_cast %get3A_1959 : vector<16xf32> to vector<16xf32>
                  %add3A_1961 = vector.broadcast %mul3A_1582 : f32 to vector<16xf32>
                  %add3A_1962 = arith.addf %get3A_1960, %add3A_1961 : vector<16xf32>
                  %sub3A_1963 = arith.subf %add3A_1962, %mul3A_1957 : vector<16xf32>
                  %add3A_1964 = arith.constant 9.99999971E-10 : f32
                  %add3A_1965 = vector.broadcast %add3A_1964 : f32 to vector<16xf32>
                  %add3A_1966 = arith.addf %sub3A_1963, %add3A_1965 : vector<16xf32>
                  %div3A_1967 = arith.divf %mul3A_1957, %add3A_1966 : vector<16xf32>
                  %max3A_1968 = arith.maximumf %max3A_1924, %div3A_1967 : vector<16xf32>
                  %get3A_1969 = arith.constant 0 : index
                  %get3A_1970 = tpu.vector_load %arg33[%get3A_1969] {strides = array<i32>} : memref<16xf32, #tpu.memory_space<vmem>>, vector<16xf32>,
                  %get3A_1971 = vector.shape_cast %get3A_1970 : vector<16xf32> to vector<16xf32>
                  %max3A_1972 = arith.maximumf %get3A_1971, %max3A_1968 : vector<16xf32>
                  %swap3A_1973 = arith.constant 0 : index
                  %swap3A_1974 = tpu.vector_load %arg33[%swap3A_1973] {strides = array<i32>} : memref<16xf32, #tpu.memory_space<vmem>>, vector<16xf32>,
                  %swap3A_1975 = vector.shape_cast %swap3A_1974 : vector<16xf32> to vector<16xf32>
                  %swap3A_1976 = vector.shape_cast %max3A_1972 : vector<16xf32> to vector<16xf32>
                  tpu.vector_store %arg33[%swap3A_1973], %swap3A_1976 {strides = array<i32>} : memref<16xf32, #tpu.memory_space<vmem>>, vector<16xf32>,
                }
                %get3A_1618 = arith.constant 0 : index
                %get3A_1619 = tpu.vector_load %arg33[%get3A_1618] {strides = array<i32>} : memref<16xf32, #tpu.memory_space<vmem>>, vector<16xf32>,
                %get3A_1620 = vector.shape_cast %get3A_1619 : vector<16xf32> to vector<16xf32>
                %add3A_1621 = arith.constant 8 : i32
                %add3A_1622 = vector.broadcast %add3A_1621 : i32 to vector<16xi32>
                %add3A_1623 = arith.addi %iota3A, %add3A_1622 : vector<16xi32>
                %and3A_1624 = arith.constant 15 : i32
                %and3A_1625 = vector.broadcast %and3A_1624 : i32 to vector<16xi32>
                %and3A_1626 = arith.andi %add3A_1623, %and3A_1625 : vector<16xi32>
                %broadcast_in_dim3A_1627 = vector.shape_cast %and3A_1626 : vector<16xi32> to vector<16x1xi32>
                %gather3A_1628 = vector.shape_cast %broadcast_in_dim3A_1627 : vector<16x1xi32> to vector<16xi32>
                %gather3A_1629 = tpu.dynamic_gather %get3A_1620[%gather3A_1628] in [0] : vector<16xf32>, vector<16xi32> -> vector<16xf32>
                %max3A_1630 = arith.maximumf %get3A_1620, %gather3A_1629 : vector<16xf32>
                %add3A_1631 = arith.constant 4 : i32
                %add3A_1632 = vector.broadcast %add3A_1631 : i32 to vector<16xi32>
                %add3A_1633 = arith.addi %iota3A, %add3A_1632 : vector<16xi32>
                %and3A_1634 = arith.constant 15 : i32
                %and3A_1635 = vector.broadcast %and3A_1634 : i32 to vector<16xi32>
                %and3A_1636 = arith.andi %add3A_1633, %and3A_1635 : vector<16xi32>
                %broadcast_in_dim3A_1637 = vector.shape_cast %and3A_1636 : vector<16xi32> to vector<16x1xi32>
                %gather3A_1638 = vector.shape_cast %broadcast_in_dim3A_1637 : vector<16x1xi32> to vector<16xi32>
                %gather3A_1639 = tpu.dynamic_gather %max3A_1630[%gather3A_1638] in [0] : vector<16xf32>, vector<16xi32> -> vector<16xf32>
                %max3A_1640 = arith.maximumf %max3A_1630, %gather3A_1639 : vector<16xf32>
                %add3A_1641 = arith.constant 2 : i32
                %add3A_1642 = vector.broadcast %add3A_1641 : i32 to vector<16xi32>
                %add3A_1643 = arith.addi %iota3A, %add3A_1642 : vector<16xi32>
                %and3A_1644 = arith.constant 15 : i32
                %and3A_1645 = vector.broadcast %and3A_1644 : i32 to vector<16xi32>
                %and3A_1646 = arith.andi %add3A_1643, %and3A_1645 : vector<16xi32>
                %broadcast_in_dim3A_1647 = vector.shape_cast %and3A_1646 : vector<16xi32> to vector<16x1xi32>
                %gather3A_1648 = vector.shape_cast %broadcast_in_dim3A_1647 : vector<16x1xi32> to vector<16xi32>
                %gather3A_1649 = tpu.dynamic_gather %max3A_1640[%gather3A_1648] in [0] : vector<16xf32>, vector<16xi32> -> vector<16xf32>
                %max3A_1650 = arith.maximumf %max3A_1640, %gather3A_1649 : vector<16xf32>
                %add3A_1651 = arith.constant 1 : i32
                %add3A_1652 = vector.broadcast %add3A_1651 : i32 to vector<16xi32>
                %add3A_1653 = arith.addi %iota3A, %add3A_1652 : vector<16xi32>
                %and3A_1654 = arith.constant 15 : i32
                %and3A_1655 = vector.broadcast %and3A_1654 : i32 to vector<16xi32>
                %and3A_1656 = arith.andi %add3A_1653, %and3A_1655 : vector<16xi32>
                %broadcast_in_dim3A_1657 = vector.shape_cast %and3A_1656 : vector<16xi32> to vector<16x1xi32>
                %gather3A_1658 = vector.shape_cast %broadcast_in_dim3A_1657 : vector<16x1xi32> to vector<16xi32>
                %gather3A_1659 = tpu.dynamic_gather %max3A_1650[%gather3A_1658] in [0] : vector<16xf32>, vector<16xi32> -> vector<16xf32>
                %max3A_1660 = arith.maximumf %max3A_1650, %gather3A_1659 : vector<16xf32>
                %slice3A_1661 = vector.extract_strided_slice %max3A_1660 {offsets = [0], sizes = [1], strides = [1]} : vector<16xf32> to vector<1xf32>
                %squeeze3A_1662 = vector.extract %slice3A_1661[0] : f32 from vector<1xf32>
                %le3A = arith.constant 5.000000e-01 : f32
                %le3A_1663 = arith.cmpf ole, %squeeze3A_1662, %le3A : f32
                %lt3A_1664 = arith.constant 300 : i32
                %lt3A_1665 = arith.cmpi slt, %get3A_1288, %lt3A_1664 : i32
                %and3A_1666 = arith.andi %le3A_1663, %lt3A_1665 : i1
                %convert_element_type3A_1667 = arith.extui %and3A_1666 : i1 to i32
                %cond3A_1668 = arith.constant 0 : i32
                %cond3A_1669 = arith.cmpi ne, %convert_element_type3A_1667, %cond3A_1668 : i32
                scf.if %cond3A_1669 {
                  %get3A_1792 = arith.index_cast %get3A_1288 : i32 to index
                  %get3A_1793 = tpu.vector_load %arg23[%get3A_1792] {strides = array<i32>} : memref<384xf32, #tpu.memory_space<vmem>>, vector<16xf32>,
                  %get3A_1794 = vector.shape_cast %get3A_1793 : vector<16xf32> to vector<16xf32>
                  %broadcast_in_dim3A_1795 = vector.broadcast %squeeze3A_1565 : f32 to vector<16xf32>
                  %select_n3A_1796 = arith.select %eq3A_2, %broadcast_in_dim3A_1795, %get3A_1794 : vector<16xi1>, vector<16xf32>
                  %swap3A_1797 = arith.index_cast %get3A_1288 : i32 to index
                  %swap3A_1798 = tpu.vector_load %arg23[%swap3A_1797] {strides = array<i32>} : memref<384xf32, #tpu.memory_space<vmem>>, vector<16xf32>,
                  %swap3A_1799 = vector.shape_cast %swap3A_1798 : vector<16xf32> to vector<16xf32>
                  %swap3A_1800 = vector.shape_cast %select_n3A_1796 : vector<16xf32> to vector<16xf32>
                  tpu.vector_store %arg23[%swap3A_1797], %swap3A_1800 {strides = array<i32>} : memref<384xf32, #tpu.memory_space<vmem>>, vector<16xf32>,
                  %get3A_1801 = arith.index_cast %get3A_1288 : i32 to index
                  %get3A_1802 = tpu.vector_load %arg24[%get3A_1801] {strides = array<i32>} : memref<384xf32, #tpu.memory_space<vmem>>, vector<16xf32>,
                  %get3A_1803 = vector.shape_cast %get3A_1802 : vector<16xf32> to vector<16xf32>
                  %broadcast_in_dim3A_1804 = vector.broadcast %squeeze3A_1570 : f32 to vector<16xf32>
                  %select_n3A_1805 = arith.select %eq3A_2, %broadcast_in_dim3A_1804, %get3A_1803 : vector<16xi1>, vector<16xf32>
                  %swap3A_1806 = arith.index_cast %get3A_1288 : i32 to index
                  %swap3A_1807 = tpu.vector_load %arg24[%swap3A_1806] {strides = array<i32>} : memref<384xf32, #tpu.memory_space<vmem>>, vector<16xf32>,
                  %swap3A_1808 = vector.shape_cast %swap3A_1807 : vector<16xf32> to vector<16xf32>
                  %swap3A_1809 = vector.shape_cast %select_n3A_1805 : vector<16xf32> to vector<16xf32>
                  tpu.vector_store %arg24[%swap3A_1806], %swap3A_1809 {strides = array<i32>} : memref<384xf32, #tpu.memory_space<vmem>>, vector<16xf32>,
                  %get3A_1810 = arith.index_cast %get3A_1288 : i32 to index
                  %get3A_1811 = tpu.vector_load %arg25[%get3A_1810] {strides = array<i32>} : memref<384xf32, #tpu.memory_space<vmem>>, vector<16xf32>,
                  %get3A_1812 = vector.shape_cast %get3A_1811 : vector<16xf32> to vector<16xf32>
                  %broadcast_in_dim3A_1813 = vector.broadcast %squeeze3A_1575 : f32 to vector<16xf32>
                  %select_n3A_1814 = arith.select %eq3A_2, %broadcast_in_dim3A_1813, %get3A_1812 : vector<16xi1>, vector<16xf32>
                  %swap3A_1815 = arith.index_cast %get3A_1288 : i32 to index
                  %swap3A_1816 = tpu.vector_load %arg25[%swap3A_1815] {strides = array<i32>} : memref<384xf32, #tpu.memory_space<vmem>>, vector<16xf32>,
                  %swap3A_1817 = vector.shape_cast %swap3A_1816 : vector<16xf32> to vector<16xf32>
                  %swap3A_1818 = vector.shape_cast %select_n3A_1814 : vector<16xf32> to vector<16xf32>
                  tpu.vector_store %arg25[%swap3A_1815], %swap3A_1818 {strides = array<i32>} : memref<384xf32, #tpu.memory_space<vmem>>, vector<16xf32>,
                  %get3A_1819 = arith.index_cast %get3A_1288 : i32 to index
                  %get3A_1820 = tpu.vector_load %arg26[%get3A_1819] {strides = array<i32>} : memref<384xf32, #tpu.memory_space<vmem>>, vector<16xf32>,
                  %get3A_1821 = vector.shape_cast %get3A_1820 : vector<16xf32> to vector<16xf32>
                  %broadcast_in_dim3A_1822 = vector.broadcast %squeeze3A_1580 : f32 to vector<16xf32>
                  %select_n3A_1823 = arith.select %eq3A_2, %broadcast_in_dim3A_1822, %get3A_1821 : vector<16xi1>, vector<16xf32>
                  %swap3A_1824 = arith.index_cast %get3A_1288 : i32 to index
                  %swap3A_1825 = tpu.vector_load %arg26[%swap3A_1824] {strides = array<i32>} : memref<384xf32, #tpu.memory_space<vmem>>, vector<16xf32>,
                  %swap3A_1826 = vector.shape_cast %swap3A_1825 : vector<16xf32> to vector<16xf32>
                  %swap3A_1827 = vector.shape_cast %select_n3A_1823 : vector<16xf32> to vector<16xf32>
                  tpu.vector_store %arg26[%swap3A_1824], %swap3A_1827 {strides = array<i32>} : memref<384xf32, #tpu.memory_space<vmem>>, vector<16xf32>,
                  %get3A_1828 = arith.index_cast %get3A_1288 : i32 to index
                  %get3A_1829 = tpu.vector_load %arg27[%get3A_1828] {strides = array<i32>} : memref<384xf32, #tpu.memory_space<vmem>>, vector<16xf32>,
                  %get3A_1830 = vector.shape_cast %get3A_1829 : vector<16xf32> to vector<16xf32>
                  %broadcast_in_dim3A_1831 = vector.broadcast %mul3A_1582 : f32 to vector<16xf32>
                  %select_n3A_1832 = arith.select %eq3A_2, %broadcast_in_dim3A_1831, %get3A_1830 : vector<16xi1>, vector<16xf32>
                  %swap3A_1833 = arith.index_cast %get3A_1288 : i32 to index
                  %swap3A_1834 = tpu.vector_load %arg27[%swap3A_1833] {strides = array<i32>} : memref<384xf32, #tpu.memory_space<vmem>>, vector<16xf32>,
                  %swap3A_1835 = vector.shape_cast %swap3A_1834 : vector<16xf32> to vector<16xf32>
                  %swap3A_1836 = vector.shape_cast %select_n3A_1832 : vector<16xf32> to vector<16xf32>
                  tpu.vector_store %arg27[%swap3A_1833], %swap3A_1836 {strides = array<i32>} : memref<384xf32, #tpu.memory_space<vmem>>, vector<16xf32>,
                  %get3A_1837 = arith.index_cast %get3A_1288 : i32 to index
                  %get3A_1838 = tpu.vector_load %arg28[%get3A_1837] {strides = array<i32>} : memref<384xi32, #tpu.memory_space<vmem>>, vector<16xi32>,
                  %get3A_1839 = vector.shape_cast %get3A_1838 : vector<16xi32> to vector<16xi32>
                  %broadcast_in_dim3A_1840 = vector.broadcast %add3A_1560 : i32 to vector<16xi32>
                  %select_n3A_1841 = arith.select %eq3A_2, %broadcast_in_dim3A_1840, %get3A_1839 : vector<16xi1>, vector<16xi32>
                  %swap3A_1842 = arith.index_cast %get3A_1288 : i32 to index
                  %swap3A_1843 = tpu.vector_load %arg28[%swap3A_1842] {strides = array<i32>} : memref<384xi32, #tpu.memory_space<vmem>>, vector<16xi32>,
                  %swap3A_1844 = vector.shape_cast %swap3A_1843 : vector<16xi32> to vector<16xi32>
                  %swap3A_1845 = vector.shape_cast %select_n3A_1841 : vector<16xi32> to vector<16xi32>
                  tpu.vector_store %arg28[%swap3A_1842], %swap3A_1845 {strides = array<i32>} : memref<384xi32, #tpu.memory_space<vmem>>, vector<16xi32>,
                  %get3A_1846 = arith.index_cast %get3A_1288 : i32 to index
                  %get3A_1847 = tpu.vector_load %arg29[%get3A_1846] {strides = array<i32>} : memref<384xf32, #tpu.memory_space<vmem>>, vector<16xf32>,
                  %get3A_1848 = vector.shape_cast %get3A_1847 : vector<16xf32> to vector<16xf32>
                  %broadcast_in_dim3A_1849 = vector.broadcast %squeeze3A : f32 to vector<16xf32>
                  %select_n3A_1850 = arith.select %eq3A_2, %broadcast_in_dim3A_1849, %get3A_1848 : vector<16xi1>, vector<16xf32>
                  %swap3A_1851 = arith.index_cast %get3A_1288 : i32 to index
                  %swap3A_1852 = tpu.vector_load %arg29[%swap3A_1851] {strides = array<i32>} : memref<384xf32, #tpu.memory_space<vmem>>, vector<16xf32>,
                  %swap3A_1853 = vector.shape_cast %swap3A_1852 : vector<16xf32> to vector<16xf32>
                  %swap3A_1854 = vector.shape_cast %select_n3A_1850 : vector<16xf32> to vector<16xf32>
                  tpu.vector_store %arg29[%swap3A_1851], %swap3A_1854 {strides = array<i32>} : memref<384xf32, #tpu.memory_space<vmem>>, vector<16xf32>,
                } else {
                }
                %convert_element_type3A_1670 = arith.extui %le3A_1663 : i1 to i32
                %add3A_1671 = arith.addi %get3A_1288, %convert_element_type3A_1670 : i32
                %swap3A_1672 = arith.constant 0 : i32
                %swap3A_1673 = arith.index_cast %swap3A_1672 : i32 to index
                %swap3A_1674 = memref.load %arg34[%swap3A_1673] : memref<2xi32, #tpu.memory_space<smem>>
                memref.store %add3A_1671, %arg34[%swap3A_1673] : memref<2xi32, #tpu.memory_space<smem>>
                %eq3A_1675 = vector.broadcast %squeeze3A_1557 : i32 to vector<16xi32>
                %eq3A_1676 = arith.cmpi eq, %iota3A, %eq3A_1675 : vector<16xi32>
                %broadcast_in_dim3A_1677 = vector.broadcast %cond3A : f32 to vector<16xf32>
                %select_n3A_1678 = arith.select %eq3A_1676, %broadcast_in_dim3A_1677, %get3A_1510 : vector<16xi1>, vector<16xf32>
                %mul3A_1679 = arith.constant 16 : i32
                %mul3A_1680 = arith.muli %add3A_1505, %mul3A_1679 : i32
                %swap3A_1681 = arith.index_cast %mul3A_1680 : i32 to index
                %swap3A_1682 = tpu.vector_load %arg16[%swap3A_1681] {strides = array<i32>} : memref<20496xf32, #tpu.memory_space<vmem>>, vector<16xf32>,
                %swap3A_1683 = vector.shape_cast %swap3A_1682 : vector<16xf32> to vector<16xf32>
                %swap3A_1684 = vector.shape_cast %select_n3A_1678 : vector<16xf32> to vector<16xf32>
                tpu.vector_store %arg16[%swap3A_1681], %swap3A_1684 {strides = array<i32>} : memref<20496xf32, #tpu.memory_space<vmem>>, vector<16xf32>,
                %add3A_1685 = arith.constant 8 : i32
                %add3A_1686 = vector.broadcast %add3A_1685 : i32 to vector<16xi32>
                %add3A_1687 = arith.addi %iota3A, %add3A_1686 : vector<16xi32>
                %and3A_1688 = arith.constant 15 : i32
                %and3A_1689 = vector.broadcast %and3A_1688 : i32 to vector<16xi32>
                %and3A_1690 = arith.andi %add3A_1687, %and3A_1689 : vector<16xi32>
                %broadcast_in_dim3A_1691 = vector.shape_cast %and3A_1690 : vector<16xi32> to vector<16x1xi32>
                %gather3A_1692 = vector.shape_cast %broadcast_in_dim3A_1691 : vector<16x1xi32> to vector<16xi32>
                %gather3A_1693 = tpu.dynamic_gather %select_n3A_1678[%gather3A_1692] in [0] : vector<16xf32>, vector<16xi32> -> vector<16xf32>
                %max3A_1694 = arith.maximumf %select_n3A_1678, %gather3A_1693 : vector<16xf32>
                %add3A_1695 = arith.constant 4 : i32
                %add3A_1696 = vector.broadcast %add3A_1695 : i32 to vector<16xi32>
                %add3A_1697 = arith.addi %iota3A, %add3A_1696 : vector<16xi32>
                %and3A_1698 = arith.constant 15 : i32
                %and3A_1699 = vector.broadcast %and3A_1698 : i32 to vector<16xi32>
                %and3A_1700 = arith.andi %add3A_1697, %and3A_1699 : vector<16xi32>
                %broadcast_in_dim3A_1701 = vector.shape_cast %and3A_1700 : vector<16xi32> to vector<16x1xi32>
                %gather3A_1702 = vector.shape_cast %broadcast_in_dim3A_1701 : vector<16x1xi32> to vector<16xi32>
                %gather3A_1703 = tpu.dynamic_gather %max3A_1694[%gather3A_1702] in [0] : vector<16xf32>, vector<16xi32> -> vector<16xf32>
                %max3A_1704 = arith.maximumf %max3A_1694, %gather3A_1703 : vector<16xf32>
                %add3A_1705 = arith.constant 2 : i32
                %add3A_1706 = vector.broadcast %add3A_1705 : i32 to vector<16xi32>
                %add3A_1707 = arith.addi %iota3A, %add3A_1706 : vector<16xi32>
                %and3A_1708 = arith.constant 15 : i32
                %and3A_1709 = vector.broadcast %and3A_1708 : i32 to vector<16xi32>
                %and3A_1710 = arith.andi %add3A_1707, %and3A_1709 : vector<16xi32>
                %broadcast_in_dim3A_1711 = vector.shape_cast %and3A_1710 : vector<16xi32> to vector<16x1xi32>
                %gather3A_1712 = vector.shape_cast %broadcast_in_dim3A_1711 : vector<16x1xi32> to vector<16xi32>
                %gather3A_1713 = tpu.dynamic_gather %max3A_1704[%gather3A_1712] in [0] : vector<16xf32>, vector<16xi32> -> vector<16xf32>
                %max3A_1714 = arith.maximumf %max3A_1704, %gather3A_1713 : vector<16xf32>
                %add3A_1715 = arith.constant 1 : i32
                %add3A_1716 = vector.broadcast %add3A_1715 : i32 to vector<16xi32>
                %add3A_1717 = arith.addi %iota3A, %add3A_1716 : vector<16xi32>
                %and3A_1718 = arith.constant 15 : i32
                %and3A_1719 = vector.broadcast %and3A_1718 : i32 to vector<16xi32>
                %and3A_1720 = arith.andi %add3A_1717, %and3A_1719 : vector<16xi32>
                %broadcast_in_dim3A_1721 = vector.shape_cast %and3A_1720 : vector<16xi32> to vector<16x1xi32>
                %gather3A_1722 = vector.shape_cast %broadcast_in_dim3A_1721 : vector<16x1xi32> to vector<16xi32>
                %gather3A_1723 = tpu.dynamic_gather %max3A_1714[%gather3A_1722] in [0] : vector<16xf32>, vector<16xi32> -> vector<16xf32>
                %max3A_1724 = arith.maximumf %max3A_1714, %gather3A_1723 : vector<16xf32>
                %slice3A_1725 = vector.extract_strided_slice %max3A_1724 {offsets = [0], sizes = [1], strides = [1]} : vector<16xf32> to vector<1xf32>
                %squeeze3A_1726 = vector.extract %slice3A_1725[0] : f32 from vector<1xf32>
                %get3A_1727 = arith.index_cast %add3A_1505 : i32 to index
                %get3A_1728 = tpu.vector_load %arg21[%get3A_1727] {strides = array<i32>} : memref<1296xf32, #tpu.memory_space<vmem>>, vector<16xf32>,
                %get3A_1729 = vector.shape_cast %get3A_1728 : vector<16xf32> to vector<16xf32>
                %broadcast_in_dim3A_1730 = vector.broadcast %squeeze3A_1726 : f32 to vector<16xf32>
                %select_n3A_1731 = arith.select %eq3A_2, %broadcast_in_dim3A_1730, %get3A_1729 : vector<16xi1>, vector<16xf32>
                %swap3A_1732 = arith.index_cast %add3A_1505 : i32 to index
                %swap3A_1733 = tpu.vector_load %arg21[%swap3A_1732] {strides = array<i32>} : memref<1296xf32, #tpu.memory_space<vmem>>, vector<16xf32>,
                %swap3A_1734 = vector.shape_cast %swap3A_1733 : vector<16xf32> to vector<16xf32>
                %swap3A_1735 = vector.shape_cast %select_n3A_1731 : vector<16xf32> to vector<16xf32>
                tpu.vector_store %arg21[%swap3A_1732], %swap3A_1735 {strides = array<i32>} : memref<1296xf32, #tpu.memory_space<vmem>>, vector<16xf32>,
                %mul3A_1736 = arith.constant 16 : i32
                %mul3A_1737 = arith.muli %squeeze3A_1450, %mul3A_1736 : i32
                %get3A_1738 = arith.index_cast %mul3A_1737 : i32 to index
                %get3A_1739 = tpu.vector_load %arg21[%get3A_1738] {strides = array<i32>} : memref<1296xf32, #tpu.memory_space<vmem>>, vector<16xf32>,
                %get3A_1740 = vector.shape_cast %get3A_1739 : vector<16xf32> to vector<16xf32>
                %add3A_1741 = arith.constant 8 : i32
                %add3A_1742 = vector.broadcast %add3A_1741 : i32 to vector<16xi32>
                %add3A_1743 = arith.addi %iota3A, %add3A_1742 : vector<16xi32>
                %and3A_1744 = arith.constant 15 : i32
                %and3A_1745 = vector.broadcast %and3A_1744 : i32 to vector<16xi32>
                %and3A_1746 = arith.andi %add3A_1743, %and3A_1745 : vector<16xi32>
                %broadcast_in_dim3A_1747 = vector.shape_cast %and3A_1746 : vector<16xi32> to vector<16x1xi32>
                %gather3A_1748 = vector.shape_cast %broadcast_in_dim3A_1747 : vector<16x1xi32> to vector<16xi32>
                %gather3A_1749 = tpu.dynamic_gather %get3A_1740[%gather3A_1748] in [0] : vector<16xf32>, vector<16xi32> -> vector<16xf32>
                %max3A_1750 = arith.maximumf %get3A_1740, %gather3A_1749 : vector<16xf32>
                %add3A_1751 = arith.constant 4 : i32
                %add3A_1752 = vector.broadcast %add3A_1751 : i32 to vector<16xi32>
                %add3A_1753 = arith.addi %iota3A, %add3A_1752 : vector<16xi32>
                %and3A_1754 = arith.constant 15 : i32
                %and3A_1755 = vector.broadcast %and3A_1754 : i32 to vector<16xi32>
                %and3A_1756 = arith.andi %add3A_1753, %and3A_1755 : vector<16xi32>
                %broadcast_in_dim3A_1757 = vector.shape_cast %and3A_1756 : vector<16xi32> to vector<16x1xi32>
                %gather3A_1758 = vector.shape_cast %broadcast_in_dim3A_1757 : vector<16x1xi32> to vector<16xi32>
                %gather3A_1759 = tpu.dynamic_gather %max3A_1750[%gather3A_1758] in [0] : vector<16xf32>, vector<16xi32> -> vector<16xf32>
                %max3A_1760 = arith.maximumf %max3A_1750, %gather3A_1759 : vector<16xf32>
                %add3A_1761 = arith.constant 2 : i32
                %add3A_1762 = vector.broadcast %add3A_1761 : i32 to vector<16xi32>
                %add3A_1763 = arith.addi %iota3A, %add3A_1762 : vector<16xi32>
                %and3A_1764 = arith.constant 15 : i32
                %and3A_1765 = vector.broadcast %and3A_1764 : i32 to vector<16xi32>
                %and3A_1766 = arith.andi %add3A_1763, %and3A_1765 : vector<16xi32>
                %broadcast_in_dim3A_1767 = vector.shape_cast %and3A_1766 : vector<16xi32> to vector<16x1xi32>
                %gather3A_1768 = vector.shape_cast %broadcast_in_dim3A_1767 : vector<16x1xi32> to vector<16xi32>
                %gather3A_1769 = tpu.dynamic_gather %max3A_1760[%gather3A_1768] in [0] : vector<16xf32>, vector<16xi32> -> vector<16xf32>
                %max3A_1770 = arith.maximumf %max3A_1760, %gather3A_1769 : vector<16xf32>
                %add3A_1771 = arith.constant 1 : i32
                %add3A_1772 = vector.broadcast %add3A_1771 : i32 to vector<16xi32>
                %add3A_1773 = arith.addi %iota3A, %add3A_1772 : vector<16xi32>
                %and3A_1774 = arith.constant 15 : i32
                %and3A_1775 = vector.broadcast %and3A_1774 : i32 to vector<16xi32>
                %and3A_1776 = arith.andi %add3A_1773, %and3A_1775 : vector<16xi32>
                %broadcast_in_dim3A_1777 = vector.shape_cast %and3A_1776 : vector<16xi32> to vector<16x1xi32>
                %gather3A_1778 = vector.shape_cast %broadcast_in_dim3A_1777 : vector<16x1xi32> to vector<16xi32>
                %gather3A_1779 = tpu.dynamic_gather %max3A_1770[%gather3A_1778] in [0] : vector<16xf32>, vector<16xi32> -> vector<16xf32>
                %max3A_1780 = arith.maximumf %max3A_1770, %gather3A_1779 : vector<16xf32>
                %slice3A_1781 = vector.extract_strided_slice %max3A_1780 {offsets = [0], sizes = [1], strides = [1]} : vector<16xf32> to vector<1xf32>
                %squeeze3A_1782 = vector.extract %slice3A_1781[0] : f32 from vector<1xf32>
                %get3A_1783 = arith.index_cast %squeeze3A_1450 : i32 to index
                %get3A_1784 = tpu.vector_load %arg22[%get3A_1783] {strides = array<i32>} : memref<96xf32, #tpu.memory_space<vmem>>, vector<16xf32>,
                %get3A_1785 = vector.shape_cast %get3A_1784 : vector<16xf32> to vector<16xf32>
                %broadcast_in_dim3A_1786 = vector.broadcast %squeeze3A_1782 : f32 to vector<16xf32>
                %select_n3A_1787 = arith.select %eq3A_2, %broadcast_in_dim3A_1786, %get3A_1785 : vector<16xi1>, vector<16xf32>
                %swap3A_1788 = arith.index_cast %squeeze3A_1450 : i32 to index
                %swap3A_1789 = tpu.vector_load %arg22[%swap3A_1788] {strides = array<i32>} : memref<96xf32, #tpu.memory_space<vmem>>, vector<16xf32>,
                %swap3A_1790 = vector.shape_cast %swap3A_1789 : vector<16xf32> to vector<16xf32>
                %swap3A_1791 = vector.shape_cast %select_n3A_1787 : vector<16xf32> to vector<16xf32>
                tpu.vector_store %arg22[%swap3A_1788], %swap3A_1791 {strides = array<i32>} : memref<96xf32, #tpu.memory_space<vmem>>, vector<16xf32>,
              } else {
              }
            } else {
            }
          }
          %scan3A_1284 = arith.constant 128 : i32
        } else {
        }
      }
      %scan3A_933 = arith.constant 160 : i32
      %get3A = arith.constant 0 : i32
      %get3A_934 = arith.index_cast %get3A : i32 to index
      %get3A_935 = memref.load %arg34[%get3A_934] : memref<2xi32, #tpu.memory_space<smem>>
      %jit3A = arith.constant 0 : i32
      %broadcast_in_dim3A_936 = vector.broadcast %get3A_935 : i32 to vector<16xi32>
      %broadcast_in_dim3A_937 = vector.broadcast %jit3A : i32 to vector<16xi32>
      %select_n3A = arith.select %eq3A_2, %broadcast_in_dim3A_936, %broadcast_in_dim3A_937 : vector<16xi1>, vector<16xi32>
      %swap3A_938 = arith.constant 0 : index
      %swap3A_939 = tpu.vector_load %arg32[%swap3A_938] {strides = array<i32>} : memref<16xi32, #tpu.memory_space<vmem>>, vector<16xi32>,
      %swap3A_940 = vector.shape_cast %swap3A_939 : vector<16xi32> to vector<16xi32>
      %swap3A_941 = vector.shape_cast %select_n3A : vector<16xi32> to vector<16xi32>
      tpu.vector_store %arg32[%swap3A_938], %swap3A_941 {strides = array<i32>} : memref<16xi32, #tpu.memory_space<vmem>>, vector<16xi32>,
      %get3A_942 = arith.constant 0 : index
      %get3A_943 = tpu.vector_load %arg28[%get3A_942] {strides = array<i32>} : memref<384xi32, #tpu.memory_space<vmem>>, vector<16xi32>,
      %get3A_944 = vector.shape_cast %get3A_943 : vector<16xi32> to vector<16xi32>
      %max3A = arith.constant 0 : i32
      %max3A_945 = vector.broadcast %max3A : i32 to vector<16xi32>
      %max3A_946 = arith.maxsi %get3A_944, %max3A_945 : vector<16xi32>
      %add3A_947 = vector.broadcast %mul3A_7 : i32 to vector<16xi32>
      %add3A_948 = arith.addi %max3A_946, %add3A_947 : vector<16xi32>
      %swap3A_949 = arith.constant 0 : index
      %swap3A_950 = tpu.vector_load %arg31[%swap3A_949] {strides = array<i32>} : memref<384xi32, #tpu.memory_space<vmem>>, vector<16xi32>,
      %swap3A_951 = vector.shape_cast %swap3A_950 : vector<16xi32> to vector<16xi32>
      %swap3A_952 = vector.shape_cast %add3A_948 : vector<16xi32> to vector<16xi32>
      tpu.vector_store %arg31[%swap3A_949], %swap3A_952 {strides = array<i32>} : memref<384xi32, #tpu.memory_space<vmem>>, vector<16xi32>,
      %get3A_953 = arith.constant 16 : index
      %get3A_954 = tpu.vector_load %arg28[%get3A_953] {strides = array<i32>} : memref<384xi32, #tpu.memory_space<vmem>>, vector<16xi32>,
      %get3A_955 = vector.shape_cast %get3A_954 : vector<16xi32> to vector<16xi32>
      %max3A_956 = arith.constant 0 : i32
      %max3A_957 = vector.broadcast %max3A_956 : i32 to vector<16xi32>
      %max3A_958 = arith.maxsi %get3A_955, %max3A_957 : vector<16xi32>
      %add3A_959 = vector.broadcast %mul3A_7 : i32 to vector<16xi32>
      %add3A_960 = arith.addi %max3A_958, %add3A_959 : vector<16xi32>
      %swap3A_961 = arith.constant 16 : index
      %swap3A_962 = tpu.vector_load %arg31[%swap3A_961] {strides = array<i32>} : memref<384xi32, #tpu.memory_space<vmem>>, vector<16xi32>,
      %swap3A_963 = vector.shape_cast %swap3A_962 : vector<16xi32> to vector<16xi32>
      %swap3A_964 = vector.shape_cast %add3A_960 : vector<16xi32> to vector<16xi32>
      tpu.vector_store %arg31[%swap3A_961], %swap3A_964 {strides = array<i32>} : memref<384xi32, #tpu.memory_space<vmem>>, vector<16xi32>,
      %get3A_965 = arith.constant 32 : index
      %get3A_966 = tpu.vector_load %arg28[%get3A_965] {strides = array<i32>} : memref<384xi32, #tpu.memory_space<vmem>>, vector<16xi32>,
      %get3A_967 = vector.shape_cast %get3A_966 : vector<16xi32> to vector<16xi32>
      %max3A_968 = arith.constant 0 : i32
      %max3A_969 = vector.broadcast %max3A_968 : i32 to vector<16xi32>
      %max3A_970 = arith.maxsi %get3A_967, %max3A_969 : vector<16xi32>
      %add3A_971 = vector.broadcast %mul3A_7 : i32 to vector<16xi32>
      %add3A_972 = arith.addi %max3A_970, %add3A_971 : vector<16xi32>
      %swap3A_973 = arith.constant 32 : index
      %swap3A_974 = tpu.vector_load %arg31[%swap3A_973] {strides = array<i32>} : memref<384xi32, #tpu.memory_space<vmem>>, vector<16xi32>,
      %swap3A_975 = vector.shape_cast %swap3A_974 : vector<16xi32> to vector<16xi32>
      %swap3A_976 = vector.shape_cast %add3A_972 : vector<16xi32> to vector<16xi32>
      tpu.vector_store %arg31[%swap3A_973], %swap3A_976 {strides = array<i32>} : memref<384xi32, #tpu.memory_space<vmem>>, vector<16xi32>,
      %get3A_977 = arith.constant 48 : index
      %get3A_978 = tpu.vector_load %arg28[%get3A_977] {strides = array<i32>} : memref<384xi32, #tpu.memory_space<vmem>>, vector<16xi32>,
      %get3A_979 = vector.shape_cast %get3A_978 : vector<16xi32> to vector<16xi32>
      %max3A_980 = arith.constant 0 : i32
      %max3A_981 = vector.broadcast %max3A_980 : i32 to vector<16xi32>
      %max3A_982 = arith.maxsi %get3A_979, %max3A_981 : vector<16xi32>
      %add3A_983 = vector.broadcast %mul3A_7 : i32 to vector<16xi32>
      %add3A_984 = arith.addi %max3A_982, %add3A_983 : vector<16xi32>
      %swap3A_985 = arith.constant 48 : index
      %swap3A_986 = tpu.vector_load %arg31[%swap3A_985] {strides = array<i32>} : memref<384xi32, #tpu.memory_space<vmem>>, vector<16xi32>,
      %swap3A_987 = vector.shape_cast %swap3A_986 : vector<16xi32> to vector<16xi32>
      %swap3A_988 = vector.shape_cast %add3A_984 : vector<16xi32> to vector<16xi32>
      tpu.vector_store %arg31[%swap3A_985], %swap3A_988 {strides = array<i32>} : memref<384xi32, #tpu.memory_space<vmem>>, vector<16xi32>,
      %get3A_989 = arith.constant 64 : index
      %get3A_990 = tpu.vector_load %arg28[%get3A_989] {strides = array<i32>} : memref<384xi32, #tpu.memory_space<vmem>>, vector<16xi32>,
      %get3A_991 = vector.shape_cast %get3A_990 : vector<16xi32> to vector<16xi32>
      %max3A_992 = arith.constant 0 : i32
      %max3A_993 = vector.broadcast %max3A_992 : i32 to vector<16xi32>
      %max3A_994 = arith.maxsi %get3A_991, %max3A_993 : vector<16xi32>
      %add3A_995 = vector.broadcast %mul3A_7 : i32 to vector<16xi32>
      %add3A_996 = arith.addi %max3A_994, %add3A_995 : vector<16xi32>
      %swap3A_997 = arith.constant 64 : index
      %swap3A_998 = tpu.vector_load %arg31[%swap3A_997] {strides = array<i32>} : memref<384xi32, #tpu.memory_space<vmem>>, vector<16xi32>,
      %swap3A_999 = vector.shape_cast %swap3A_998 : vector<16xi32> to vector<16xi32>
      %swap3A_1000 = vector.shape_cast %add3A_996 : vector<16xi32> to vector<16xi32>
      tpu.vector_store %arg31[%swap3A_997], %swap3A_1000 {strides = array<i32>} : memref<384xi32, #tpu.memory_space<vmem>>, vector<16xi32>,
      %get3A_1001 = arith.constant 80 : index
      %get3A_1002 = tpu.vector_load %arg28[%get3A_1001] {strides = array<i32>} : memref<384xi32, #tpu.memory_space<vmem>>, vector<16xi32>,
      %get3A_1003 = vector.shape_cast %get3A_1002 : vector<16xi32> to vector<16xi32>
      %max3A_1004 = arith.constant 0 : i32
      %max3A_1005 = vector.broadcast %max3A_1004 : i32 to vector<16xi32>
      %max3A_1006 = arith.maxsi %get3A_1003, %max3A_1005 : vector<16xi32>
      %add3A_1007 = vector.broadcast %mul3A_7 : i32 to vector<16xi32>
      %add3A_1008 = arith.addi %max3A_1006, %add3A_1007 : vector<16xi32>
      %swap3A_1009 = arith.constant 80 : index
      %swap3A_1010 = tpu.vector_load %arg31[%swap3A_1009] {strides = array<i32>} : memref<384xi32, #tpu.memory_space<vmem>>, vector<16xi32>,
      %swap3A_1011 = vector.shape_cast %swap3A_1010 : vector<16xi32> to vector<16xi32>
      %swap3A_1012 = vector.shape_cast %add3A_1008 : vector<16xi32> to vector<16xi32>
      tpu.vector_store %arg31[%swap3A_1009], %swap3A_1012 {strides = array<i32>} : memref<384xi32, #tpu.memory_space<vmem>>, vector<16xi32>,
      %get3A_1013 = arith.constant 96 : index
      %get3A_1014 = tpu.vector_load %arg28[%get3A_1013] {strides = array<i32>} : memref<384xi32, #tpu.memory_space<vmem>>, vector<16xi32>,
      %get3A_1015 = vector.shape_cast %get3A_1014 : vector<16xi32> to vector<16xi32>
      %max3A_1016 = arith.constant 0 : i32
      %max3A_1017 = vector.broadcast %max3A_1016 : i32 to vector<16xi32>
      %max3A_1018 = arith.maxsi %get3A_1015, %max3A_1017 : vector<16xi32>
      %add3A_1019 = vector.broadcast %mul3A_7 : i32 to vector<16xi32>
      %add3A_1020 = arith.addi %max3A_1018, %add3A_1019 : vector<16xi32>
      %swap3A_1021 = arith.constant 96 : index
      %swap3A_1022 = tpu.vector_load %arg31[%swap3A_1021] {strides = array<i32>} : memref<384xi32, #tpu.memory_space<vmem>>, vector<16xi32>,
      %swap3A_1023 = vector.shape_cast %swap3A_1022 : vector<16xi32> to vector<16xi32>
      %swap3A_1024 = vector.shape_cast %add3A_1020 : vector<16xi32> to vector<16xi32>
      tpu.vector_store %arg31[%swap3A_1021], %swap3A_1024 {strides = array<i32>} : memref<384xi32, #tpu.memory_space<vmem>>, vector<16xi32>,
      %get3A_1025 = arith.constant 112 : index
      %get3A_1026 = tpu.vector_load %arg28[%get3A_1025] {strides = array<i32>} : memref<384xi32, #tpu.memory_space<vmem>>, vector<16xi32>,
      %get3A_1027 = vector.shape_cast %get3A_1026 : vector<16xi32> to vector<16xi32>
      %max3A_1028 = arith.constant 0 : i32
      %max3A_1029 = vector.broadcast %max3A_1028 : i32 to vector<16xi32>
      %max3A_1030 = arith.maxsi %get3A_1027, %max3A_1029 : vector<16xi32>
      %add3A_1031 = vector.broadcast %mul3A_7 : i32 to vector<16xi32>
      %add3A_1032 = arith.addi %max3A_1030, %add3A_1031 : vector<16xi32>
      %swap3A_1033 = arith.constant 112 : index
      %swap3A_1034 = tpu.vector_load %arg31[%swap3A_1033] {strides = array<i32>} : memref<384xi32, #tpu.memory_space<vmem>>, vector<16xi32>,
      %swap3A_1035 = vector.shape_cast %swap3A_1034 : vector<16xi32> to vector<16xi32>
      %swap3A_1036 = vector.shape_cast %add3A_1032 : vector<16xi32> to vector<16xi32>
      tpu.vector_store %arg31[%swap3A_1033], %swap3A_1036 {strides = array<i32>} : memref<384xi32, #tpu.memory_space<vmem>>, vector<16xi32>,
      %get3A_1037 = arith.constant 128 : index
      %get3A_1038 = tpu.vector_load %arg28[%get3A_1037] {strides = array<i32>} : memref<384xi32, #tpu.memory_space<vmem>>, vector<16xi32>,
      %get3A_1039 = vector.shape_cast %get3A_1038 : vector<16xi32> to vector<16xi32>
      %max3A_1040 = arith.constant 0 : i32
      %max3A_1041 = vector.broadcast %max3A_1040 : i32 to vector<16xi32>
      %max3A_1042 = arith.maxsi %get3A_1039, %max3A_1041 : vector<16xi32>
      %add3A_1043 = vector.broadcast %mul3A_7 : i32 to vector<16xi32>
      %add3A_1044 = arith.addi %max3A_1042, %add3A_1043 : vector<16xi32>
      %swap3A_1045 = arith.constant 128 : index
      %swap3A_1046 = tpu.vector_load %arg31[%swap3A_1045] {strides = array<i32>} : memref<384xi32, #tpu.memory_space<vmem>>, vector<16xi32>,
      %swap3A_1047 = vector.shape_cast %swap3A_1046 : vector<16xi32> to vector<16xi32>
      %swap3A_1048 = vector.shape_cast %add3A_1044 : vector<16xi32> to vector<16xi32>
      tpu.vector_store %arg31[%swap3A_1045], %swap3A_1048 {strides = array<i32>} : memref<384xi32, #tpu.memory_space<vmem>>, vector<16xi32>,
      %get3A_1049 = arith.constant 144 : index
      %get3A_1050 = tpu.vector_load %arg28[%get3A_1049] {strides = array<i32>} : memref<384xi32, #tpu.memory_space<vmem>>, vector<16xi32>,
      %get3A_1051 = vector.shape_cast %get3A_1050 : vector<16xi32> to vector<16xi32>
      %max3A_1052 = arith.constant 0 : i32
      %max3A_1053 = vector.broadcast %max3A_1052 : i32 to vector<16xi32>
      %max3A_1054 = arith.maxsi %get3A_1051, %max3A_1053 : vector<16xi32>
      %add3A_1055 = vector.broadcast %mul3A_7 : i32 to vector<16xi32>
      %add3A_1056 = arith.addi %max3A_1054, %add3A_1055 : vector<16xi32>
      %swap3A_1057 = arith.constant 144 : index
      %swap3A_1058 = tpu.vector_load %arg31[%swap3A_1057] {strides = array<i32>} : memref<384xi32, #tpu.memory_space<vmem>>, vector<16xi32>,
      %swap3A_1059 = vector.shape_cast %swap3A_1058 : vector<16xi32> to vector<16xi32>
      %swap3A_1060 = vector.shape_cast %add3A_1056 : vector<16xi32> to vector<16xi32>
      tpu.vector_store %arg31[%swap3A_1057], %swap3A_1060 {strides = array<i32>} : memref<384xi32, #tpu.memory_space<vmem>>, vector<16xi32>,
      %get3A_1061 = arith.constant 160 : index
      %get3A_1062 = tpu.vector_load %arg28[%get3A_1061] {strides = array<i32>} : memref<384xi32, #tpu.memory_space<vmem>>, vector<16xi32>,
      %get3A_1063 = vector.shape_cast %get3A_1062 : vector<16xi32> to vector<16xi32>
      %max3A_1064 = arith.constant 0 : i32
      %max3A_1065 = vector.broadcast %max3A_1064 : i32 to vector<16xi32>
      %max3A_1066 = arith.maxsi %get3A_1063, %max3A_1065 : vector<16xi32>
      %add3A_1067 = vector.broadcast %mul3A_7 : i32 to vector<16xi32>
      %add3A_1068 = arith.addi %max3A_1066, %add3A_1067 : vector<16xi32>
      %swap3A_1069 = arith.constant 160 : index
      %swap3A_1070 = tpu.vector_load %arg31[%swap3A_1069] {strides = array<i32>} : memref<384xi32, #tpu.memory_space<vmem>>, vector<16xi32>,
      %swap3A_1071 = vector.shape_cast %swap3A_1070 : vector<16xi32> to vector<16xi32>
      %swap3A_1072 = vector.shape_cast %add3A_1068 : vector<16xi32> to vector<16xi32>
      tpu.vector_store %arg31[%swap3A_1069], %swap3A_1072 {strides = array<i32>} : memref<384xi32, #tpu.memory_space<vmem>>, vector<16xi32>,
      %get3A_1073 = arith.constant 176 : index
      %get3A_1074 = tpu.vector_load %arg28[%get3A_1073] {strides = array<i32>} : memref<384xi32, #tpu.memory_space<vmem>>, vector<16xi32>,
      %get3A_1075 = vector.shape_cast %get3A_1074 : vector<16xi32> to vector<16xi32>
      %max3A_1076 = arith.constant 0 : i32
      %max3A_1077 = vector.broadcast %max3A_1076 : i32 to vector<16xi32>
      %max3A_1078 = arith.maxsi %get3A_1075, %max3A_1077 : vector<16xi32>
      %add3A_1079 = vector.broadcast %mul3A_7 : i32 to vector<16xi32>
      %add3A_1080 = arith.addi %max3A_1078, %add3A_1079 : vector<16xi32>
      %swap3A_1081 = arith.constant 176 : index
      %swap3A_1082 = tpu.vector_load %arg31[%swap3A_1081] {strides = array<i32>} : memref<384xi32, #tpu.memory_space<vmem>>, vector<16xi32>,
      %swap3A_1083 = vector.shape_cast %swap3A_1082 : vector<16xi32> to vector<16xi32>
      %swap3A_1084 = vector.shape_cast %add3A_1080 : vector<16xi32> to vector<16xi32>
      tpu.vector_store %arg31[%swap3A_1081], %swap3A_1084 {strides = array<i32>} : memref<384xi32, #tpu.memory_space<vmem>>, vector<16xi32>,
      %get3A_1085 = arith.constant 192 : index
      %get3A_1086 = tpu.vector_load %arg28[%get3A_1085] {strides = array<i32>} : memref<384xi32, #tpu.memory_space<vmem>>, vector<16xi32>,
      %get3A_1087 = vector.shape_cast %get3A_1086 : vector<16xi32> to vector<16xi32>
      %max3A_1088 = arith.constant 0 : i32
      %max3A_1089 = vector.broadcast %max3A_1088 : i32 to vector<16xi32>
      %max3A_1090 = arith.maxsi %get3A_1087, %max3A_1089 : vector<16xi32>
      %add3A_1091 = vector.broadcast %mul3A_7 : i32 to vector<16xi32>
      %add3A_1092 = arith.addi %max3A_1090, %add3A_1091 : vector<16xi32>
      %swap3A_1093 = arith.constant 192 : index
      %swap3A_1094 = tpu.vector_load %arg31[%swap3A_1093] {strides = array<i32>} : memref<384xi32, #tpu.memory_space<vmem>>, vector<16xi32>,
      %swap3A_1095 = vector.shape_cast %swap3A_1094 : vector<16xi32> to vector<16xi32>
      %swap3A_1096 = vector.shape_cast %add3A_1092 : vector<16xi32> to vector<16xi32>
      tpu.vector_store %arg31[%swap3A_1093], %swap3A_1096 {strides = array<i32>} : memref<384xi32, #tpu.memory_space<vmem>>, vector<16xi32>,
      %get3A_1097 = arith.constant 208 : index
      %get3A_1098 = tpu.vector_load %arg28[%get3A_1097] {strides = array<i32>} : memref<384xi32, #tpu.memory_space<vmem>>, vector<16xi32>,
      %get3A_1099 = vector.shape_cast %get3A_1098 : vector<16xi32> to vector<16xi32>
      %max3A_1100 = arith.constant 0 : i32
      %max3A_1101 = vector.broadcast %max3A_1100 : i32 to vector<16xi32>
      %max3A_1102 = arith.maxsi %get3A_1099, %max3A_1101 : vector<16xi32>
      %add3A_1103 = vector.broadcast %mul3A_7 : i32 to vector<16xi32>
      %add3A_1104 = arith.addi %max3A_1102, %add3A_1103 : vector<16xi32>
      %swap3A_1105 = arith.constant 208 : index
      %swap3A_1106 = tpu.vector_load %arg31[%swap3A_1105] {strides = array<i32>} : memref<384xi32, #tpu.memory_space<vmem>>, vector<16xi32>,
      %swap3A_1107 = vector.shape_cast %swap3A_1106 : vector<16xi32> to vector<16xi32>
      %swap3A_1108 = vector.shape_cast %add3A_1104 : vector<16xi32> to vector<16xi32>
      tpu.vector_store %arg31[%swap3A_1105], %swap3A_1108 {strides = array<i32>} : memref<384xi32, #tpu.memory_space<vmem>>, vector<16xi32>,
      %get3A_1109 = arith.constant 224 : index
      %get3A_1110 = tpu.vector_load %arg28[%get3A_1109] {strides = array<i32>} : memref<384xi32, #tpu.memory_space<vmem>>, vector<16xi32>,
      %get3A_1111 = vector.shape_cast %get3A_1110 : vector<16xi32> to vector<16xi32>
      %max3A_1112 = arith.constant 0 : i32
      %max3A_1113 = vector.broadcast %max3A_1112 : i32 to vector<16xi32>
      %max3A_1114 = arith.maxsi %get3A_1111, %max3A_1113 : vector<16xi32>
      %add3A_1115 = vector.broadcast %mul3A_7 : i32 to vector<16xi32>
      %add3A_1116 = arith.addi %max3A_1114, %add3A_1115 : vector<16xi32>
      %swap3A_1117 = arith.constant 224 : index
      %swap3A_1118 = tpu.vector_load %arg31[%swap3A_1117] {strides = array<i32>} : memref<384xi32, #tpu.memory_space<vmem>>, vector<16xi32>,
      %swap3A_1119 = vector.shape_cast %swap3A_1118 : vector<16xi32> to vector<16xi32>
      %swap3A_1120 = vector.shape_cast %add3A_1116 : vector<16xi32> to vector<16xi32>
      tpu.vector_store %arg31[%swap3A_1117], %swap3A_1120 {strides = array<i32>} : memref<384xi32, #tpu.memory_space<vmem>>, vector<16xi32>,
      %get3A_1121 = arith.constant 240 : index
      %get3A_1122 = tpu.vector_load %arg28[%get3A_1121] {strides = array<i32>} : memref<384xi32, #tpu.memory_space<vmem>>, vector<16xi32>,
      %get3A_1123 = vector.shape_cast %get3A_1122 : vector<16xi32> to vector<16xi32>
      %max3A_1124 = arith.constant 0 : i32
      %max3A_1125 = vector.broadcast %max3A_1124 : i32 to vector<16xi32>
      %max3A_1126 = arith.maxsi %get3A_1123, %max3A_1125 : vector<16xi32>
      %add3A_1127 = vector.broadcast %mul3A_7 : i32 to vector<16xi32>
      %add3A_1128 = arith.addi %max3A_1126, %add3A_1127 : vector<16xi32>
      %swap3A_1129 = arith.constant 240 : index
      %swap3A_1130 = tpu.vector_load %arg31[%swap3A_1129] {strides = array<i32>} : memref<384xi32, #tpu.memory_space<vmem>>, vector<16xi32>,
      %swap3A_1131 = vector.shape_cast %swap3A_1130 : vector<16xi32> to vector<16xi32>
      %swap3A_1132 = vector.shape_cast %add3A_1128 : vector<16xi32> to vector<16xi32>
      tpu.vector_store %arg31[%swap3A_1129], %swap3A_1132 {strides = array<i32>} : memref<384xi32, #tpu.memory_space<vmem>>, vector<16xi32>,
      %get3A_1133 = arith.constant 256 : index
      %get3A_1134 = tpu.vector_load %arg28[%get3A_1133] {strides = array<i32>} : memref<384xi32, #tpu.memory_space<vmem>>, vector<16xi32>,
      %get3A_1135 = vector.shape_cast %get3A_1134 : vector<16xi32> to vector<16xi32>
      %max3A_1136 = arith.constant 0 : i32
      %max3A_1137 = vector.broadcast %max3A_1136 : i32 to vector<16xi32>
      %max3A_1138 = arith.maxsi %get3A_1135, %max3A_1137 : vector<16xi32>
      %add3A_1139 = vector.broadcast %mul3A_7 : i32 to vector<16xi32>
      %add3A_1140 = arith.addi %max3A_1138, %add3A_1139 : vector<16xi32>
      %swap3A_1141 = arith.constant 256 : index
      %swap3A_1142 = tpu.vector_load %arg31[%swap3A_1141] {strides = array<i32>} : memref<384xi32, #tpu.memory_space<vmem>>, vector<16xi32>,
      %swap3A_1143 = vector.shape_cast %swap3A_1142 : vector<16xi32> to vector<16xi32>
      %swap3A_1144 = vector.shape_cast %add3A_1140 : vector<16xi32> to vector<16xi32>
      tpu.vector_store %arg31[%swap3A_1141], %swap3A_1144 {strides = array<i32>} : memref<384xi32, #tpu.memory_space<vmem>>, vector<16xi32>,
      %get3A_1145 = arith.constant 272 : index
      %get3A_1146 = tpu.vector_load %arg28[%get3A_1145] {strides = array<i32>} : memref<384xi32, #tpu.memory_space<vmem>>, vector<16xi32>,
      %get3A_1147 = vector.shape_cast %get3A_1146 : vector<16xi32> to vector<16xi32>
      %max3A_1148 = arith.constant 0 : i32
      %max3A_1149 = vector.broadcast %max3A_1148 : i32 to vector<16xi32>
      %max3A_1150 = arith.maxsi %get3A_1147, %max3A_1149 : vector<16xi32>
      %add3A_1151 = vector.broadcast %mul3A_7 : i32 to vector<16xi32>
      %add3A_1152 = arith.addi %max3A_1150, %add3A_1151 : vector<16xi32>
      %swap3A_1153 = arith.constant 272 : index
      %swap3A_1154 = tpu.vector_load %arg31[%swap3A_1153] {strides = array<i32>} : memref<384xi32, #tpu.memory_space<vmem>>, vector<16xi32>,
      %swap3A_1155 = vector.shape_cast %swap3A_1154 : vector<16xi32> to vector<16xi32>
      %swap3A_1156 = vector.shape_cast %add3A_1152 : vector<16xi32> to vector<16xi32>
      tpu.vector_store %arg31[%swap3A_1153], %swap3A_1156 {strides = array<i32>} : memref<384xi32, #tpu.memory_space<vmem>>, vector<16xi32>,
      %get3A_1157 = arith.constant 288 : index
      %get3A_1158 = tpu.vector_load %arg28[%get3A_1157] {strides = array<i32>} : memref<384xi32, #tpu.memory_space<vmem>>, vector<16xi32>,
      %get3A_1159 = vector.shape_cast %get3A_1158 : vector<16xi32> to vector<16xi32>
      %max3A_1160 = arith.constant 0 : i32
      %max3A_1161 = vector.broadcast %max3A_1160 : i32 to vector<16xi32>
      %max3A_1162 = arith.maxsi %get3A_1159, %max3A_1161 : vector<16xi32>
      %add3A_1163 = vector.broadcast %mul3A_7 : i32 to vector<16xi32>
      %add3A_1164 = arith.addi %max3A_1162, %add3A_1163 : vector<16xi32>
      %swap3A_1165 = arith.constant 288 : index
      %swap3A_1166 = tpu.vector_load %arg31[%swap3A_1165] {strides = array<i32>} : memref<384xi32, #tpu.memory_space<vmem>>, vector<16xi32>,
      %swap3A_1167 = vector.shape_cast %swap3A_1166 : vector<16xi32> to vector<16xi32>
      %swap3A_1168 = vector.shape_cast %add3A_1164 : vector<16xi32> to vector<16xi32>
      tpu.vector_store %arg31[%swap3A_1165], %swap3A_1168 {strides = array<i32>} : memref<384xi32, #tpu.memory_space<vmem>>, vector<16xi32>,
      %get3A_1169 = arith.constant 304 : index
      %get3A_1170 = tpu.vector_load %arg28[%get3A_1169] {strides = array<i32>} : memref<384xi32, #tpu.memory_space<vmem>>, vector<16xi32>,
      %get3A_1171 = vector.shape_cast %get3A_1170 : vector<16xi32> to vector<16xi32>
      %max3A_1172 = arith.constant 0 : i32
      %max3A_1173 = vector.broadcast %max3A_1172 : i32 to vector<16xi32>
      %max3A_1174 = arith.maxsi %get3A_1171, %max3A_1173 : vector<16xi32>
      %add3A_1175 = vector.broadcast %mul3A_7 : i32 to vector<16xi32>
      %add3A_1176 = arith.addi %max3A_1174, %add3A_1175 : vector<16xi32>
      %swap3A_1177 = arith.constant 304 : index
      %swap3A_1178 = tpu.vector_load %arg31[%swap3A_1177] {strides = array<i32>} : memref<384xi32, #tpu.memory_space<vmem>>, vector<16xi32>,
      %swap3A_1179 = vector.shape_cast %swap3A_1178 : vector<16xi32> to vector<16xi32>
      %swap3A_1180 = vector.shape_cast %add3A_1176 : vector<16xi32> to vector<16xi32>
      tpu.vector_store %arg31[%swap3A_1177], %swap3A_1180 {strides = array<i32>} : memref<384xi32, #tpu.memory_space<vmem>>, vector<16xi32>,
      %get3A_1181 = arith.constant 320 : index
      %get3A_1182 = tpu.vector_load %arg28[%get3A_1181] {strides = array<i32>} : memref<384xi32, #tpu.memory_space<vmem>>, vector<16xi32>,
      %get3A_1183 = vector.shape_cast %get3A_1182 : vector<16xi32> to vector<16xi32>
      %max3A_1184 = arith.constant 0 : i32
      %max3A_1185 = vector.broadcast %max3A_1184 : i32 to vector<16xi32>
      %max3A_1186 = arith.maxsi %get3A_1183, %max3A_1185 : vector<16xi32>
      %add3A_1187 = vector.broadcast %mul3A_7 : i32 to vector<16xi32>
      %add3A_1188 = arith.addi %max3A_1186, %add3A_1187 : vector<16xi32>
      %swap3A_1189 = arith.constant 320 : index
      %swap3A_1190 = tpu.vector_load %arg31[%swap3A_1189] {strides = array<i32>} : memref<384xi32, #tpu.memory_space<vmem>>, vector<16xi32>,
      %swap3A_1191 = vector.shape_cast %swap3A_1190 : vector<16xi32> to vector<16xi32>
      %swap3A_1192 = vector.shape_cast %add3A_1188 : vector<16xi32> to vector<16xi32>
      tpu.vector_store %arg31[%swap3A_1189], %swap3A_1192 {strides = array<i32>} : memref<384xi32, #tpu.memory_space<vmem>>, vector<16xi32>,
      %get3A_1193 = arith.constant 336 : index
      %get3A_1194 = tpu.vector_load %arg28[%get3A_1193] {strides = array<i32>} : memref<384xi32, #tpu.memory_space<vmem>>, vector<16xi32>,
      %get3A_1195 = vector.shape_cast %get3A_1194 : vector<16xi32> to vector<16xi32>
      %max3A_1196 = arith.constant 0 : i32
      %max3A_1197 = vector.broadcast %max3A_1196 : i32 to vector<16xi32>
      %max3A_1198 = arith.maxsi %get3A_1195, %max3A_1197 : vector<16xi32>
      %add3A_1199 = vector.broadcast %mul3A_7 : i32 to vector<16xi32>
      %add3A_1200 = arith.addi %max3A_1198, %add3A_1199 : vector<16xi32>
      %swap3A_1201 = arith.constant 336 : index
      %swap3A_1202 = tpu.vector_load %arg31[%swap3A_1201] {strides = array<i32>} : memref<384xi32, #tpu.memory_space<vmem>>, vector<16xi32>,
      %swap3A_1203 = vector.shape_cast %swap3A_1202 : vector<16xi32> to vector<16xi32>
      %swap3A_1204 = vector.shape_cast %add3A_1200 : vector<16xi32> to vector<16xi32>
      tpu.vector_store %arg31[%swap3A_1201], %swap3A_1204 {strides = array<i32>} : memref<384xi32, #tpu.memory_space<vmem>>, vector<16xi32>,
      %get3A_1205 = arith.constant 352 : index
      %get3A_1206 = tpu.vector_load %arg28[%get3A_1205] {strides = array<i32>} : memref<384xi32, #tpu.memory_space<vmem>>, vector<16xi32>,
      %get3A_1207 = vector.shape_cast %get3A_1206 : vector<16xi32> to vector<16xi32>
      %max3A_1208 = arith.constant 0 : i32
      %max3A_1209 = vector.broadcast %max3A_1208 : i32 to vector<16xi32>
      %max3A_1210 = arith.maxsi %get3A_1207, %max3A_1209 : vector<16xi32>
      %add3A_1211 = vector.broadcast %mul3A_7 : i32 to vector<16xi32>
      %add3A_1212 = arith.addi %max3A_1210, %add3A_1211 : vector<16xi32>
      %swap3A_1213 = arith.constant 352 : index
      %swap3A_1214 = tpu.vector_load %arg31[%swap3A_1213] {strides = array<i32>} : memref<384xi32, #tpu.memory_space<vmem>>, vector<16xi32>,
      %swap3A_1215 = vector.shape_cast %swap3A_1214 : vector<16xi32> to vector<16xi32>
      %swap3A_1216 = vector.shape_cast %add3A_1212 : vector<16xi32> to vector<16xi32>
      tpu.vector_store %arg31[%swap3A_1213], %swap3A_1216 {strides = array<i32>} : memref<384xi32, #tpu.memory_space<vmem>>, vector<16xi32>,
      %get3A_1217 = arith.constant 368 : index
      %get3A_1218 = tpu.vector_load %arg28[%get3A_1217] {strides = array<i32>} : memref<384xi32, #tpu.memory_space<vmem>>, vector<16xi32>,
      %get3A_1219 = vector.shape_cast %get3A_1218 : vector<16xi32> to vector<16xi32>
      %max3A_1220 = arith.constant 0 : i32
      %max3A_1221 = vector.broadcast %max3A_1220 : i32 to vector<16xi32>
      %max3A_1222 = arith.maxsi %get3A_1219, %max3A_1221 : vector<16xi32>
      %add3A_1223 = vector.broadcast %mul3A_7 : i32 to vector<16xi32>
      %add3A_1224 = arith.addi %max3A_1222, %add3A_1223 : vector<16xi32>
      %swap3A_1225 = arith.constant 368 : index
      %swap3A_1226 = tpu.vector_load %arg31[%swap3A_1225] {strides = array<i32>} : memref<384xi32, #tpu.memory_space<vmem>>, vector<16xi32>,
      %swap3A_1227 = vector.shape_cast %swap3A_1226 : vector<16xi32> to vector<16xi32>
      %swap3A_1228 = vector.shape_cast %add3A_1224 : vector<16xi32> to vector<16xi32>
      tpu.vector_store %arg31[%swap3A_1225], %swap3A_1228 {strides = array<i32>} : memref<384xi32, #tpu.memory_space<vmem>>, vector<16xi32>,
      %dma_start3A_1229 = arith.constant 0 : i32
      %dma_start3A_1230 = tpu.memref_slice %arg30[%dma_start3A_1229] : memref<384xi32, #tpu.memory_space<vmem>> -> memref<128xi32, #tpu.memory_space<vmem>>
      %dma_start3A_1231 = arith.constant 0 : i32
      %dma_start3A_1232 = tpu.memref_slice %arg31[%dma_start3A_1231] : memref<384xi32, #tpu.memory_space<vmem>> -> memref<128xi32, #tpu.memory_space<vmem>>
      %dma_start3A_1233 = arith.constant 0 : i32
      %dma_start3A_1234 = tpu.memref_slice %arg7[%dma_start3A_1233] : memref<320000xi32, #tpu.memory_space<hbm>> -> memref<320000xi32, #tpu.memory_space<hbm>>
      tpu.enqueue_indirect_dma source(%dma_start3A_1234 : memref<320000xi32, #tpu.memory_space<hbm>>) target(%dma_start3A_1230 : memref<128xi32, #tpu.memory_space<vmem>>) offsets(%dma_start3A_1232 : memref<128xi32, #tpu.memory_space<vmem>>) semaphore(%arg35 : memref<!tpu.dma_semaphore, #tpu.memory_space<semaphore_mem>>)
      %dma_start3A_1235 = arith.constant 128 : i32
      %dma_start3A_1236 = tpu.memref_slice %arg30[%dma_start3A_1235] : memref<384xi32, #tpu.memory_space<vmem>> -> memref<128xi32, #tpu.memory_space<vmem>>
      %dma_start3A_1237 = arith.constant 128 : i32
      %dma_start3A_1238 = tpu.memref_slice %arg31[%dma_start3A_1237] : memref<384xi32, #tpu.memory_space<vmem>> -> memref<128xi32, #tpu.memory_space<vmem>>
      %dma_start3A_1239 = arith.constant 0 : i32
      %dma_start3A_1240 = tpu.memref_slice %arg7[%dma_start3A_1239] : memref<320000xi32, #tpu.memory_space<hbm>> -> memref<320000xi32, #tpu.memory_space<hbm>>
      tpu.enqueue_indirect_dma source(%dma_start3A_1240 : memref<320000xi32, #tpu.memory_space<hbm>>) target(%dma_start3A_1236 : memref<128xi32, #tpu.memory_space<vmem>>) offsets(%dma_start3A_1238 : memref<128xi32, #tpu.memory_space<vmem>>) semaphore(%arg35 : memref<!tpu.dma_semaphore, #tpu.memory_space<semaphore_mem>>)
      %dma_start3A_1241 = arith.constant 256 : i32
      %dma_start3A_1242 = tpu.memref_slice %arg30[%dma_start3A_1241] : memref<384xi32, #tpu.memory_space<vmem>> -> memref<128xi32, #tpu.memory_space<vmem>>
      %dma_start3A_1243 = arith.constant 256 : i32
      %dma_start3A_1244 = tpu.memref_slice %arg31[%dma_start3A_1243] : memref<384xi32, #tpu.memory_space<vmem>> -> memref<128xi32, #tpu.memory_space<vmem>>
      %dma_start3A_1245 = arith.constant 0 : i32
      %dma_start3A_1246 = tpu.memref_slice %arg7[%dma_start3A_1245] : memref<320000xi32, #tpu.memory_space<hbm>> -> memref<320000xi32, #tpu.memory_space<hbm>>
      tpu.enqueue_indirect_dma source(%dma_start3A_1246 : memref<320000xi32, #tpu.memory_space<hbm>>) target(%dma_start3A_1242 : memref<128xi32, #tpu.memory_space<vmem>>) offsets(%dma_start3A_1244 : memref<128xi32, #tpu.memory_space<vmem>>) semaphore(%arg35 : memref<!tpu.dma_semaphore, #tpu.memory_space<semaphore_mem>>)
      %dma_wait3A_1247 = arith.constant 0 : i32
      %dma_wait3A_1248 = tpu.memref_slice %arg30[%dma_wait3A_1247] : memref<384xi32, #tpu.memory_space<vmem>> -> memref<128xi32, #tpu.memory_space<vmem>>
      %dma_wait3A_1249 = arith.constant 0 : i32
      %dma_wait3A_1250 = tpu.memref_slice %arg31[%dma_wait3A_1249] : memref<384xi32, #tpu.memory_space<vmem>> -> memref<128xi32, #tpu.memory_space<vmem>>
      %dma_wait3A_1251 = arith.constant 0 : i32
      %dma_wait3A_1252 = tpu.memref_slice %arg7[%dma_wait3A_1251] : memref<320000xi32, #tpu.memory_space<hbm>> -> memref<320000xi32, #tpu.memory_space<hbm>>
      tpu.wait_indirect_dma semaphore(%arg35 : memref<!tpu.dma_semaphore, #tpu.memory_space<semaphore_mem>>) src(%dma_wait3A_1252 : memref<320000xi32, #tpu.memory_space<hbm>>) dst(%dma_wait3A_1248 : memref<128xi32, #tpu.memory_space<vmem>>)
      %dma_wait3A_1253 = arith.constant 128 : i32
      %dma_wait3A_1254 = tpu.memref_slice %arg30[%dma_wait3A_1253] : memref<384xi32, #tpu.memory_space<vmem>> -> memref<128xi32, #tpu.memory_space<vmem>>
      %dma_wait3A_1255 = arith.constant 128 : i32
      %dma_wait3A_1256 = tpu.memref_slice %arg31[%dma_wait3A_1255] : memref<384xi32, #tpu.memory_space<vmem>> -> memref<128xi32, #tpu.memory_space<vmem>>
      %dma_wait3A_1257 = arith.constant 0 : i32
      %dma_wait3A_1258 = tpu.memref_slice %arg7[%dma_wait3A_1257] : memref<320000xi32, #tpu.memory_space<hbm>> -> memref<320000xi32, #tpu.memory_space<hbm>>
      tpu.wait_indirect_dma semaphore(%arg35 : memref<!tpu.dma_semaphore, #tpu.memory_space<semaphore_mem>>) src(%dma_wait3A_1258 : memref<320000xi32, #tpu.memory_space<hbm>>) dst(%dma_wait3A_1254 : memref<128xi32, #tpu.memory_space<vmem>>)
      %dma_wait3A_1259 = arith.constant 256 : i32
      %dma_wait3A_1260 = tpu.memref_slice %arg30[%dma_wait3A_1259] : memref<384xi32, #tpu.memory_space<vmem>> -> memref<128xi32, #tpu.memory_space<vmem>>
      %dma_wait3A_1261 = arith.constant 256 : i32
      %dma_wait3A_1262 = tpu.memref_slice %arg31[%dma_wait3A_1261] : memref<384xi32, #tpu.memory_space<vmem>> -> memref<128xi32, #tpu.memory_space<vmem>>
      %dma_wait3A_1263 = arith.constant 0 : i32
      %dma_wait3A_1264 = tpu.memref_slice %arg7[%dma_wait3A_1263] : memref<320000xi32, #tpu.memory_space<hbm>> -> memref<320000xi32, #tpu.memory_space<hbm>>
      tpu.wait_indirect_dma semaphore(%arg35 : memref<!tpu.dma_semaphore, #tpu.memory_space<semaphore_mem>>) src(%dma_wait3A_1264 : memref<320000xi32, #tpu.memory_space<hbm>>) dst(%dma_wait3A_1260 : memref<128xi32, #tpu.memory_space<vmem>>)
      "tpu.region"() ({
        %run_scoped3A = tpu.sem_alloc : memref<!tpu.dma_semaphore, #tpu.memory_space<semaphore_mem>>
        %dma_start3A_1265 = arith.constant 0 : i32
        %dma_start3A_1266 = tpu.memref_slice %arg8[%add3A, %dma_start3A_1265] : memref<16x384xi32, #tpu.memory_space<hbm>> -> memref<1x384xi32, #tpu.memory_space<hbm>>
        %dma_start3A_1267 = tpu.memref_squeeze %dma_start3A_1266 : memref<1x384xi32, #tpu.memory_space<hbm>> -> memref<384xi32, #tpu.memory_space<hbm>>
        %dma_start3A_1268 = arith.constant 0 : i32
        %dma_start3A_1269 = tpu.memref_slice %arg8[%add3A, %dma_start3A_1268] : memref<16x384xi32, #tpu.memory_space<hbm>> -> memref<1x384xi32, #tpu.memory_space<hbm>>
        %dma_start3A_1270 = tpu.memref_squeeze %dma_start3A_1269 : memref<1x384xi32, #tpu.memory_space<hbm>> -> memref<384xi32, #tpu.memory_space<hbm>>
        tpu.enqueue_dma source(%arg28 : memref<384xi32, #tpu.memory_space<vmem>>) target(%dma_start3A_1270 : memref<384xi32, #tpu.memory_space<hbm>>) target_semaphore(%run_scoped3A : memref<!tpu.dma_semaphore, #tpu.memory_space<semaphore_mem>>)
        %dma_wait3A_1271 = arith.constant 0 : i32
        %dma_wait3A_1272 = tpu.memref_slice %arg8[%add3A, %dma_wait3A_1271] : memref<16x384xi32, #tpu.memory_space<hbm>> -> memref<1x384xi32, #tpu.memory_space<hbm>>
        %dma_wait3A_1273 = tpu.memref_squeeze %dma_wait3A_1272 : memref<1x384xi32, #tpu.memory_space<hbm>> -> memref<384xi32, #tpu.memory_space<hbm>>
        %dma_wait3A_1274 = arith.constant 0 : i32
        %dma_wait3A_1275 = tpu.memref_slice %arg8[%add3A, %dma_wait3A_1274] : memref<16x384xi32, #tpu.memory_space<hbm>> -> memref<1x384xi32, #tpu.memory_space<hbm>>
        %dma_wait3A_1276 = tpu.memref_squeeze %dma_wait3A_1275 : memref<1x384xi32, #tpu.memory_space<hbm>> -> memref<384xi32, #tpu.memory_space<hbm>>
        tpu.wait_dma2 semaphore(%run_scoped3A : memref<!tpu.dma_semaphore, #tpu.memory_space<semaphore_mem>>) src(%arg28 : memref<384xi32, #tpu.memory_space<vmem>>) dst(%dma_wait3A_1276 : memref<384xi32, #tpu.memory_space<hbm>>)
        tpu.yield
      }) : () -> ()
      "tpu.region"() ({
        %run_scoped3A = tpu.sem_alloc : memref<!tpu.dma_semaphore, #tpu.memory_space<semaphore_mem>>
        %dma_start3A_1265 = arith.constant 0 : i32
        %dma_start3A_1266 = tpu.memref_slice %arg9[%add3A, %dma_start3A_1265] : memref<16x384xf32, #tpu.memory_space<hbm>> -> memref<1x384xf32, #tpu.memory_space<hbm>>
        %dma_start3A_1267 = tpu.memref_squeeze %dma_start3A_1266 : memref<1x384xf32, #tpu.memory_space<hbm>> -> memref<384xf32, #tpu.memory_space<hbm>>
        %dma_start3A_1268 = arith.constant 0 : i32
        %dma_start3A_1269 = tpu.memref_slice %arg9[%add3A, %dma_start3A_1268] : memref<16x384xf32, #tpu.memory_space<hbm>> -> memref<1x384xf32, #tpu.memory_space<hbm>>
        %dma_start3A_1270 = tpu.memref_squeeze %dma_start3A_1269 : memref<1x384xf32, #tpu.memory_space<hbm>> -> memref<384xf32, #tpu.memory_space<hbm>>
        tpu.enqueue_dma source(%arg29 : memref<384xf32, #tpu.memory_space<vmem>>) target(%dma_start3A_1270 : memref<384xf32, #tpu.memory_space<hbm>>) target_semaphore(%run_scoped3A : memref<!tpu.dma_semaphore, #tpu.memory_space<semaphore_mem>>)
        %dma_wait3A_1271 = arith.constant 0 : i32
        %dma_wait3A_1272 = tpu.memref_slice %arg9[%add3A, %dma_wait3A_1271] : memref<16x384xf32, #tpu.memory_space<hbm>> -> memref<1x384xf32, #tpu.memory_space<hbm>>
        %dma_wait3A_1273 = tpu.memref_squeeze %dma_wait3A_1272 : memref<1x384xf32, #tpu.memory_space<hbm>> -> memref<384xf32, #tpu.memory_space<hbm>>
        %dma_wait3A_1274 = arith.constant 0 : i32
        %dma_wait3A_1275 = tpu.memref_slice %arg9[%add3A, %dma_wait3A_1274] : memref<16x384xf32, #tpu.memory_space<hbm>> -> memref<1x384xf32, #tpu.memory_space<hbm>>
        %dma_wait3A_1276 = tpu.memref_squeeze %dma_wait3A_1275 : memref<1x384xf32, #tpu.memory_space<hbm>> -> memref<384xf32, #tpu.memory_space<hbm>>
        tpu.wait_dma2 semaphore(%run_scoped3A : memref<!tpu.dma_semaphore, #tpu.memory_space<semaphore_mem>>) src(%arg29 : memref<384xf32, #tpu.memory_space<vmem>>) dst(%dma_wait3A_1276 : memref<384xf32, #tpu.memory_space<hbm>>)
        tpu.yield
      }) : () -> ()
      "tpu.region"() ({
        %run_scoped3A = tpu.sem_alloc : memref<!tpu.dma_semaphore, #tpu.memory_space<semaphore_mem>>
        %dma_start3A_1265 = arith.constant 0 : i32
        %dma_start3A_1266 = tpu.memref_slice %arg10[%add3A, %dma_start3A_1265] : memref<16x384xf32, #tpu.memory_space<hbm>> -> memref<1x384xf32, #tpu.memory_space<hbm>>
        %dma_start3A_1267 = tpu.memref_squeeze %dma_start3A_1266 : memref<1x384xf32, #tpu.memory_space<hbm>> -> memref<384xf32, #tpu.memory_space<hbm>>
        %dma_start3A_1268 = arith.constant 0 : i32
        %dma_start3A_1269 = tpu.memref_slice %arg10[%add3A, %dma_start3A_1268] : memref<16x384xf32, #tpu.memory_space<hbm>> -> memref<1x384xf32, #tpu.memory_space<hbm>>
        %dma_start3A_1270 = tpu.memref_squeeze %dma_start3A_1269 : memref<1x384xf32, #tpu.memory_space<hbm>> -> memref<384xf32, #tpu.memory_space<hbm>>
        tpu.enqueue_dma source(%arg23 : memref<384xf32, #tpu.memory_space<vmem>>) target(%dma_start3A_1270 : memref<384xf32, #tpu.memory_space<hbm>>) target_semaphore(%run_scoped3A : memref<!tpu.dma_semaphore, #tpu.memory_space<semaphore_mem>>)
        %dma_wait3A_1271 = arith.constant 0 : i32
        %dma_wait3A_1272 = tpu.memref_slice %arg10[%add3A, %dma_wait3A_1271] : memref<16x384xf32, #tpu.memory_space<hbm>> -> memref<1x384xf32, #tpu.memory_space<hbm>>
        %dma_wait3A_1273 = tpu.memref_squeeze %dma_wait3A_1272 : memref<1x384xf32, #tpu.memory_space<hbm>> -> memref<384xf32, #tpu.memory_space<hbm>>
        %dma_wait3A_1274 = arith.constant 0 : i32
        %dma_wait3A_1275 = tpu.memref_slice %arg10[%add3A, %dma_wait3A_1274] : memref<16x384xf32, #tpu.memory_space<hbm>> -> memref<1x384xf32, #tpu.memory_space<hbm>>
        %dma_wait3A_1276 = tpu.memref_squeeze %dma_wait3A_1275 : memref<1x384xf32, #tpu.memory_space<hbm>> -> memref<384xf32, #tpu.memory_space<hbm>>
        tpu.wait_dma2 semaphore(%run_scoped3A : memref<!tpu.dma_semaphore, #tpu.memory_space<semaphore_mem>>) src(%arg23 : memref<384xf32, #tpu.memory_space<vmem>>) dst(%dma_wait3A_1276 : memref<384xf32, #tpu.memory_space<hbm>>)
        tpu.yield
      }) : () -> ()
      "tpu.region"() ({
        %run_scoped3A = tpu.sem_alloc : memref<!tpu.dma_semaphore, #tpu.memory_space<semaphore_mem>>
        %dma_start3A_1265 = arith.constant 0 : i32
        %dma_start3A_1266 = tpu.memref_slice %arg11[%add3A, %dma_start3A_1265] : memref<16x384xf32, #tpu.memory_space<hbm>> -> memref<1x384xf32, #tpu.memory_space<hbm>>
        %dma_start3A_1267 = tpu.memref_squeeze %dma_start3A_1266 : memref<1x384xf32, #tpu.memory_space<hbm>> -> memref<384xf32, #tpu.memory_space<hbm>>
        %dma_start3A_1268 = arith.constant 0 : i32
        %dma_start3A_1269 = tpu.memref_slice %arg11[%add3A, %dma_start3A_1268] : memref<16x384xf32, #tpu.memory_space<hbm>> -> memref<1x384xf32, #tpu.memory_space<hbm>>
        %dma_start3A_1270 = tpu.memref_squeeze %dma_start3A_1269 : memref<1x384xf32, #tpu.memory_space<hbm>> -> memref<384xf32, #tpu.memory_space<hbm>>
        tpu.enqueue_dma source(%arg24 : memref<384xf32, #tpu.memory_space<vmem>>) target(%dma_start3A_1270 : memref<384xf32, #tpu.memory_space<hbm>>) target_semaphore(%run_scoped3A : memref<!tpu.dma_semaphore, #tpu.memory_space<semaphore_mem>>)
        %dma_wait3A_1271 = arith.constant 0 : i32
        %dma_wait3A_1272 = tpu.memref_slice %arg11[%add3A, %dma_wait3A_1271] : memref<16x384xf32, #tpu.memory_space<hbm>> -> memref<1x384xf32, #tpu.memory_space<hbm>>
        %dma_wait3A_1273 = tpu.memref_squeeze %dma_wait3A_1272 : memref<1x384xf32, #tpu.memory_space<hbm>> -> memref<384xf32, #tpu.memory_space<hbm>>
        %dma_wait3A_1274 = arith.constant 0 : i32
        %dma_wait3A_1275 = tpu.memref_slice %arg11[%add3A, %dma_wait3A_1274] : memref<16x384xf32, #tpu.memory_space<hbm>> -> memref<1x384xf32, #tpu.memory_space<hbm>>
        %dma_wait3A_1276 = tpu.memref_squeeze %dma_wait3A_1275 : memref<1x384xf32, #tpu.memory_space<hbm>> -> memref<384xf32, #tpu.memory_space<hbm>>
        tpu.wait_dma2 semaphore(%run_scoped3A : memref<!tpu.dma_semaphore, #tpu.memory_space<semaphore_mem>>) src(%arg24 : memref<384xf32, #tpu.memory_space<vmem>>) dst(%dma_wait3A_1276 : memref<384xf32, #tpu.memory_space<hbm>>)
        tpu.yield
      }) : () -> ()
      "tpu.region"() ({
        %run_scoped3A = tpu.sem_alloc : memref<!tpu.dma_semaphore, #tpu.memory_space<semaphore_mem>>
        %dma_start3A_1265 = arith.constant 0 : i32
        %dma_start3A_1266 = tpu.memref_slice %arg12[%add3A, %dma_start3A_1265] : memref<16x384xf32, #tpu.memory_space<hbm>> -> memref<1x384xf32, #tpu.memory_space<hbm>>
        %dma_start3A_1267 = tpu.memref_squeeze %dma_start3A_1266 : memref<1x384xf32, #tpu.memory_space<hbm>> -> memref<384xf32, #tpu.memory_space<hbm>>
        %dma_start3A_1268 = arith.constant 0 : i32
        %dma_start3A_1269 = tpu.memref_slice %arg12[%add3A, %dma_start3A_1268] : memref<16x384xf32, #tpu.memory_space<hbm>> -> memref<1x384xf32, #tpu.memory_space<hbm>>
        %dma_start3A_1270 = tpu.memref_squeeze %dma_start3A_1269 : memref<1x384xf32, #tpu.memory_space<hbm>> -> memref<384xf32, #tpu.memory_space<hbm>>
        tpu.enqueue_dma source(%arg25 : memref<384xf32, #tpu.memory_space<vmem>>) target(%dma_start3A_1270 : memref<384xf32, #tpu.memory_space<hbm>>) target_semaphore(%run_scoped3A : memref<!tpu.dma_semaphore, #tpu.memory_space<semaphore_mem>>)
        %dma_wait3A_1271 = arith.constant 0 : i32
        %dma_wait3A_1272 = tpu.memref_slice %arg12[%add3A, %dma_wait3A_1271] : memref<16x384xf32, #tpu.memory_space<hbm>> -> memref<1x384xf32, #tpu.memory_space<hbm>>
        %dma_wait3A_1273 = tpu.memref_squeeze %dma_wait3A_1272 : memref<1x384xf32, #tpu.memory_space<hbm>> -> memref<384xf32, #tpu.memory_space<hbm>>
        %dma_wait3A_1274 = arith.constant 0 : i32
        %dma_wait3A_1275 = tpu.memref_slice %arg12[%add3A, %dma_wait3A_1274] : memref<16x384xf32, #tpu.memory_space<hbm>> -> memref<1x384xf32, #tpu.memory_space<hbm>>
        %dma_wait3A_1276 = tpu.memref_squeeze %dma_wait3A_1275 : memref<1x384xf32, #tpu.memory_space<hbm>> -> memref<384xf32, #tpu.memory_space<hbm>>
        tpu.wait_dma2 semaphore(%run_scoped3A : memref<!tpu.dma_semaphore, #tpu.memory_space<semaphore_mem>>) src(%arg25 : memref<384xf32, #tpu.memory_space<vmem>>) dst(%dma_wait3A_1276 : memref<384xf32, #tpu.memory_space<hbm>>)
        tpu.yield
      }) : () -> ()
      "tpu.region"() ({
        %run_scoped3A = tpu.sem_alloc : memref<!tpu.dma_semaphore, #tpu.memory_space<semaphore_mem>>
        %dma_start3A_1265 = arith.constant 0 : i32
        %dma_start3A_1266 = tpu.memref_slice %arg13[%add3A, %dma_start3A_1265] : memref<16x384xf32, #tpu.memory_space<hbm>> -> memref<1x384xf32, #tpu.memory_space<hbm>>
        %dma_start3A_1267 = tpu.memref_squeeze %dma_start3A_1266 : memref<1x384xf32, #tpu.memory_space<hbm>> -> memref<384xf32, #tpu.memory_space<hbm>>
        %dma_start3A_1268 = arith.constant 0 : i32
        %dma_start3A_1269 = tpu.memref_slice %arg13[%add3A, %dma_start3A_1268] : memref<16x384xf32, #tpu.memory_space<hbm>> -> memref<1x384xf32, #tpu.memory_space<hbm>>
        %dma_start3A_1270 = tpu.memref_squeeze %dma_start3A_1269 : memref<1x384xf32, #tpu.memory_space<hbm>> -> memref<384xf32, #tpu.memory_space<hbm>>
        tpu.enqueue_dma source(%arg26 : memref<384xf32, #tpu.memory_space<vmem>>) target(%dma_start3A_1270 : memref<384xf32, #tpu.memory_space<hbm>>) target_semaphore(%run_scoped3A : memref<!tpu.dma_semaphore, #tpu.memory_space<semaphore_mem>>)
        %dma_wait3A_1271 = arith.constant 0 : i32
        %dma_wait3A_1272 = tpu.memref_slice %arg13[%add3A, %dma_wait3A_1271] : memref<16x384xf32, #tpu.memory_space<hbm>> -> memref<1x384xf32, #tpu.memory_space<hbm>>
        %dma_wait3A_1273 = tpu.memref_squeeze %dma_wait3A_1272 : memref<1x384xf32, #tpu.memory_space<hbm>> -> memref<384xf32, #tpu.memory_space<hbm>>
        %dma_wait3A_1274 = arith.constant 0 : i32
        %dma_wait3A_1275 = tpu.memref_slice %arg13[%add3A, %dma_wait3A_1274] : memref<16x384xf32, #tpu.memory_space<hbm>> -> memref<1x384xf32, #tpu.memory_space<hbm>>
        %dma_wait3A_1276 = tpu.memref_squeeze %dma_wait3A_1275 : memref<1x384xf32, #tpu.memory_space<hbm>> -> memref<384xf32, #tpu.memory_space<hbm>>
        tpu.wait_dma2 semaphore(%run_scoped3A : memref<!tpu.dma_semaphore, #tpu.memory_space<semaphore_mem>>) src(%arg26 : memref<384xf32, #tpu.memory_space<vmem>>) dst(%dma_wait3A_1276 : memref<384xf32, #tpu.memory_space<hbm>>)
        tpu.yield
      }) : () -> ()
      "tpu.region"() ({
        %run_scoped3A = tpu.sem_alloc : memref<!tpu.dma_semaphore, #tpu.memory_space<semaphore_mem>>
        %dma_start3A_1265 = arith.constant 0 : i32
        %dma_start3A_1266 = tpu.memref_slice %arg14[%add3A, %dma_start3A_1265] : memref<16x384xi32, #tpu.memory_space<hbm>> -> memref<1x384xi32, #tpu.memory_space<hbm>>
        %dma_start3A_1267 = tpu.memref_squeeze %dma_start3A_1266 : memref<1x384xi32, #tpu.memory_space<hbm>> -> memref<384xi32, #tpu.memory_space<hbm>>
        %dma_start3A_1268 = arith.constant 0 : i32
        %dma_start3A_1269 = tpu.memref_slice %arg14[%add3A, %dma_start3A_1268] : memref<16x384xi32, #tpu.memory_space<hbm>> -> memref<1x384xi32, #tpu.memory_space<hbm>>
        %dma_start3A_1270 = tpu.memref_squeeze %dma_start3A_1269 : memref<1x384xi32, #tpu.memory_space<hbm>> -> memref<384xi32, #tpu.memory_space<hbm>>
        tpu.enqueue_dma source(%arg30 : memref<384xi32, #tpu.memory_space<vmem>>) target(%dma_start3A_1270 : memref<384xi32, #tpu.memory_space<hbm>>) target_semaphore(%run_scoped3A : memref<!tpu.dma_semaphore, #tpu.memory_space<semaphore_mem>>)
        %dma_wait3A_1271 = arith.constant 0 : i32
        %dma_wait3A_1272 = tpu.memref_slice %arg14[%add3A, %dma_wait3A_1271] : memref<16x384xi32, #tpu.memory_space<hbm>> -> memref<1x384xi32, #tpu.memory_space<hbm>>
        %dma_wait3A_1273 = tpu.memref_squeeze %dma_wait3A_1272 : memref<1x384xi32, #tpu.memory_space<hbm>> -> memref<384xi32, #tpu.memory_space<hbm>>
        %dma_wait3A_1274 = arith.constant 0 : i32
        %dma_wait3A_1275 = tpu.memref_slice %arg14[%add3A, %dma_wait3A_1274] : memref<16x384xi32, #tpu.memory_space<hbm>> -> memref<1x384xi32, #tpu.memory_space<hbm>>
        %dma_wait3A_1276 = tpu.memref_squeeze %dma_wait3A_1275 : memref<1x384xi32, #tpu.memory_space<hbm>> -> memref<384xi32, #tpu.memory_space<hbm>>
        tpu.wait_dma2 semaphore(%run_scoped3A : memref<!tpu.dma_semaphore, #tpu.memory_space<semaphore_mem>>) src(%arg30 : memref<384xi32, #tpu.memory_space<vmem>>) dst(%dma_wait3A_1276 : memref<384xi32, #tpu.memory_space<hbm>>)
        tpu.yield
      }) : () -> ()
      "tpu.region"() ({
        %run_scoped3A = tpu.sem_alloc : memref<!tpu.dma_semaphore, #tpu.memory_space<semaphore_mem>>
        %dma_start3A_1265 = arith.constant 0 : i32
        %dma_start3A_1266 = tpu.memref_slice %arg15[%add3A, %dma_start3A_1265] : memref<16x16xi32, #tpu.memory_space<hbm>> -> memref<1x16xi32, #tpu.memory_space<hbm>>
        %dma_start3A_1267 = tpu.memref_squeeze %dma_start3A_1266 : memref<1x16xi32, #tpu.memory_space<hbm>> -> memref<16xi32, #tpu.memory_space<hbm>>
        %dma_start3A_1268 = arith.constant 0 : i32
        %dma_start3A_1269 = tpu.memref_slice %arg15[%add3A, %dma_start3A_1268] : memref<16x16xi32, #tpu.memory_space<hbm>> -> memref<1x16xi32, #tpu.memory_space<hbm>>
        %dma_start3A_1270 = tpu.memref_squeeze %dma_start3A_1269 : memref<1x16xi32, #tpu.memory_space<hbm>> -> memref<16xi32, #tpu.memory_space<hbm>>
        tpu.enqueue_dma source(%arg32 : memref<16xi32, #tpu.memory_space<vmem>>) target(%dma_start3A_1270 : memref<16xi32, #tpu.memory_space<hbm>>) target_semaphore(%run_scoped3A : memref<!tpu.dma_semaphore, #tpu.memory_space<semaphore_mem>>)
        %dma_wait3A_1271 = arith.constant 0 : i32
        %dma_wait3A_1272 = tpu.memref_slice %arg15[%add3A, %dma_wait3A_1271] : memref<16x16xi32, #tpu.memory_space<hbm>> -> memref<1x16xi32, #tpu.memory_space<hbm>>
        %dma_wait3A_1273 = tpu.memref_squeeze %dma_wait3A_1272 : memref<1x16xi32, #tpu.memory_space<hbm>> -> memref<16xi32, #tpu.memory_space<hbm>>
        %dma_wait3A_1274 = arith.constant 0 : i32
        %dma_wait3A_1275 = tpu.memref_slice %arg15[%add3A, %dma_wait3A_1274] : memref<16x16xi32, #tpu.memory_space<hbm>> -> memref<1x16xi32, #tpu.memory_space<hbm>>
        %dma_wait3A_1276 = tpu.memref_squeeze %dma_wait3A_1275 : memref<1x16xi32, #tpu.memory_space<hbm>> -> memref<16xi32, #tpu.memory_space<hbm>>
        tpu.wait_dma2 semaphore(%run_scoped3A : memref<!tpu.dma_semaphore, #tpu.memory_space<semaphore_mem>>) src(%arg32 : memref<16xi32, #tpu.memory_space<vmem>>) dst(%dma_wait3A_1276 : memref<16xi32, #tpu.memory_space<hbm>>)
        tpu.yield
      }) : () -> ()
    } else {
    }
    return
  }
}

</mosaic_0001>

<sc_bundles>
// kernel: kernel.3.cloned.1.call-start
scs
__scs_entry_jumppad:
0x0: {  	(pc) =	sbr.rel $0x88, $3  }
0x1: {  	(tag) =	ssettag $0x0;
	lr =	simm.s32 $0x1  }
0x2: {  	[smem:$0x3F9E] =	sst lr;
	_ =	strace $0xD0000000  }
0x3: {  	_ = 	snop  }
0x4: {  	_ = 	snop  }
0x5: {  	_ = 	snop  }
0x6: {  	_ = 	snop  }
0x7: {  	_ = 	snop  }
__scs_overlays_trampoline_lowered:
0x8: {  	[smem:$0x3FAD] =	sst s0  }
0x9: {  	[smem:$0x3FAE] =	sst s1  }
0xa: {  	[smem:$0x3FAF] =	sst s2  }
0xb: {  	[smem:$0x3FB0] =	sst s3  }
0xc: {  	[smem:$0x3FB1] =	sst s4  }
0xd: {  	[smem:$0x3FB2] =	sst s5  }
0xe: {  	[smem:$0x3FB3] =	sst s6  }
0xf: {  	[smem:$0x3FB4] =	sst s7  }
0x10: {  	[smem:$0x3FB5] =	sst s8  }
0x11: {  	[smem:$0x3FB6] =	sst s9;
	s0 =	simm.s32 @!p0 $0x0  }
0x12: {  	s1 =	sld [smem:$0x3F9C];
	s0 =	simm.s32 @p0 $0x1  }
0x13: {  	[smem:$0x3FB7] =	sst s0;
	s0 =	simm.s32 @!p1 $0x0  }
0x14: {  	s2 =	sld [smem:$0x3F9B];
	s0 =	simm.s32 @p1 $0x1  }
0x15: {  	[smem:$0x3FB8] =	sst s0;
	s0 =	simm.s32 @!p2 $0x0  }
0x16: {  	s3 =	sld [smem:$0x3FDB];
	s0 =	simm.s32 @p2 $0x1  }
0x17: {  	s4 =	simm.s32 $0x1BF5;
	[smem:$0x3FBA] =	sst s0  }
0x18: {  	s0 =	sld [smem:$0x3F9D];
	_ =	swait.ge [sflag:s4], $0x0  }
0x19: {  	s7 =	sld [smem:$0x3F9E]  }
0x1a: {  	s8 =	sadd.s32 $0xFFFFE003, lr  }
0x1b: {  	s9 =	sadd.s32 $0xFFFFFEF7, lr;
	s5 =	simm.s32 $0xFFFFFFFF;
	p2 =	slt.u32 s8, $0xFFFFF086  }
0x1c: {  	p1 =	slt.u32 s9, $0xF7A;
	s5 =	simm.s32 @!p2 $0x0  }
0x1d: {  	s5 =	simm.s32 @p1 $0x1;
	p0 =	seq.s32 s7, s2  }
0x1e: {  	s7 =	smul.u32 @!p0 $0xF7A, s2;
	p2 =	seq.s32 @!p0 s5, $0x0  }
0x1f: {  	s9 =	smul.u32 $0xF7A, s1;
	s8 =	simm.s32 @!p0 $0x1BF5;
	p2 =	por !p2, p0  }
0x20: {  	[sflag:s8] =	ssyncset.s32 @!p0 $0xFFFFF086;
	s6 =	sadd.s32 @!p0 s3, s7;
	s7 =	simm.s32 @!p0 $0x108  }
0x21: {  	s3 =	sadd.s32 s3, s9;
	s6 =	sadd.s32 @!p0 $0x88, s6;
	s7 =	simm.s32 @p2 $0x1082  }
0x22: {  	[simem:s7], [sflag:s8] =	dma.local @!p0 [hbm:s6], $0xF7A  }
0x23: {  	s9 =	sor.u32 $0xD0000000, s2;
	s6 =	simm.s32 $0x108;
	_ =	swait.ge @!p0 [sflag:s8], $0x0  }
0x24: {  	s3 =	sadd.s32 $0x88, s3;
	s6 =	simm.s32 @!p1 $0x1082;
	[sflag:s4] =	ssyncset.s32 $0xFFFFF086  }
0x25: {  	[simem:s6], [sflag:s4] =	dma.local [hbm:s3], $0xF7A  }
0x26: {  	[smem:$0x3F9E] =	sst s1;
	(tag) =	ssettag s2;
	_ =	strace s9  }
0x27: {  	s1 =	sld [smem:$0x3FAE]  }
0x28: {  	s2 =	sld [smem:$0x3FAF]  }
0x29: {  	s4 =	sld [smem:$0x3FB1]  }
0x2a: {  	p0 =	seq.s32 s5, $0x0;
	s5 =	sld [smem:$0x3FB2]  }
0x2b: {  	s6 =	sld [smem:$0x3FB3]  }
0x2c: {  	s7 =	sld [smem:$0x3FB4]  }
0x2d: {  	s3 =	simm.s32 $0x108;
	s8 =	sld [smem:$0x3FB5]  }
0x2e: {  	s3 =	simm.s32 @!p0 $0x1082;
	s9 =	sld [smem:$0x3FB6]  }
0x2f: {  	lr =	sadd.s32 s0, s3;
	s0 =	sld [smem:$0x3FAD]  }
0x30: {  	s3 =	sld [smem:$0x3FB0]  }
0x31: {  	[smem:$0x3FB9] =	sst s10  }
0x32: {  	s10 =	sld [smem:$0x3FB7];
	_ =	sdelay $0x3  }
0x33: {  	p0 =	seq.s32 s10, $0x1;
	s10 =	sld [smem:$0x3FB9];
	_ =	sdelay $0x3  }
0x34: {  	[smem:$0x3FB9] =	sst s10  }
0x35: {  	s10 =	sld [smem:$0x3FB8];
	_ =	sdelay $0x3  }
0x36: {  	p1 =	seq.s32 s10, $0x1;
	s10 =	sld [smem:$0x3FB9];
	_ =	sdelay $0x3  }
0x37: {  	[smem:$0x3FB9] =	sst s10  }
0x38: {  	s10 =	sld [smem:$0x3FBA]  }
0x39: {  	_ = 	snop;
	(pc) =	sbr.ind lr, $3  }
0x3a: {  	_ = 	snop  }
0x3b: {  	_ = 	snop  }
0x3c: {  	p2 =	seq.s32 s10, $0x1;
	s10 =	sld [smem:$0x3FB9]  }
0x3d: {  	_ =	shalt  }
0x3e: {  	_ =	shalt  }
0x3f: {  	_ =	shalt  }
0x40: {  	_ =	shalt  }
0x41: {  	_ =	shalt  }
0x42: {  	_ =	shalt  }
0x43: {  	_ =	shalt  }
0x44: {  	_ =	shalt  }
0x45: {  	_ =	shalt  }
0x46: {  	_ =	shalt  }
0x47: {  	_ =	shalt  }
0x48: {  	_ =	shalt  }
0x49: {  	_ =	shalt  }
0x4a: {  	_ =	shalt  }
0x4b: {  	_ =	shalt  }
0x4c: {  	_ =	shalt  }
0x4d: {  	_ =	shalt  }
0x4e: {  	_ =	shalt  }
0x4f: {  	_ =	shalt  }
0x50: {  	_ =	shalt  }
0x51: {  	_ =	shalt  }
0x52: {  	_ =	shalt  }
0x53: {  	_ =	shalt  }
0x54: {  	_ =	shalt  }
0x55: {  	_ =	shalt  }
0x56: {  	_ =	shalt  }
0x57: {  	_ =	shalt  }
0x58: {  	_ =	shalt  }
0x59: {  	_ =	shalt  }
0x5a: {  	_ =	shalt  }
0x5b: {  	_ =	shalt  }
0x5c: {  	_ =	shalt  }
0x5d: {  	_ =	shalt  }
0x5e: {  	_ =	shalt  }
0x5f: {  	_ =	shalt  }
0x60: {  	_ =	shalt  }
0x61: {  	_ =	shalt  }
0x62: {  	_ =	shalt  }
0x63: {  	_ =	shalt  }
0x64: {  	_ =	shalt  }
0x65: {  	_ =	shalt  }
0x66: {  	_ =	shalt  }
0x67: {  	_ =	shalt  }
0x68: {  	_ =	shalt  }
0x69: {  	_ =	shalt  }
0x6a: {  	_ =	shalt  }
0x6b: {  	_ =	shalt  }
0x6c: {  	_ =	shalt  }
0x6d: {  	_ =	shalt  }
0x6e: {  	_ =	shalt  }
0x6f: {  	_ =	shalt  }
0x70: {  	_ =	shalt  }
0x71: {  	_ =	shalt  }
0x72: {  	_ =	shalt  }
0x73: {  	_ =	shalt  }
0x74: {  	_ =	shalt  }
0x75: {  	_ =	shalt  }
0x76: {  	_ =	shalt  }
0x77: {  	_ =	shalt  }
0x78: {  	_ =	shalt  }
0x79: {  	_ =	shalt  }
0x7a: {  	_ =	shalt  }
0x7b: {  	_ =	shalt  }
0x7c: {  	_ =	shalt  }
0x7d: {  	_ =	shalt  }
0x7e: {  	_ =	shalt  }
0x7f: {  	_ =	shalt  }
0x80: {  	_ =	shalt  }
0x81: {  	_ =	shalt  }
0x82: {  	_ =	shalt  }
0x83: {  	_ =	shalt  }
0x84: {  	_ =	shalt  }
0x85: {  	_ =	shalt  }
0x86: {  	_ =	shalt  }
0x87: {  	_ =	shalt  }
.Lfunc_end0:
.L_simem_size_0:
called_computation_lowered:
.L_overlay_start_0:
0x88: {  	s2 =	sld [smem:$0x3FD9]  }
0x89: {  	s3 =	sld [smem:$0x3FFE];
	_ =	sdelay $0x1  }
0x8a: {  	s1 =	srdreg.scid  }
0x8b: {  	s0 =	sand.u32 $0x1, s1  }
0x8c: {  	s14 =	sshll.u32 s0, $0xA;
	s2 =	sadd.s32 s3, s2  }
0x8d: {  	s2 =	sadd.s32 s2, s14  }
0x8e: {  	[smem:$0x3FC5] =	sst s2  }
0x8f: {  	_ = 	snop  }
0x90: {  	s2 =	sld [smem:$0x3FD0];
	_ =	sdelay $0x2  }
0x91: {  	s15 =	simm.s32 $0xA;
	s4 =	simm.s32 $0x10  }
0x92: {  	[smem:s4], [sflag:s15] =	dma.local [hbm:s2], $0x1  }
0x93: {  	_ =	swait.eq [sflag:s15], $0x1  }
0x94: {  	s16 =	sld [smem:$0x10]  }
0x95: {  	s17 =	sld [smem:$0x11];
	[sflag:s15] =	ssyncset.done $0x0  }
0x96: {  	s5 =	sld [smem:$0x12];
	[sflag:s15] =	ssyncadd.s32 $0xFFFFFFFF  }
0x97: {  	s18 =	sld [smem:$0x13];
	(tm) =	ssettm $0x1  }
0x98: {  	s6 =	sld [smem:$0x3FFB];
	_ =	sdelay $0x3  }
0x99: {  	_ =	strace s6  }
0x9a: {  	s6 =	sld [smem:$0x3FFC];
	_ =	sdelay $0x3  }
0x9b: {  	_ =	strace s6  }
0x9c: {  	s6 =	sld [smem:$0x3FFD];
	_ =	sdelay $0x3  }
0x9d: {  	_ =	strace s6  }
0x9e: {  	_ =	strace $0x8FFFFFFF  }
0x9f: {  	s19 =	sld [smem:$0x3FDB];
	_ =	sdelay $0x1  }
0xa0: {  	s7 =	simm.s32 $_scs_section_size  }
0xa1: {  	s8 =	simm.s32 $_size__tile_overlayer_lowered;
	s9 =	simm.s32 $_tile_overlayer_lowered  }
0xa2: {  	s22 =	simm.s32 $0x1BFF;
	s21 =	sshll.u32 s9, $0x1;
	s6 =	sadd.s32 s7, s19  }
0xa3: {  	s10 =	simm.s32 $0x0;
	s20 =	sshll.u32 s8, $0x1;
	s8 =	sadd.s32 s21, s6  }
0xa4: {  	[timem:s10], [sflag:s22] =	dma.local [hbm:s8], s20  }
0xa5: {  	_ =	swait.ge [sflag:s22], s20  }
0xa6: {  	s7 =	ssub.s32 $0x0, s20;
	[sflag:s22] =	ssyncset.done $0x0  }
0xa7: {  	[sflag:s22] =	ssyncadd.s32 s7;
	_ =	sdelay $0x1  }
0xa8: {  	s23 =	simm.s32 $0x1B8B  }
0xa9: {  	_ =	swait.ge [sflag:s23], $0x1  }
0xaa: {  	[sflag:s23] =	ssyncset.done $0x0  }
0xab: {  	s25 =	simm.s32 $0x1B8E;
	s24 =	sld [smem:$0x3FFE];
	[sflag:s23] =	ssyncadd.s32 $0xFFFFFFFF  }
0xac: {  	s26 =	simm.s32 $execute0_lowered;
	[smem:$0x3FD2] =	sst s25  }
0xad: {  	s8 =	sshll.u32 s26, $0x1;
	_ =	strace $0x80000046;
	[dreg:$0x1] =	wrdreg $0xFFFFFFFF  }
0xae: {  	s28 =	simm.s32 $_size_execute0_lowered;
	s6 =	sadd.s32 s6, s8;
	[dreg:$0x0] =	wrdreg $0x0  }
0xaf: {  	s8 =	sshll.u32 s28, $0x1;
	[dreg:$0x2] =	wrdreg s6  }
0xb0: {  	[dreg:$0x3] =	wrdreg s8  }
0xb1: {  	[dreg:$0x4] =	wrdreg $0xC0  }
0xb2: {  	_ =	task [dreg:s10], $0x5FFFF  }
0xb3: {  	[dreg:$0x1] =	wrdreg $0xFFFFFFFF  }
0xb4: {  	[dreg:$0x0] =	wrdreg $0x60  }
0xb5: {  	[dreg:$0x2] =	wrdreg s24  }
0xb6: {  	[dreg:$0x3] =	wrdreg s16  }
0xb7: {  	[dreg:$0x4] =	wrdreg s17  }
0xb8: {  	[dreg:$0x5] =	wrdreg s5  }
0xb9: {  	[dreg:$0x6] =	wrdreg s18  }
0xba: {  	[dreg:$0x7] =	wrdreg $0x9  }
0xbb: {  	_ =	task.clear_ibuf [dreg:s10], $0x8FFFF;
	_ =	strace $0x90000046  }
0xbc: {  	s29 =	simm.s32 $0x9;
	_ =	strace $0x80000048  }
0xbd: {  	_ =	swait.ge [sflag:s29], $0x1  }
0xbe: {  	[sflag:s29] =	ssyncadd.s32 $0xFFFFFFFF  }
0xbf: {  	_ =	strace $0x90000048  }
0xc0: {  	_ =	sfence  }
0xc1: {  	s30 =	sld [smem:$0x0];
	_ =	sdelay $0x2  }
0xc2: {  	s31 =	sshll.u32 s1, $0xD;
	s1 =	sshrl.u32 s1, $0x2  }
0xc3: {  	s3 =	sand.u32 $0x4000, s31;
	s1 =	sadd.s32 s1, s30  }
0xc4: {  	s0 =	sor.u32 s3, s0;
	s1 =	sshll.u32 s1, $0x11  }
0xc5: {  	s0 =	sor.u32 s1, s0  }
0xc6: {  	s0 =	sadd.s32 $0x8F2B, s0  }
0xc7: {  	[sflag:s0] =	ssyncadd.remote.s32 $0x1  }
0xc8: {  	_ =	sfence.sel $0xFFFF  }
0xc9: {  	[dreg:$0x0] =	wrdreg $0xFFFFFFFF;
	(pc) =	sbr.abs _section_cstart, $3  }
0xca: {  	[dreg:$0x1] =	wrdreg $0xFFFFFFFF  }
0xcb: {  	_ =	task.clear_ibuf [dreg:s10], $0x2FFFF;
	_ =	strace $0x9FFFFFFF  }
0xcc: {  	(tm) =	ssettm $0x7FFFFFFF  }
0xcd: {  	_ =	shalt  }
tec
execute0_lowered:
.L_overlay_start_1:
0x0: {  	(tag) =	ssettag $0x1  }
0x1: {  	s3 =	stileid.u32  }
0x2: {  	s0 =	rddreg [dreg:$0x0];
	p0 =	sgt.u32 s3, $0x7  }
.Ltmp0:
0x3: {  	s5 =	rddreg [dreg:$0x1];
	(pc) =	sbr.rel @p0 .LBB2_19-.Ltmp0, $4  }
0x4: {  	s2 =	rddreg [dreg:$0x2]  }
0x5: {  	s4 =	rddreg [dreg:$0x3];
	s6 =	simm.s32 $0x0  }
0x6: {  	[smem:$0x7FF] =	sst s6  }
0x7: {  	s1 =	rddreg [dreg:$0x4];
	_ =	strace $0x80000047  }
0x8: {  	s3 =	srdreg.scid;
	s8 =	stileid.u32  }
0x9: {  	s10 =	sadd.s32 $0x27800, s0;
	s14 =	sadd.s32 $0x9E00, s0;
	s13 =	sadd.s32 $0x13C00, s0  }
0xa: {  	s12 =	sadd.s32 $0x1DA00, s0;
	s31 =	simm.s32 $0x400;
	s28 =	simm.s32 $0x0  }
0xb: {  	v0 =	vimm.s32 $0xFEDCBA98;
	v1 =	vimm.s32 $0x76543210;
	s6 =	sand.u32 $0x1, s3;
	s18 =	sshll.u32 s8, $0x1;
	s8 =	sshrl.u32 s8, $0x2  }
0xc: {  	v6 =	vimm.s32 $0xBA987654;
	v7 =	vimm.s32 $0x10FEDCBA;
	s7 =	sor.u32 s6, s18;
	s9 =	smul.u32 $0xC00, s8;
	s23 =	sshll.u32 s8, $0xA  }
0xd: {  	v2 =	vimm.s32 $0xFFFFFFFF;
	v8 =	vimm.s32 $0x98765432;
	v9 =	vimm.s32 $0xFEDCBA9;
	s25 =	ssub.s32 $0x2, s6;
	s3 =	sshll.u32 s7, $0x7;
	s7 =	smul.u32 $0x4E20, s7  }
0xe: {  	v10 =	vimm.s32 $0x87654321;
	vm0 =	vmmov $0x1;
	vm1 =	vcmask $0x300;
	s26 =	sshrl.u32 s25, $0x1;
	s11 =	sand.u32 $0x380, s3;
	s3 =	sadd.s32 $0x31600, s0  }
0xf: {  	v0 =	vunpack.c.l.s4.s8 v0;
	v3 =	vunpack.c.l.s4.s8 v1;
	v1 =	vimm.f32 $0.0e+00;
	s30 =	ssub.s32 s25, s26;
	s25 =	simm.s32 $0x1A300;
	s9 =	sor.u32 s9, s11  }
0x10: {  	v6 =	vunpack.c.l.s4.s8 v6;
	v7 =	vunpack.c.l.s4.s8 v7;
	v8 =	vunpack.c.l.s4.s8 v8;
	s29 =	sshrl.u32 s7, $0x3;
	s17 =	smax.u32 s30, $0x1;
	s9 =	sshrl.u32 s9, $0x3  }
0x11: {  	v9 =	vunpack.c.l.s4.s8 v9;
	v5 =	vunpack.c.0.s8.s32 v3;
	v3 =	vimm.s32 $0x3210FEDC;
	s12 =	sadd.s32 s12, s29;
	s13 =	sadd.s32 s13, s29;
	s5 =	sadd.s32 s5, s9  }
0x12: {  	v10 =	vunpack.c.l.s4.s8 v10;
	v4 =	vunpack.c.0.s8.s32 v0;
	v3 =	vunpack.c.l.s4.s8 v3;
	s14 =	sadd.s32 s14, s29;
	s2 =	sadd.s32 s2, s9;
	[dreg:$0x6] =	wrdreg s5  }
0x13: {  	v6 =	vunpack.c.0.s8.s32 v6;
	v7 =	vunpack.c.0.s8.s32 v7;
	v8 =	vunpack.c.0.s8.s32 v8;
	s15 =	sadd.s32 s9, s0;
	s20 =	sadd.s32 s4, s9;
	[dreg:$0x8] =	wrdreg s2  }
0x14: {  	v9 =	vunpack.c.0.s8.s32 v9;
	v4 =	vand.u32 $0xF, v4;
	s16 =	sadd.s32 s10, s29;
	v11 =	vunpack.c.0.s8.s32 v3;
	s19 =	sadd.s32 $0x3C000, s15;
	[dreg:$0x9] =	wrdreg s20  }
.Ltmp1:
0x15: {  	v10 =	vunpack.c.0.s8.s32 v10;
	v0 =	vmov s7;
	v4 =	vcombine.low v4, v5;
	s21 =	sadd.s32 $0x3B800, s15;
	[dreg:$0x7] =	wrdreg s19;
	(pc) =	sbr.rel .LBB2_2-.Ltmp1, $4  }
0x16: {  	s22 =	sadd.s32 $0x3BC00, s15;
	s24 =	sadd.s32 $0x3B400, s15;
	v5 =	vcombine.low v6, v11;
	v6 =	vcombine.low v8, v7;
	v8 =	vlaneseq.u32;
	[dreg:$0xa] =	wrdreg s21  }
0x17: {  	v3 =	vimm.f32 $-Inf;
	s2 =	sor.u32 s23, s11;
	s15 =	sadd.s32 s0, s29;
	v7 =	vcombine.low v10, v9;
	[dreg:$0xb] =	wrdreg s22;
	v9 =	vor.u32 $0x40, v8  }
0x18: {  	s23 =	simm.s32 $0x80;
	[dreg:$0xc] =	wrdreg s24;
	s2 =	sshrl.u32 s2, $0x3;
	v10 =	vor.u32 $0x30, v8;
	v11 =	vor.u32 $0x20, v8;
	v12 =	vor.u32 $0x10, v8  }
0x19: {  	s22 =	simm.s32 $0x1;
	s11 =	sadd.s32 s1, s2;
	s1 =	simm.s32 $0x2;
	v13 =	vand.u32 $0xF, v5;
	v14 =	vand.u32 $0xF, v6;
	v15 =	vand.u32 $0xF, v7  }
.LBB2_18:
0x1a: {  	v16 =	vld [tilespmem:$0x1A000]  }
0x1b: {  	v17 =	vld [tilespmem:$0x1A010]  }
0x1c: {  	v18 =	vld [tilespmem:$0x1A020]  }
0x1d: {  	v19 =	vld [tilespmem:$0x1A030]  }
0x1e: {  	v20 =	vld [tilespmem:$0x1A040]  }
0x1f: {  	v21 =	vmov s4;
	v22 =	vld [tilespmem:$0x1A050];
	vm2 =	vgt.s32 v16, $0x0  }
0x20: {  	v23 =	vld [tilespmem:$0x1A060];
	v21 =	vnsel vm1, $0x0, v21;
	v16 =	vnsel vm2, $0x0, v16;
	vm2 =	vgt.s32 v17, $0x0  }
0x21: {  	v47 =	vld [tilespmem:$0x1A070];
	[tilespmem:$0x1A600] =	vst v21;
	v16 =	vadd.s32 v0, v16;
	v17 =	vnsel vm2, $0x0, v17;
	vm2 =	vgt.s32 v18, $0x0  }
0x22: {  	v48 =	vld [tilespmem:$0x1A080];
	[tilespmem:$0x1A480] =	vst v16;
	v16 =	vadd.s32 v0, v17;
	v17 =	vnsel vm2, $0x0, v18;
	vm2 =	vgt.s32 v19, $0x0  }
0x23: {  	v49 =	vld [tilespmem:$0x1A090];
	[tilespmem:$0x1A490] =	vst v16;
	v16 =	vadd.s32 v0, v17;
	v17 =	vnsel vm2, $0x0, v19;
	vm2 =	vgt.s32 v20, $0x0  }
0x24: {  	v50 =	vld [tilespmem:$0x1A0A0];
	[tilespmem:$0x1A4A0] =	vst v16;
	v16 =	vadd.s32 v0, v17;
	v17 =	vnsel vm2, $0x0, v20;
	vm2 =	vgt.s32 v22, $0x0  }
0x25: {  	v51 =	vld [tilespmem:$0x1A0B0];
	[tilespmem:$0x1A4B0] =	vst v16;
	v16 =	vadd.s32 v0, v17;
	v17 =	vnsel vm2, $0x0, v22;
	vm2 =	vgt.s32 v23, $0x0  }
0x26: {  	v52 =	vld [tilespmem:$0x1A0C0];
	[tilespmem:$0x1A4C0] =	vst v16;
	v16 =	vadd.s32 v0, v17;
	v17 =	vnsel vm2, $0x0, v23;
	vm2 =	vgt.s32 v47, $0x0  }
0x27: {  	v53 =	vld [tilespmem:$0x1A0D0];
	[tilespmem:$0x1A4D0] =	vst v16;
	v16 =	vadd.s32 v0, v17;
	v17 =	vnsel vm2, $0x0, v47;
	vm2 =	vgt.s32 v48, $0x0  }
0x28: {  	v54 =	vld [tilespmem:$0x1A0E0];
	[tilespmem:$0x1A4E0] =	vst v16;
	v16 =	vadd.s32 v0, v17;
	v17 =	vnsel vm2, $0x0, v48;
	vm2 =	vgt.s32 v49, $0x0  }
0x29: {  	v55 =	vld [tilespmem:$0x1A0F0];
	[tilespmem:$0x1A4F0] =	vst v16;
	v16 =	vadd.s32 v0, v17;
	v17 =	vnsel vm2, $0x0, v49;
	vm2 =	vgt.s32 v50, $0x0  }
0x2a: {  	v56 =	vld [tilespmem:$0x1A100];
	[tilespmem:$0x1A500] =	vst v16;
	v16 =	vadd.s32 v0, v17;
	v17 =	vnsel vm2, $0x0, v50;
	vm2 =	vgt.s32 v51, $0x0  }
0x2b: {  	v57 =	vld [tilespmem:$0x1A110];
	[tilespmem:$0x1A510] =	vst v16;
	v16 =	vadd.s32 v0, v17;
	v17 =	vnsel vm2, $0x0, v51;
	vm2 =	vgt.s32 v52, $0x0  }
0x2c: {  	v58 =	vld [tilespmem:$0x1A120];
	[tilespmem:$0x1A520] =	vst v16;
	v16 =	vadd.s32 v0, v17;
	v17 =	vnsel vm2, $0x0, v52;
	vm2 =	vgt.s32 v53, $0x0  }
0x2d: {  	v59 =	vld [tilespmem:$0x1A130];
	[tilespmem:$0x1A530] =	vst v16;
	v16 =	vadd.s32 v0, v17;
	v17 =	vnsel vm2, $0x0, v53;
	vm2 =	vgt.s32 v54, $0x0  }
0x2e: {  	v60 =	vld [tilespmem:$0x1A140];
	[tilespmem:$0x1A540] =	vst v16;
	v16 =	vadd.s32 v0, v17;
	v17 =	vnsel vm2, $0x0, v54;
	vm2 =	vgt.s32 v55, $0x0  }
0x2f: {  	v61 =	vld [tilespmem:$0x1A150];
	[tilespmem:$0x1A550] =	vst v16;
	v16 =	vadd.s32 v0, v17;
	v17 =	vnsel vm2, $0x0, v55;
	vm2 =	vgt.s32 v56, $0x0  }
0x30: {  	v62 =	vld [tilespmem:$0x1A160];
	[tilespmem:$0x1A560] =	vst v16;
	v16 =	vadd.s32 v0, v17;
	v17 =	vnsel vm2, $0x0, v56;
	vm2 =	vgt.s32 v57, $0x0  }
0x31: {  	v63 =	vld [tilespmem:$0x1A170];
	[tilespmem:$0x1A570] =	vst v16;
	v16 =	vadd.s32 v0, v17;
	v17 =	vnsel vm2, $0x0, v57;
	vm2 =	vgt.s32 v58, $0x0  }
0x32: {  	[tilespmem:$0x1A580] =	vst v16;
	v16 =	vadd.s32 v0, v17;
	v17 =	vnsel vm2, $0x0, v58;
	vm2 =	vgt.s32 v59, $0x0  }
0x33: {  	[tilespmem:$0x1A590] =	vst v16;
	v16 =	vadd.s32 v0, v17;
	v17 =	vnsel vm2, $0x0, v59;
	vm2 =	vgt.s32 v60, $0x0  }
0x34: {  	[tilespmem:$0x1A5A0] =	vst v16;
	v16 =	vadd.s32 v0, v17;
	v17 =	vnsel vm2, $0x0, v60;
	vm2 =	vgt.s32 v61, $0x0  }
0x35: {  	[tilespmem:$0x1A5B0] =	vst v16;
	v16 =	vadd.s32 v0, v17;
	v17 =	vnsel vm2, $0x0, v61;
	vm2 =	vgt.s32 v62, $0x0  }
0x36: {  	[tilespmem:$0x1A5C0] =	vst v16;
	v16 =	vadd.s32 v0, v17;
	v17 =	vnsel vm2, $0x0, v62;
	vm2 =	vgt.s32 v63, $0x0  }
0x37: {  	[tilespmem:$0x1A5D0] =	vst v16;
	v16 =	vnsel vm2, $0x0, v63;
	v17 =	vadd.s32 v0, v17  }
0x38: {  	[tilespmem:$0x1A5E0] =	vst v17;
	v16 =	vadd.s32 v0, v16  }
0x39: {  	s0 =	simm.s32 $0x1A480;
	[tilespmem:$0x1A5F0] =	vst v16  }
0x3a: {  	[tilespmem:s25], [sflag:$0x1] =	stream.indirect.gather [hbm4b:s3+s23], $0x1, s0, s23, $0xb8;
	[tilespmem:$0x1A700] =	vst v63  }
0x3b: {  	s26 =	simm.s32 $0x1A500;
	s2 =	simm.s32 $0x1A380  }
0x3c: {  	[tilespmem:s2], [sflag:$0x1] =	stream.indirect.gather [hbm4b:s3+s23], $0x1, s26, s23, $0xb8;
	[tilespmem:$0x1A700] =	vst v63  }
0x3d: {  	s29 =	simm.s32 $0x1A580;
	s30 =	simm.s32 $0x1A400  }
0x3e: {  	[tilespmem:s30], [sflag:$0x1] =	stream.indirect.gather [hbm4b:s3+s23], $0x1, s29, s23, $0xb8;
	[tilespmem:$0x1A700] =	vst v63  }
0x3f: {  	_ =	swait.ge [sflag:s22], $0x80  }
0x40: {  	[sflag:s22] =	ssyncset.done $0x0  }
0x41: {  	[sflag:s22] =	ssyncadd.s32 $0xFFFFFF80  }
0x42: {  	_ =	swait.ge [sflag:s22], $0x80  }
0x43: {  	[sflag:s22] =	ssyncset.done $0x0  }
0x44: {  	[sflag:s22] =	ssyncadd.s32 $0xFFFFFF80  }
0x45: {  	_ =	swait.ge [sflag:s22], $0x80  }
0x46: {  	[sflag:s22] =	ssyncset.done $0x0  }
0x47: {  	s5 =	simm.s32 $0x1A000;
	s4 =	rddreg [dreg:$0x6];
	[sflag:s22] =	ssyncadd.s32 $0xFFFFFF80  }
0x48: {  	[hbm4b:s4+s23] =	stream.strided.scatter [tilespmem:s5], [sflag:$0x2], $0x180, s31, s23, $0x38;
	[tilespmem:$0x1A700] =	vst v63  }
0x49: {  	_ =	swait.ge [sflag:s1], $0x180  }
0x4a: {  	[sflag:s1] =	ssyncset.done $0x0  }
0x4b: {  	s7 =	simm.s32 $0x1A180;
	s6 =	rddreg [dreg:$0x7];
	[sflag:s1] =	ssyncadd.s32 $0xFFFFFE80  }
0x4c: {  	[hbm4b:s6+s23] =	stream.strided.scatter [tilespmem:s7], [sflag:$0x2], $0x180, s31, s23, $0x38;
	[tilespmem:$0x1A700] =	vst v63  }
0x4d: {  	_ =	swait.ge [sflag:s1], $0x180  }
0x4e: {  	[sflag:s1] =	ssyncset.done $0x0  }
0x4f: {  	s9 =	simm.s32 $0x19880;
	s8 =	rddreg [dreg:$0x8];
	[sflag:s1] =	ssyncadd.s32 $0xFFFFFE80  }
0x50: {  	[hbm4b:s8+s23] =	stream.strided.scatter [tilespmem:s9], [sflag:$0x2], $0x180, s31, s23, $0x38;
	[tilespmem:$0x1A700] =	vst v63  }
0x51: {  	_ =	swait.ge [sflag:s1], $0x180  }
0x52: {  	[sflag:s1] =	ssyncset.done $0x0  }
0x53: {  	s18 =	simm.s32 $0x19A00;
	s10 =	rddreg [dreg:$0x9];
	[sflag:s1] =	ssyncadd.s32 $0xFFFFFE80  }
0x54: {  	[hbm4b:s10+s23] =	stream.strided.scatter [tilespmem:s18], [sflag:$0x2], $0x180, s31, s23, $0x38;
	[tilespmem:$0x1A700] =	vst v63  }
0x55: {  	_ =	swait.ge [sflag:s1], $0x180  }
0x56: {  	[sflag:s1] =	ssyncset.done $0x0  }
0x57: {  	s20 =	simm.s32 $0x19B80;
	s19 =	rddreg [dreg:$0xa];
	[sflag:s1] =	ssyncadd.s32 $0xFFFFFE80  }
0x58: {  	[hbm4b:s19+s23] =	stream.strided.scatter [tilespmem:s20], [sflag:$0x2], $0x180, s31, s23, $0x38;
	[tilespmem:$0x1A700] =	vst v63  }
0x59: {  	_ =	swait.ge [sflag:s1], $0x180  }
0x5a: {  	[sflag:s1] =	ssyncset.done $0x0  }
0x5b: {  	s24 =	simm.s32 $0x19D00;
	s21 =	rddreg [dreg:$0xb];
	[sflag:s1] =	ssyncadd.s32 $0xFFFFFE80  }
0x5c: {  	[hbm4b:s21+s23] =	stream.strided.scatter [tilespmem:s24], [sflag:$0x2], $0x180, s31, s23, $0x38;
	[tilespmem:$0x1A700] =	vst v63  }
0x5d: {  	_ =	swait.ge [sflag:s1], $0x180  }
0x5e: {  	[sflag:s1] =	ssyncset.done $0x0  }
0x5f: {  	s26 =	rddreg [dreg:$0xc];
	[sflag:s1] =	ssyncadd.s32 $0xFFFFFE80  }
0x60: {  	[hbm4b:s26+s23] =	stream.strided.scatter [tilespmem:s25], [sflag:$0x2], $0x180, s31, s23, $0x38;
	[tilespmem:$0x1A700] =	vst v63  }
0x61: {  	s28 =	sadd.s32 $0x1, s28;
	_ =	swait.ge [sflag:s1], $0x180  }
0x62: {  	p0 =	sne.s32 s28, s17;
	s29 =	simm.s32 $0x0;
	[sflag:s1] =	ssyncset.done $0x0  }
.Ltmp2:
0x63: {  	s30 =	simm.s32 $0x1A600;
	[sflag:s1] =	ssyncadd.s32 $0xFFFFFE80;
	(pc) =	sbr.rel @!p0 .LBB2_19-.Ltmp2, $4  }
0x64: {  	[hbm4b:s11+s29] =	stream.linear.scatter [tilespmem:s30], [sflag:$0x2], $0x80, $0x38;
	[tilespmem:$0x1A700] =	vst v63  }
0x65: {  	_ =	swait.ge [sflag:s1], $0x80  }
0x66: {  	[sflag:s1] =	ssyncset.done $0x0  }
0x67: {  	[sflag:s1] =	ssyncadd.s32 $0xFFFFFF80  }
.LBB2_2:
0x68: {  	s0 =	simm.s32 $0x0  }
0x69: {  	[tilespmem:s0], [sflag:$0x1] =	stream.linear.gather [hbm4b:s16+s0], $0x4E20, $0x38;
	[tilespmem:$0x1A700] =	vst v63  }
0x6a: {  	s2 =	simm.s32 $0x5080  }
0x6b: {  	[tilespmem:s2], [sflag:$0x1] =	stream.linear.gather [hbm4b:s15+s0], $0x4E20, $0x38;
	[tilespmem:$0x1A700] =	vst v63  }
0x6c: {  	s26 =	simm.s32 $0xA100  }
0x6d: {  	[tilespmem:s26], [sflag:$0x1] =	stream.linear.gather [hbm4b:s14+s0], $0x4E20, $0x38;
	[tilespmem:$0x1A700] =	vst v63  }
0x6e: {  	s29 =	simm.s32 $0xF180  }
0x6f: {  	[tilespmem:s29], [sflag:$0x1] =	stream.linear.gather [hbm4b:s13+s0], $0x4E20, $0x38;
	[tilespmem:$0x1A700] =	vst v63  }
0x70: {  	s30 =	simm.s32 $0x14200  }
0x71: {  	[tilespmem:s30], [sflag:$0x1] =	stream.linear.gather [hbm4b:s12+s0], $0x4E20, $0x38;
	[tilespmem:$0x1A700] =	vst v63  }
0x72: {  	[tilespmem:$0x19880] =	vst v1  }
0x73: {  	[tilespmem:$0x19A00] =	vst v1  }
0x74: {  	[tilespmem:$0x19B80] =	vst v1  }
0x75: {  	[tilespmem:$0x19D00] =	vst v1  }
0x76: {  	[tilespmem:$0x19E80] =	vst v1  }
0x77: {  	[tilespmem:$0x1A000] =	vst v2  }
0x78: {  	[tilespmem:$0x1A180] =	vst v1  }
0x79: {  	[tilespmem:$0x19890] =	vst v1  }
0x7a: {  	[tilespmem:$0x19A10] =	vst v1  }
0x7b: {  	[tilespmem:$0x19B90] =	vst v1  }
0x7c: {  	[tilespmem:$0x19D10] =	vst v1  }
0x7d: {  	[tilespmem:$0x19E90] =	vst v1  }
0x7e: {  	[tilespmem:$0x1A010] =	vst v2  }
0x7f: {  	[tilespmem:$0x1A190] =	vst v1  }
0x80: {  	[tilespmem:$0x198A0] =	vst v1  }
0x81: {  	[tilespmem:$0x19A20] =	vst v1  }
0x82: {  	[tilespmem:$0x19BA0] =	vst v1  }
0x83: {  	[tilespmem:$0x19D20] =	vst v1  }
0x84: {  	[tilespmem:$0x19EA0] =	vst v1  }
0x85: {  	[tilespmem:$0x1A020] =	vst v2  }
0x86: {  	[tilespmem:$0x1A1A0] =	vst v1  }
0x87: {  	[tilespmem:$0x198B0] =	vst v1  }
0x88: {  	[tilespmem:$0x19A30] =	vst v1  }
0x89: {  	[tilespmem:$0x19BB0] =	vst v1  }
0x8a: {  	[tilespmem:$0x19D30] =	vst v1  }
0x8b: {  	[tilespmem:$0x19EB0] =	vst v1  }
0x8c: {  	[tilespmem:$0x1A030] =	vst v2  }
0x8d: {  	[tilespmem:$0x1A1B0] =	vst v1  }
0x8e: {  	[tilespmem:$0x198C0] =	vst v1  }
0x8f: {  	[tilespmem:$0x19A40] =	vst v1  }
0x90: {  	[tilespmem:$0x19BC0] =	vst v1  }
0x91: {  	[tilespmem:$0x19D40] =	vst v1  }
0x92: {  	[tilespmem:$0x19EC0] =	vst v1  }
0x93: {  	[tilespmem:$0x1A040] =	vst v2  }
0x94: {  	[tilespmem:$0x1A1C0] =	vst v1  }
0x95: {  	[tilespmem:$0x198D0] =	vst v1  }
0x96: {  	[tilespmem:$0x19A50] =	vst v1  }
0x97: {  	[tilespmem:$0x19BD0] =	vst v1  }
0x98: {  	[tilespmem:$0x19D50] =	vst v1  }
0x99: {  	[tilespmem:$0x19ED0] =	vst v1  }
0x9a: {  	[tilespmem:$0x1A050] =	vst v2  }
0x9b: {  	[tilespmem:$0x1A1D0] =	vst v1  }
0x9c: {  	[tilespmem:$0x198E0] =	vst v1  }
0x9d: {  	[tilespmem:$0x19A60] =	vst v1  }
0x9e: {  	[tilespmem:$0x19BE0] =	vst v1  }
0x9f: {  	[tilespmem:$0x19D60] =	vst v1  }
0xa0: {  	[tilespmem:$0x19EE0] =	vst v1  }
0xa1: {  	[tilespmem:$0x1A060] =	vst v2  }
0xa2: {  	[tilespmem:$0x1A1E0] =	vst v1  }
0xa3: {  	[tilespmem:$0x198F0] =	vst v1  }
0xa4: {  	[tilespmem:$0x19A70] =	vst v1  }
0xa5: {  	[tilespmem:$0x19BF0] =	vst v1  }
0xa6: {  	[tilespmem:$0x19D70] =	vst v1  }
0xa7: {  	[tilespmem:$0x19EF0] =	vst v1  }
0xa8: {  	[tilespmem:$0x1A070] =	vst v2  }
0xa9: {  	[tilespmem:$0x1A1F0] =	vst v1  }
0xaa: {  	[tilespmem:$0x19900] =	vst v1  }
0xab: {  	[tilespmem:$0x19A80] =	vst v1  }
0xac: {  	[tilespmem:$0x19C00] =	vst v1  }
0xad: {  	[tilespmem:$0x19D80] =	vst v1  }
0xae: {  	[tilespmem:$0x19F00] =	vst v1  }
0xaf: {  	[tilespmem:$0x1A080] =	vst v2  }
0xb0: {  	[tilespmem:$0x1A200] =	vst v1  }
0xb1: {  	[tilespmem:$0x19910] =	vst v1  }
0xb2: {  	[tilespmem:$0x19A90] =	vst v1  }
0xb3: {  	[tilespmem:$0x19C10] =	vst v1  }
0xb4: {  	[tilespmem:$0x19D90] =	vst v1  }
0xb5: {  	[tilespmem:$0x19F10] =	vst v1  }
0xb6: {  	[tilespmem:$0x1A090] =	vst v2  }
0xb7: {  	[tilespmem:$0x1A210] =	vst v1  }
0xb8: {  	[tilespmem:$0x19920] =	vst v1  }
0xb9: {  	[tilespmem:$0x19AA0] =	vst v1  }
0xba: {  	[tilespmem:$0x19C20] =	vst v1  }
0xbb: {  	[tilespmem:$0x19DA0] =	vst v1  }
0xbc: {  	[tilespmem:$0x19F20] =	vst v1  }
0xbd: {  	[tilespmem:$0x1A0A0] =	vst v2  }
0xbe: {  	[tilespmem:$0x1A220] =	vst v1  }
0xbf: {  	[tilespmem:$0x19930] =	vst v1  }
0xc0: {  	[tilespmem:$0x19AB0] =	vst v1  }
0xc1: {  	[tilespmem:$0x19C30] =	vst v1  }
0xc2: {  	[tilespmem:$0x19DB0] =	vst v1  }
0xc3: {  	[tilespmem:$0x19F30] =	vst v1  }
0xc4: {  	[tilespmem:$0x1A0B0] =	vst v2  }
0xc5: {  	[tilespmem:$0x1A230] =	vst v1  }
0xc6: {  	[tilespmem:$0x19940] =	vst v1  }
0xc7: {  	[tilespmem:$0x19AC0] =	vst v1  }
0xc8: {  	[tilespmem:$0x19C40] =	vst v1  }
0xc9: {  	[tilespmem:$0x19DC0] =	vst v1  }
0xca: {  	[tilespmem:$0x19F40] =	vst v1  }
0xcb: {  	[tilespmem:$0x1A0C0] =	vst v2  }
0xcc: {  	[tilespmem:$0x1A240] =	vst v1  }
0xcd: {  	[tilespmem:$0x19950] =	vst v1  }
0xce: {  	[tilespmem:$0x19AD0] =	vst v1  }
0xcf: {  	[tilespmem:$0x19C50] =	vst v1  }
0xd0: {  	[tilespmem:$0x19DD0] =	vst v1  }
0xd1: {  	[tilespmem:$0x19F50] =	vst v1  }
0xd2: {  	[tilespmem:$0x1A0D0] =	vst v2  }
0xd3: {  	[tilespmem:$0x1A250] =	vst v1  }
0xd4: {  	[tilespmem:$0x19960] =	vst v1  }
0xd5: {  	[tilespmem:$0x19AE0] =	vst v1  }
0xd6: {  	[tilespmem:$0x19C60] =	vst v1  }
0xd7: {  	[tilespmem:$0x19DE0] =	vst v1  }
0xd8: {  	[tilespmem:$0x19F60] =	vst v1  }
0xd9: {  	[tilespmem:$0x1A0E0] =	vst v2  }
0xda: {  	[tilespmem:$0x1A260] =	vst v1  }
0xdb: {  	[tilespmem:$0x19970] =	vst v1  }
0xdc: {  	[tilespmem:$0x19AF0] =	vst v1  }
0xdd: {  	[tilespmem:$0x19C70] =	vst v1  }
0xde: {  	[tilespmem:$0x19DF0] =	vst v1  }
0xdf: {  	[tilespmem:$0x19F70] =	vst v1  }
0xe0: {  	[tilespmem:$0x1A0F0] =	vst v2  }
0xe1: {  	[tilespmem:$0x1A270] =	vst v1  }
0xe2: {  	[tilespmem:$0x19980] =	vst v1  }
0xe3: {  	[tilespmem:$0x19B00] =	vst v1  }
0xe4: {  	[tilespmem:$0x19C80] =	vst v1  }
0xe5: {  	[tilespmem:$0x19E00] =	vst v1  }
0xe6: {  	[tilespmem:$0x19F80] =	vst v1  }
0xe7: {  	[tilespmem:$0x1A100] =	vst v2  }
0xe8: {  	[tilespmem:$0x1A280] =	vst v1  }
0xe9: {  	[tilespmem:$0x19990] =	vst v1  }
0xea: {  	[tilespmem:$0x19B10] =	vst v1  }
0xeb: {  	[tilespmem:$0x19C90] =	vst v1  }
0xec: {  	[tilespmem:$0x19E10] =	vst v1  }
0xed: {  	[tilespmem:$0x19F90] =	vst v1  }
0xee: {  	[tilespmem:$0x1A110] =	vst v2  }
0xef: {  	[tilespmem:$0x1A290] =	vst v1  }
0xf0: {  	[tilespmem:$0x199A0] =	vst v1  }
0xf1: {  	[tilespmem:$0x19B20] =	vst v1  }
0xf2: {  	[tilespmem:$0x19CA0] =	vst v1  }
0xf3: {  	[tilespmem:$0x19E20] =	vst v1  }
0xf4: {  	[tilespmem:$0x19FA0] =	vst v1  }
0xf5: {  	[tilespmem:$0x1A120] =	vst v2  }
0xf6: {  	[tilespmem:$0x1A2A0] =	vst v1  }
0xf7: {  	[tilespmem:$0x199B0] =	vst v1  }
0xf8: {  	[tilespmem:$0x19B30] =	vst v1  }
0xf9: {  	[tilespmem:$0x19CB0] =	vst v1  }
0xfa: {  	[tilespmem:$0x19E30] =	vst v1  }
0xfb: {  	[tilespmem:$0x19FB0] =	vst v1  }
0xfc: {  	[tilespmem:$0x1A130] =	vst v2  }
0xfd: {  	[tilespmem:$0x1A2B0] =	vst v1  }
0xfe: {  	[tilespmem:$0x199C0] =	vst v1  }
0xff: {  	[tilespmem:$0x19B40] =	vst v1  }
0x100: {  	[tilespmem:$0x19CC0] =	vst v1  }
0x101: {  	[tilespmem:$0x19E40] =	vst v1  }
0x102: {  	[tilespmem:$0x19FC0] =	vst v1  }
0x103: {  	[tilespmem:$0x1A140] =	vst v2  }
0x104: {  	[tilespmem:$0x1A2C0] =	vst v1  }
0x105: {  	[tilespmem:$0x199D0] =	vst v1  }
0x106: {  	[tilespmem:$0x19B50] =	vst v1  }
0x107: {  	[tilespmem:$0x19CD0] =	vst v1  }
0x108: {  	[tilespmem:$0x19E50] =	vst v1  }
0x109: {  	[tilespmem:$0x19FD0] =	vst v1  }
0x10a: {  	[tilespmem:$0x1A150] =	vst v2  }
0x10b: {  	[tilespmem:$0x1A2D0] =	vst v1  }
0x10c: {  	[tilespmem:$0x199E0] =	vst v1  }
0x10d: {  	[tilespmem:$0x19B60] =	vst v1  }
0x10e: {  	[tilespmem:$0x19CE0] =	vst v1  }
0x10f: {  	[tilespmem:$0x19E60] =	vst v1  }
0x110: {  	[tilespmem:$0x19FE0] =	vst v1  }
0x111: {  	[tilespmem:$0x1A160] =	vst v2  }
0x112: {  	[tilespmem:$0x1A2E0] =	vst v1  }
0x113: {  	[tilespmem:$0x199F0] =	vst v1  }
0x114: {  	[tilespmem:$0x19B70] =	vst v1  }
0x115: {  	[tilespmem:$0x19CF0] =	vst v1  }
0x116: {  	[tilespmem:$0x19E70] =	vst v1  }
0x117: {  	[tilespmem:$0x19FF0] =	vst v1  }
0x118: {  	[tilespmem:$0x1A170] =	vst v2  }
0x119: {  	[tilespmem:$0x1A2F0] =	vst v1  }
0x11a: {  	_ =	swait.ge [sflag:s22], $0x4E20  }
0x11b: {  	[sflag:s22] =	ssyncset.done $0x0  }
0x11c: {  	[sflag:s22] =	ssyncadd.s32 $0xFFFFB1E0  }
0x11d: {  	_ =	swait.ge [sflag:s22], $0x4E20  }
0x11e: {  	[sflag:s22] =	ssyncset.done $0x0  }
0x11f: {  	[sflag:s22] =	ssyncadd.s32 $0xFFFFB1E0  }
0x120: {  	_ =	swait.ge [sflag:s22], $0x4E20  }
0x121: {  	[sflag:s22] =	ssyncset.done $0x0  }
0x122: {  	[sflag:s22] =	ssyncadd.s32 $0xFFFFB1E0  }
0x123: {  	_ =	swait.ge [sflag:s22], $0x4E20  }
0x124: {  	[sflag:s22] =	ssyncset.done $0x0  }
0x125: {  	[sflag:s22] =	ssyncadd.s32 $0xFFFFB1E0  }
0x126: {  	_ =	swait.ge [sflag:s22], $0x4E20  }
0x127: {  	[sflag:s22] =	ssyncset.done $0x0  }
0x128: {  	[sflag:s22] =	ssyncadd.s32 $0xFFFFB1E0  }
0x129: {  	[tilespmem:$0x4E20] =	vst v3  }
0x12a: {  	[tilespmem:$0x4E30] =	vst v3  }
0x12b: {  	[tilespmem:$0x4E40] =	vst v3  }
0x12c: {  	[tilespmem:$0x4E50] =	vst v3  }
0x12d: {  	[tilespmem:$0x4E60] =	vst v3  }
0x12e: {  	[tilespmem:$0x4E70] =	vst v3  }
0x12f: {  	[tilespmem:$0x4E80] =	vst v3  }
0x130: {  	[tilespmem:$0x4E90] =	vst v3  }
0x131: {  	[tilespmem:$0x4EA0] =	vst v3  }
0x132: {  	[tilespmem:$0x4EB0] =	vst v3  }
0x133: {  	[tilespmem:$0x4EC0] =	vst v3  }
0x134: {  	[tilespmem:$0x4ED0] =	vst v3  }
0x135: {  	[tilespmem:$0x4EE0] =	vst v3  }
0x136: {  	[tilespmem:$0x4EF0] =	vst v3  }
0x137: {  	[tilespmem:$0x4F00] =	vst v3  }
0x138: {  	[tilespmem:$0x4F10] =	vst v3  }
0x139: {  	[tilespmem:$0x4F20] =	vst v3  }
0x13a: {  	[tilespmem:$0x4F30] =	vst v3  }
0x13b: {  	[tilespmem:$0x4F40] =	vst v3  }
0x13c: {  	[tilespmem:$0x4F50] =	vst v3  }
0x13d: {  	[tilespmem:$0x4F60] =	vst v3  }
0x13e: {  	[tilespmem:$0x4F70] =	vst v3  }
0x13f: {  	[tilespmem:$0x4F80] =	vst v3  }
0x140: {  	[tilespmem:$0x4F90] =	vst v3  }
0x141: {  	[tilespmem:$0x4FA0] =	vst v3  }
0x142: {  	[tilespmem:$0x4FB0] =	vst v3  }
0x143: {  	[tilespmem:$0x4FC0] =	vst v3  }
0x144: {  	[tilespmem:$0x4FD0] =	vst v3  }
0x145: {  	[tilespmem:$0x4FE0] =	vst v3  }
0x146: {  	[tilespmem:$0x4FF0] =	vst v3  }
0x147: {  	s4 =	simm.s32 $0x4;
	s5 =	simm.s32 $0x0;
	s2 =	simm.s32 $0x0;
	v16 =	vld [tilespmem:s0+$0x0]  }
.LBB2_3:
0x148: {  	p0 =	sne.s32 s4, $0x13FC;
	_ =	sdelay $0x3  }
0x149: {  	v17 =	vperm.xlane v16, v4;
	_ =	sdelay $0x1  }
0x14a: {  	v16 =	vmax.f32 v16, v17  }
0x14b: {  	v17 =	vperm.xlane v16, v5;
	_ =	sdelay $0x1  }
0x14c: {  	v16 =	vmax.f32 v16, v17  }
0x14d: {  	s6 =	sshra.s32 s2, $0x2;
	s2 =	smov.u32 s4;
	v17 =	vperm.xlane v16, v6  }
0x14e: {  	v18 =	vld [tilespmem:s6+$0x19280]  }
0x14f: {  	v16 =	vmax.f32 v16, v17  }
0x150: {  	v17 =	vperm.xlane v16, v7  }
.Ltmp3:
0x151: {  	(pc) =	sbr.rel @p0 .LBB2_3-.Ltmp3, $4  }
0x152: {  	v16 =	vmax.f32 v16, v17  }
0x153: {  	v16 =	vsel vm0, v16, v18  }
0x154: {  	s5 =	sadd.s32 $0x10, s5;
	[tilespmem:s6+$0x19280] =	vst v16  }
0x155: {  	s4 =	sadd.s32 $0x4, s4;
	v16 =	vld [tilespmem:s5+$0x0]  }
0x156: {  	_ =	sdelay $0x3  }
0x157: {  	v17 =	vperm.xlane v16, v4;
	_ =	sdelay $0x1  }
0x158: {  	v16 =	vmax.f32 v16, v17  }
0x159: {  	v17 =	vperm.xlane v16, v5;
	_ =	sdelay $0x1  }
0x15a: {  	v16 =	vmax.f32 v16, v17  }
0x15b: {  	s2 =	sshra.s32 s2, $0x2;
	v17 =	vperm.xlane v16, v6  }
0x15c: {  	v18 =	vld [tilespmem:s2+$0x19280]  }
0x15d: {  	v16 =	vmax.f32 v16, v17  }
0x15e: {  	v17 =	vperm.xlane v16, v7;
	_ =	sdelay $0x1  }
0x15f: {  	v16 =	vmax.f32 v16, v17  }
0x160: {  	v16 =	vsel vm0, v16, v18  }
0x161: {  	[tilespmem:s2+$0x19280] =	vst v16;
	s2 =	simm.s32 $0x19280  }
0x162: {  	s4 =	simm.s32 $0x4;
	v16 =	vld [tilespmem:s2+$0x0]  }
.LBB2_5:
0x163: {  	p0 =	sne.s32 s4, $0x13C;
	_ =	sdelay $0x3  }
0x164: {  	v17 =	vperm.xlane v16, v4;
	_ =	sdelay $0x1  }
0x165: {  	v16 =	vmax.f32 v16, v17  }
0x166: {  	v17 =	vperm.xlane v16, v5;
	_ =	sdelay $0x1  }
0x167: {  	v16 =	vmax.f32 v16, v17  }
0x168: {  	s5 =	sshra.s32 s0, $0x2;
	s0 =	smov.u32 s4;
	v17 =	vperm.xlane v16, v6  }
0x169: {  	v18 =	vld [tilespmem:s5+$0x19800]  }
0x16a: {  	v16 =	vmax.f32 v16, v17  }
0x16b: {  	v17 =	vperm.xlane v16, v7  }
.Ltmp4:
0x16c: {  	(pc) =	sbr.rel @p0 .LBB2_5-.Ltmp4, $4  }
0x16d: {  	v16 =	vmax.f32 v16, v17  }
0x16e: {  	v16 =	vsel vm0, v16, v18  }
0x16f: {  	s2 =	sadd.s32 $0x10, s2;
	[tilespmem:s5+$0x19800] =	vst v16  }
0x170: {  	s4 =	sadd.s32 $0x4, s4;
	v16 =	vld [tilespmem:s2+$0x0]  }
0x171: {  	_ =	sdelay $0x3  }
0x172: {  	v17 =	vperm.xlane v16, v4;
	_ =	sdelay $0x1  }
0x173: {  	v16 =	vmax.f32 v16, v17  }
0x174: {  	v17 =	vperm.xlane v16, v5;
	_ =	sdelay $0x1  }
0x175: {  	v16 =	vmax.f32 v16, v17  }
0x176: {  	s0 =	sshra.s32 s0, $0x2;
	v17 =	vperm.xlane v16, v6  }
0x177: {  	v18 =	vld [tilespmem:s0+$0x19800]  }
0x178: {  	v16 =	vmax.f32 v16, v17  }
.Ltmp5:
0x179: {  	v17 =	vperm.xlane v16, v7;
	(pc) =	sbr.rel .LBB2_7-.Ltmp5, $4  }
0x17a: {  	_ = 	snop  }
0x17b: {  	s4 =	simm.s32 $0x0;
	v16 =	vmax.f32 v16, v17  }
0x17c: {  	[smem:$0x0] =	sst s4;
	v16 =	vsel vm0, v16, v18  }
0x17d: {  	s29 =	simm.s32 $0x0;
	s30 =	simm.s32 $0x0;
	[smem:$0x1] =	sst s4;
	[tilespmem:s0+$0x19800] =	vst v16  }
.LBB2_20:
0x17e: {  	s30 =	smov.u32 @p0 s30;
	s4 =	smov.u32 @p0 s4  }
.LBB2_17:
0x17f: {  	s29 =	sadd.s32 $0x1, s29  }
0x180: {  	p0 =	sne.s32 s29, $0xA0  }
.Ltmp6:
0x181: {  	_ = 	snop;
	(pc) =	sbr.rel @!p0 .LBB2_18-.Ltmp6, $1  }
0x182: {  	_ =	sdelay $0x3  }
.LBB2_7:
0x183: {  	p0 =	sgt.s32 s4, $0x12C  }
0x184: {  	p1 =	sne.s32 @!p0 s30, $0x0  }
0x185: {  	p1 =	por p0, p1  }
.Ltmp7:
0x186: {  	_ = 	snop;
	(pc) =	sbr.rel @p1 .LBB2_20-.Ltmp7, $1  }
0x187: {  	_ =	sdelay $0x3  }
.Ltmp8:
0x188: {  	(pc) =	sbr.rel .LBB2_9-.Ltmp8, $3  }
0x189: {  	_ =	sdelay $0x1  }
0x18a: {  	s5 =	simm.s32 $0x0;
	s0 =	simm.s32 $0x0  }
0x18b: {  	s2 =	smov.u32 s4;
	s6 =	simm.s32 $0x0;
	s30 =	smov.u32 s5  }
.LBB2_10:
0x18c: {  	s7 =	smov.u32 s4  }
0x18d: {  	s5 =	smov.u32 @p1 s5;
	s8 =	smov.u32 s2;
	s6 =	smov.u32 @p1 s6  }
0x18e: {  	s7 =	smov.u32 @p1 s4;
	s8 =	smov.u32 @p1 s2;
	s30 =	smov.u32 @p0 s5  }
0x18f: {  	s18 =	smov.u32 @p0 s6;
	s4 =	smov.u32 @p0 s7;
	s2 =	smov.u32 @p0 s8  }
.LBB2_16:
0x190: {  	s0 =	sadd.s32 $0x1, s0  }
0x191: {  	p0 =	sne.s32 s0, $0x80  }
.Ltmp9:
0x192: {  	_ = 	snop;
	(pc) =	sbr.rel @!p0 .LBB2_17-.Ltmp9, $2  }
0x193: {  	_ =	sdelay $0x2  }
0x194: {  	s5 =	smov.u32 s30;
	s6 =	smov.u32 s18  }
.LBB2_9:
0x195: {  	p1 =	sgt.s32 s2, $0x12C  }
0x196: {  	p0 =	sne.s32 @!p1 s6, $0x0  }
0x197: {  	p0 =	por p1, p0  }
0x198: {  	v17 =	vld @!p0 [tilespmem:$0x19800]  }
0x199: {  	v18 =	vld @!p0 [tilespmem:$0x19810]  }
0x19a: {  	v19 =	vld @!p0 [tilespmem:$0x19820];
	v16 =	vimm.s32 @!p0 $0xFEDCBA98  }
0x19b: {  	v22 =	vimm.s32 @!p0 $0x76543210;
	v16 =	vunpack.c.l.s4.s8 @!p0 v16  }
0x19c: {  	v20 =	vld @!p0 [tilespmem:$0x19830];
	v22 =	vunpack.c.l.s4.s8 @!p0 v22  }
0x19d: {  	v21 =	vld @!p0 [tilespmem:$0x19840];
	v16 =	vunpack.c.0.s8.s32 @!p0 v16  }
0x19e: {  	v22 =	vunpack.c.0.s8.s32 @!p0 v22;
	v23 =	vmax.f32 @!p0 v17, v18  }
0x19f: {  	v24 =	vimm.s32 @!p0 $0x3210FEDC;
	v16 =	vand.u32 @!p0 $0xF, v16;
	v23 =	vmax.f32 @!p0 v23, v19  }
0x1a0: {  	v16 =	vcombine.low @!p0 v16, v22;
	v22 =	vunpack.c.l.s4.s8 @!p0 v24;
	v24 =	vimm.s32 @!p0 $0xBA987654  }
0x1a1: {  	v25 =	vimm.s32 @!p0 $0x10FEDCBA;
	v23 =	vmax.f32 @!p0 v23, v20;
	v24 =	vunpack.c.l.s4.s8 @!p0 v24  }
0x1a2: {  	v26 =	vimm.s32 @!p0 $0x98765432;
	v25 =	vunpack.c.l.s4.s8 @!p0 v25;
	v23 =	vmax.f32 @!p0 v23, v21  }
0x1a3: {  	v22 =	vunpack.c.0.s8.s32 @!p0 v22;
	v16 =	vperm.xlane @!p0 v23, v16;
	v24 =	vunpack.c.0.s8.s32 @!p0 v24  }
0x1a4: {  	v26 =	vunpack.c.l.s4.s8 @!p0 v26  }
0x1a5: {  	v16 =	vmax.f32 @!p0 v23, v16;
	v22 =	vcombine.low @!p0 v24, v22;
	v23 =	vunpack.c.0.s8.s32 @!p0 v25  }
0x1a6: {  	v24 =	vunpack.c.0.s8.s32 @!p0 v26;
	v25 =	vimm.s32 @!p0 $0xFEDCBA9;
	v26 =	vimm.s32 @!p0 $0x87654321  }
0x1a7: {  	v25 =	vunpack.c.l.s4.s8 @!p0 v25;
	v26 =	vunpack.c.l.s4.s8 @!p0 v26;
	v22 =	vperm.xlane @!p0 v16, v22  }
0x1a8: {  	v23 =	vcombine.low @!p0 v24, v23  }
0x1a9: {  	v24 =	vunpack.c.0.s8.s32 @!p0 v26;
	v16 =	vmax.f32 @!p0 v16, v22;
	v22 =	vunpack.c.0.s8.s32 @!p0 v25  }
0x1aa: {  	v23 =	vperm.xlane @!p0 v16, v23  }
0x1ab: {  	v22 =	vcombine.low @!p0 v24, v22  }
0x1ac: {  	v16 =	vmax.f32 @!p0 v16, v23  }
0x1ad: {  	v22 =	vperm.xlane @!p0 v16, v22;
	_ =	sdelay $0x1  }
0x1ae: {  	v16 =	vmax.f32 @!p0 v16, v22  }
0x1af: {  	(v2sf) =	vpush @!p0 v16, $0x0;
	_ =	sdelay $0xe  }
0x1b0: {  	s7 =	spop @!p0 (v2sf)  }
0x1b1: {  	p3 =	slt.f32 @!p0 s7, $-Inf;
	p4 =	sgt.f32 @!p0 s7, $-Inf  }
0x1b2: {  	_ = 	snop  }
0x1b3: {  	p3 =	por @!p0 p4, p3  }
0x1b4: {  	p3 =	por @!p0 !p3, !p3  }
0x1b5: {  	p3 =	por p0, p3  }
.Ltmp10:
0x1b6: {  	p2 =	sne.f32 @!p0 s7, $-Inf;
	(pc) =	sbr.rel @p3 .LBB2_10-.Ltmp10, $4  }
0x1b7: {  	_ = 	snop  }
0x1b8: {  	p5 =	por p2, p0  }
0x1b9: {  	s18 =	simm.s32 @!p0 $0x0;
	p2 =	por !p2, p0;
	s7 =	simm.s32 @!p5 $0x1  }
0x1ba: {  	s30 =	simm.s32 @p2 $0x1;
	s18 =	simm.s32 @p2 $0x1;
	[smem:$0x1] =	sst @!p5 s7  }
0x1bb: {  	v22 =	vbroadcast v16, $0x0;
	_ =	sdelay $0x1  }
0x1bc: {  	vm2 =	veq.f32 v21, v22  }
0x1bd: {  	vm3 =	veq.f32 v20, v22;
	v20 =	vnsel vm2, $0x270F, v9  }
0x1be: {  	vm2 =	veq.f32 v19, v22;
	v19 =	vsel vm3, v10, v20  }
0x1bf: {  	vm3 =	veq.f32 v18, v22;
	v18 =	vsel vm2, v11, v19  }
0x1c0: {  	vm2 =	veq.f32 v17, v22;
	v17 =	vsel vm3, v12, v18  }
0x1c1: {  	v17 =	vsel vm2, v8, v17  }
0x1c2: {  	v18 =	vperm.xlane v17, v4;
	_ =	sdelay $0x1  }
0x1c3: {  	vm2 =	vlt.s32 v17, v18  }
0x1c4: {  	v17 =	vsel vm2, v17, v18  }
0x1c5: {  	v18 =	vperm.xlane v17, v13;
	_ =	sdelay $0x1  }
0x1c6: {  	vm2 =	vlt.s32 v17, v18  }
0x1c7: {  	v17 =	vsel vm2, v17, v18  }
0x1c8: {  	v18 =	vperm.xlane v17, v14;
	_ =	sdelay $0x1  }
0x1c9: {  	vm2 =	vlt.s32 v17, v18  }
0x1ca: {  	v17 =	vsel vm2, v17, v18  }
0x1cb: {  	v18 =	vperm.xlane v17, v15;
	_ =	sdelay $0x1  }
0x1cc: {  	vm2 =	vlt.s32 v17, v18  }
0x1cd: {  	v17 =	vsel vm2, v17, v18  }
0x1ce: {  	(v2sf) =	vpush v17, $0x0;
	_ =	sdelay $0xe  }
0x1cf: {  	s19 =	spop (v2sf)  }
0x1d0: {  	s20 =	sshll.u32 s19, $0x4  }
0x1d1: {  	v17 =	vld [tilespmem:s20+$0x19280];
	_ =	sdelay $0x4  }
0x1d2: {  	vm2 =	veq.f32 v17, v22  }
0x1d3: {  	v17 =	vnsel vm2, $0x270F, v8  }
0x1d4: {  	v18 =	vperm.xlane v17, v4;
	_ =	sdelay $0x1  }
0x1d5: {  	vm2 =	vlt.s32 v17, v18  }
0x1d6: {  	v17 =	vsel vm2, v17, v18  }
0x1d7: {  	v18 =	vperm.xlane v17, v13;
	_ =	sdelay $0x1  }
0x1d8: {  	vm2 =	vlt.s32 v17, v18  }
0x1d9: {  	v17 =	vsel vm2, v17, v18  }
0x1da: {  	v18 =	vperm.xlane v17, v14;
	_ =	sdelay $0x1  }
0x1db: {  	vm2 =	vlt.s32 v17, v18  }
0x1dc: {  	v17 =	vsel vm2, v17, v18  }
0x1dd: {  	v18 =	vperm.xlane v17, v15;
	_ =	sdelay $0x1  }
0x1de: {  	vm2 =	vlt.s32 v17, v18  }
0x1df: {  	v17 =	vsel vm2, v17, v18  }
0x1e0: {  	(v2sf) =	vpush v17, $0x0;
	_ =	sdelay $0xe  }
0x1e1: {  	s4 =	spop (v2sf)  }
0x1e2: {  	s21 =	sadd.s32 s20, s4  }
0x1e3: {  	s24 =	sshll.u32 s21, $0x4  }
0x1e4: {  	v17 =	vld [tilespmem:s24+$0x0];
	_ =	sdelay $0x4  }
0x1e5: {  	vm2 =	veq.f32 v17, v22  }
0x1e6: {  	v18 =	vnsel vm2, $0x270F, v8  }
0x1e7: {  	v19 =	vperm.xlane v18, v4;
	_ =	sdelay $0x1  }
0x1e8: {  	vm2 =	vlt.s32 v18, v19  }
0x1e9: {  	v18 =	vsel vm2, v18, v19  }
0x1ea: {  	v19 =	vperm.xlane v18, v13;
	_ =	sdelay $0x1  }
0x1eb: {  	vm2 =	vlt.s32 v18, v19  }
0x1ec: {  	v18 =	vsel vm2, v18, v19  }
0x1ed: {  	v19 =	vperm.xlane v18, v14;
	_ =	sdelay $0x1  }
0x1ee: {  	vm2 =	vlt.s32 v18, v19  }
0x1ef: {  	v18 =	vsel vm2, v18, v19  }
0x1f0: {  	v19 =	vperm.xlane v18, v15;
	_ =	sdelay $0x1  }
0x1f1: {  	vm2 =	vlt.s32 v18, v19  }
0x1f2: {  	v18 =	vsel vm2, v18, v19  }
0x1f3: {  	(v2sf) =	vpush v18, $0x0;
	_ =	sdelay $0xe  }
0x1f4: {  	s8 =	spop (v2sf)  }
0x1f5: {  	s26 =	sadd.s32 s24, s8  }
0x1f6: {  	v22 =	vld [tilespmem:s26+$0x5080]  }
0x1f7: {  	v21 =	vld [tilespmem:s26+$0xA100]  }
0x1f8: {  	v19 =	vld [tilespmem:s26+$0xF180];
	_ =	sdelay $0x2  }
0x1f9: {  	(v2sf) =	vpush v22, $0x0  }
0x1fa: {  	(v2sf) =	vpush v21, $0x0  }
0x1fb: {  	(v2sf) =	vpush v19, $0x0;
	_ =	sdelay $0x1  }
0x1fc: {  	v20 =	vld [tilespmem:s26+$0x14200];
	_ =	sdelay $0x4  }
0x1fd: {  	(v2sf) =	vpush v20, $0x0;
	_ =	sdelay $0x5  }
0x1fe: {  	s6 =	sadd.s32 $0x3F, s2;
	s9 =	spop (v2sf)  }
0x1ff: {  	p1 =	slt.s32 s2, $0xFFFFFFC2;
	s8 =	sand.u32 $0x3F, s6;
	s5 =	spop (v2sf)  }
0x200: {  	s10 =	sshra.s32 s6, $0x1F;
	p0 =	sne.s32 s8, $0x0;
	s7 =	spop (v2sf)  }
0x201: {  	p0 =	por !p1, !p0;
	s4 =	ssub.f32 s7, s9;
	s9 =	sshrl.u32 s10, $0x1A  }
0x202: {  	p0 =	por !p0, !p0;
	s7 =	simm.s32 $0x1;
	s6 =	sadd.s32 s9, s6  }
0x203: {  	s7 =	simm.s32 @!p0 $0x0;
	s6 =	sshra.s32 s6, $0x6  }
0x204: {  	s8 =	ssub.s32 s6, s7  }
0x205: {  	p0 =	slt.s32 s8, $0x1  }
.Ltmp11:
0x206: {  	_ = 	snop;
	(pc) =	sbr.rel @p0 .LBB2_15-.Ltmp11, $4  }
0x207: {  	s10 =	spop (v2sf)  }
0x208: {  	s5 =	ssub.f32 s10, s5  }
0x209: {  	v23 =	vimm.f32 $0.0e+00  }
0x20a: {  	[tilespmem:$0x1A680] =	vst v23;
	s4 =	smul.f32 s5, s4  }
0x20b: {  	s7 =	simm.s32 $0x19A20  }
0x20c: {  	s5 =	simm.s32 $0x19D20;
	v29 =	vld [tilespmem:s7+$0xFFFFFFE0]  }
0x20d: {  	s9 =	simm.s32 $0x198A0;
	v30 =	vld [tilespmem:s5+$0x10]  }
0x20e: {  	v31 =	vld [tilespmem:s9+$0xFFFFFFE0]  }
0x20f: {  	v32 =	vld [tilespmem:s9+$0x10]  }
0x210: {  	v33 =	vld [tilespmem:s9+$0x0]  }
0x211: {  	s6 =	simm.s32 $0x19BA0;
	v34 =	vld [tilespmem:s9+$0xFFFFFFF0]  }
0x212: {  	v35 =	vld [tilespmem:s6+$0xFFFFFFF0]  }
0x213: {  	v36 =	vld [tilespmem:s5+$0xFFFFFFF0]  }
0x214: {  	v37 =	vld [tilespmem:s6+$0x10]  }
0x215: {  	v38 =	vld [tilespmem:s5+$0xFFFFFFE0]  }
0x216: {  	v25 =	vbroadcast v22, $0x0;
	v39 =	vld [tilespmem:s7+$0xFFFFFFF0]  }
0x217: {  	v26 =	vbroadcast v21, $0x0;
	v27 =	vbroadcast v20, $0x0;
	v40 =	vld [tilespmem:s6+$0xFFFFFFE0]  }
0x218: {  	v28 =	vbroadcast v19, $0x0;
	v23 =	vimm.f32 $0.0e+00;
	v24 =	vmov s4;
	v54 =	vld [tilespmem:s7+$0x10]  }
0x219: {  	v56 =	vld [tilespmem:s6+$0x0];
	v41 =	vmin.f32 v30, v27;
	v29 =	vmax.f32 v29, v26;
	v30 =	vmax.f32 v34, v25  }
0x21a: {  	v42 =	vld [tilespmem:s7+$0x0];
	v35 =	vmin.f32 v35, v28;
	v32 =	vmax.f32 v32, v25;
	v37 =	vmin.f32 v37, v28  }
0x21b: {  	s7 =	simm.s32 $0x19EA0;
	v55 =	vmin.f32 v38, v27;
	v33 =	vmax.f32 v33, v25;
	v31 =	vmax.f32 v31, v25  }
0x21c: {  	v59 =	vld [tilespmem:s7+$0xFFFFFFE0];
	v58 =	vmin.f32 v40, v28;
	v36 =	vmin.f32 v36, v27;
	v39 =	vmax.f32 v39, v26  }
0x21d: {  	v57 =	vld [tilespmem:s5+$0x0];
	v34 =	vmax.f32 v54, v26;
	v30 =	vsub.f32 v35, v30;
	v32 =	vsub.f32 v37, v32  }
0x21e: {  	p0 =	sne.s32 s8, $0x1;
	v60 =	vmin.f32 v56, v28;
	v29 =	vsub.f32 v55, v29;
	v37 =	vsub.f32 v58, v31  }
.Ltmp12:
0x21f: {  	v42 =	vmax.f32 v42, v26;
	v61 =	vsub.f32 v41, v34;
	v31 =	vld [tilespmem:s7+$0x10];
	v62 =	vsub.f32 v60, v33;
	(pc) =	sbr.rel @!p0 .LBB2_14-.Ltmp12, $4  }
0x220: {  	v33 =	vld [tilespmem:s7+$0xFFFFFFF0];
	v43 =	vmax.f32 v32, $0.0e+00;
	v32 =	vmax.f32 v29, $0.0e+00;
	v29 =	vsub.f32 v36, v39  }
0x221: {  	v35 =	vld [tilespmem:s7+$0x0];
	v30 =	vmax.f32 v30, $0.0e+00;
	v39 =	vmax.f32 v37, $0.0e+00;
	v36 =	vadd.f32 v59, v24  }
0x222: {  	v63 =	vmax.f32 v61, $0.0e+00;
	v34 =	vmax.f32 v29, $0.0e+00;
	v29 =	vmin.f32 v57, v27  }
0x223: {  	s8 =	sadd.s32 $0xFFFFFFFF, s8;
	s10 =	simm.s32 $0x198E0;
	s9 =	simm.s32 $0x19A60;
	v37 =	vmax.f32 v62, $0.0e+00;
	v38 =	vsub.f32 v29, v42;
	v29 =	vmul.f32 v63, v43  }
.LBB2_13:
0x224: {  	v32 =	vmul.f32 v32, v39;
	v31 =	vadd.f32 v31, v24;
	s7 =	sadd.s32 $0x40, s7;
	s5 =	sadd.s32 $0x40, s5;
	s6 =	sadd.s32 $0x40, s6  }
0x225: {  	p0 =	sne.s32 s8, $0x1;
	s8 =	sadd.s32 $0xFFFFFFFF, s8;
	v30 =	vmul.f32 v34, v30;
	v33 =	vadd.f32 v33, v24;
	v34 =	vmax.f32 v38, $0.0e+00  }
0x226: {  	v36 =	vsub.f32 v36, v32;
	v34 =	vmul.f32 v34, v37;
	v35 =	vadd.f32 v35, v24  }
0x227: {  	v31 =	vsub.f32 v31, v29;
	v33 =	vsub.f32 v33, v30  }
0x228: {  	v36 =	vadd.f32 $9.999999710e-10, v36;
	v35 =	vsub.f32 v35, v34  }
0x229: {  	v31 =	vadd.f32 $9.999999710e-10, v31;
	v33 =	vadd.f32 $9.999999710e-10, v33  }
0x22a: {  	v35 =	vadd.f32 $9.999999710e-10, v35;
	(erf) = vrcp.f32 v36  }
0x22b: {  	(erf) = vrcp.f32 v33  }
0x22c: {  	(erf) = vrcp.f32 v35  }
0x22d: {  	(erf) = vrcp.f32 v31;
	_ =	sdelay $0x5  }
0x22e: {  	v31 =	vpop (erf)  }
0x22f: {  	v31 =	vmul.f32 v31, v32;
	v32 =	vpop (erf)  }
0x230: {  	v30 =	vmul.f32 v32, v30;
	v32 =	vpop (erf)  }
0x231: {  	v31 =	vmax.f32 v31, $0.0e+00;
	v32 =	vmul.f32 v32, v34;
	v33 =	vpop (erf)  }
0x232: {  	v30 =	vmax.f32 v31, v30;
	v29 =	vmul.f32 v33, v29  }
0x233: {  	v30 =	vmax.f32 v30, v32  }
0x234: {  	v29 =	vmax.f32 v30, v29  }
0x235: {  	v23 =	vmax.f32 v23, v29  }
0x236: {  	[tilespmem:$0x1A680] =	vst v23  }
0x237: {  	v29 =	vld [tilespmem:s9+$0xFFFFFFE0]  }
0x238: {  	v30 =	vld [tilespmem:s5+$0x10]  }
0x239: {  	v31 =	vld [tilespmem:s10+$0xFFFFFFE0]  }
0x23a: {  	v32 =	vld [tilespmem:s10+$0x10]  }
0x23b: {  	v33 =	vld [tilespmem:s10+$0x0]  }
0x23c: {  	v34 =	vld [tilespmem:s10+$0xFFFFFFF0]  }
0x23d: {  	v35 =	vld [tilespmem:s6+$0xFFFFFFF0]  }
0x23e: {  	v36 =	vld [tilespmem:s5+$0xFFFFFFF0]  }
0x23f: {  	v37 =	vld [tilespmem:s6+$0x10]  }
0x240: {  	v39 =	vmin.f32 v30, v27;
	v38 =	vld [tilespmem:s5+$0xFFFFFFE0]  }
0x241: {  	v29 =	vmax.f32 v29, v26;
	v30 =	vmax.f32 v34, v25;
	v34 =	vld [tilespmem:s9+$0xFFFFFFF0]  }
0x242: {  	v40 =	vld [tilespmem:s6+$0xFFFFFFE0];
	v35 =	vmin.f32 v35, v28  }
0x243: {  	v32 =	vmax.f32 v32, v25;
	v30 =	vsub.f32 v35, v30;
	v35 =	vld [tilespmem:s9+$0x10]  }
0x244: {  	v41 =	vmax.f32 v33, v25;
	v42 =	vld [tilespmem:s9+$0x0];
	v33 =	vmin.f32 v37, v28  }
0x245: {  	v37 =	vmax.f32 v31, v25;
	v31 =	vmin.f32 v38, v27;
	v38 =	vld [tilespmem:s6+$0x0];
	v32 =	vsub.f32 v33, v32  }
0x246: {  	v29 =	vsub.f32 v31, v29;
	v43 =	vld [tilespmem:s5+$0x0]  }
0x247: {  	v36 =	vmin.f32 v36, v27;
	v33 =	vmin.f32 v40, v28;
	v40 =	vld [tilespmem:s7+$0xFFFFFFE0];
	v44 =	vmax.f32 v32, $0.0e+00  }
0x248: {  	v30 =	vmax.f32 v30, $0.0e+00;
	v34 =	vmax.f32 v34, v26;
	v35 =	vmax.f32 v35, v26;
	v31 =	vld [tilespmem:s7+$0x10]  }
.Ltmp13:
0x249: {  	v37 =	vsub.f32 v33, v37;
	v32 =	vmax.f32 v29, $0.0e+00;
	v29 =	vsub.f32 v36, v34;
	(pc) =	sbr.rel @p0 .LBB2_13-.Ltmp13, $4  }
0x24a: {  	v42 =	vmax.f32 v42, v26;
	v33 =	vld [tilespmem:s7+$0xFFFFFFF0];
	v36 =	vmin.f32 v38, v28;
	v38 =	vsub.f32 v39, v35  }
0x24b: {  	v34 =	vmax.f32 v29, $0.0e+00;
	v29 =	vmin.f32 v43, v27;
	v41 =	vsub.f32 v36, v41;
	v35 =	vld [tilespmem:s7+$0x0]  }
0x24c: {  	v39 =	vmax.f32 v37, $0.0e+00;
	v36 =	vadd.f32 v40, v24;
	v40 =	vmax.f32 v38, $0.0e+00  }
0x24d: {  	s10 =	sadd.s32 $0x40, s10;
	s9 =	sadd.s32 $0x40, s9;
	v38 =	vsub.f32 v29, v42;
	v37 =	vmax.f32 v41, $0.0e+00;
	v29 =	vmul.f32 v40, v44  }
.LBB2_14:
0x24e: {  	v25 =	vmul.f32 v32, v39  }
0x24f: {  	v26 =	vmul.f32 v34, v30;
	v27 =	vadd.f32 v33, v24;
	v28 =	vmax.f32 v38, $0.0e+00  }
0x250: {  	v55 =	vsub.f32 v36, v25;
	v28 =	vmul.f32 v28, v37;
	v56 =	vadd.f32 v35, v24  }
0x251: {  	v57 =	vadd.f32 v31, v24;
	v27 =	vsub.f32 v27, v26  }
0x252: {  	v30 =	vadd.f32 $9.999999710e-10, v55;
	v58 =	vsub.f32 v56, v28  }
0x253: {  	v24 =	vsub.f32 v57, v29;
	v27 =	vadd.f32 $9.999999710e-10, v27  }
0x254: {  	v31 =	vadd.f32 $9.999999710e-10, v58;
	(erf) = vrcp.f32 v30  }
0x255: {  	v24 =	vadd.f32 $9.999999710e-10, v24;
	(erf) = vrcp.f32 v27  }
0x256: {  	(erf) = vrcp.f32 v31  }
0x257: {  	(erf) = vrcp.f32 v24;
	_ =	sdelay $0x5  }
0x258: {  	v59 =	vpop (erf)  }
0x259: {  	v24 =	vmul.f32 v59, v25;
	v60 =	vpop (erf)  }
0x25a: {  	v25 =	vmul.f32 v60, v26;
	v61 =	vpop (erf)  }
0x25b: {  	v24 =	vmax.f32 v24, $0.0e+00;
	v26 =	vmul.f32 v61, v28;
	v62 =	vpop (erf)  }
0x25c: {  	v24 =	vmax.f32 v24, v25;
	v63 =	vmul.f32 v62, v29  }
0x25d: {  	v24 =	vmax.f32 v24, v26  }
0x25e: {  	v24 =	vmax.f32 v24, v63  }
0x25f: {  	v23 =	vmax.f32 v23, v24  }
0x260: {  	[tilespmem:$0x1A680] =	vst v23  }
.LBB2_15:
0x261: {  	v24 =	vperm.xlane v23, v4;
	_ =	sdelay $0x1  }
0x262: {  	v23 =	vmax.f32 v23, v24  }
0x263: {  	v24 =	vperm.xlane v23, v5;
	_ =	sdelay $0x1  }
0x264: {  	v23 =	vmax.f32 v23, v24  }
0x265: {  	v24 =	vperm.xlane v23, v6;
	_ =	sdelay $0x1  }
0x266: {  	v23 =	vmax.f32 v23, v24  }
0x267: {  	v24 =	vperm.xlane v23, v7;
	_ =	sdelay $0x1  }
0x268: {  	v23 =	vmax.f32 v23, v24  }
0x269: {  	(v2sf) =	vpush v23, $0x0;
	_ =	sdelay $0xe  }
0x26a: {  	p0 =	sgt.s32 s2, $0x12B;
	s5 =	spop (v2sf)  }
0x26b: {  	p1 =	sle.f32 @!p0 s5, $5.000000000e-01;
	_ =	sdelay $0x1  }
0x26c: {  	p0 =	por !p1, p0  }
0x26d: {  	v23 =	vld @!p0 [tilespmem:s2+$0x19880];
	_ =	sdelay $0x3  }
0x26e: {  	vm2 =	vmmov @!p0 $0x1  }
0x26f: {  	v22 =	vsel @!p0 vm2, v22, v23  }
0x270: {  	[tilespmem:s2+$0x19880] =	vst @!p0 v22;
	v22 =	vld @!p0 [tilespmem:s2+$0x19A00];
	_ =	sdelay $0x4  }
0x271: {  	v21 =	vsel @!p0 vm2, v21, v22  }
0x272: {  	[tilespmem:s2+$0x19A00] =	vst @!p0 v21;
	v21 =	vld @!p0 [tilespmem:s2+$0x19B80];
	_ =	sdelay $0x4  }
0x273: {  	v19 =	vsel @!p0 vm2, v19, v21  }
0x274: {  	[tilespmem:s2+$0x19B80] =	vst @!p0 v19;
	v19 =	vld @!p0 [tilespmem:s2+$0x19D00];
	_ =	sdelay $0x4  }
0x275: {  	v19 =	vsel @!p0 vm2, v20, v19  }
0x276: {  	[tilespmem:s2+$0x19D00] =	vst @!p0 v19;
	v19 =	vld @!p0 [tilespmem:s2+$0x19E80];
	_ =	sdelay $0x2  }
0x277: {  	v20 =	vlaneseq.u32 @!p0  }
0x278: {  	vm3 =	veq.s32 @!p0 v20, $0x0  }
0x279: {  	v19 =	vsel @!p0 vm3, s4, v19  }
0x27a: {  	[tilespmem:s2+$0x19E80] =	vst @!p0 v19;
	v19 =	vld @!p0 [tilespmem:s2+$0x1A000];
	_ =	sdelay $0x2  }
0x27b: {  	v18 =	vbroadcast v18, $0x0;
	_ =	sdelay $0x1  }
0x27c: {  	v19 =	vsel @!p0 vm3, s26, v19;
	vm3 =	veq.s32 v18, v8  }
0x27d: {  	v18 =	vld @!p0 [tilespmem:s2+$0x1A180];
	v17 =	vsel vm3, $0xFF800000, v17  }
0x27e: {  	v60 =	vperm.xlane v17, v4;
	_ =	sdelay $0x1  }
0x27f: {  	[tilespmem:s2+$0x1A000] =	vst @!p0 v19;
	v19 =	vmax.f32 v17, v60  }
0x280: {  	v61 =	vperm.xlane v19, v13  }
0x281: {  	v16 =	vsel @!p0 vm2, v16, v18  }
0x282: {  	[tilespmem:s2+$0x1A180] =	vst @!p0 v16;
	v16 =	vmax.f32 v19, v61  }
0x283: {  	[tilespmem:s24+$0x0] =	vst v17;
	v17 =	vperm.xlane v16, v14  }
0x284: {  	v62 =	vld [tilespmem:s21+$0x19280]  }
0x285: {  	v16 =	vmax.f32 v16, v17  }
0x286: {  	v17 =	vperm.xlane v16, v15;
	_ =	sdelay $0x1  }
0x287: {  	v16 =	vmax.f32 v16, v17  }
0x288: {  	v16 =	vsel vm0, v16, v62  }
0x289: {  	[tilespmem:s21+$0x19280] =	vst v16  }
0x28a: {  	v16 =	vld [tilespmem:s20+$0x19280];
	_ =	sdelay $0x4  }
0x28b: {  	v17 =	vperm.xlane v16, v4;
	_ =	sdelay $0x1  }
0x28c: {  	v16 =	vmax.f32 v16, v17  }
0x28d: {  	v17 =	vperm.xlane v16, v13;
	_ =	sdelay $0x1  }
0x28e: {  	v16 =	vmax.f32 v16, v17  }
0x28f: {  	v17 =	vperm.xlane v16, v14  }
0x290: {  	v63 =	vld [tilespmem:s19+$0x19800]  }
0x291: {  	v16 =	vmax.f32 v16, v17  }
.Ltmp14:
0x292: {  	p0 =	sle.f32 s5, $5.000000000e-01;
	v17 =	vperm.xlane v16, v15;
	(pc) =	sbr.rel .LBB2_16-.Ltmp14, $4  }
0x293: {  	s4 =	simm.s32 $0x1  }
0x294: {  	s4 =	simm.s32 @!p0 $0x0;
	v16 =	vmax.f32 v16, v17  }
0x295: {  	s4 =	sadd.s32 s4, s2;
	v16 =	vsel vm0, v16, v63  }
0x296: {  	[smem:$0x0] =	sst s4;
	s2 =	smov.u32 s4;
	[tilespmem:s19+$0x19800] =	vst v16  }
.LBB2_19:
0x297: {  	_ =	sfence.sel $0x180000  }
0x298: {  	[bflag:$0x0] =	sbarrier.arrive $0xFFFF  }
0x299: {  	_ =	strace $0x90000047  }
0x29a: {  	s0 =	stileid.u32;
	[bflag:$0x2] =	sbarrier.arrive $0xFFFF  }
0x29b: {  	p0 =	sne.s32 s0, $0x0;
	s0 =	rddreg [dreg:$0x5]  }
0x29c: {  	s0 =	sadd.s32 @!p0 $0x100000, s0  }
0x29d: {  	[sflag:s0] =	ssyncadd.tile.s32 @!p0 $0x1;
	_ =	shalt  }
.Lfunc_end2:
_tile_overlayer_lowered:
.L_overlay_start_2:
0x29e: {  	(tag) =	ssettag $0x2  }
0x29f: {  	s0 =	rddreg [dreg:$0x0];
	s2 =	stileid.u32  }
0x2a0: {  	s1 =	rddreg [dreg:$0x1];
	p0 =	sne.s32 s2, $0x0  }
0x2a1: {  	s3 =	rddreg [dreg:$0x2];
	[bflag:$0x3] =	sbarrier.arrive $0xFFFF;
	s2 =	simm.s32 @!p0 $0x1C02  }
0x2a2: {  	[timem:s3], [sflag:s2] =	dma.local @!p0 [hbm:s0], s1  }
0x2a3: {  	s0 =	simm.s32 @!p0 $0x2  }
0x2a4: {  	_ =	swait.ge @!p0 [sflag:s0], s1  }
0x2a5: {  	s1 =	ssub.s32 @!p0 $0x0, s1;
	[sflag:s0] =	ssyncset.done @!p0 $0x0  }
0x2a6: {  	[sflag:s0] =	ssyncadd.s32 @!p0 s1  }
0x2a7: {  	[bflag:$0x3] =	sbarrier.arrive $0xFFFF  }
0x2a8: {  	_ =	shalt  }

</sc_bundles>
